<compile_context>
chip_gen: v7x
topology: tpu7x:2x2x1
jax: 0.10.2.dev20260603
libtpu: 0.0.44.dev20260713+nightly
codegen_flags: <defaults>
</compile_context>

<pallas_src>
import jax
import jax.numpy as jnp
from jax import lax
from jax.experimental import pallas as pl
from jax.experimental.pallas import tpu as pltpu
from jax.experimental.pallas import tpu_sc as plsc

B = 8
MAX_SEQLEN = 2048
TOTAL_TOK = 8192
D = 1024

NC = 2
NS = 16
NW = NC * NS
TOTAL_ROWS = B * MAX_SEQLEN
RPW = TOTAL_ROWS // NW
CHUNK = 32
NCHUNK = RPW // CHUNK
NB = 3
ZROWS = 16
LANES = 16


def _body(flat_hbm, cu_hbm, out_hbm, cu_v, zbuf, buf0, buf1, buf2,
          idx_v, idxb_v, sg0, sg1, sg2, ss0, ss1, ss2, sz):
    c = lax.axis_index("c")
    s = lax.axis_index("s")
    b = s // 2
    q = 2 * (s % 2) + ((b + c) % 2)
    j0 = q * RPW
    row0 = b * MAX_SEQLEN + j0

    pltpu.sync_copy(cu_hbm, cu_v.at[pl.ds(0, B + 1)])

    def zfill(r, carry):
        for i in range(D // LANES):
            zbuf[r, pl.ds(i * LANES, LANES)] = jnp.zeros((LANES,), jnp.float32)
        return carry

    lax.fori_loop(0, ZROWS, zfill, 0)

    cu_vec = cu_v[...]
    iota = lax.broadcasted_iota(jnp.int32, (LANES,), 0)
    start = jnp.sum(jnp.where(iota == b, cu_vec, 0))
    end = jnp.sum(jnp.where(iota == b + 1, cu_vec, 0))
    seg_len = jnp.minimum(end - start, MAX_SEQLEN)
    nvalid = jnp.clip(seg_len - j0, 0, RPW)
    kfull = nvalid // CHUNK
    rem = nvalid % CHUNK
    kzero = kfull + (rem > 0).astype(jnp.int32)

    base = start + j0
    bufs = (buf0, buf1, buf2)
    sgs = (sg0, sg1, sg2)
    sss = (ss0, ss1, ss2)

    def out_half(k, h):
        return out_hbm.at[
            pl.ds(pl.multiple_of(row0 + k * CHUNK + h, ZROWS), ZROWS)]

    def out_chunk(k):
        return out_hbm.at[pl.ds(pl.multiple_of(row0 + k * CHUNK, CHUNK), CHUNK)]

    for k in range(NCHUNK):
        @pl.when(k >= kzero)
        def _():
            pltpu.async_copy(zbuf, out_half(k, 0), sz)
            pltpu.async_copy(zbuf, out_half(k, ZROWS), sz)

    for k in range(NCHUNK):
        p = k % NB
        if k >= NB:
            @pl.when(k - NB < kfull)
            def _():
                pltpu.make_async_copy(
                    bufs[p], out_chunk(k - NB), sss[p]).wait()

        for h in range(0, CHUNK, LANES):
            idx_v[k, pl.ds(h, LANES)] = jnp.minimum(
                base + (k * CHUNK + h) + iota, TOTAL_TOK - 1)

        @pl.when(k < kfull)
        def _():
            pltpu.async_copy(flat_hbm.at[idx_v.at[k]], bufs[p], sgs[p])

        if k >= 1:
            q1 = (k - 1) % NB

            @pl.when(k - 1 < kfull)
            def _():
                pltpu.make_async_copy(
                    flat_hbm.at[idx_v.at[k - 1]], bufs[q1], sgs[q1]).wait()
                pltpu.async_copy(bufs[q1], out_chunk(k - 1), sss[q1])

    @pl.when(NCHUNK - 1 < kfull)
    def _():
        q1 = (NCHUNK - 1) % NB
        pltpu.make_async_copy(
            flat_hbm.at[idx_v.at[NCHUNK - 1]], bufs[q1], sgs[q1]).wait()
        pltpu.async_copy(bufs[q1], out_chunk(NCHUNK - 1), sss[q1])

    for k in range(NCHUNK - NB, NCHUNK):
        @pl.when(k < kfull)
        def _():
            pltpu.make_async_copy(
                bufs[k % NB], out_chunk(k), sss[k % NB]).wait()

    bbase = base + kfull * CHUNK
    for h in range(0, CHUNK, LANES):
        idxb_v[pl.ds(h, LANES)] = jnp.minimum(bbase + h + iota, TOTAL_TOK - 1)

    @pl.when(rem > 0)
    def _():
        pltpu.async_copy(flat_hbm.at[idxb_v], buf0, sg0)
        pltpu.make_async_copy(flat_hbm.at[idxb_v], buf0, sg0).wait()

        def zero_row(r, carry):
            for i in range(D // LANES):
                buf0[r, pl.ds(i * LANES, LANES)] = jnp.zeros(
                    (LANES,), jnp.float32)
            return carry

        lax.fori_loop(rem, CHUNK, zero_row, 0)

    bchunk_dst = out_hbm.at[
        pl.ds(pl.multiple_of(row0 + kfull * CHUNK, CHUNK), CHUNK)]

    @pl.when(rem > 0)
    def _():
        pltpu.async_copy(buf0, bchunk_dst, sz)

    for k in range(NCHUNK):
        @pl.when(k >= kzero)
        def _():
            pltpu.make_async_copy(zbuf, out_half(k, 0), sz).wait()
            pltpu.make_async_copy(zbuf, out_half(k, ZROWS), sz).wait()

    @pl.when(rem > 0)
    def _():
        pltpu.make_async_copy(buf0, bchunk_dst, sz).wait()


@jax.jit
def kernel(flat, cu_seqlens):
    mesh = plsc.VectorSubcoreMesh(core_axis_name="c", subcore_axis_name="s")
    out = pl.kernel(
        _body,
        out_type=jax.ShapeDtypeStruct((TOTAL_ROWS, D), jnp.float32),
        mesh=mesh,
        scratch_types=[
            pltpu.VMEM((LANES,), jnp.int32),
            pltpu.VMEM((ZROWS, D), jnp.float32),
            pltpu.VMEM((CHUNK, D), jnp.float32),
            pltpu.VMEM((CHUNK, D), jnp.float32),
            pltpu.VMEM((CHUNK, D), jnp.float32),
            pltpu.VMEM((NCHUNK, CHUNK), jnp.int32),
            pltpu.VMEM((CHUNK,), jnp.int32),
            pltpu.SemaphoreType.DMA,
            pltpu.SemaphoreType.DMA,
            pltpu.SemaphoreType.DMA,
            pltpu.SemaphoreType.DMA,
            pltpu.SemaphoreType.DMA,
            pltpu.SemaphoreType.DMA,
            pltpu.SemaphoreType.DMA,
        ],
        compiler_params=pltpu.CompilerParams(needs_layout_passes=False),
    )(flat, cu_seqlens)
    return out.reshape(B, MAX_SEQLEN, D)

# --- scband reference (transcript-rebuilt; emitter-appended) ---
"""Pipeline reference for scband-pad-and-stack-rec-22995254902889 (READ-ONLY COPY).

The authoritative reference and input builder live on the scoring server;
editing this copy changes nothing except your own understanding.
"""

import jax, jax.numpy as jnp
import numpy as np

B = 8
MAX_SEQLEN = 2048
TOTAL_TOK = 8192
D = 1024
PAD_VALUE = 0.0


def setup_inputs(seed: int = 0) -> dict:
    key = jax.random.key(seed)
    k1, k2 = jax.random.split(key)
    flat = jax.random.normal(k1, (TOTAL_TOK, D), dtype=jnp.float32)
    cu_seqlens = jnp.sort(jax.random.randint(k2, (B + 1,), 0, TOTAL_TOK, dtype=jnp.int32))
    return {"flat": flat, "cu_seqlens": cu_seqlens}


def reference(flat, cu_seqlens):
    # PadAndStackRec with align='left', pad_value=0: turn ragged segments of
    # `flat` (delimited by cu_seqlens) into a dense [B, MAX_SEQLEN, D] tensor,
    # left-aligned, padded (and truncated if a segment exceeds MAX_SEQLEN).
    starts = cu_seqlens[:-1]
    ends = cu_seqlens[1:]
    lengths = jnp.minimum(ends - starts, MAX_SEQLEN)
    pos = jnp.arange(MAX_SEQLEN, dtype=jnp.int32)
    idx = starts[:, None] + pos[None, :]                     # [B, MAX_SEQLEN]
    mask = pos[None, :] < lengths[:, None]                   # [B, MAX_SEQLEN]
    safe_idx = jnp.clip(idx, 0, TOTAL_TOK - 1)
    gathered = jnp.take(flat, safe_idx, axis=0)              # [B, MAX_SEQLEN, D]
    out = jnp.where(mask[:, :, None], gathered, jnp.float32(PAD_VALUE))
    return out

if __name__ == "__main__":
    import jax
    _d = setup_inputs()
    print(jax.jit(kernel)(*tuple(_d.values())))

</pallas_src>

<mosaic_0001>
#map = affine_map<(d0, d1) -> (0, 0)>
#map1 = affine_map<(d0, d1) -> (0)>
module attributes {stable_mosaic.version = 14 : i64} {
  func.func @_body(%arg0: i32, %arg1: i32, %arg2: memref<8192x1024xf32, #tpu.memory_space<hbm>>, %arg3: memref<9xi32, #tpu.memory_space<hbm>>, %arg4: memref<16384x1024xf32, #tpu.memory_space<hbm>>, %arg5: memref<16xi32, #tpu.memory_space<vmem>>, %arg6: memref<16x1024xf32, #tpu.memory_space<vmem>>, %arg7: memref<32x1024xf32, #tpu.memory_space<vmem>>, %arg8: memref<32x1024xf32, #tpu.memory_space<vmem>>, %arg9: memref<32x1024xf32, #tpu.memory_space<vmem>>, %arg10: memref<16x32xi32, #tpu.memory_space<vmem>>, %arg11: memref<32xi32, #tpu.memory_space<vmem>>, %arg12: memref<!tpu.dma_semaphore, #tpu.memory_space<semaphore_mem>>, %arg13: memref<!tpu.dma_semaphore, #tpu.memory_space<semaphore_mem>>, %arg14: memref<!tpu.dma_semaphore, #tpu.memory_space<semaphore_mem>>, %arg15: memref<!tpu.dma_semaphore, #tpu.memory_space<semaphore_mem>>, %arg16: memref<!tpu.dma_semaphore, #tpu.memory_space<semaphore_mem>>, %arg17: memref<!tpu.dma_semaphore, #tpu.memory_space<semaphore_mem>>, %arg18: memref<!tpu.dma_semaphore, #tpu.memory_space<semaphore_mem>>) attributes {dimension_semantics = [#tpu.dimension_semantics<core_parallel>, #tpu.dimension_semantics<subcore_parallel>], iteration_bounds = array<i64: 2, 16>, scalar_prefetch = 0 : i64, scratch_operands = 14 : i64, tpu.core_type = #tpu.core_type<sc_vector_subcore>, window_params = [{transform_indices = #map}, {transform_indices = #map1}, {transform_indices = #map}]} {
    %jit3A = arith.constant 2 : i32
    %div3A = arith.divsi %arg1, %jit3A : i32
    %sign3A = arith.constant 0 : i32
    %sign3A_0 = arith.cmpi sgt, %arg1, %sign3A : i32
    %sign3A_1 = arith.extui %sign3A_0 : i1 to i32
    %sign3A_2 = arith.constant 0 : i32
    %sign3A_3 = arith.cmpi slt, %arg1, %sign3A_2 : i32
    %sign3A_4 = arith.extui %sign3A_3 : i1 to i32
    %sign3A_5 = arith.subi %sign3A_1, %sign3A_4 : i32
    %sign3A_6 = arith.constant 0 : i32
    %sign3A_7 = arith.cmpi sgt, %jit3A, %sign3A_6 : i32
    %sign3A_8 = arith.extui %sign3A_7 : i1 to i32
    %sign3A_9 = arith.constant 0 : i32
    %sign3A_10 = arith.cmpi slt, %jit3A, %sign3A_9 : i32
    %sign3A_11 = arith.extui %sign3A_10 : i1 to i32
    %sign3A_12 = arith.subi %sign3A_8, %sign3A_11 : i32
    %ne3A = arith.cmpi ne, %sign3A_5, %sign3A_12 : i32
    %rem3A = arith.remsi %arg1, %jit3A : i32
    %ne3A_13 = arith.constant 0 : i32
    %ne3A_14 = arith.cmpi ne, %rem3A, %ne3A_13 : i32
    %and3A = arith.andi %ne3A, %ne3A_14 : i1
    %sub3A = arith.constant 1 : i32
    %sub3A_15 = arith.subi %div3A, %sub3A : i32
    %select_n3A = arith.select %and3A, %sub3A_15, %div3A : i32
    %jit3A_16 = arith.constant 2 : i32
    %eq3A = arith.constant 0 : i32
    %eq3A_17 = arith.cmpi eq, %jit3A_16, %eq3A : i32
    %jit3A_18 = arith.constant 1 : i32
    %select_n3A_19 = arith.select %eq3A_17, %jit3A_18, %jit3A_16 : i32
    %rem3A_20 = arith.remsi %arg1, %select_n3A_19 : i32
    %ne3A_21 = arith.constant 0 : i32
    %ne3A_22 = arith.cmpi ne, %rem3A_20, %ne3A_21 : i32
    %lt3A = arith.constant 0 : i32
    %lt3A_23 = arith.cmpi slt, %rem3A_20, %lt3A : i32
    %lt3A_24 = arith.constant 0 : i32
    %lt3A_25 = arith.cmpi slt, %select_n3A_19, %lt3A_24 : i32
    %ne3A_26 = arith.xori %lt3A_23, %lt3A_25 : i1
    %and3A_27 = arith.andi %ne3A_26, %ne3A_22 : i1
    %add3A = arith.addi %rem3A_20, %select_n3A_19 : i32
    %select_n3A_28 = arith.select %and3A_27, %add3A, %rem3A_20 : i32
    %mul3A = arith.constant 2 : i32
    %mul3A_29 = arith.muli %mul3A, %select_n3A_28 : i32
    %add3A_30 = arith.addi %select_n3A, %arg0 : i32
    %jit3A_31 = arith.constant 2 : i32
    %eq3A_32 = arith.constant 0 : i32
    %eq3A_33 = arith.cmpi eq, %jit3A_31, %eq3A_32 : i32
    %jit3A_34 = arith.constant 1 : i32
    %select_n3A_35 = arith.select %eq3A_33, %jit3A_34, %jit3A_31 : i32
    %rem3A_36 = arith.remsi %add3A_30, %select_n3A_35 : i32
    %ne3A_37 = arith.constant 0 : i32
    %ne3A_38 = arith.cmpi ne, %rem3A_36, %ne3A_37 : i32
    %lt3A_39 = arith.constant 0 : i32
    %lt3A_40 = arith.cmpi slt, %rem3A_36, %lt3A_39 : i32
    %lt3A_41 = arith.constant 0 : i32
    %lt3A_42 = arith.cmpi slt, %select_n3A_35, %lt3A_41 : i32
    %ne3A_43 = arith.xori %lt3A_40, %lt3A_42 : i1
    %and3A_44 = arith.andi %ne3A_43, %ne3A_38 : i1
    %add3A_45 = arith.addi %rem3A_36, %select_n3A_35 : i32
    %select_n3A_46 = arith.select %and3A_44, %add3A_45, %rem3A_36 : i32
    %add3A_47 = arith.addi %mul3A_29, %select_n3A_46 : i32
    %mul3A_48 = arith.constant 512 : i32
    %mul3A_49 = arith.muli %add3A_47, %mul3A_48 : i32
    %mul3A_50 = arith.constant 2048 : i32
    %mul3A_51 = arith.muli %select_n3A, %mul3A_50 : i32
    %add3A_52 = arith.addi %mul3A_51, %mul3A_49 : i32
    "tpu.region"() ({
      %run_scoped3A = tpu.sem_alloc : memref<!tpu.dma_semaphore, #tpu.memory_space<semaphore_mem>>
      %dma_start3A = arith.constant 0 : i32
      %dma_start3A_914 = tpu.memref_slice %arg5[%dma_start3A] : memref<16xi32, #tpu.memory_space<vmem>> -> memref<9xi32, #tpu.memory_space<vmem>>
      %dma_start3A_915 = arith.constant 0 : i32
      %dma_start3A_916 = tpu.memref_slice %arg5[%dma_start3A_915] : memref<16xi32, #tpu.memory_space<vmem>> -> memref<9xi32, #tpu.memory_space<vmem>>
      tpu.enqueue_dma source(%arg3 : memref<9xi32, #tpu.memory_space<hbm>>) target(%dma_start3A_916 : memref<9xi32, #tpu.memory_space<vmem>>) target_semaphore(%run_scoped3A : memref<!tpu.dma_semaphore, #tpu.memory_space<semaphore_mem>>)
      %dma_wait3A = arith.constant 0 : i32
      %dma_wait3A_917 = tpu.memref_slice %arg5[%dma_wait3A] : memref<16xi32, #tpu.memory_space<vmem>> -> memref<9xi32, #tpu.memory_space<vmem>>
      %dma_wait3A_918 = arith.constant 0 : i32
      %dma_wait3A_919 = tpu.memref_slice %arg5[%dma_wait3A_918] : memref<16xi32, #tpu.memory_space<vmem>> -> memref<9xi32, #tpu.memory_space<vmem>>
      tpu.wait_dma2 semaphore(%run_scoped3A : memref<!tpu.dma_semaphore, #tpu.memory_space<semaphore_mem>>) src(%arg3 : memref<9xi32, #tpu.memory_space<hbm>>) dst(%dma_wait3A_919 : memref<9xi32, #tpu.memory_space<vmem>>)
      tpu.yield
    }) : () -> ()
    %scan3A = arith.constant 0 : i32
    %scan3A_53 = arith.constant 0 : i32
    %scan3A_54 = arith.constant 16 : i32
    %scan3A_55 = arith.addi %scan3A_53, %scan3A_54 : i32
    %scan3A_56 = arith.constant 1 : i32
    scf.for %scan3A_914 = %scan3A_53 to %scan3A_55 step %scan3A_56  : i32 {
      %broadcast_in_dim3A_915 = arith.constant 0.000000e+00 : f32
      %broadcast_in_dim3A_916 = vector.broadcast %broadcast_in_dim3A_915 : f32 to vector<16xf32>
      %swap3A_917 = arith.index_cast %scan3A_914 : i32 to index
      %swap3A_918 = arith.constant 0 : index
      %swap3A_919 = tpu.vector_load %arg6[%swap3A_917, %swap3A_918] {strides = array<i32>} : memref<16x1024xf32, #tpu.memory_space<vmem>>, vector<16xf32>,
      tpu.vector_store %arg6[%swap3A_917, %swap3A_918], %broadcast_in_dim3A_916 {strides = array<i32>} : memref<16x1024xf32, #tpu.memory_space<vmem>>, vector<16xf32>,
      %broadcast_in_dim3A_920 = arith.constant 0.000000e+00 : f32
      %broadcast_in_dim3A_921 = vector.broadcast %broadcast_in_dim3A_920 : f32 to vector<16xf32>
      %swap3A_922 = arith.index_cast %scan3A_914 : i32 to index
      %swap3A_923 = arith.constant 16 : index
      %swap3A_924 = tpu.vector_load %arg6[%swap3A_922, %swap3A_923] {strides = array<i32>} : memref<16x1024xf32, #tpu.memory_space<vmem>>, vector<16xf32>,
      tpu.vector_store %arg6[%swap3A_922, %swap3A_923], %broadcast_in_dim3A_921 {strides = array<i32>} : memref<16x1024xf32, #tpu.memory_space<vmem>>, vector<16xf32>,
      %broadcast_in_dim3A_925 = arith.constant 0.000000e+00 : f32
      %broadcast_in_dim3A_926 = vector.broadcast %broadcast_in_dim3A_925 : f32 to vector<16xf32>
      %swap3A_927 = arith.index_cast %scan3A_914 : i32 to index
      %swap3A_928 = arith.constant 32 : index
      %swap3A_929 = tpu.vector_load %arg6[%swap3A_927, %swap3A_928] {strides = array<i32>} : memref<16x1024xf32, #tpu.memory_space<vmem>>, vector<16xf32>,
      tpu.vector_store %arg6[%swap3A_927, %swap3A_928], %broadcast_in_dim3A_926 {strides = array<i32>} : memref<16x1024xf32, #tpu.memory_space<vmem>>, vector<16xf32>,
      %broadcast_in_dim3A_930 = arith.constant 0.000000e+00 : f32
      %broadcast_in_dim3A_931 = vector.broadcast %broadcast_in_dim3A_930 : f32 to vector<16xf32>
      %swap3A_932 = arith.index_cast %scan3A_914 : i32 to index
      %swap3A_933 = arith.constant 48 : index
      %swap3A_934 = tpu.vector_load %arg6[%swap3A_932, %swap3A_933] {strides = array<i32>} : memref<16x1024xf32, #tpu.memory_space<vmem>>, vector<16xf32>,
      tpu.vector_store %arg6[%swap3A_932, %swap3A_933], %broadcast_in_dim3A_931 {strides = array<i32>} : memref<16x1024xf32, #tpu.memory_space<vmem>>, vector<16xf32>,
      %broadcast_in_dim3A_935 = arith.constant 0.000000e+00 : f32
      %broadcast_in_dim3A_936 = vector.broadcast %broadcast_in_dim3A_935 : f32 to vector<16xf32>
      %swap3A_937 = arith.index_cast %scan3A_914 : i32 to index
      %swap3A_938 = arith.constant 64 : index
      %swap3A_939 = tpu.vector_load %arg6[%swap3A_937, %swap3A_938] {strides = array<i32>} : memref<16x1024xf32, #tpu.memory_space<vmem>>, vector<16xf32>,
      tpu.vector_store %arg6[%swap3A_937, %swap3A_938], %broadcast_in_dim3A_936 {strides = array<i32>} : memref<16x1024xf32, #tpu.memory_space<vmem>>, vector<16xf32>,
      %broadcast_in_dim3A_940 = arith.constant 0.000000e+00 : f32
      %broadcast_in_dim3A_941 = vector.broadcast %broadcast_in_dim3A_940 : f32 to vector<16xf32>
      %swap3A_942 = arith.index_cast %scan3A_914 : i32 to index
      %swap3A_943 = arith.constant 80 : index
      %swap3A_944 = tpu.vector_load %arg6[%swap3A_942, %swap3A_943] {strides = array<i32>} : memref<16x1024xf32, #tpu.memory_space<vmem>>, vector<16xf32>,
      tpu.vector_store %arg6[%swap3A_942, %swap3A_943], %broadcast_in_dim3A_941 {strides = array<i32>} : memref<16x1024xf32, #tpu.memory_space<vmem>>, vector<16xf32>,
      %broadcast_in_dim3A_945 = arith.constant 0.000000e+00 : f32
      %broadcast_in_dim3A_946 = vector.broadcast %broadcast_in_dim3A_945 : f32 to vector<16xf32>
      %swap3A_947 = arith.index_cast %scan3A_914 : i32 to index
      %swap3A_948 = arith.constant 96 : index
      %swap3A_949 = tpu.vector_load %arg6[%swap3A_947, %swap3A_948] {strides = array<i32>} : memref<16x1024xf32, #tpu.memory_space<vmem>>, vector<16xf32>,
      tpu.vector_store %arg6[%swap3A_947, %swap3A_948], %broadcast_in_dim3A_946 {strides = array<i32>} : memref<16x1024xf32, #tpu.memory_space<vmem>>, vector<16xf32>,
      %broadcast_in_dim3A_950 = arith.constant 0.000000e+00 : f32
      %broadcast_in_dim3A_951 = vector.broadcast %broadcast_in_dim3A_950 : f32 to vector<16xf32>
      %swap3A_952 = arith.index_cast %scan3A_914 : i32 to index
      %swap3A_953 = arith.constant 112 : index
      %swap3A_954 = tpu.vector_load %arg6[%swap3A_952, %swap3A_953] {strides = array<i32>} : memref<16x1024xf32, #tpu.memory_space<vmem>>, vector<16xf32>,
      tpu.vector_store %arg6[%swap3A_952, %swap3A_953], %broadcast_in_dim3A_951 {strides = array<i32>} : memref<16x1024xf32, #tpu.memory_space<vmem>>, vector<16xf32>,
      %broadcast_in_dim3A_955 = arith.constant 0.000000e+00 : f32
      %broadcast_in_dim3A_956 = vector.broadcast %broadcast_in_dim3A_955 : f32 to vector<16xf32>
      %swap3A_957 = arith.index_cast %scan3A_914 : i32 to index
      %swap3A_958 = arith.constant 128 : index
      %swap3A_959 = tpu.vector_load %arg6[%swap3A_957, %swap3A_958] {strides = array<i32>} : memref<16x1024xf32, #tpu.memory_space<vmem>>, vector<16xf32>,
      tpu.vector_store %arg6[%swap3A_957, %swap3A_958], %broadcast_in_dim3A_956 {strides = array<i32>} : memref<16x1024xf32, #tpu.memory_space<vmem>>, vector<16xf32>,
      %broadcast_in_dim3A_960 = arith.constant 0.000000e+00 : f32
      %broadcast_in_dim3A_961 = vector.broadcast %broadcast_in_dim3A_960 : f32 to vector<16xf32>
      %swap3A_962 = arith.index_cast %scan3A_914 : i32 to index
      %swap3A_963 = arith.constant 144 : index
      %swap3A_964 = tpu.vector_load %arg6[%swap3A_962, %swap3A_963] {strides = array<i32>} : memref<16x1024xf32, #tpu.memory_space<vmem>>, vector<16xf32>,
      tpu.vector_store %arg6[%swap3A_962, %swap3A_963], %broadcast_in_dim3A_961 {strides = array<i32>} : memref<16x1024xf32, #tpu.memory_space<vmem>>, vector<16xf32>,
      %broadcast_in_dim3A_965 = arith.constant 0.000000e+00 : f32
      %broadcast_in_dim3A_966 = vector.broadcast %broadcast_in_dim3A_965 : f32 to vector<16xf32>
      %swap3A_967 = arith.index_cast %scan3A_914 : i32 to index
      %swap3A_968 = arith.constant 160 : index
      %swap3A_969 = tpu.vector_load %arg6[%swap3A_967, %swap3A_968] {strides = array<i32>} : memref<16x1024xf32, #tpu.memory_space<vmem>>, vector<16xf32>,
      tpu.vector_store %arg6[%swap3A_967, %swap3A_968], %broadcast_in_dim3A_966 {strides = array<i32>} : memref<16x1024xf32, #tpu.memory_space<vmem>>, vector<16xf32>,
      %broadcast_in_dim3A_970 = arith.constant 0.000000e+00 : f32
      %broadcast_in_dim3A_971 = vector.broadcast %broadcast_in_dim3A_970 : f32 to vector<16xf32>
      %swap3A_972 = arith.index_cast %scan3A_914 : i32 to index
      %swap3A_973 = arith.constant 176 : index
      %swap3A_974 = tpu.vector_load %arg6[%swap3A_972, %swap3A_973] {strides = array<i32>} : memref<16x1024xf32, #tpu.memory_space<vmem>>, vector<16xf32>,
      tpu.vector_store %arg6[%swap3A_972, %swap3A_973], %broadcast_in_dim3A_971 {strides = array<i32>} : memref<16x1024xf32, #tpu.memory_space<vmem>>, vector<16xf32>,
      %broadcast_in_dim3A_975 = arith.constant 0.000000e+00 : f32
      %broadcast_in_dim3A_976 = vector.broadcast %broadcast_in_dim3A_975 : f32 to vector<16xf32>
      %swap3A_977 = arith.index_cast %scan3A_914 : i32 to index
      %swap3A_978 = arith.constant 192 : index
      %swap3A_979 = tpu.vector_load %arg6[%swap3A_977, %swap3A_978] {strides = array<i32>} : memref<16x1024xf32, #tpu.memory_space<vmem>>, vector<16xf32>,
      tpu.vector_store %arg6[%swap3A_977, %swap3A_978], %broadcast_in_dim3A_976 {strides = array<i32>} : memref<16x1024xf32, #tpu.memory_space<vmem>>, vector<16xf32>,
      %broadcast_in_dim3A_980 = arith.constant 0.000000e+00 : f32
      %broadcast_in_dim3A_981 = vector.broadcast %broadcast_in_dim3A_980 : f32 to vector<16xf32>
      %swap3A_982 = arith.index_cast %scan3A_914 : i32 to index
      %swap3A_983 = arith.constant 208 : index
      %swap3A_984 = tpu.vector_load %arg6[%swap3A_982, %swap3A_983] {strides = array<i32>} : memref<16x1024xf32, #tpu.memory_space<vmem>>, vector<16xf32>,
      tpu.vector_store %arg6[%swap3A_982, %swap3A_983], %broadcast_in_dim3A_981 {strides = array<i32>} : memref<16x1024xf32, #tpu.memory_space<vmem>>, vector<16xf32>,
      %broadcast_in_dim3A_985 = arith.constant 0.000000e+00 : f32
      %broadcast_in_dim3A_986 = vector.broadcast %broadcast_in_dim3A_985 : f32 to vector<16xf32>
      %swap3A_987 = arith.index_cast %scan3A_914 : i32 to index
      %swap3A_988 = arith.constant 224 : index
      %swap3A_989 = tpu.vector_load %arg6[%swap3A_987, %swap3A_988] {strides = array<i32>} : memref<16x1024xf32, #tpu.memory_space<vmem>>, vector<16xf32>,
      tpu.vector_store %arg6[%swap3A_987, %swap3A_988], %broadcast_in_dim3A_986 {strides = array<i32>} : memref<16x1024xf32, #tpu.memory_space<vmem>>, vector<16xf32>,
      %broadcast_in_dim3A_990 = arith.constant 0.000000e+00 : f32
      %broadcast_in_dim3A_991 = vector.broadcast %broadcast_in_dim3A_990 : f32 to vector<16xf32>
      %swap3A_992 = arith.index_cast %scan3A_914 : i32 to index
      %swap3A_993 = arith.constant 240 : index
      %swap3A_994 = tpu.vector_load %arg6[%swap3A_992, %swap3A_993] {strides = array<i32>} : memref<16x1024xf32, #tpu.memory_space<vmem>>, vector<16xf32>,
      tpu.vector_store %arg6[%swap3A_992, %swap3A_993], %broadcast_in_dim3A_991 {strides = array<i32>} : memref<16x1024xf32, #tpu.memory_space<vmem>>, vector<16xf32>,
      %broadcast_in_dim3A_995 = arith.constant 0.000000e+00 : f32
      %broadcast_in_dim3A_996 = vector.broadcast %broadcast_in_dim3A_995 : f32 to vector<16xf32>
      %swap3A_997 = arith.index_cast %scan3A_914 : i32 to index
      %swap3A_998 = arith.constant 256 : index
      %swap3A_999 = tpu.vector_load %arg6[%swap3A_997, %swap3A_998] {strides = array<i32>} : memref<16x1024xf32, #tpu.memory_space<vmem>>, vector<16xf32>,
      tpu.vector_store %arg6[%swap3A_997, %swap3A_998], %broadcast_in_dim3A_996 {strides = array<i32>} : memref<16x1024xf32, #tpu.memory_space<vmem>>, vector<16xf32>,
      %broadcast_in_dim3A_1000 = arith.constant 0.000000e+00 : f32
      %broadcast_in_dim3A_1001 = vector.broadcast %broadcast_in_dim3A_1000 : f32 to vector<16xf32>
      %swap3A_1002 = arith.index_cast %scan3A_914 : i32 to index
      %swap3A_1003 = arith.constant 272 : index
      %swap3A_1004 = tpu.vector_load %arg6[%swap3A_1002, %swap3A_1003] {strides = array<i32>} : memref<16x1024xf32, #tpu.memory_space<vmem>>, vector<16xf32>,
      tpu.vector_store %arg6[%swap3A_1002, %swap3A_1003], %broadcast_in_dim3A_1001 {strides = array<i32>} : memref<16x1024xf32, #tpu.memory_space<vmem>>, vector<16xf32>,
      %broadcast_in_dim3A_1005 = arith.constant 0.000000e+00 : f32
      %broadcast_in_dim3A_1006 = vector.broadcast %broadcast_in_dim3A_1005 : f32 to vector<16xf32>
      %swap3A_1007 = arith.index_cast %scan3A_914 : i32 to index
      %swap3A_1008 = arith.constant 288 : index
      %swap3A_1009 = tpu.vector_load %arg6[%swap3A_1007, %swap3A_1008] {strides = array<i32>} : memref<16x1024xf32, #tpu.memory_space<vmem>>, vector<16xf32>,
      tpu.vector_store %arg6[%swap3A_1007, %swap3A_1008], %broadcast_in_dim3A_1006 {strides = array<i32>} : memref<16x1024xf32, #tpu.memory_space<vmem>>, vector<16xf32>,
      %broadcast_in_dim3A_1010 = arith.constant 0.000000e+00 : f32
      %broadcast_in_dim3A_1011 = vector.broadcast %broadcast_in_dim3A_1010 : f32 to vector<16xf32>
      %swap3A_1012 = arith.index_cast %scan3A_914 : i32 to index
      %swap3A_1013 = arith.constant 304 : index
      %swap3A_1014 = tpu.vector_load %arg6[%swap3A_1012, %swap3A_1013] {strides = array<i32>} : memref<16x1024xf32, #tpu.memory_space<vmem>>, vector<16xf32>,
      tpu.vector_store %arg6[%swap3A_1012, %swap3A_1013], %broadcast_in_dim3A_1011 {strides = array<i32>} : memref<16x1024xf32, #tpu.memory_space<vmem>>, vector<16xf32>,
      %broadcast_in_dim3A_1015 = arith.constant 0.000000e+00 : f32
      %broadcast_in_dim3A_1016 = vector.broadcast %broadcast_in_dim3A_1015 : f32 to vector<16xf32>
      %swap3A_1017 = arith.index_cast %scan3A_914 : i32 to index
      %swap3A_1018 = arith.constant 320 : index
      %swap3A_1019 = tpu.vector_load %arg6[%swap3A_1017, %swap3A_1018] {strides = array<i32>} : memref<16x1024xf32, #tpu.memory_space<vmem>>, vector<16xf32>,
      tpu.vector_store %arg6[%swap3A_1017, %swap3A_1018], %broadcast_in_dim3A_1016 {strides = array<i32>} : memref<16x1024xf32, #tpu.memory_space<vmem>>, vector<16xf32>,
      %broadcast_in_dim3A_1020 = arith.constant 0.000000e+00 : f32
      %broadcast_in_dim3A_1021 = vector.broadcast %broadcast_in_dim3A_1020 : f32 to vector<16xf32>
      %swap3A_1022 = arith.index_cast %scan3A_914 : i32 to index
      %swap3A_1023 = arith.constant 336 : index
      %swap3A_1024 = tpu.vector_load %arg6[%swap3A_1022, %swap3A_1023] {strides = array<i32>} : memref<16x1024xf32, #tpu.memory_space<vmem>>, vector<16xf32>,
      tpu.vector_store %arg6[%swap3A_1022, %swap3A_1023], %broadcast_in_dim3A_1021 {strides = array<i32>} : memref<16x1024xf32, #tpu.memory_space<vmem>>, vector<16xf32>,
      %broadcast_in_dim3A_1025 = arith.constant 0.000000e+00 : f32
      %broadcast_in_dim3A_1026 = vector.broadcast %broadcast_in_dim3A_1025 : f32 to vector<16xf32>
      %swap3A_1027 = arith.index_cast %scan3A_914 : i32 to index
      %swap3A_1028 = arith.constant 352 : index
      %swap3A_1029 = tpu.vector_load %arg6[%swap3A_1027, %swap3A_1028] {strides = array<i32>} : memref<16x1024xf32, #tpu.memory_space<vmem>>, vector<16xf32>,
      tpu.vector_store %arg6[%swap3A_1027, %swap3A_1028], %broadcast_in_dim3A_1026 {strides = array<i32>} : memref<16x1024xf32, #tpu.memory_space<vmem>>, vector<16xf32>,
      %broadcast_in_dim3A_1030 = arith.constant 0.000000e+00 : f32
      %broadcast_in_dim3A_1031 = vector.broadcast %broadcast_in_dim3A_1030 : f32 to vector<16xf32>
      %swap3A_1032 = arith.index_cast %scan3A_914 : i32 to index
      %swap3A_1033 = arith.constant 368 : index
      %swap3A_1034 = tpu.vector_load %arg6[%swap3A_1032, %swap3A_1033] {strides = array<i32>} : memref<16x1024xf32, #tpu.memory_space<vmem>>, vector<16xf32>,
      tpu.vector_store %arg6[%swap3A_1032, %swap3A_1033], %broadcast_in_dim3A_1031 {strides = array<i32>} : memref<16x1024xf32, #tpu.memory_space<vmem>>, vector<16xf32>,
      %broadcast_in_dim3A_1035 = arith.constant 0.000000e+00 : f32
      %broadcast_in_dim3A_1036 = vector.broadcast %broadcast_in_dim3A_1035 : f32 to vector<16xf32>
      %swap3A_1037 = arith.index_cast %scan3A_914 : i32 to index
      %swap3A_1038 = arith.constant 384 : index
      %swap3A_1039 = tpu.vector_load %arg6[%swap3A_1037, %swap3A_1038] {strides = array<i32>} : memref<16x1024xf32, #tpu.memory_space<vmem>>, vector<16xf32>,
      tpu.vector_store %arg6[%swap3A_1037, %swap3A_1038], %broadcast_in_dim3A_1036 {strides = array<i32>} : memref<16x1024xf32, #tpu.memory_space<vmem>>, vector<16xf32>,
      %broadcast_in_dim3A_1040 = arith.constant 0.000000e+00 : f32
      %broadcast_in_dim3A_1041 = vector.broadcast %broadcast_in_dim3A_1040 : f32 to vector<16xf32>
      %swap3A_1042 = arith.index_cast %scan3A_914 : i32 to index
      %swap3A_1043 = arith.constant 400 : index
      %swap3A_1044 = tpu.vector_load %arg6[%swap3A_1042, %swap3A_1043] {strides = array<i32>} : memref<16x1024xf32, #tpu.memory_space<vmem>>, vector<16xf32>,
      tpu.vector_store %arg6[%swap3A_1042, %swap3A_1043], %broadcast_in_dim3A_1041 {strides = array<i32>} : memref<16x1024xf32, #tpu.memory_space<vmem>>, vector<16xf32>,
      %broadcast_in_dim3A_1045 = arith.constant 0.000000e+00 : f32
      %broadcast_in_dim3A_1046 = vector.broadcast %broadcast_in_dim3A_1045 : f32 to vector<16xf32>
      %swap3A_1047 = arith.index_cast %scan3A_914 : i32 to index
      %swap3A_1048 = arith.constant 416 : index
      %swap3A_1049 = tpu.vector_load %arg6[%swap3A_1047, %swap3A_1048] {strides = array<i32>} : memref<16x1024xf32, #tpu.memory_space<vmem>>, vector<16xf32>,
      tpu.vector_store %arg6[%swap3A_1047, %swap3A_1048], %broadcast_in_dim3A_1046 {strides = array<i32>} : memref<16x1024xf32, #tpu.memory_space<vmem>>, vector<16xf32>,
      %broadcast_in_dim3A_1050 = arith.constant 0.000000e+00 : f32
      %broadcast_in_dim3A_1051 = vector.broadcast %broadcast_in_dim3A_1050 : f32 to vector<16xf32>
      %swap3A_1052 = arith.index_cast %scan3A_914 : i32 to index
      %swap3A_1053 = arith.constant 432 : index
      %swap3A_1054 = tpu.vector_load %arg6[%swap3A_1052, %swap3A_1053] {strides = array<i32>} : memref<16x1024xf32, #tpu.memory_space<vmem>>, vector<16xf32>,
      tpu.vector_store %arg6[%swap3A_1052, %swap3A_1053], %broadcast_in_dim3A_1051 {strides = array<i32>} : memref<16x1024xf32, #tpu.memory_space<vmem>>, vector<16xf32>,
      %broadcast_in_dim3A_1055 = arith.constant 0.000000e+00 : f32
      %broadcast_in_dim3A_1056 = vector.broadcast %broadcast_in_dim3A_1055 : f32 to vector<16xf32>
      %swap3A_1057 = arith.index_cast %scan3A_914 : i32 to index
      %swap3A_1058 = arith.constant 448 : index
      %swap3A_1059 = tpu.vector_load %arg6[%swap3A_1057, %swap3A_1058] {strides = array<i32>} : memref<16x1024xf32, #tpu.memory_space<vmem>>, vector<16xf32>,
      tpu.vector_store %arg6[%swap3A_1057, %swap3A_1058], %broadcast_in_dim3A_1056 {strides = array<i32>} : memref<16x1024xf32, #tpu.memory_space<vmem>>, vector<16xf32>,
      %broadcast_in_dim3A_1060 = arith.constant 0.000000e+00 : f32
      %broadcast_in_dim3A_1061 = vector.broadcast %broadcast_in_dim3A_1060 : f32 to vector<16xf32>
      %swap3A_1062 = arith.index_cast %scan3A_914 : i32 to index
      %swap3A_1063 = arith.constant 464 : index
      %swap3A_1064 = tpu.vector_load %arg6[%swap3A_1062, %swap3A_1063] {strides = array<i32>} : memref<16x1024xf32, #tpu.memory_space<vmem>>, vector<16xf32>,
      tpu.vector_store %arg6[%swap3A_1062, %swap3A_1063], %broadcast_in_dim3A_1061 {strides = array<i32>} : memref<16x1024xf32, #tpu.memory_space<vmem>>, vector<16xf32>,
      %broadcast_in_dim3A_1065 = arith.constant 0.000000e+00 : f32
      %broadcast_in_dim3A_1066 = vector.broadcast %broadcast_in_dim3A_1065 : f32 to vector<16xf32>
      %swap3A_1067 = arith.index_cast %scan3A_914 : i32 to index
      %swap3A_1068 = arith.constant 480 : index
      %swap3A_1069 = tpu.vector_load %arg6[%swap3A_1067, %swap3A_1068] {strides = array<i32>} : memref<16x1024xf32, #tpu.memory_space<vmem>>, vector<16xf32>,
      tpu.vector_store %arg6[%swap3A_1067, %swap3A_1068], %broadcast_in_dim3A_1066 {strides = array<i32>} : memref<16x1024xf32, #tpu.memory_space<vmem>>, vector<16xf32>,
      %broadcast_in_dim3A_1070 = arith.constant 0.000000e+00 : f32
      %broadcast_in_dim3A_1071 = vector.broadcast %broadcast_in_dim3A_1070 : f32 to vector<16xf32>
      %swap3A_1072 = arith.index_cast %scan3A_914 : i32 to index
      %swap3A_1073 = arith.constant 496 : index
      %swap3A_1074 = tpu.vector_load %arg6[%swap3A_1072, %swap3A_1073] {strides = array<i32>} : memref<16x1024xf32, #tpu.memory_space<vmem>>, vector<16xf32>,
      tpu.vector_store %arg6[%swap3A_1072, %swap3A_1073], %broadcast_in_dim3A_1071 {strides = array<i32>} : memref<16x1024xf32, #tpu.memory_space<vmem>>, vector<16xf32>,
      %broadcast_in_dim3A_1075 = arith.constant 0.000000e+00 : f32
      %broadcast_in_dim3A_1076 = vector.broadcast %broadcast_in_dim3A_1075 : f32 to vector<16xf32>
      %swap3A_1077 = arith.index_cast %scan3A_914 : i32 to index
      %swap3A_1078 = arith.constant 512 : index
      %swap3A_1079 = tpu.vector_load %arg6[%swap3A_1077, %swap3A_1078] {strides = array<i32>} : memref<16x1024xf32, #tpu.memory_space<vmem>>, vector<16xf32>,
      tpu.vector_store %arg6[%swap3A_1077, %swap3A_1078], %broadcast_in_dim3A_1076 {strides = array<i32>} : memref<16x1024xf32, #tpu.memory_space<vmem>>, vector<16xf32>,
      %broadcast_in_dim3A_1080 = arith.constant 0.000000e+00 : f32
      %broadcast_in_dim3A_1081 = vector.broadcast %broadcast_in_dim3A_1080 : f32 to vector<16xf32>
      %swap3A_1082 = arith.index_cast %scan3A_914 : i32 to index
      %swap3A_1083 = arith.constant 528 : index
      %swap3A_1084 = tpu.vector_load %arg6[%swap3A_1082, %swap3A_1083] {strides = array<i32>} : memref<16x1024xf32, #tpu.memory_space<vmem>>, vector<16xf32>,
      tpu.vector_store %arg6[%swap3A_1082, %swap3A_1083], %broadcast_in_dim3A_1081 {strides = array<i32>} : memref<16x1024xf32, #tpu.memory_space<vmem>>, vector<16xf32>,
      %broadcast_in_dim3A_1085 = arith.constant 0.000000e+00 : f32
      %broadcast_in_dim3A_1086 = vector.broadcast %broadcast_in_dim3A_1085 : f32 to vector<16xf32>
      %swap3A_1087 = arith.index_cast %scan3A_914 : i32 to index
      %swap3A_1088 = arith.constant 544 : index
      %swap3A_1089 = tpu.vector_load %arg6[%swap3A_1087, %swap3A_1088] {strides = array<i32>} : memref<16x1024xf32, #tpu.memory_space<vmem>>, vector<16xf32>,
      tpu.vector_store %arg6[%swap3A_1087, %swap3A_1088], %broadcast_in_dim3A_1086 {strides = array<i32>} : memref<16x1024xf32, #tpu.memory_space<vmem>>, vector<16xf32>,
      %broadcast_in_dim3A_1090 = arith.constant 0.000000e+00 : f32
      %broadcast_in_dim3A_1091 = vector.broadcast %broadcast_in_dim3A_1090 : f32 to vector<16xf32>
      %swap3A_1092 = arith.index_cast %scan3A_914 : i32 to index
      %swap3A_1093 = arith.constant 560 : index
      %swap3A_1094 = tpu.vector_load %arg6[%swap3A_1092, %swap3A_1093] {strides = array<i32>} : memref<16x1024xf32, #tpu.memory_space<vmem>>, vector<16xf32>,
      tpu.vector_store %arg6[%swap3A_1092, %swap3A_1093], %broadcast_in_dim3A_1091 {strides = array<i32>} : memref<16x1024xf32, #tpu.memory_space<vmem>>, vector<16xf32>,
      %broadcast_in_dim3A_1095 = arith.constant 0.000000e+00 : f32
      %broadcast_in_dim3A_1096 = vector.broadcast %broadcast_in_dim3A_1095 : f32 to vector<16xf32>
      %swap3A_1097 = arith.index_cast %scan3A_914 : i32 to index
      %swap3A_1098 = arith.constant 576 : index
      %swap3A_1099 = tpu.vector_load %arg6[%swap3A_1097, %swap3A_1098] {strides = array<i32>} : memref<16x1024xf32, #tpu.memory_space<vmem>>, vector<16xf32>,
      tpu.vector_store %arg6[%swap3A_1097, %swap3A_1098], %broadcast_in_dim3A_1096 {strides = array<i32>} : memref<16x1024xf32, #tpu.memory_space<vmem>>, vector<16xf32>,
      %broadcast_in_dim3A_1100 = arith.constant 0.000000e+00 : f32
      %broadcast_in_dim3A_1101 = vector.broadcast %broadcast_in_dim3A_1100 : f32 to vector<16xf32>
      %swap3A_1102 = arith.index_cast %scan3A_914 : i32 to index
      %swap3A_1103 = arith.constant 592 : index
      %swap3A_1104 = tpu.vector_load %arg6[%swap3A_1102, %swap3A_1103] {strides = array<i32>} : memref<16x1024xf32, #tpu.memory_space<vmem>>, vector<16xf32>,
      tpu.vector_store %arg6[%swap3A_1102, %swap3A_1103], %broadcast_in_dim3A_1101 {strides = array<i32>} : memref<16x1024xf32, #tpu.memory_space<vmem>>, vector<16xf32>,
      %broadcast_in_dim3A_1105 = arith.constant 0.000000e+00 : f32
      %broadcast_in_dim3A_1106 = vector.broadcast %broadcast_in_dim3A_1105 : f32 to vector<16xf32>
      %swap3A_1107 = arith.index_cast %scan3A_914 : i32 to index
      %swap3A_1108 = arith.constant 608 : index
      %swap3A_1109 = tpu.vector_load %arg6[%swap3A_1107, %swap3A_1108] {strides = array<i32>} : memref<16x1024xf32, #tpu.memory_space<vmem>>, vector<16xf32>,
      tpu.vector_store %arg6[%swap3A_1107, %swap3A_1108], %broadcast_in_dim3A_1106 {strides = array<i32>} : memref<16x1024xf32, #tpu.memory_space<vmem>>, vector<16xf32>,
      %broadcast_in_dim3A_1110 = arith.constant 0.000000e+00 : f32
      %broadcast_in_dim3A_1111 = vector.broadcast %broadcast_in_dim3A_1110 : f32 to vector<16xf32>
      %swap3A_1112 = arith.index_cast %scan3A_914 : i32 to index
      %swap3A_1113 = arith.constant 624 : index
      %swap3A_1114 = tpu.vector_load %arg6[%swap3A_1112, %swap3A_1113] {strides = array<i32>} : memref<16x1024xf32, #tpu.memory_space<vmem>>, vector<16xf32>,
      tpu.vector_store %arg6[%swap3A_1112, %swap3A_1113], %broadcast_in_dim3A_1111 {strides = array<i32>} : memref<16x1024xf32, #tpu.memory_space<vmem>>, vector<16xf32>,
      %broadcast_in_dim3A_1115 = arith.constant 0.000000e+00 : f32
      %broadcast_in_dim3A_1116 = vector.broadcast %broadcast_in_dim3A_1115 : f32 to vector<16xf32>
      %swap3A_1117 = arith.index_cast %scan3A_914 : i32 to index
      %swap3A_1118 = arith.constant 640 : index
      %swap3A_1119 = tpu.vector_load %arg6[%swap3A_1117, %swap3A_1118] {strides = array<i32>} : memref<16x1024xf32, #tpu.memory_space<vmem>>, vector<16xf32>,
      tpu.vector_store %arg6[%swap3A_1117, %swap3A_1118], %broadcast_in_dim3A_1116 {strides = array<i32>} : memref<16x1024xf32, #tpu.memory_space<vmem>>, vector<16xf32>,
      %broadcast_in_dim3A_1120 = arith.constant 0.000000e+00 : f32
      %broadcast_in_dim3A_1121 = vector.broadcast %broadcast_in_dim3A_1120 : f32 to vector<16xf32>
      %swap3A_1122 = arith.index_cast %scan3A_914 : i32 to index
      %swap3A_1123 = arith.constant 656 : index
      %swap3A_1124 = tpu.vector_load %arg6[%swap3A_1122, %swap3A_1123] {strides = array<i32>} : memref<16x1024xf32, #tpu.memory_space<vmem>>, vector<16xf32>,
      tpu.vector_store %arg6[%swap3A_1122, %swap3A_1123], %broadcast_in_dim3A_1121 {strides = array<i32>} : memref<16x1024xf32, #tpu.memory_space<vmem>>, vector<16xf32>,
      %broadcast_in_dim3A_1125 = arith.constant 0.000000e+00 : f32
      %broadcast_in_dim3A_1126 = vector.broadcast %broadcast_in_dim3A_1125 : f32 to vector<16xf32>
      %swap3A_1127 = arith.index_cast %scan3A_914 : i32 to index
      %swap3A_1128 = arith.constant 672 : index
      %swap3A_1129 = tpu.vector_load %arg6[%swap3A_1127, %swap3A_1128] {strides = array<i32>} : memref<16x1024xf32, #tpu.memory_space<vmem>>, vector<16xf32>,
      tpu.vector_store %arg6[%swap3A_1127, %swap3A_1128], %broadcast_in_dim3A_1126 {strides = array<i32>} : memref<16x1024xf32, #tpu.memory_space<vmem>>, vector<16xf32>,
      %broadcast_in_dim3A_1130 = arith.constant 0.000000e+00 : f32
      %broadcast_in_dim3A_1131 = vector.broadcast %broadcast_in_dim3A_1130 : f32 to vector<16xf32>
      %swap3A_1132 = arith.index_cast %scan3A_914 : i32 to index
      %swap3A_1133 = arith.constant 688 : index
      %swap3A_1134 = tpu.vector_load %arg6[%swap3A_1132, %swap3A_1133] {strides = array<i32>} : memref<16x1024xf32, #tpu.memory_space<vmem>>, vector<16xf32>,
      tpu.vector_store %arg6[%swap3A_1132, %swap3A_1133], %broadcast_in_dim3A_1131 {strides = array<i32>} : memref<16x1024xf32, #tpu.memory_space<vmem>>, vector<16xf32>,
      %broadcast_in_dim3A_1135 = arith.constant 0.000000e+00 : f32
      %broadcast_in_dim3A_1136 = vector.broadcast %broadcast_in_dim3A_1135 : f32 to vector<16xf32>
      %swap3A_1137 = arith.index_cast %scan3A_914 : i32 to index
      %swap3A_1138 = arith.constant 704 : index
      %swap3A_1139 = tpu.vector_load %arg6[%swap3A_1137, %swap3A_1138] {strides = array<i32>} : memref<16x1024xf32, #tpu.memory_space<vmem>>, vector<16xf32>,
      tpu.vector_store %arg6[%swap3A_1137, %swap3A_1138], %broadcast_in_dim3A_1136 {strides = array<i32>} : memref<16x1024xf32, #tpu.memory_space<vmem>>, vector<16xf32>,
      %broadcast_in_dim3A_1140 = arith.constant 0.000000e+00 : f32
      %broadcast_in_dim3A_1141 = vector.broadcast %broadcast_in_dim3A_1140 : f32 to vector<16xf32>
      %swap3A_1142 = arith.index_cast %scan3A_914 : i32 to index
      %swap3A_1143 = arith.constant 720 : index
      %swap3A_1144 = tpu.vector_load %arg6[%swap3A_1142, %swap3A_1143] {strides = array<i32>} : memref<16x1024xf32, #tpu.memory_space<vmem>>, vector<16xf32>,
      tpu.vector_store %arg6[%swap3A_1142, %swap3A_1143], %broadcast_in_dim3A_1141 {strides = array<i32>} : memref<16x1024xf32, #tpu.memory_space<vmem>>, vector<16xf32>,
      %broadcast_in_dim3A_1145 = arith.constant 0.000000e+00 : f32
      %broadcast_in_dim3A_1146 = vector.broadcast %broadcast_in_dim3A_1145 : f32 to vector<16xf32>
      %swap3A_1147 = arith.index_cast %scan3A_914 : i32 to index
      %swap3A_1148 = arith.constant 736 : index
      %swap3A_1149 = tpu.vector_load %arg6[%swap3A_1147, %swap3A_1148] {strides = array<i32>} : memref<16x1024xf32, #tpu.memory_space<vmem>>, vector<16xf32>,
      tpu.vector_store %arg6[%swap3A_1147, %swap3A_1148], %broadcast_in_dim3A_1146 {strides = array<i32>} : memref<16x1024xf32, #tpu.memory_space<vmem>>, vector<16xf32>,
      %broadcast_in_dim3A_1150 = arith.constant 0.000000e+00 : f32
      %broadcast_in_dim3A_1151 = vector.broadcast %broadcast_in_dim3A_1150 : f32 to vector<16xf32>
      %swap3A_1152 = arith.index_cast %scan3A_914 : i32 to index
      %swap3A_1153 = arith.constant 752 : index
      %swap3A_1154 = tpu.vector_load %arg6[%swap3A_1152, %swap3A_1153] {strides = array<i32>} : memref<16x1024xf32, #tpu.memory_space<vmem>>, vector<16xf32>,
      tpu.vector_store %arg6[%swap3A_1152, %swap3A_1153], %broadcast_in_dim3A_1151 {strides = array<i32>} : memref<16x1024xf32, #tpu.memory_space<vmem>>, vector<16xf32>,
      %broadcast_in_dim3A_1155 = arith.constant 0.000000e+00 : f32
      %broadcast_in_dim3A_1156 = vector.broadcast %broadcast_in_dim3A_1155 : f32 to vector<16xf32>
      %swap3A_1157 = arith.index_cast %scan3A_914 : i32 to index
      %swap3A_1158 = arith.constant 768 : index
      %swap3A_1159 = tpu.vector_load %arg6[%swap3A_1157, %swap3A_1158] {strides = array<i32>} : memref<16x1024xf32, #tpu.memory_space<vmem>>, vector<16xf32>,
      tpu.vector_store %arg6[%swap3A_1157, %swap3A_1158], %broadcast_in_dim3A_1156 {strides = array<i32>} : memref<16x1024xf32, #tpu.memory_space<vmem>>, vector<16xf32>,
      %broadcast_in_dim3A_1160 = arith.constant 0.000000e+00 : f32
      %broadcast_in_dim3A_1161 = vector.broadcast %broadcast_in_dim3A_1160 : f32 to vector<16xf32>
      %swap3A_1162 = arith.index_cast %scan3A_914 : i32 to index
      %swap3A_1163 = arith.constant 784 : index
      %swap3A_1164 = tpu.vector_load %arg6[%swap3A_1162, %swap3A_1163] {strides = array<i32>} : memref<16x1024xf32, #tpu.memory_space<vmem>>, vector<16xf32>,
      tpu.vector_store %arg6[%swap3A_1162, %swap3A_1163], %broadcast_in_dim3A_1161 {strides = array<i32>} : memref<16x1024xf32, #tpu.memory_space<vmem>>, vector<16xf32>,
      %broadcast_in_dim3A_1165 = arith.constant 0.000000e+00 : f32
      %broadcast_in_dim3A_1166 = vector.broadcast %broadcast_in_dim3A_1165 : f32 to vector<16xf32>
      %swap3A_1167 = arith.index_cast %scan3A_914 : i32 to index
      %swap3A_1168 = arith.constant 800 : index
      %swap3A_1169 = tpu.vector_load %arg6[%swap3A_1167, %swap3A_1168] {strides = array<i32>} : memref<16x1024xf32, #tpu.memory_space<vmem>>, vector<16xf32>,
      tpu.vector_store %arg6[%swap3A_1167, %swap3A_1168], %broadcast_in_dim3A_1166 {strides = array<i32>} : memref<16x1024xf32, #tpu.memory_space<vmem>>, vector<16xf32>,
      %broadcast_in_dim3A_1170 = arith.constant 0.000000e+00 : f32
      %broadcast_in_dim3A_1171 = vector.broadcast %broadcast_in_dim3A_1170 : f32 to vector<16xf32>
      %swap3A_1172 = arith.index_cast %scan3A_914 : i32 to index
      %swap3A_1173 = arith.constant 816 : index
      %swap3A_1174 = tpu.vector_load %arg6[%swap3A_1172, %swap3A_1173] {strides = array<i32>} : memref<16x1024xf32, #tpu.memory_space<vmem>>, vector<16xf32>,
      tpu.vector_store %arg6[%swap3A_1172, %swap3A_1173], %broadcast_in_dim3A_1171 {strides = array<i32>} : memref<16x1024xf32, #tpu.memory_space<vmem>>, vector<16xf32>,
      %broadcast_in_dim3A_1175 = arith.constant 0.000000e+00 : f32
      %broadcast_in_dim3A_1176 = vector.broadcast %broadcast_in_dim3A_1175 : f32 to vector<16xf32>
      %swap3A_1177 = arith.index_cast %scan3A_914 : i32 to index
      %swap3A_1178 = arith.constant 832 : index
      %swap3A_1179 = tpu.vector_load %arg6[%swap3A_1177, %swap3A_1178] {strides = array<i32>} : memref<16x1024xf32, #tpu.memory_space<vmem>>, vector<16xf32>,
      tpu.vector_store %arg6[%swap3A_1177, %swap3A_1178], %broadcast_in_dim3A_1176 {strides = array<i32>} : memref<16x1024xf32, #tpu.memory_space<vmem>>, vector<16xf32>,
      %broadcast_in_dim3A_1180 = arith.constant 0.000000e+00 : f32
      %broadcast_in_dim3A_1181 = vector.broadcast %broadcast_in_dim3A_1180 : f32 to vector<16xf32>
      %swap3A_1182 = arith.index_cast %scan3A_914 : i32 to index
      %swap3A_1183 = arith.constant 848 : index
      %swap3A_1184 = tpu.vector_load %arg6[%swap3A_1182, %swap3A_1183] {strides = array<i32>} : memref<16x1024xf32, #tpu.memory_space<vmem>>, vector<16xf32>,
      tpu.vector_store %arg6[%swap3A_1182, %swap3A_1183], %broadcast_in_dim3A_1181 {strides = array<i32>} : memref<16x1024xf32, #tpu.memory_space<vmem>>, vector<16xf32>,
      %broadcast_in_dim3A_1185 = arith.constant 0.000000e+00 : f32
      %broadcast_in_dim3A_1186 = vector.broadcast %broadcast_in_dim3A_1185 : f32 to vector<16xf32>
      %swap3A_1187 = arith.index_cast %scan3A_914 : i32 to index
      %swap3A_1188 = arith.constant 864 : index
      %swap3A_1189 = tpu.vector_load %arg6[%swap3A_1187, %swap3A_1188] {strides = array<i32>} : memref<16x1024xf32, #tpu.memory_space<vmem>>, vector<16xf32>,
      tpu.vector_store %arg6[%swap3A_1187, %swap3A_1188], %broadcast_in_dim3A_1186 {strides = array<i32>} : memref<16x1024xf32, #tpu.memory_space<vmem>>, vector<16xf32>,
      %broadcast_in_dim3A_1190 = arith.constant 0.000000e+00 : f32
      %broadcast_in_dim3A_1191 = vector.broadcast %broadcast_in_dim3A_1190 : f32 to vector<16xf32>
      %swap3A_1192 = arith.index_cast %scan3A_914 : i32 to index
      %swap3A_1193 = arith.constant 880 : index
      %swap3A_1194 = tpu.vector_load %arg6[%swap3A_1192, %swap3A_1193] {strides = array<i32>} : memref<16x1024xf32, #tpu.memory_space<vmem>>, vector<16xf32>,
      tpu.vector_store %arg6[%swap3A_1192, %swap3A_1193], %broadcast_in_dim3A_1191 {strides = array<i32>} : memref<16x1024xf32, #tpu.memory_space<vmem>>, vector<16xf32>,
      %broadcast_in_dim3A_1195 = arith.constant 0.000000e+00 : f32
      %broadcast_in_dim3A_1196 = vector.broadcast %broadcast_in_dim3A_1195 : f32 to vector<16xf32>
      %swap3A_1197 = arith.index_cast %scan3A_914 : i32 to index
      %swap3A_1198 = arith.constant 896 : index
      %swap3A_1199 = tpu.vector_load %arg6[%swap3A_1197, %swap3A_1198] {strides = array<i32>} : memref<16x1024xf32, #tpu.memory_space<vmem>>, vector<16xf32>,
      tpu.vector_store %arg6[%swap3A_1197, %swap3A_1198], %broadcast_in_dim3A_1196 {strides = array<i32>} : memref<16x1024xf32, #tpu.memory_space<vmem>>, vector<16xf32>,
      %broadcast_in_dim3A_1200 = arith.constant 0.000000e+00 : f32
      %broadcast_in_dim3A_1201 = vector.broadcast %broadcast_in_dim3A_1200 : f32 to vector<16xf32>
      %swap3A_1202 = arith.index_cast %scan3A_914 : i32 to index
      %swap3A_1203 = arith.constant 912 : index
      %swap3A_1204 = tpu.vector_load %arg6[%swap3A_1202, %swap3A_1203] {strides = array<i32>} : memref<16x1024xf32, #tpu.memory_space<vmem>>, vector<16xf32>,
      tpu.vector_store %arg6[%swap3A_1202, %swap3A_1203], %broadcast_in_dim3A_1201 {strides = array<i32>} : memref<16x1024xf32, #tpu.memory_space<vmem>>, vector<16xf32>,
      %broadcast_in_dim3A_1205 = arith.constant 0.000000e+00 : f32
      %broadcast_in_dim3A_1206 = vector.broadcast %broadcast_in_dim3A_1205 : f32 to vector<16xf32>
      %swap3A_1207 = arith.index_cast %scan3A_914 : i32 to index
      %swap3A_1208 = arith.constant 928 : index
      %swap3A_1209 = tpu.vector_load %arg6[%swap3A_1207, %swap3A_1208] {strides = array<i32>} : memref<16x1024xf32, #tpu.memory_space<vmem>>, vector<16xf32>,
      tpu.vector_store %arg6[%swap3A_1207, %swap3A_1208], %broadcast_in_dim3A_1206 {strides = array<i32>} : memref<16x1024xf32, #tpu.memory_space<vmem>>, vector<16xf32>,
      %broadcast_in_dim3A_1210 = arith.constant 0.000000e+00 : f32
      %broadcast_in_dim3A_1211 = vector.broadcast %broadcast_in_dim3A_1210 : f32 to vector<16xf32>
      %swap3A_1212 = arith.index_cast %scan3A_914 : i32 to index
      %swap3A_1213 = arith.constant 944 : index
      %swap3A_1214 = tpu.vector_load %arg6[%swap3A_1212, %swap3A_1213] {strides = array<i32>} : memref<16x1024xf32, #tpu.memory_space<vmem>>, vector<16xf32>,
      tpu.vector_store %arg6[%swap3A_1212, %swap3A_1213], %broadcast_in_dim3A_1211 {strides = array<i32>} : memref<16x1024xf32, #tpu.memory_space<vmem>>, vector<16xf32>,
      %broadcast_in_dim3A_1215 = arith.constant 0.000000e+00 : f32
      %broadcast_in_dim3A_1216 = vector.broadcast %broadcast_in_dim3A_1215 : f32 to vector<16xf32>
      %swap3A_1217 = arith.index_cast %scan3A_914 : i32 to index
      %swap3A_1218 = arith.constant 960 : index
      %swap3A_1219 = tpu.vector_load %arg6[%swap3A_1217, %swap3A_1218] {strides = array<i32>} : memref<16x1024xf32, #tpu.memory_space<vmem>>, vector<16xf32>,
      tpu.vector_store %arg6[%swap3A_1217, %swap3A_1218], %broadcast_in_dim3A_1216 {strides = array<i32>} : memref<16x1024xf32, #tpu.memory_space<vmem>>, vector<16xf32>,
      %broadcast_in_dim3A_1220 = arith.constant 0.000000e+00 : f32
      %broadcast_in_dim3A_1221 = vector.broadcast %broadcast_in_dim3A_1220 : f32 to vector<16xf32>
      %swap3A_1222 = arith.index_cast %scan3A_914 : i32 to index
      %swap3A_1223 = arith.constant 976 : index
      %swap3A_1224 = tpu.vector_load %arg6[%swap3A_1222, %swap3A_1223] {strides = array<i32>} : memref<16x1024xf32, #tpu.memory_space<vmem>>, vector<16xf32>,
      tpu.vector_store %arg6[%swap3A_1222, %swap3A_1223], %broadcast_in_dim3A_1221 {strides = array<i32>} : memref<16x1024xf32, #tpu.memory_space<vmem>>, vector<16xf32>,
      %broadcast_in_dim3A_1225 = arith.constant 0.000000e+00 : f32
      %broadcast_in_dim3A_1226 = vector.broadcast %broadcast_in_dim3A_1225 : f32 to vector<16xf32>
      %swap3A_1227 = arith.index_cast %scan3A_914 : i32 to index
      %swap3A_1228 = arith.constant 992 : index
      %swap3A_1229 = tpu.vector_load %arg6[%swap3A_1227, %swap3A_1228] {strides = array<i32>} : memref<16x1024xf32, #tpu.memory_space<vmem>>, vector<16xf32>,
      tpu.vector_store %arg6[%swap3A_1227, %swap3A_1228], %broadcast_in_dim3A_1226 {strides = array<i32>} : memref<16x1024xf32, #tpu.memory_space<vmem>>, vector<16xf32>,
      %broadcast_in_dim3A_1230 = arith.constant 0.000000e+00 : f32
      %broadcast_in_dim3A_1231 = vector.broadcast %broadcast_in_dim3A_1230 : f32 to vector<16xf32>
      %swap3A_1232 = arith.index_cast %scan3A_914 : i32 to index
      %swap3A_1233 = arith.constant 1008 : index
      %swap3A_1234 = tpu.vector_load %arg6[%swap3A_1232, %swap3A_1233] {strides = array<i32>} : memref<16x1024xf32, #tpu.memory_space<vmem>>, vector<16xf32>,
      tpu.vector_store %arg6[%swap3A_1232, %swap3A_1233], %broadcast_in_dim3A_1231 {strides = array<i32>} : memref<16x1024xf32, #tpu.memory_space<vmem>>, vector<16xf32>,
    }
    %scan3A_57 = arith.constant 16 : i32
    %get3A = arith.constant 0 : index
    %get3A_58 = tpu.vector_load %arg5[%get3A] {strides = array<i32>} : memref<16xi32, #tpu.memory_space<vmem>>, vector<16xi32>,
    %iota3A = tpu.iota {dimensions = array<i32: 0>} : vector<16xi32>
    %eq3A_59 = vector.broadcast %select_n3A : i32 to vector<16xi32>
    %eq3A_60 = arith.cmpi eq, %iota3A, %eq3A_59 : vector<16xi32>
    %jit3A_61 = arith.constant 0 : i32
    %broadcast_in_dim3A = vector.broadcast %jit3A_61 : i32 to vector<16xi32>
    %select_n3A_62 = arith.select %eq3A_60, %get3A_58, %broadcast_in_dim3A : vector<16xi1>, vector<16xi32>
    %reduce_sum3A = arith.constant true
    %reduce_sum3A_63 = vector.broadcast %reduce_sum3A : i1 to vector<16xi1>
    %reduce_sum3A_64 = tpu.scan <sum>, %select_n3A_62 masked %reduce_sum3A_63 : vector<16xi32>, vector<16xi1> -> vector<16xi32>
    %reduce_sum3A_65 = vector.extract %reduce_sum3A_64[15] : i32 from vector<16xi32>
    %add3A_66 = arith.constant 1 : i32
    %add3A_67 = arith.addi %select_n3A, %add3A_66 : i32
    %eq3A_68 = vector.broadcast %add3A_67 : i32 to vector<16xi32>
    %eq3A_69 = arith.cmpi eq, %iota3A, %eq3A_68 : vector<16xi32>
    %jit3A_70 = arith.constant 0 : i32
    %broadcast_in_dim3A_71 = vector.broadcast %jit3A_70 : i32 to vector<16xi32>
    %select_n3A_72 = arith.select %eq3A_69, %get3A_58, %broadcast_in_dim3A_71 : vector<16xi1>, vector<16xi32>
    %reduce_sum3A_73 = arith.constant true
    %reduce_sum3A_74 = vector.broadcast %reduce_sum3A_73 : i1 to vector<16xi1>
    %reduce_sum3A_75 = tpu.scan <sum>, %select_n3A_72 masked %reduce_sum3A_74 : vector<16xi32>, vector<16xi1> -> vector<16xi32>
    %reduce_sum3A_76 = vector.extract %reduce_sum3A_75[15] : i32 from vector<16xi32>
    %sub3A_77 = arith.subi %reduce_sum3A_76, %reduce_sum3A_65 : i32
    %min3A = arith.constant 2048 : i32
    %min3A_78 = arith.minsi %sub3A_77, %min3A : i32
    %sub3A_79 = arith.subi %min3A_78, %mul3A_49 : i32
    %jit3A_80 = arith.constant 0 : i32
    %jit3A_81 = arith.constant 512 : i32
    %max3A = arith.maxsi %jit3A_80, %sub3A_79 : i32
    %min3A_82 = arith.minsi %jit3A_81, %max3A : i32
    %jit3A_83 = arith.constant 32 : i32
    %div3A_84 = arith.divsi %min3A_82, %jit3A_83 : i32
    %sign3A_85 = arith.constant 0 : i32
    %sign3A_86 = arith.cmpi sgt, %min3A_82, %sign3A_85 : i32
    %sign3A_87 = arith.extui %sign3A_86 : i1 to i32
    %sign3A_88 = arith.constant 0 : i32
    %sign3A_89 = arith.cmpi slt, %min3A_82, %sign3A_88 : i32
    %sign3A_90 = arith.extui %sign3A_89 : i1 to i32
    %sign3A_91 = arith.subi %sign3A_87, %sign3A_90 : i32
    %sign3A_92 = arith.constant 0 : i32
    %sign3A_93 = arith.cmpi sgt, %jit3A_83, %sign3A_92 : i32
    %sign3A_94 = arith.extui %sign3A_93 : i1 to i32
    %sign3A_95 = arith.constant 0 : i32
    %sign3A_96 = arith.cmpi slt, %jit3A_83, %sign3A_95 : i32
    %sign3A_97 = arith.extui %sign3A_96 : i1 to i32
    %sign3A_98 = arith.subi %sign3A_94, %sign3A_97 : i32
    %ne3A_99 = arith.cmpi ne, %sign3A_91, %sign3A_98 : i32
    %rem3A_100 = arith.remsi %min3A_82, %jit3A_83 : i32
    %ne3A_101 = arith.constant 0 : i32
    %ne3A_102 = arith.cmpi ne, %rem3A_100, %ne3A_101 : i32
    %and3A_103 = arith.andi %ne3A_99, %ne3A_102 : i1
    %sub3A_104 = arith.constant 1 : i32
    %sub3A_105 = arith.subi %div3A_84, %sub3A_104 : i32
    %select_n3A_106 = arith.select %and3A_103, %sub3A_105, %div3A_84 : i32
    %jit3A_107 = arith.constant 32 : i32
    %eq3A_108 = arith.constant 0 : i32
    %eq3A_109 = arith.cmpi eq, %jit3A_107, %eq3A_108 : i32
    %jit3A_110 = arith.constant 1 : i32
    %select_n3A_111 = arith.select %eq3A_109, %jit3A_110, %jit3A_107 : i32
    %rem3A_112 = arith.remsi %min3A_82, %select_n3A_111 : i32
    %ne3A_113 = arith.constant 0 : i32
    %ne3A_114 = arith.cmpi ne, %rem3A_112, %ne3A_113 : i32
    %lt3A_115 = arith.constant 0 : i32
    %lt3A_116 = arith.cmpi slt, %rem3A_112, %lt3A_115 : i32
    %lt3A_117 = arith.constant 0 : i32
    %lt3A_118 = arith.cmpi slt, %select_n3A_111, %lt3A_117 : i32
    %ne3A_119 = arith.xori %lt3A_116, %lt3A_118 : i1
    %and3A_120 = arith.andi %ne3A_119, %ne3A_114 : i1
    %add3A_121 = arith.addi %rem3A_112, %select_n3A_111 : i32
    %select_n3A_122 = arith.select %and3A_120, %add3A_121, %rem3A_112 : i32
    %gt3A = arith.constant 0 : i32
    %gt3A_123 = arith.cmpi sgt, %select_n3A_122, %gt3A : i32
    %convert_element_type3A = arith.extui %gt3A_123 : i1 to i32
    %add3A_124 = arith.addi %select_n3A_106, %convert_element_type3A : i32
    %add3A_125 = arith.addi %reduce_sum3A_65, %mul3A_49 : i32
    %le3A = arith.constant 0 : i32
    %le3A_126 = arith.cmpi sle, %add3A_124, %le3A : i32
    %convert_element_type3A_127 = arith.extui %le3A_126 : i1 to i32
    %cond3A = arith.constant 0 : i32
    %cond3A_128 = arith.cmpi ne, %convert_element_type3A_127, %cond3A : i32
    scf.if %cond3A_128 {
      %add3A_914 = arith.constant 0 : i32
      %add3A_915 = arith.addi %add3A_52, %add3A_914 : i32
      %add3A_916 = arith.constant 0 : i32
      %add3A_917 = arith.addi %add3A_915, %add3A_916 : i32
      %multiple_of3A_918 = tpu.assume_multiple %add3A_917, 16 : i32
      %dma_start3A = arith.constant 0 : i32
      %dma_start3A_919 = tpu.memref_slice %arg4[%multiple_of3A_918, %dma_start3A] : memref<16384x1024xf32, #tpu.memory_space<hbm>> -> memref<16x1024xf32, #tpu.memory_space<hbm>>
      %dma_start3A_920 = arith.constant 0 : i32
      %dma_start3A_921 = tpu.memref_slice %arg4[%multiple_of3A_918, %dma_start3A_920] : memref<16384x1024xf32, #tpu.memory_space<hbm>> -> memref<16x1024xf32, #tpu.memory_space<hbm>>
      tpu.enqueue_dma source(%arg6 : memref<16x1024xf32, #tpu.memory_space<vmem>>) target(%dma_start3A_921 : memref<16x1024xf32, #tpu.memory_space<hbm>>) target_semaphore(%arg18 : memref<!tpu.dma_semaphore, #tpu.memory_space<semaphore_mem>>)
      %add3A_922 = arith.constant 0 : i32
      %add3A_923 = arith.addi %add3A_52, %add3A_922 : i32
      %add3A_924 = arith.constant 16 : i32
      %add3A_925 = arith.addi %add3A_923, %add3A_924 : i32
      %multiple_of3A_926 = tpu.assume_multiple %add3A_925, 16 : i32
      %dma_start3A_927 = arith.constant 0 : i32
      %dma_start3A_928 = tpu.memref_slice %arg4[%multiple_of3A_926, %dma_start3A_927] : memref<16384x1024xf32, #tpu.memory_space<hbm>> -> memref<16x1024xf32, #tpu.memory_space<hbm>>
      %dma_start3A_929 = arith.constant 0 : i32
      %dma_start3A_930 = tpu.memref_slice %arg4[%multiple_of3A_926, %dma_start3A_929] : memref<16384x1024xf32, #tpu.memory_space<hbm>> -> memref<16x1024xf32, #tpu.memory_space<hbm>>
      tpu.enqueue_dma source(%arg6 : memref<16x1024xf32, #tpu.memory_space<vmem>>) target(%dma_start3A_930 : memref<16x1024xf32, #tpu.memory_space<hbm>>) target_semaphore(%arg18 : memref<!tpu.dma_semaphore, #tpu.memory_space<semaphore_mem>>)
    } else {
    }
    %le3A_129 = arith.constant 1 : i32
    %le3A_130 = arith.cmpi sle, %add3A_124, %le3A_129 : i32
    %convert_element_type3A_131 = arith.extui %le3A_130 : i1 to i32
    %cond3A_132 = arith.constant 0 : i32
    %cond3A_133 = arith.cmpi ne, %convert_element_type3A_131, %cond3A_132 : i32
    scf.if %cond3A_133 {
      %add3A_914 = arith.constant 32 : i32
      %add3A_915 = arith.addi %add3A_52, %add3A_914 : i32
      %add3A_916 = arith.constant 0 : i32
      %add3A_917 = arith.addi %add3A_915, %add3A_916 : i32
      %multiple_of3A_918 = tpu.assume_multiple %add3A_917, 16 : i32
      %dma_start3A = arith.constant 0 : i32
      %dma_start3A_919 = tpu.memref_slice %arg4[%multiple_of3A_918, %dma_start3A] : memref<16384x1024xf32, #tpu.memory_space<hbm>> -> memref<16x1024xf32, #tpu.memory_space<hbm>>
      %dma_start3A_920 = arith.constant 0 : i32
      %dma_start3A_921 = tpu.memref_slice %arg4[%multiple_of3A_918, %dma_start3A_920] : memref<16384x1024xf32, #tpu.memory_space<hbm>> -> memref<16x1024xf32, #tpu.memory_space<hbm>>
      tpu.enqueue_dma source(%arg6 : memref<16x1024xf32, #tpu.memory_space<vmem>>) target(%dma_start3A_921 : memref<16x1024xf32, #tpu.memory_space<hbm>>) target_semaphore(%arg18 : memref<!tpu.dma_semaphore, #tpu.memory_space<semaphore_mem>>)
      %add3A_922 = arith.constant 32 : i32
      %add3A_923 = arith.addi %add3A_52, %add3A_922 : i32
      %add3A_924 = arith.constant 16 : i32
      %add3A_925 = arith.addi %add3A_923, %add3A_924 : i32
      %multiple_of3A_926 = tpu.assume_multiple %add3A_925, 16 : i32
      %dma_start3A_927 = arith.constant 0 : i32
      %dma_start3A_928 = tpu.memref_slice %arg4[%multiple_of3A_926, %dma_start3A_927] : memref<16384x1024xf32, #tpu.memory_space<hbm>> -> memref<16x1024xf32, #tpu.memory_space<hbm>>
      %dma_start3A_929 = arith.constant 0 : i32
      %dma_start3A_930 = tpu.memref_slice %arg4[%multiple_of3A_926, %dma_start3A_929] : memref<16384x1024xf32, #tpu.memory_space<hbm>> -> memref<16x1024xf32, #tpu.memory_space<hbm>>
      tpu.enqueue_dma source(%arg6 : memref<16x1024xf32, #tpu.memory_space<vmem>>) target(%dma_start3A_930 : memref<16x1024xf32, #tpu.memory_space<hbm>>) target_semaphore(%arg18 : memref<!tpu.dma_semaphore, #tpu.memory_space<semaphore_mem>>)
    } else {
    }
    %le3A_134 = arith.constant 2 : i32
    %le3A_135 = arith.cmpi sle, %add3A_124, %le3A_134 : i32
    %convert_element_type3A_136 = arith.extui %le3A_135 : i1 to i32
    %cond3A_137 = arith.constant 0 : i32
    %cond3A_138 = arith.cmpi ne, %convert_element_type3A_136, %cond3A_137 : i32
    scf.if %cond3A_138 {
      %add3A_914 = arith.constant 64 : i32
      %add3A_915 = arith.addi %add3A_52, %add3A_914 : i32
      %add3A_916 = arith.constant 0 : i32
      %add3A_917 = arith.addi %add3A_915, %add3A_916 : i32
      %multiple_of3A_918 = tpu.assume_multiple %add3A_917, 16 : i32
      %dma_start3A = arith.constant 0 : i32
      %dma_start3A_919 = tpu.memref_slice %arg4[%multiple_of3A_918, %dma_start3A] : memref<16384x1024xf32, #tpu.memory_space<hbm>> -> memref<16x1024xf32, #tpu.memory_space<hbm>>
      %dma_start3A_920 = arith.constant 0 : i32
      %dma_start3A_921 = tpu.memref_slice %arg4[%multiple_of3A_918, %dma_start3A_920] : memref<16384x1024xf32, #tpu.memory_space<hbm>> -> memref<16x1024xf32, #tpu.memory_space<hbm>>
      tpu.enqueue_dma source(%arg6 : memref<16x1024xf32, #tpu.memory_space<vmem>>) target(%dma_start3A_921 : memref<16x1024xf32, #tpu.memory_space<hbm>>) target_semaphore(%arg18 : memref<!tpu.dma_semaphore, #tpu.memory_space<semaphore_mem>>)
      %add3A_922 = arith.constant 64 : i32
      %add3A_923 = arith.addi %add3A_52, %add3A_922 : i32
      %add3A_924 = arith.constant 16 : i32
      %add3A_925 = arith.addi %add3A_923, %add3A_924 : i32
      %multiple_of3A_926 = tpu.assume_multiple %add3A_925, 16 : i32
      %dma_start3A_927 = arith.constant 0 : i32
      %dma_start3A_928 = tpu.memref_slice %arg4[%multiple_of3A_926, %dma_start3A_927] : memref<16384x1024xf32, #tpu.memory_space<hbm>> -> memref<16x1024xf32, #tpu.memory_space<hbm>>
      %dma_start3A_929 = arith.constant 0 : i32
      %dma_start3A_930 = tpu.memref_slice %arg4[%multiple_of3A_926, %dma_start3A_929] : memref<16384x1024xf32, #tpu.memory_space<hbm>> -> memref<16x1024xf32, #tpu.memory_space<hbm>>
      tpu.enqueue_dma source(%arg6 : memref<16x1024xf32, #tpu.memory_space<vmem>>) target(%dma_start3A_930 : memref<16x1024xf32, #tpu.memory_space<hbm>>) target_semaphore(%arg18 : memref<!tpu.dma_semaphore, #tpu.memory_space<semaphore_mem>>)
    } else {
    }
    %le3A_139 = arith.constant 3 : i32
    %le3A_140 = arith.cmpi sle, %add3A_124, %le3A_139 : i32
    %convert_element_type3A_141 = arith.extui %le3A_140 : i1 to i32
    %cond3A_142 = arith.constant 0 : i32
    %cond3A_143 = arith.cmpi ne, %convert_element_type3A_141, %cond3A_142 : i32
    scf.if %cond3A_143 {
      %add3A_914 = arith.constant 96 : i32
      %add3A_915 = arith.addi %add3A_52, %add3A_914 : i32
      %add3A_916 = arith.constant 0 : i32
      %add3A_917 = arith.addi %add3A_915, %add3A_916 : i32
      %multiple_of3A_918 = tpu.assume_multiple %add3A_917, 16 : i32
      %dma_start3A = arith.constant 0 : i32
      %dma_start3A_919 = tpu.memref_slice %arg4[%multiple_of3A_918, %dma_start3A] : memref<16384x1024xf32, #tpu.memory_space<hbm>> -> memref<16x1024xf32, #tpu.memory_space<hbm>>
      %dma_start3A_920 = arith.constant 0 : i32
      %dma_start3A_921 = tpu.memref_slice %arg4[%multiple_of3A_918, %dma_start3A_920] : memref<16384x1024xf32, #tpu.memory_space<hbm>> -> memref<16x1024xf32, #tpu.memory_space<hbm>>
      tpu.enqueue_dma source(%arg6 : memref<16x1024xf32, #tpu.memory_space<vmem>>) target(%dma_start3A_921 : memref<16x1024xf32, #tpu.memory_space<hbm>>) target_semaphore(%arg18 : memref<!tpu.dma_semaphore, #tpu.memory_space<semaphore_mem>>)
      %add3A_922 = arith.constant 96 : i32
      %add3A_923 = arith.addi %add3A_52, %add3A_922 : i32
      %add3A_924 = arith.constant 16 : i32
      %add3A_925 = arith.addi %add3A_923, %add3A_924 : i32
      %multiple_of3A_926 = tpu.assume_multiple %add3A_925, 16 : i32
      %dma_start3A_927 = arith.constant 0 : i32
      %dma_start3A_928 = tpu.memref_slice %arg4[%multiple_of3A_926, %dma_start3A_927] : memref<16384x1024xf32, #tpu.memory_space<hbm>> -> memref<16x1024xf32, #tpu.memory_space<hbm>>
      %dma_start3A_929 = arith.constant 0 : i32
      %dma_start3A_930 = tpu.memref_slice %arg4[%multiple_of3A_926, %dma_start3A_929] : memref<16384x1024xf32, #tpu.memory_space<hbm>> -> memref<16x1024xf32, #tpu.memory_space<hbm>>
      tpu.enqueue_dma source(%arg6 : memref<16x1024xf32, #tpu.memory_space<vmem>>) target(%dma_start3A_930 : memref<16x1024xf32, #tpu.memory_space<hbm>>) target_semaphore(%arg18 : memref<!tpu.dma_semaphore, #tpu.memory_space<semaphore_mem>>)
    } else {
    }
    %le3A_144 = arith.constant 4 : i32
    %le3A_145 = arith.cmpi sle, %add3A_124, %le3A_144 : i32
    %convert_element_type3A_146 = arith.extui %le3A_145 : i1 to i32
    %cond3A_147 = arith.constant 0 : i32
    %cond3A_148 = arith.cmpi ne, %convert_element_type3A_146, %cond3A_147 : i32
    scf.if %cond3A_148 {
      %add3A_914 = arith.constant 128 : i32
      %add3A_915 = arith.addi %add3A_52, %add3A_914 : i32
      %add3A_916 = arith.constant 0 : i32
      %add3A_917 = arith.addi %add3A_915, %add3A_916 : i32
      %multiple_of3A_918 = tpu.assume_multiple %add3A_917, 16 : i32
      %dma_start3A = arith.constant 0 : i32
      %dma_start3A_919 = tpu.memref_slice %arg4[%multiple_of3A_918, %dma_start3A] : memref<16384x1024xf32, #tpu.memory_space<hbm>> -> memref<16x1024xf32, #tpu.memory_space<hbm>>
      %dma_start3A_920 = arith.constant 0 : i32
      %dma_start3A_921 = tpu.memref_slice %arg4[%multiple_of3A_918, %dma_start3A_920] : memref<16384x1024xf32, #tpu.memory_space<hbm>> -> memref<16x1024xf32, #tpu.memory_space<hbm>>
      tpu.enqueue_dma source(%arg6 : memref<16x1024xf32, #tpu.memory_space<vmem>>) target(%dma_start3A_921 : memref<16x1024xf32, #tpu.memory_space<hbm>>) target_semaphore(%arg18 : memref<!tpu.dma_semaphore, #tpu.memory_space<semaphore_mem>>)
      %add3A_922 = arith.constant 128 : i32
      %add3A_923 = arith.addi %add3A_52, %add3A_922 : i32
      %add3A_924 = arith.constant 16 : i32
      %add3A_925 = arith.addi %add3A_923, %add3A_924 : i32
      %multiple_of3A_926 = tpu.assume_multiple %add3A_925, 16 : i32
      %dma_start3A_927 = arith.constant 0 : i32
      %dma_start3A_928 = tpu.memref_slice %arg4[%multiple_of3A_926, %dma_start3A_927] : memref<16384x1024xf32, #tpu.memory_space<hbm>> -> memref<16x1024xf32, #tpu.memory_space<hbm>>
      %dma_start3A_929 = arith.constant 0 : i32
      %dma_start3A_930 = tpu.memref_slice %arg4[%multiple_of3A_926, %dma_start3A_929] : memref<16384x1024xf32, #tpu.memory_space<hbm>> -> memref<16x1024xf32, #tpu.memory_space<hbm>>
      tpu.enqueue_dma source(%arg6 : memref<16x1024xf32, #tpu.memory_space<vmem>>) target(%dma_start3A_930 : memref<16x1024xf32, #tpu.memory_space<hbm>>) target_semaphore(%arg18 : memref<!tpu.dma_semaphore, #tpu.memory_space<semaphore_mem>>)
    } else {
    }
    %le3A_149 = arith.constant 5 : i32
    %le3A_150 = arith.cmpi sle, %add3A_124, %le3A_149 : i32
    %convert_element_type3A_151 = arith.extui %le3A_150 : i1 to i32
    %cond3A_152 = arith.constant 0 : i32
    %cond3A_153 = arith.cmpi ne, %convert_element_type3A_151, %cond3A_152 : i32
    scf.if %cond3A_153 {
      %add3A_914 = arith.constant 160 : i32
      %add3A_915 = arith.addi %add3A_52, %add3A_914 : i32
      %add3A_916 = arith.constant 0 : i32
      %add3A_917 = arith.addi %add3A_915, %add3A_916 : i32
      %multiple_of3A_918 = tpu.assume_multiple %add3A_917, 16 : i32
      %dma_start3A = arith.constant 0 : i32
      %dma_start3A_919 = tpu.memref_slice %arg4[%multiple_of3A_918, %dma_start3A] : memref<16384x1024xf32, #tpu.memory_space<hbm>> -> memref<16x1024xf32, #tpu.memory_space<hbm>>
      %dma_start3A_920 = arith.constant 0 : i32
      %dma_start3A_921 = tpu.memref_slice %arg4[%multiple_of3A_918, %dma_start3A_920] : memref<16384x1024xf32, #tpu.memory_space<hbm>> -> memref<16x1024xf32, #tpu.memory_space<hbm>>
      tpu.enqueue_dma source(%arg6 : memref<16x1024xf32, #tpu.memory_space<vmem>>) target(%dma_start3A_921 : memref<16x1024xf32, #tpu.memory_space<hbm>>) target_semaphore(%arg18 : memref<!tpu.dma_semaphore, #tpu.memory_space<semaphore_mem>>)
      %add3A_922 = arith.constant 160 : i32
      %add3A_923 = arith.addi %add3A_52, %add3A_922 : i32
      %add3A_924 = arith.constant 16 : i32
      %add3A_925 = arith.addi %add3A_923, %add3A_924 : i32
      %multiple_of3A_926 = tpu.assume_multiple %add3A_925, 16 : i32
      %dma_start3A_927 = arith.constant 0 : i32
      %dma_start3A_928 = tpu.memref_slice %arg4[%multiple_of3A_926, %dma_start3A_927] : memref<16384x1024xf32, #tpu.memory_space<hbm>> -> memref<16x1024xf32, #tpu.memory_space<hbm>>
      %dma_start3A_929 = arith.constant 0 : i32
      %dma_start3A_930 = tpu.memref_slice %arg4[%multiple_of3A_926, %dma_start3A_929] : memref<16384x1024xf32, #tpu.memory_space<hbm>> -> memref<16x1024xf32, #tpu.memory_space<hbm>>
      tpu.enqueue_dma source(%arg6 : memref<16x1024xf32, #tpu.memory_space<vmem>>) target(%dma_start3A_930 : memref<16x1024xf32, #tpu.memory_space<hbm>>) target_semaphore(%arg18 : memref<!tpu.dma_semaphore, #tpu.memory_space<semaphore_mem>>)
    } else {
    }
    %le3A_154 = arith.constant 6 : i32
    %le3A_155 = arith.cmpi sle, %add3A_124, %le3A_154 : i32
    %convert_element_type3A_156 = arith.extui %le3A_155 : i1 to i32
    %cond3A_157 = arith.constant 0 : i32
    %cond3A_158 = arith.cmpi ne, %convert_element_type3A_156, %cond3A_157 : i32
    scf.if %cond3A_158 {
      %add3A_914 = arith.constant 192 : i32
      %add3A_915 = arith.addi %add3A_52, %add3A_914 : i32
      %add3A_916 = arith.constant 0 : i32
      %add3A_917 = arith.addi %add3A_915, %add3A_916 : i32
      %multiple_of3A_918 = tpu.assume_multiple %add3A_917, 16 : i32
      %dma_start3A = arith.constant 0 : i32
      %dma_start3A_919 = tpu.memref_slice %arg4[%multiple_of3A_918, %dma_start3A] : memref<16384x1024xf32, #tpu.memory_space<hbm>> -> memref<16x1024xf32, #tpu.memory_space<hbm>>
      %dma_start3A_920 = arith.constant 0 : i32
      %dma_start3A_921 = tpu.memref_slice %arg4[%multiple_of3A_918, %dma_start3A_920] : memref<16384x1024xf32, #tpu.memory_space<hbm>> -> memref<16x1024xf32, #tpu.memory_space<hbm>>
      tpu.enqueue_dma source(%arg6 : memref<16x1024xf32, #tpu.memory_space<vmem>>) target(%dma_start3A_921 : memref<16x1024xf32, #tpu.memory_space<hbm>>) target_semaphore(%arg18 : memref<!tpu.dma_semaphore, #tpu.memory_space<semaphore_mem>>)
      %add3A_922 = arith.constant 192 : i32
      %add3A_923 = arith.addi %add3A_52, %add3A_922 : i32
      %add3A_924 = arith.constant 16 : i32
      %add3A_925 = arith.addi %add3A_923, %add3A_924 : i32
      %multiple_of3A_926 = tpu.assume_multiple %add3A_925, 16 : i32
      %dma_start3A_927 = arith.constant 0 : i32
      %dma_start3A_928 = tpu.memref_slice %arg4[%multiple_of3A_926, %dma_start3A_927] : memref<16384x1024xf32, #tpu.memory_space<hbm>> -> memref<16x1024xf32, #tpu.memory_space<hbm>>
      %dma_start3A_929 = arith.constant 0 : i32
      %dma_start3A_930 = tpu.memref_slice %arg4[%multiple_of3A_926, %dma_start3A_929] : memref<16384x1024xf32, #tpu.memory_space<hbm>> -> memref<16x1024xf32, #tpu.memory_space<hbm>>
      tpu.enqueue_dma source(%arg6 : memref<16x1024xf32, #tpu.memory_space<vmem>>) target(%dma_start3A_930 : memref<16x1024xf32, #tpu.memory_space<hbm>>) target_semaphore(%arg18 : memref<!tpu.dma_semaphore, #tpu.memory_space<semaphore_mem>>)
    } else {
    }
    %le3A_159 = arith.constant 7 : i32
    %le3A_160 = arith.cmpi sle, %add3A_124, %le3A_159 : i32
    %convert_element_type3A_161 = arith.extui %le3A_160 : i1 to i32
    %cond3A_162 = arith.constant 0 : i32
    %cond3A_163 = arith.cmpi ne, %convert_element_type3A_161, %cond3A_162 : i32
    scf.if %cond3A_163 {
      %add3A_914 = arith.constant 224 : i32
      %add3A_915 = arith.addi %add3A_52, %add3A_914 : i32
      %add3A_916 = arith.constant 0 : i32
      %add3A_917 = arith.addi %add3A_915, %add3A_916 : i32
      %multiple_of3A_918 = tpu.assume_multiple %add3A_917, 16 : i32
      %dma_start3A = arith.constant 0 : i32
      %dma_start3A_919 = tpu.memref_slice %arg4[%multiple_of3A_918, %dma_start3A] : memref<16384x1024xf32, #tpu.memory_space<hbm>> -> memref<16x1024xf32, #tpu.memory_space<hbm>>
      %dma_start3A_920 = arith.constant 0 : i32
      %dma_start3A_921 = tpu.memref_slice %arg4[%multiple_of3A_918, %dma_start3A_920] : memref<16384x1024xf32, #tpu.memory_space<hbm>> -> memref<16x1024xf32, #tpu.memory_space<hbm>>
      tpu.enqueue_dma source(%arg6 : memref<16x1024xf32, #tpu.memory_space<vmem>>) target(%dma_start3A_921 : memref<16x1024xf32, #tpu.memory_space<hbm>>) target_semaphore(%arg18 : memref<!tpu.dma_semaphore, #tpu.memory_space<semaphore_mem>>)
      %add3A_922 = arith.constant 224 : i32
      %add3A_923 = arith.addi %add3A_52, %add3A_922 : i32
      %add3A_924 = arith.constant 16 : i32
      %add3A_925 = arith.addi %add3A_923, %add3A_924 : i32
      %multiple_of3A_926 = tpu.assume_multiple %add3A_925, 16 : i32
      %dma_start3A_927 = arith.constant 0 : i32
      %dma_start3A_928 = tpu.memref_slice %arg4[%multiple_of3A_926, %dma_start3A_927] : memref<16384x1024xf32, #tpu.memory_space<hbm>> -> memref<16x1024xf32, #tpu.memory_space<hbm>>
      %dma_start3A_929 = arith.constant 0 : i32
      %dma_start3A_930 = tpu.memref_slice %arg4[%multiple_of3A_926, %dma_start3A_929] : memref<16384x1024xf32, #tpu.memory_space<hbm>> -> memref<16x1024xf32, #tpu.memory_space<hbm>>
      tpu.enqueue_dma source(%arg6 : memref<16x1024xf32, #tpu.memory_space<vmem>>) target(%dma_start3A_930 : memref<16x1024xf32, #tpu.memory_space<hbm>>) target_semaphore(%arg18 : memref<!tpu.dma_semaphore, #tpu.memory_space<semaphore_mem>>)
    } else {
    }
    %le3A_164 = arith.constant 8 : i32
    %le3A_165 = arith.cmpi sle, %add3A_124, %le3A_164 : i32
    %convert_element_type3A_166 = arith.extui %le3A_165 : i1 to i32
    %cond3A_167 = arith.constant 0 : i32
    %cond3A_168 = arith.cmpi ne, %convert_element_type3A_166, %cond3A_167 : i32
    scf.if %cond3A_168 {
      %add3A_914 = arith.constant 256 : i32
      %add3A_915 = arith.addi %add3A_52, %add3A_914 : i32
      %add3A_916 = arith.constant 0 : i32
      %add3A_917 = arith.addi %add3A_915, %add3A_916 : i32
      %multiple_of3A_918 = tpu.assume_multiple %add3A_917, 16 : i32
      %dma_start3A = arith.constant 0 : i32
      %dma_start3A_919 = tpu.memref_slice %arg4[%multiple_of3A_918, %dma_start3A] : memref<16384x1024xf32, #tpu.memory_space<hbm>> -> memref<16x1024xf32, #tpu.memory_space<hbm>>
      %dma_start3A_920 = arith.constant 0 : i32
      %dma_start3A_921 = tpu.memref_slice %arg4[%multiple_of3A_918, %dma_start3A_920] : memref<16384x1024xf32, #tpu.memory_space<hbm>> -> memref<16x1024xf32, #tpu.memory_space<hbm>>
      tpu.enqueue_dma source(%arg6 : memref<16x1024xf32, #tpu.memory_space<vmem>>) target(%dma_start3A_921 : memref<16x1024xf32, #tpu.memory_space<hbm>>) target_semaphore(%arg18 : memref<!tpu.dma_semaphore, #tpu.memory_space<semaphore_mem>>)
      %add3A_922 = arith.constant 256 : i32
      %add3A_923 = arith.addi %add3A_52, %add3A_922 : i32
      %add3A_924 = arith.constant 16 : i32
      %add3A_925 = arith.addi %add3A_923, %add3A_924 : i32
      %multiple_of3A_926 = tpu.assume_multiple %add3A_925, 16 : i32
      %dma_start3A_927 = arith.constant 0 : i32
      %dma_start3A_928 = tpu.memref_slice %arg4[%multiple_of3A_926, %dma_start3A_927] : memref<16384x1024xf32, #tpu.memory_space<hbm>> -> memref<16x1024xf32, #tpu.memory_space<hbm>>
      %dma_start3A_929 = arith.constant 0 : i32
      %dma_start3A_930 = tpu.memref_slice %arg4[%multiple_of3A_926, %dma_start3A_929] : memref<16384x1024xf32, #tpu.memory_space<hbm>> -> memref<16x1024xf32, #tpu.memory_space<hbm>>
      tpu.enqueue_dma source(%arg6 : memref<16x1024xf32, #tpu.memory_space<vmem>>) target(%dma_start3A_930 : memref<16x1024xf32, #tpu.memory_space<hbm>>) target_semaphore(%arg18 : memref<!tpu.dma_semaphore, #tpu.memory_space<semaphore_mem>>)
    } else {
    }
    %le3A_169 = arith.constant 9 : i32
    %le3A_170 = arith.cmpi sle, %add3A_124, %le3A_169 : i32
    %convert_element_type3A_171 = arith.extui %le3A_170 : i1 to i32
    %cond3A_172 = arith.constant 0 : i32
    %cond3A_173 = arith.cmpi ne, %convert_element_type3A_171, %cond3A_172 : i32
    scf.if %cond3A_173 {
      %add3A_914 = arith.constant 288 : i32
      %add3A_915 = arith.addi %add3A_52, %add3A_914 : i32
      %add3A_916 = arith.constant 0 : i32
      %add3A_917 = arith.addi %add3A_915, %add3A_916 : i32
      %multiple_of3A_918 = tpu.assume_multiple %add3A_917, 16 : i32
      %dma_start3A = arith.constant 0 : i32
      %dma_start3A_919 = tpu.memref_slice %arg4[%multiple_of3A_918, %dma_start3A] : memref<16384x1024xf32, #tpu.memory_space<hbm>> -> memref<16x1024xf32, #tpu.memory_space<hbm>>
      %dma_start3A_920 = arith.constant 0 : i32
      %dma_start3A_921 = tpu.memref_slice %arg4[%multiple_of3A_918, %dma_start3A_920] : memref<16384x1024xf32, #tpu.memory_space<hbm>> -> memref<16x1024xf32, #tpu.memory_space<hbm>>
      tpu.enqueue_dma source(%arg6 : memref<16x1024xf32, #tpu.memory_space<vmem>>) target(%dma_start3A_921 : memref<16x1024xf32, #tpu.memory_space<hbm>>) target_semaphore(%arg18 : memref<!tpu.dma_semaphore, #tpu.memory_space<semaphore_mem>>)
      %add3A_922 = arith.constant 288 : i32
      %add3A_923 = arith.addi %add3A_52, %add3A_922 : i32
      %add3A_924 = arith.constant 16 : i32
      %add3A_925 = arith.addi %add3A_923, %add3A_924 : i32
      %multiple_of3A_926 = tpu.assume_multiple %add3A_925, 16 : i32
      %dma_start3A_927 = arith.constant 0 : i32
      %dma_start3A_928 = tpu.memref_slice %arg4[%multiple_of3A_926, %dma_start3A_927] : memref<16384x1024xf32, #tpu.memory_space<hbm>> -> memref<16x1024xf32, #tpu.memory_space<hbm>>
      %dma_start3A_929 = arith.constant 0 : i32
      %dma_start3A_930 = tpu.memref_slice %arg4[%multiple_of3A_926, %dma_start3A_929] : memref<16384x1024xf32, #tpu.memory_space<hbm>> -> memref<16x1024xf32, #tpu.memory_space<hbm>>
      tpu.enqueue_dma source(%arg6 : memref<16x1024xf32, #tpu.memory_space<vmem>>) target(%dma_start3A_930 : memref<16x1024xf32, #tpu.memory_space<hbm>>) target_semaphore(%arg18 : memref<!tpu.dma_semaphore, #tpu.memory_space<semaphore_mem>>)
    } else {
    }
    %le3A_174 = arith.constant 10 : i32
    %le3A_175 = arith.cmpi sle, %add3A_124, %le3A_174 : i32
    %convert_element_type3A_176 = arith.extui %le3A_175 : i1 to i32
    %cond3A_177 = arith.constant 0 : i32
    %cond3A_178 = arith.cmpi ne, %convert_element_type3A_176, %cond3A_177 : i32
    scf.if %cond3A_178 {
      %add3A_914 = arith.constant 320 : i32
      %add3A_915 = arith.addi %add3A_52, %add3A_914 : i32
      %add3A_916 = arith.constant 0 : i32
      %add3A_917 = arith.addi %add3A_915, %add3A_916 : i32
      %multiple_of3A_918 = tpu.assume_multiple %add3A_917, 16 : i32
      %dma_start3A = arith.constant 0 : i32
      %dma_start3A_919 = tpu.memref_slice %arg4[%multiple_of3A_918, %dma_start3A] : memref<16384x1024xf32, #tpu.memory_space<hbm>> -> memref<16x1024xf32, #tpu.memory_space<hbm>>
      %dma_start3A_920 = arith.constant 0 : i32
      %dma_start3A_921 = tpu.memref_slice %arg4[%multiple_of3A_918, %dma_start3A_920] : memref<16384x1024xf32, #tpu.memory_space<hbm>> -> memref<16x1024xf32, #tpu.memory_space<hbm>>
      tpu.enqueue_dma source(%arg6 : memref<16x1024xf32, #tpu.memory_space<vmem>>) target(%dma_start3A_921 : memref<16x1024xf32, #tpu.memory_space<hbm>>) target_semaphore(%arg18 : memref<!tpu.dma_semaphore, #tpu.memory_space<semaphore_mem>>)
      %add3A_922 = arith.constant 320 : i32
      %add3A_923 = arith.addi %add3A_52, %add3A_922 : i32
      %add3A_924 = arith.constant 16 : i32
      %add3A_925 = arith.addi %add3A_923, %add3A_924 : i32
      %multiple_of3A_926 = tpu.assume_multiple %add3A_925, 16 : i32
      %dma_start3A_927 = arith.constant 0 : i32
      %dma_start3A_928 = tpu.memref_slice %arg4[%multiple_of3A_926, %dma_start3A_927] : memref<16384x1024xf32, #tpu.memory_space<hbm>> -> memref<16x1024xf32, #tpu.memory_space<hbm>>
      %dma_start3A_929 = arith.constant 0 : i32
      %dma_start3A_930 = tpu.memref_slice %arg4[%multiple_of3A_926, %dma_start3A_929] : memref<16384x1024xf32, #tpu.memory_space<hbm>> -> memref<16x1024xf32, #tpu.memory_space<hbm>>
      tpu.enqueue_dma source(%arg6 : memref<16x1024xf32, #tpu.memory_space<vmem>>) target(%dma_start3A_930 : memref<16x1024xf32, #tpu.memory_space<hbm>>) target_semaphore(%arg18 : memref<!tpu.dma_semaphore, #tpu.memory_space<semaphore_mem>>)
    } else {
    }
    %le3A_179 = arith.constant 11 : i32
    %le3A_180 = arith.cmpi sle, %add3A_124, %le3A_179 : i32
    %convert_element_type3A_181 = arith.extui %le3A_180 : i1 to i32
    %cond3A_182 = arith.constant 0 : i32
    %cond3A_183 = arith.cmpi ne, %convert_element_type3A_181, %cond3A_182 : i32
    scf.if %cond3A_183 {
      %add3A_914 = arith.constant 352 : i32
      %add3A_915 = arith.addi %add3A_52, %add3A_914 : i32
      %add3A_916 = arith.constant 0 : i32
      %add3A_917 = arith.addi %add3A_915, %add3A_916 : i32
      %multiple_of3A_918 = tpu.assume_multiple %add3A_917, 16 : i32
      %dma_start3A = arith.constant 0 : i32
      %dma_start3A_919 = tpu.memref_slice %arg4[%multiple_of3A_918, %dma_start3A] : memref<16384x1024xf32, #tpu.memory_space<hbm>> -> memref<16x1024xf32, #tpu.memory_space<hbm>>
      %dma_start3A_920 = arith.constant 0 : i32
      %dma_start3A_921 = tpu.memref_slice %arg4[%multiple_of3A_918, %dma_start3A_920] : memref<16384x1024xf32, #tpu.memory_space<hbm>> -> memref<16x1024xf32, #tpu.memory_space<hbm>>
      tpu.enqueue_dma source(%arg6 : memref<16x1024xf32, #tpu.memory_space<vmem>>) target(%dma_start3A_921 : memref<16x1024xf32, #tpu.memory_space<hbm>>) target_semaphore(%arg18 : memref<!tpu.dma_semaphore, #tpu.memory_space<semaphore_mem>>)
      %add3A_922 = arith.constant 352 : i32
      %add3A_923 = arith.addi %add3A_52, %add3A_922 : i32
      %add3A_924 = arith.constant 16 : i32
      %add3A_925 = arith.addi %add3A_923, %add3A_924 : i32
      %multiple_of3A_926 = tpu.assume_multiple %add3A_925, 16 : i32
      %dma_start3A_927 = arith.constant 0 : i32
      %dma_start3A_928 = tpu.memref_slice %arg4[%multiple_of3A_926, %dma_start3A_927] : memref<16384x1024xf32, #tpu.memory_space<hbm>> -> memref<16x1024xf32, #tpu.memory_space<hbm>>
      %dma_start3A_929 = arith.constant 0 : i32
      %dma_start3A_930 = tpu.memref_slice %arg4[%multiple_of3A_926, %dma_start3A_929] : memref<16384x1024xf32, #tpu.memory_space<hbm>> -> memref<16x1024xf32, #tpu.memory_space<hbm>>
      tpu.enqueue_dma source(%arg6 : memref<16x1024xf32, #tpu.memory_space<vmem>>) target(%dma_start3A_930 : memref<16x1024xf32, #tpu.memory_space<hbm>>) target_semaphore(%arg18 : memref<!tpu.dma_semaphore, #tpu.memory_space<semaphore_mem>>)
    } else {
    }
    %le3A_184 = arith.constant 12 : i32
    %le3A_185 = arith.cmpi sle, %add3A_124, %le3A_184 : i32
    %convert_element_type3A_186 = arith.extui %le3A_185 : i1 to i32
    %cond3A_187 = arith.constant 0 : i32
    %cond3A_188 = arith.cmpi ne, %convert_element_type3A_186, %cond3A_187 : i32
    scf.if %cond3A_188 {
      %add3A_914 = arith.constant 384 : i32
      %add3A_915 = arith.addi %add3A_52, %add3A_914 : i32
      %add3A_916 = arith.constant 0 : i32
      %add3A_917 = arith.addi %add3A_915, %add3A_916 : i32
      %multiple_of3A_918 = tpu.assume_multiple %add3A_917, 16 : i32
      %dma_start3A = arith.constant 0 : i32
      %dma_start3A_919 = tpu.memref_slice %arg4[%multiple_of3A_918, %dma_start3A] : memref<16384x1024xf32, #tpu.memory_space<hbm>> -> memref<16x1024xf32, #tpu.memory_space<hbm>>
      %dma_start3A_920 = arith.constant 0 : i32
      %dma_start3A_921 = tpu.memref_slice %arg4[%multiple_of3A_918, %dma_start3A_920] : memref<16384x1024xf32, #tpu.memory_space<hbm>> -> memref<16x1024xf32, #tpu.memory_space<hbm>>
      tpu.enqueue_dma source(%arg6 : memref<16x1024xf32, #tpu.memory_space<vmem>>) target(%dma_start3A_921 : memref<16x1024xf32, #tpu.memory_space<hbm>>) target_semaphore(%arg18 : memref<!tpu.dma_semaphore, #tpu.memory_space<semaphore_mem>>)
      %add3A_922 = arith.constant 384 : i32
      %add3A_923 = arith.addi %add3A_52, %add3A_922 : i32
      %add3A_924 = arith.constant 16 : i32
      %add3A_925 = arith.addi %add3A_923, %add3A_924 : i32
      %multiple_of3A_926 = tpu.assume_multiple %add3A_925, 16 : i32
      %dma_start3A_927 = arith.constant 0 : i32
      %dma_start3A_928 = tpu.memref_slice %arg4[%multiple_of3A_926, %dma_start3A_927] : memref<16384x1024xf32, #tpu.memory_space<hbm>> -> memref<16x1024xf32, #tpu.memory_space<hbm>>
      %dma_start3A_929 = arith.constant 0 : i32
      %dma_start3A_930 = tpu.memref_slice %arg4[%multiple_of3A_926, %dma_start3A_929] : memref<16384x1024xf32, #tpu.memory_space<hbm>> -> memref<16x1024xf32, #tpu.memory_space<hbm>>
      tpu.enqueue_dma source(%arg6 : memref<16x1024xf32, #tpu.memory_space<vmem>>) target(%dma_start3A_930 : memref<16x1024xf32, #tpu.memory_space<hbm>>) target_semaphore(%arg18 : memref<!tpu.dma_semaphore, #tpu.memory_space<semaphore_mem>>)
    } else {
    }
    %le3A_189 = arith.constant 13 : i32
    %le3A_190 = arith.cmpi sle, %add3A_124, %le3A_189 : i32
    %convert_element_type3A_191 = arith.extui %le3A_190 : i1 to i32
    %cond3A_192 = arith.constant 0 : i32
    %cond3A_193 = arith.cmpi ne, %convert_element_type3A_191, %cond3A_192 : i32
    scf.if %cond3A_193 {
      %add3A_914 = arith.constant 416 : i32
      %add3A_915 = arith.addi %add3A_52, %add3A_914 : i32
      %add3A_916 = arith.constant 0 : i32
      %add3A_917 = arith.addi %add3A_915, %add3A_916 : i32
      %multiple_of3A_918 = tpu.assume_multiple %add3A_917, 16 : i32
      %dma_start3A = arith.constant 0 : i32
      %dma_start3A_919 = tpu.memref_slice %arg4[%multiple_of3A_918, %dma_start3A] : memref<16384x1024xf32, #tpu.memory_space<hbm>> -> memref<16x1024xf32, #tpu.memory_space<hbm>>
      %dma_start3A_920 = arith.constant 0 : i32
      %dma_start3A_921 = tpu.memref_slice %arg4[%multiple_of3A_918, %dma_start3A_920] : memref<16384x1024xf32, #tpu.memory_space<hbm>> -> memref<16x1024xf32, #tpu.memory_space<hbm>>
      tpu.enqueue_dma source(%arg6 : memref<16x1024xf32, #tpu.memory_space<vmem>>) target(%dma_start3A_921 : memref<16x1024xf32, #tpu.memory_space<hbm>>) target_semaphore(%arg18 : memref<!tpu.dma_semaphore, #tpu.memory_space<semaphore_mem>>)
      %add3A_922 = arith.constant 416 : i32
      %add3A_923 = arith.addi %add3A_52, %add3A_922 : i32
      %add3A_924 = arith.constant 16 : i32
      %add3A_925 = arith.addi %add3A_923, %add3A_924 : i32
      %multiple_of3A_926 = tpu.assume_multiple %add3A_925, 16 : i32
      %dma_start3A_927 = arith.constant 0 : i32
      %dma_start3A_928 = tpu.memref_slice %arg4[%multiple_of3A_926, %dma_start3A_927] : memref<16384x1024xf32, #tpu.memory_space<hbm>> -> memref<16x1024xf32, #tpu.memory_space<hbm>>
      %dma_start3A_929 = arith.constant 0 : i32
      %dma_start3A_930 = tpu.memref_slice %arg4[%multiple_of3A_926, %dma_start3A_929] : memref<16384x1024xf32, #tpu.memory_space<hbm>> -> memref<16x1024xf32, #tpu.memory_space<hbm>>
      tpu.enqueue_dma source(%arg6 : memref<16x1024xf32, #tpu.memory_space<vmem>>) target(%dma_start3A_930 : memref<16x1024xf32, #tpu.memory_space<hbm>>) target_semaphore(%arg18 : memref<!tpu.dma_semaphore, #tpu.memory_space<semaphore_mem>>)
    } else {
    }
    %le3A_194 = arith.constant 14 : i32
    %le3A_195 = arith.cmpi sle, %add3A_124, %le3A_194 : i32
    %convert_element_type3A_196 = arith.extui %le3A_195 : i1 to i32
    %cond3A_197 = arith.constant 0 : i32
    %cond3A_198 = arith.cmpi ne, %convert_element_type3A_196, %cond3A_197 : i32
    scf.if %cond3A_198 {
      %add3A_914 = arith.constant 448 : i32
      %add3A_915 = arith.addi %add3A_52, %add3A_914 : i32
      %add3A_916 = arith.constant 0 : i32
      %add3A_917 = arith.addi %add3A_915, %add3A_916 : i32
      %multiple_of3A_918 = tpu.assume_multiple %add3A_917, 16 : i32
      %dma_start3A = arith.constant 0 : i32
      %dma_start3A_919 = tpu.memref_slice %arg4[%multiple_of3A_918, %dma_start3A] : memref<16384x1024xf32, #tpu.memory_space<hbm>> -> memref<16x1024xf32, #tpu.memory_space<hbm>>
      %dma_start3A_920 = arith.constant 0 : i32
      %dma_start3A_921 = tpu.memref_slice %arg4[%multiple_of3A_918, %dma_start3A_920] : memref<16384x1024xf32, #tpu.memory_space<hbm>> -> memref<16x1024xf32, #tpu.memory_space<hbm>>
      tpu.enqueue_dma source(%arg6 : memref<16x1024xf32, #tpu.memory_space<vmem>>) target(%dma_start3A_921 : memref<16x1024xf32, #tpu.memory_space<hbm>>) target_semaphore(%arg18 : memref<!tpu.dma_semaphore, #tpu.memory_space<semaphore_mem>>)
      %add3A_922 = arith.constant 448 : i32
      %add3A_923 = arith.addi %add3A_52, %add3A_922 : i32
      %add3A_924 = arith.constant 16 : i32
      %add3A_925 = arith.addi %add3A_923, %add3A_924 : i32
      %multiple_of3A_926 = tpu.assume_multiple %add3A_925, 16 : i32
      %dma_start3A_927 = arith.constant 0 : i32
      %dma_start3A_928 = tpu.memref_slice %arg4[%multiple_of3A_926, %dma_start3A_927] : memref<16384x1024xf32, #tpu.memory_space<hbm>> -> memref<16x1024xf32, #tpu.memory_space<hbm>>
      %dma_start3A_929 = arith.constant 0 : i32
      %dma_start3A_930 = tpu.memref_slice %arg4[%multiple_of3A_926, %dma_start3A_929] : memref<16384x1024xf32, #tpu.memory_space<hbm>> -> memref<16x1024xf32, #tpu.memory_space<hbm>>
      tpu.enqueue_dma source(%arg6 : memref<16x1024xf32, #tpu.memory_space<vmem>>) target(%dma_start3A_930 : memref<16x1024xf32, #tpu.memory_space<hbm>>) target_semaphore(%arg18 : memref<!tpu.dma_semaphore, #tpu.memory_space<semaphore_mem>>)
    } else {
    }
    %le3A_199 = arith.constant 15 : i32
    %le3A_200 = arith.cmpi sle, %add3A_124, %le3A_199 : i32
    %convert_element_type3A_201 = arith.extui %le3A_200 : i1 to i32
    %cond3A_202 = arith.constant 0 : i32
    %cond3A_203 = arith.cmpi ne, %convert_element_type3A_201, %cond3A_202 : i32
    scf.if %cond3A_203 {
      %add3A_914 = arith.constant 480 : i32
      %add3A_915 = arith.addi %add3A_52, %add3A_914 : i32
      %add3A_916 = arith.constant 0 : i32
      %add3A_917 = arith.addi %add3A_915, %add3A_916 : i32
      %multiple_of3A_918 = tpu.assume_multiple %add3A_917, 16 : i32
      %dma_start3A = arith.constant 0 : i32
      %dma_start3A_919 = tpu.memref_slice %arg4[%multiple_of3A_918, %dma_start3A] : memref<16384x1024xf32, #tpu.memory_space<hbm>> -> memref<16x1024xf32, #tpu.memory_space<hbm>>
      %dma_start3A_920 = arith.constant 0 : i32
      %dma_start3A_921 = tpu.memref_slice %arg4[%multiple_of3A_918, %dma_start3A_920] : memref<16384x1024xf32, #tpu.memory_space<hbm>> -> memref<16x1024xf32, #tpu.memory_space<hbm>>
      tpu.enqueue_dma source(%arg6 : memref<16x1024xf32, #tpu.memory_space<vmem>>) target(%dma_start3A_921 : memref<16x1024xf32, #tpu.memory_space<hbm>>) target_semaphore(%arg18 : memref<!tpu.dma_semaphore, #tpu.memory_space<semaphore_mem>>)
      %add3A_922 = arith.constant 480 : i32
      %add3A_923 = arith.addi %add3A_52, %add3A_922 : i32
      %add3A_924 = arith.constant 16 : i32
      %add3A_925 = arith.addi %add3A_923, %add3A_924 : i32
      %multiple_of3A_926 = tpu.assume_multiple %add3A_925, 16 : i32
      %dma_start3A_927 = arith.constant 0 : i32
      %dma_start3A_928 = tpu.memref_slice %arg4[%multiple_of3A_926, %dma_start3A_927] : memref<16384x1024xf32, #tpu.memory_space<hbm>> -> memref<16x1024xf32, #tpu.memory_space<hbm>>
      %dma_start3A_929 = arith.constant 0 : i32
      %dma_start3A_930 = tpu.memref_slice %arg4[%multiple_of3A_926, %dma_start3A_929] : memref<16384x1024xf32, #tpu.memory_space<hbm>> -> memref<16x1024xf32, #tpu.memory_space<hbm>>
      tpu.enqueue_dma source(%arg6 : memref<16x1024xf32, #tpu.memory_space<vmem>>) target(%dma_start3A_930 : memref<16x1024xf32, #tpu.memory_space<hbm>>) target_semaphore(%arg18 : memref<!tpu.dma_semaphore, #tpu.memory_space<semaphore_mem>>)
    } else {
    }
    %add3A_204 = arith.constant 0 : i32
    %add3A_205 = arith.addi %add3A_125, %add3A_204 : i32
    %add3A_206 = vector.broadcast %add3A_205 : i32 to vector<16xi32>
    %add3A_207 = arith.addi %add3A_206, %iota3A : vector<16xi32>
    %min3A_208 = arith.constant 8191 : i32
    %min3A_209 = vector.broadcast %min3A_208 : i32 to vector<16xi32>
    %min3A_210 = arith.minsi %add3A_207, %min3A_209 : vector<16xi32>
    %swap3A = arith.constant 0 : i32
    %swap3A_211 = arith.index_cast %swap3A : i32 to index
    %swap3A_212 = arith.constant 0 : index
    %swap3A_213 = tpu.vector_load %arg10[%swap3A_211, %swap3A_212] {strides = array<i32>} : memref<16x32xi32, #tpu.memory_space<vmem>>, vector<16xi32>,
    tpu.vector_store %arg10[%swap3A_211, %swap3A_212], %min3A_210 {strides = array<i32>} : memref<16x32xi32, #tpu.memory_space<vmem>>, vector<16xi32>,
    %add3A_214 = arith.constant 16 : i32
    %add3A_215 = arith.addi %add3A_125, %add3A_214 : i32
    %add3A_216 = vector.broadcast %add3A_215 : i32 to vector<16xi32>
    %add3A_217 = arith.addi %add3A_216, %iota3A : vector<16xi32>
    %min3A_218 = arith.constant 8191 : i32
    %min3A_219 = vector.broadcast %min3A_218 : i32 to vector<16xi32>
    %min3A_220 = arith.minsi %add3A_217, %min3A_219 : vector<16xi32>
    %swap3A_221 = arith.constant 0 : i32
    %swap3A_222 = arith.index_cast %swap3A_221 : i32 to index
    %swap3A_223 = arith.constant 16 : index
    %swap3A_224 = tpu.vector_load %arg10[%swap3A_222, %swap3A_223] {strides = array<i32>} : memref<16x32xi32, #tpu.memory_space<vmem>>, vector<16xi32>,
    tpu.vector_store %arg10[%swap3A_222, %swap3A_223], %min3A_220 {strides = array<i32>} : memref<16x32xi32, #tpu.memory_space<vmem>>, vector<16xi32>,
    %gt3A_225 = arith.constant 0 : i32
    %gt3A_226 = arith.cmpi sgt, %select_n3A_106, %gt3A_225 : i32
    %convert_element_type3A_227 = arith.extui %gt3A_226 : i1 to i32
    %cond3A_228 = arith.constant 0 : i32
    %cond3A_229 = arith.cmpi ne, %convert_element_type3A_227, %cond3A_228 : i32
    scf.if %cond3A_229 {
      %dma_start3A = arith.constant 0 : i32
      %dma_start3A_914 = arith.constant 0 : i32
      %dma_start3A_915 = tpu.memref_slice %arg10[%dma_start3A, %dma_start3A_914] : memref<16x32xi32, #tpu.memory_space<vmem>> -> memref<1x32xi32, #tpu.memory_space<vmem>>
      %dma_start3A_916 = tpu.memref_squeeze %dma_start3A_915 : memref<1x32xi32, #tpu.memory_space<vmem>> -> memref<32xi32, #tpu.memory_space<vmem>>
      %dma_start3A_917 = arith.constant 0 : i32
      %dma_start3A_918 = arith.constant 0 : i32
      %dma_start3A_919 = tpu.memref_slice %arg2[%dma_start3A_917, %dma_start3A_918] : memref<8192x1024xf32, #tpu.memory_space<hbm>> -> memref<8192x1024xf32, #tpu.memory_space<hbm>>
      tpu.enqueue_indirect_dma source(%dma_start3A_919 : memref<8192x1024xf32, #tpu.memory_space<hbm>>) target(%arg7 : memref<32x1024xf32, #tpu.memory_space<vmem>>) offsets(%dma_start3A_916 : memref<32xi32, #tpu.memory_space<vmem>>) semaphore(%arg12 : memref<!tpu.dma_semaphore, #tpu.memory_space<semaphore_mem>>)
    } else {
    }
    %add3A_230 = arith.constant 32 : i32
    %add3A_231 = arith.addi %add3A_125, %add3A_230 : i32
    %add3A_232 = vector.broadcast %add3A_231 : i32 to vector<16xi32>
    %add3A_233 = arith.addi %add3A_232, %iota3A : vector<16xi32>
    %min3A_234 = arith.constant 8191 : i32
    %min3A_235 = vector.broadcast %min3A_234 : i32 to vector<16xi32>
    %min3A_236 = arith.minsi %add3A_233, %min3A_235 : vector<16xi32>
    %swap3A_237 = arith.constant 1 : i32
    %swap3A_238 = arith.index_cast %swap3A_237 : i32 to index
    %swap3A_239 = arith.constant 0 : index
    %swap3A_240 = tpu.vector_load %arg10[%swap3A_238, %swap3A_239] {strides = array<i32>} : memref<16x32xi32, #tpu.memory_space<vmem>>, vector<16xi32>,
    tpu.vector_store %arg10[%swap3A_238, %swap3A_239], %min3A_236 {strides = array<i32>} : memref<16x32xi32, #tpu.memory_space<vmem>>, vector<16xi32>,
    %add3A_241 = arith.constant 48 : i32
    %add3A_242 = arith.addi %add3A_125, %add3A_241 : i32
    %add3A_243 = vector.broadcast %add3A_242 : i32 to vector<16xi32>
    %add3A_244 = arith.addi %add3A_243, %iota3A : vector<16xi32>
    %min3A_245 = arith.constant 8191 : i32
    %min3A_246 = vector.broadcast %min3A_245 : i32 to vector<16xi32>
    %min3A_247 = arith.minsi %add3A_244, %min3A_246 : vector<16xi32>
    %swap3A_248 = arith.constant 1 : i32
    %swap3A_249 = arith.index_cast %swap3A_248 : i32 to index
    %swap3A_250 = arith.constant 16 : index
    %swap3A_251 = tpu.vector_load %arg10[%swap3A_249, %swap3A_250] {strides = array<i32>} : memref<16x32xi32, #tpu.memory_space<vmem>>, vector<16xi32>,
    tpu.vector_store %arg10[%swap3A_249, %swap3A_250], %min3A_247 {strides = array<i32>} : memref<16x32xi32, #tpu.memory_space<vmem>>, vector<16xi32>,
    %gt3A_252 = arith.constant 1 : i32
    %gt3A_253 = arith.cmpi sgt, %select_n3A_106, %gt3A_252 : i32
    %convert_element_type3A_254 = arith.extui %gt3A_253 : i1 to i32
    %cond3A_255 = arith.constant 0 : i32
    %cond3A_256 = arith.cmpi ne, %convert_element_type3A_254, %cond3A_255 : i32
    scf.if %cond3A_256 {
      %dma_start3A = arith.constant 1 : i32
      %dma_start3A_914 = arith.constant 0 : i32
      %dma_start3A_915 = tpu.memref_slice %arg10[%dma_start3A, %dma_start3A_914] : memref<16x32xi32, #tpu.memory_space<vmem>> -> memref<1x32xi32, #tpu.memory_space<vmem>>
      %dma_start3A_916 = tpu.memref_squeeze %dma_start3A_915 : memref<1x32xi32, #tpu.memory_space<vmem>> -> memref<32xi32, #tpu.memory_space<vmem>>
      %dma_start3A_917 = arith.constant 0 : i32
      %dma_start3A_918 = arith.constant 0 : i32
      %dma_start3A_919 = tpu.memref_slice %arg2[%dma_start3A_917, %dma_start3A_918] : memref<8192x1024xf32, #tpu.memory_space<hbm>> -> memref<8192x1024xf32, #tpu.memory_space<hbm>>
      tpu.enqueue_indirect_dma source(%dma_start3A_919 : memref<8192x1024xf32, #tpu.memory_space<hbm>>) target(%arg8 : memref<32x1024xf32, #tpu.memory_space<vmem>>) offsets(%dma_start3A_916 : memref<32xi32, #tpu.memory_space<vmem>>) semaphore(%arg13 : memref<!tpu.dma_semaphore, #tpu.memory_space<semaphore_mem>>)
    } else {
    }
    %gt3A_257 = arith.constant 0 : i32
    %gt3A_258 = arith.cmpi sgt, %select_n3A_106, %gt3A_257 : i32
    %convert_element_type3A_259 = arith.extui %gt3A_258 : i1 to i32
    %cond3A_260 = arith.constant 0 : i32
    %cond3A_261 = arith.cmpi ne, %convert_element_type3A_259, %cond3A_260 : i32
    scf.if %cond3A_261 {
      %dma_wait3A = arith.constant 0 : i32
      %dma_wait3A_914 = arith.constant 0 : i32
      %dma_wait3A_915 = tpu.memref_slice %arg10[%dma_wait3A, %dma_wait3A_914] : memref<16x32xi32, #tpu.memory_space<vmem>> -> memref<1x32xi32, #tpu.memory_space<vmem>>
      %dma_wait3A_916 = tpu.memref_squeeze %dma_wait3A_915 : memref<1x32xi32, #tpu.memory_space<vmem>> -> memref<32xi32, #tpu.memory_space<vmem>>
      %dma_wait3A_917 = arith.constant 0 : i32
      %dma_wait3A_918 = arith.constant 0 : i32
      %dma_wait3A_919 = tpu.memref_slice %arg2[%dma_wait3A_917, %dma_wait3A_918] : memref<8192x1024xf32, #tpu.memory_space<hbm>> -> memref<8192x1024xf32, #tpu.memory_space<hbm>>
      tpu.wait_indirect_dma semaphore(%arg12 : memref<!tpu.dma_semaphore, #tpu.memory_space<semaphore_mem>>) src(%dma_wait3A_919 : memref<8192x1024xf32, #tpu.memory_space<hbm>>) dst(%arg7 : memref<32x1024xf32, #tpu.memory_space<vmem>>)
      %add3A_920 = arith.constant 0 : i32
      %add3A_921 = arith.addi %add3A_52, %add3A_920 : i32
      %multiple_of3A_922 = tpu.assume_multiple %add3A_921, 32 : i32
      %dma_start3A = arith.constant 0 : i32
      %dma_start3A_923 = tpu.memref_slice %arg4[%multiple_of3A_922, %dma_start3A] : memref<16384x1024xf32, #tpu.memory_space<hbm>> -> memref<32x1024xf32, #tpu.memory_space<hbm>>
      %dma_start3A_924 = arith.constant 0 : i32
      %dma_start3A_925 = tpu.memref_slice %arg4[%multiple_of3A_922, %dma_start3A_924] : memref<16384x1024xf32, #tpu.memory_space<hbm>> -> memref<32x1024xf32, #tpu.memory_space<hbm>>
      tpu.enqueue_dma source(%arg7 : memref<32x1024xf32, #tpu.memory_space<vmem>>) target(%dma_start3A_925 : memref<32x1024xf32, #tpu.memory_space<hbm>>) target_semaphore(%arg15 : memref<!tpu.dma_semaphore, #tpu.memory_space<semaphore_mem>>)
    } else {
    }
    %add3A_262 = arith.constant 64 : i32
    %add3A_263 = arith.addi %add3A_125, %add3A_262 : i32
    %add3A_264 = vector.broadcast %add3A_263 : i32 to vector<16xi32>
    %add3A_265 = arith.addi %add3A_264, %iota3A : vector<16xi32>
    %min3A_266 = arith.constant 8191 : i32
    %min3A_267 = vector.broadcast %min3A_266 : i32 to vector<16xi32>
    %min3A_268 = arith.minsi %add3A_265, %min3A_267 : vector<16xi32>
    %swap3A_269 = arith.constant 2 : i32
    %swap3A_270 = arith.index_cast %swap3A_269 : i32 to index
    %swap3A_271 = arith.constant 0 : index
    %swap3A_272 = tpu.vector_load %arg10[%swap3A_270, %swap3A_271] {strides = array<i32>} : memref<16x32xi32, #tpu.memory_space<vmem>>, vector<16xi32>,
    tpu.vector_store %arg10[%swap3A_270, %swap3A_271], %min3A_268 {strides = array<i32>} : memref<16x32xi32, #tpu.memory_space<vmem>>, vector<16xi32>,
    %add3A_273 = arith.constant 80 : i32
    %add3A_274 = arith.addi %add3A_125, %add3A_273 : i32
    %add3A_275 = vector.broadcast %add3A_274 : i32 to vector<16xi32>
    %add3A_276 = arith.addi %add3A_275, %iota3A : vector<16xi32>
    %min3A_277 = arith.constant 8191 : i32
    %min3A_278 = vector.broadcast %min3A_277 : i32 to vector<16xi32>
    %min3A_279 = arith.minsi %add3A_276, %min3A_278 : vector<16xi32>
    %swap3A_280 = arith.constant 2 : i32
    %swap3A_281 = arith.index_cast %swap3A_280 : i32 to index
    %swap3A_282 = arith.constant 16 : index
    %swap3A_283 = tpu.vector_load %arg10[%swap3A_281, %swap3A_282] {strides = array<i32>} : memref<16x32xi32, #tpu.memory_space<vmem>>, vector<16xi32>,
    tpu.vector_store %arg10[%swap3A_281, %swap3A_282], %min3A_279 {strides = array<i32>} : memref<16x32xi32, #tpu.memory_space<vmem>>, vector<16xi32>,
    %gt3A_284 = arith.constant 2 : i32
    %gt3A_285 = arith.cmpi sgt, %select_n3A_106, %gt3A_284 : i32
    %convert_element_type3A_286 = arith.extui %gt3A_285 : i1 to i32
    %cond3A_287 = arith.constant 0 : i32
    %cond3A_288 = arith.cmpi ne, %convert_element_type3A_286, %cond3A_287 : i32
    scf.if %cond3A_288 {
      %dma_start3A = arith.constant 2 : i32
      %dma_start3A_914 = arith.constant 0 : i32
      %dma_start3A_915 = tpu.memref_slice %arg10[%dma_start3A, %dma_start3A_914] : memref<16x32xi32, #tpu.memory_space<vmem>> -> memref<1x32xi32, #tpu.memory_space<vmem>>
      %dma_start3A_916 = tpu.memref_squeeze %dma_start3A_915 : memref<1x32xi32, #tpu.memory_space<vmem>> -> memref<32xi32, #tpu.memory_space<vmem>>
      %dma_start3A_917 = arith.constant 0 : i32
      %dma_start3A_918 = arith.constant 0 : i32
      %dma_start3A_919 = tpu.memref_slice %arg2[%dma_start3A_917, %dma_start3A_918] : memref<8192x1024xf32, #tpu.memory_space<hbm>> -> memref<8192x1024xf32, #tpu.memory_space<hbm>>
      tpu.enqueue_indirect_dma source(%dma_start3A_919 : memref<8192x1024xf32, #tpu.memory_space<hbm>>) target(%arg9 : memref<32x1024xf32, #tpu.memory_space<vmem>>) offsets(%dma_start3A_916 : memref<32xi32, #tpu.memory_space<vmem>>) semaphore(%arg14 : memref<!tpu.dma_semaphore, #tpu.memory_space<semaphore_mem>>)
    } else {
    }
    %gt3A_289 = arith.constant 1 : i32
    %gt3A_290 = arith.cmpi sgt, %select_n3A_106, %gt3A_289 : i32
    %convert_element_type3A_291 = arith.extui %gt3A_290 : i1 to i32
    %cond3A_292 = arith.constant 0 : i32
    %cond3A_293 = arith.cmpi ne, %convert_element_type3A_291, %cond3A_292 : i32
    scf.if %cond3A_293 {
      %dma_wait3A = arith.constant 1 : i32
      %dma_wait3A_914 = arith.constant 0 : i32
      %dma_wait3A_915 = tpu.memref_slice %arg10[%dma_wait3A, %dma_wait3A_914] : memref<16x32xi32, #tpu.memory_space<vmem>> -> memref<1x32xi32, #tpu.memory_space<vmem>>
      %dma_wait3A_916 = tpu.memref_squeeze %dma_wait3A_915 : memref<1x32xi32, #tpu.memory_space<vmem>> -> memref<32xi32, #tpu.memory_space<vmem>>
      %dma_wait3A_917 = arith.constant 0 : i32
      %dma_wait3A_918 = arith.constant 0 : i32
      %dma_wait3A_919 = tpu.memref_slice %arg2[%dma_wait3A_917, %dma_wait3A_918] : memref<8192x1024xf32, #tpu.memory_space<hbm>> -> memref<8192x1024xf32, #tpu.memory_space<hbm>>
      tpu.wait_indirect_dma semaphore(%arg13 : memref<!tpu.dma_semaphore, #tpu.memory_space<semaphore_mem>>) src(%dma_wait3A_919 : memref<8192x1024xf32, #tpu.memory_space<hbm>>) dst(%arg8 : memref<32x1024xf32, #tpu.memory_space<vmem>>)
      %add3A_920 = arith.constant 32 : i32
      %add3A_921 = arith.addi %add3A_52, %add3A_920 : i32
      %multiple_of3A_922 = tpu.assume_multiple %add3A_921, 32 : i32
      %dma_start3A = arith.constant 0 : i32
      %dma_start3A_923 = tpu.memref_slice %arg4[%multiple_of3A_922, %dma_start3A] : memref<16384x1024xf32, #tpu.memory_space<hbm>> -> memref<32x1024xf32, #tpu.memory_space<hbm>>
      %dma_start3A_924 = arith.constant 0 : i32
      %dma_start3A_925 = tpu.memref_slice %arg4[%multiple_of3A_922, %dma_start3A_924] : memref<16384x1024xf32, #tpu.memory_space<hbm>> -> memref<32x1024xf32, #tpu.memory_space<hbm>>
      tpu.enqueue_dma source(%arg8 : memref<32x1024xf32, #tpu.memory_space<vmem>>) target(%dma_start3A_925 : memref<32x1024xf32, #tpu.memory_space<hbm>>) target_semaphore(%arg16 : memref<!tpu.dma_semaphore, #tpu.memory_space<semaphore_mem>>)
    } else {
    }
    %gt3A_294 = arith.constant 0 : i32
    %gt3A_295 = arith.cmpi sgt, %select_n3A_106, %gt3A_294 : i32
    %convert_element_type3A_296 = arith.extui %gt3A_295 : i1 to i32
    %cond3A_297 = arith.constant 0 : i32
    %cond3A_298 = arith.cmpi ne, %convert_element_type3A_296, %cond3A_297 : i32
    scf.if %cond3A_298 {
      %add3A_914 = arith.constant 0 : i32
      %add3A_915 = arith.addi %add3A_52, %add3A_914 : i32
      %multiple_of3A_916 = tpu.assume_multiple %add3A_915, 32 : i32
      %dma_wait3A = arith.constant 0 : i32
      %dma_wait3A_917 = tpu.memref_slice %arg4[%multiple_of3A_916, %dma_wait3A] : memref<16384x1024xf32, #tpu.memory_space<hbm>> -> memref<32x1024xf32, #tpu.memory_space<hbm>>
      %dma_wait3A_918 = arith.constant 0 : i32
      %dma_wait3A_919 = tpu.memref_slice %arg4[%multiple_of3A_916, %dma_wait3A_918] : memref<16384x1024xf32, #tpu.memory_space<hbm>> -> memref<32x1024xf32, #tpu.memory_space<hbm>>
      tpu.wait_dma2 semaphore(%arg15 : memref<!tpu.dma_semaphore, #tpu.memory_space<semaphore_mem>>) src(%arg7 : memref<32x1024xf32, #tpu.memory_space<vmem>>) dst(%dma_wait3A_919 : memref<32x1024xf32, #tpu.memory_space<hbm>>)
    } else {
    }
    %add3A_299 = arith.constant 96 : i32
    %add3A_300 = arith.addi %add3A_125, %add3A_299 : i32
    %add3A_301 = vector.broadcast %add3A_300 : i32 to vector<16xi32>
    %add3A_302 = arith.addi %add3A_301, %iota3A : vector<16xi32>
    %min3A_303 = arith.constant 8191 : i32
    %min3A_304 = vector.broadcast %min3A_303 : i32 to vector<16xi32>
    %min3A_305 = arith.minsi %add3A_302, %min3A_304 : vector<16xi32>
    %swap3A_306 = arith.constant 3 : i32
    %swap3A_307 = arith.index_cast %swap3A_306 : i32 to index
    %swap3A_308 = arith.constant 0 : index
    %swap3A_309 = tpu.vector_load %arg10[%swap3A_307, %swap3A_308] {strides = array<i32>} : memref<16x32xi32, #tpu.memory_space<vmem>>, vector<16xi32>,
    tpu.vector_store %arg10[%swap3A_307, %swap3A_308], %min3A_305 {strides = array<i32>} : memref<16x32xi32, #tpu.memory_space<vmem>>, vector<16xi32>,
    %add3A_310 = arith.constant 112 : i32
    %add3A_311 = arith.addi %add3A_125, %add3A_310 : i32
    %add3A_312 = vector.broadcast %add3A_311 : i32 to vector<16xi32>
    %add3A_313 = arith.addi %add3A_312, %iota3A : vector<16xi32>
    %min3A_314 = arith.constant 8191 : i32
    %min3A_315 = vector.broadcast %min3A_314 : i32 to vector<16xi32>
    %min3A_316 = arith.minsi %add3A_313, %min3A_315 : vector<16xi32>
    %swap3A_317 = arith.constant 3 : i32
    %swap3A_318 = arith.index_cast %swap3A_317 : i32 to index
    %swap3A_319 = arith.constant 16 : index
    %swap3A_320 = tpu.vector_load %arg10[%swap3A_318, %swap3A_319] {strides = array<i32>} : memref<16x32xi32, #tpu.memory_space<vmem>>, vector<16xi32>,
    tpu.vector_store %arg10[%swap3A_318, %swap3A_319], %min3A_316 {strides = array<i32>} : memref<16x32xi32, #tpu.memory_space<vmem>>, vector<16xi32>,
    %gt3A_321 = arith.constant 3 : i32
    %gt3A_322 = arith.cmpi sgt, %select_n3A_106, %gt3A_321 : i32
    %convert_element_type3A_323 = arith.extui %gt3A_322 : i1 to i32
    %cond3A_324 = arith.constant 0 : i32
    %cond3A_325 = arith.cmpi ne, %convert_element_type3A_323, %cond3A_324 : i32
    scf.if %cond3A_325 {
      %dma_start3A = arith.constant 3 : i32
      %dma_start3A_914 = arith.constant 0 : i32
      %dma_start3A_915 = tpu.memref_slice %arg10[%dma_start3A, %dma_start3A_914] : memref<16x32xi32, #tpu.memory_space<vmem>> -> memref<1x32xi32, #tpu.memory_space<vmem>>
      %dma_start3A_916 = tpu.memref_squeeze %dma_start3A_915 : memref<1x32xi32, #tpu.memory_space<vmem>> -> memref<32xi32, #tpu.memory_space<vmem>>
      %dma_start3A_917 = arith.constant 0 : i32
      %dma_start3A_918 = arith.constant 0 : i32
      %dma_start3A_919 = tpu.memref_slice %arg2[%dma_start3A_917, %dma_start3A_918] : memref<8192x1024xf32, #tpu.memory_space<hbm>> -> memref<8192x1024xf32, #tpu.memory_space<hbm>>
      tpu.enqueue_indirect_dma source(%dma_start3A_919 : memref<8192x1024xf32, #tpu.memory_space<hbm>>) target(%arg7 : memref<32x1024xf32, #tpu.memory_space<vmem>>) offsets(%dma_start3A_916 : memref<32xi32, #tpu.memory_space<vmem>>) semaphore(%arg12 : memref<!tpu.dma_semaphore, #tpu.memory_space<semaphore_mem>>)
    } else {
    }
    %gt3A_326 = arith.constant 2 : i32
    %gt3A_327 = arith.cmpi sgt, %select_n3A_106, %gt3A_326 : i32
    %convert_element_type3A_328 = arith.extui %gt3A_327 : i1 to i32
    %cond3A_329 = arith.constant 0 : i32
    %cond3A_330 = arith.cmpi ne, %convert_element_type3A_328, %cond3A_329 : i32
    scf.if %cond3A_330 {
      %dma_wait3A = arith.constant 2 : i32
      %dma_wait3A_914 = arith.constant 0 : i32
      %dma_wait3A_915 = tpu.memref_slice %arg10[%dma_wait3A, %dma_wait3A_914] : memref<16x32xi32, #tpu.memory_space<vmem>> -> memref<1x32xi32, #tpu.memory_space<vmem>>
      %dma_wait3A_916 = tpu.memref_squeeze %dma_wait3A_915 : memref<1x32xi32, #tpu.memory_space<vmem>> -> memref<32xi32, #tpu.memory_space<vmem>>
      %dma_wait3A_917 = arith.constant 0 : i32
      %dma_wait3A_918 = arith.constant 0 : i32
      %dma_wait3A_919 = tpu.memref_slice %arg2[%dma_wait3A_917, %dma_wait3A_918] : memref<8192x1024xf32, #tpu.memory_space<hbm>> -> memref<8192x1024xf32, #tpu.memory_space<hbm>>
      tpu.wait_indirect_dma semaphore(%arg14 : memref<!tpu.dma_semaphore, #tpu.memory_space<semaphore_mem>>) src(%dma_wait3A_919 : memref<8192x1024xf32, #tpu.memory_space<hbm>>) dst(%arg9 : memref<32x1024xf32, #tpu.memory_space<vmem>>)
      %add3A_920 = arith.constant 64 : i32
      %add3A_921 = arith.addi %add3A_52, %add3A_920 : i32
      %multiple_of3A_922 = tpu.assume_multiple %add3A_921, 32 : i32
      %dma_start3A = arith.constant 0 : i32
      %dma_start3A_923 = tpu.memref_slice %arg4[%multiple_of3A_922, %dma_start3A] : memref<16384x1024xf32, #tpu.memory_space<hbm>> -> memref<32x1024xf32, #tpu.memory_space<hbm>>
      %dma_start3A_924 = arith.constant 0 : i32
      %dma_start3A_925 = tpu.memref_slice %arg4[%multiple_of3A_922, %dma_start3A_924] : memref<16384x1024xf32, #tpu.memory_space<hbm>> -> memref<32x1024xf32, #tpu.memory_space<hbm>>
      tpu.enqueue_dma source(%arg9 : memref<32x1024xf32, #tpu.memory_space<vmem>>) target(%dma_start3A_925 : memref<32x1024xf32, #tpu.memory_space<hbm>>) target_semaphore(%arg17 : memref<!tpu.dma_semaphore, #tpu.memory_space<semaphore_mem>>)
    } else {
    }
    %gt3A_331 = arith.constant 1 : i32
    %gt3A_332 = arith.cmpi sgt, %select_n3A_106, %gt3A_331 : i32
    %convert_element_type3A_333 = arith.extui %gt3A_332 : i1 to i32
    %cond3A_334 = arith.constant 0 : i32
    %cond3A_335 = arith.cmpi ne, %convert_element_type3A_333, %cond3A_334 : i32
    scf.if %cond3A_335 {
      %add3A_914 = arith.constant 32 : i32
      %add3A_915 = arith.addi %add3A_52, %add3A_914 : i32
      %multiple_of3A_916 = tpu.assume_multiple %add3A_915, 32 : i32
      %dma_wait3A = arith.constant 0 : i32
      %dma_wait3A_917 = tpu.memref_slice %arg4[%multiple_of3A_916, %dma_wait3A] : memref<16384x1024xf32, #tpu.memory_space<hbm>> -> memref<32x1024xf32, #tpu.memory_space<hbm>>
      %dma_wait3A_918 = arith.constant 0 : i32
      %dma_wait3A_919 = tpu.memref_slice %arg4[%multiple_of3A_916, %dma_wait3A_918] : memref<16384x1024xf32, #tpu.memory_space<hbm>> -> memref<32x1024xf32, #tpu.memory_space<hbm>>
      tpu.wait_dma2 semaphore(%arg16 : memref<!tpu.dma_semaphore, #tpu.memory_space<semaphore_mem>>) src(%arg8 : memref<32x1024xf32, #tpu.memory_space<vmem>>) dst(%dma_wait3A_919 : memref<32x1024xf32, #tpu.memory_space<hbm>>)
    } else {
    }
    %add3A_336 = arith.constant 128 : i32
    %add3A_337 = arith.addi %add3A_125, %add3A_336 : i32
    %add3A_338 = vector.broadcast %add3A_337 : i32 to vector<16xi32>
    %add3A_339 = arith.addi %add3A_338, %iota3A : vector<16xi32>
    %min3A_340 = arith.constant 8191 : i32
    %min3A_341 = vector.broadcast %min3A_340 : i32 to vector<16xi32>
    %min3A_342 = arith.minsi %add3A_339, %min3A_341 : vector<16xi32>
    %swap3A_343 = arith.constant 4 : i32
    %swap3A_344 = arith.index_cast %swap3A_343 : i32 to index
    %swap3A_345 = arith.constant 0 : index
    %swap3A_346 = tpu.vector_load %arg10[%swap3A_344, %swap3A_345] {strides = array<i32>} : memref<16x32xi32, #tpu.memory_space<vmem>>, vector<16xi32>,
    tpu.vector_store %arg10[%swap3A_344, %swap3A_345], %min3A_342 {strides = array<i32>} : memref<16x32xi32, #tpu.memory_space<vmem>>, vector<16xi32>,
    %add3A_347 = arith.constant 144 : i32
    %add3A_348 = arith.addi %add3A_125, %add3A_347 : i32
    %add3A_349 = vector.broadcast %add3A_348 : i32 to vector<16xi32>
    %add3A_350 = arith.addi %add3A_349, %iota3A : vector<16xi32>
    %min3A_351 = arith.constant 8191 : i32
    %min3A_352 = vector.broadcast %min3A_351 : i32 to vector<16xi32>
    %min3A_353 = arith.minsi %add3A_350, %min3A_352 : vector<16xi32>
    %swap3A_354 = arith.constant 4 : i32
    %swap3A_355 = arith.index_cast %swap3A_354 : i32 to index
    %swap3A_356 = arith.constant 16 : index
    %swap3A_357 = tpu.vector_load %arg10[%swap3A_355, %swap3A_356] {strides = array<i32>} : memref<16x32xi32, #tpu.memory_space<vmem>>, vector<16xi32>,
    tpu.vector_store %arg10[%swap3A_355, %swap3A_356], %min3A_353 {strides = array<i32>} : memref<16x32xi32, #tpu.memory_space<vmem>>, vector<16xi32>,
    %gt3A_358 = arith.constant 4 : i32
    %gt3A_359 = arith.cmpi sgt, %select_n3A_106, %gt3A_358 : i32
    %convert_element_type3A_360 = arith.extui %gt3A_359 : i1 to i32
    %cond3A_361 = arith.constant 0 : i32
    %cond3A_362 = arith.cmpi ne, %convert_element_type3A_360, %cond3A_361 : i32
    scf.if %cond3A_362 {
      %dma_start3A = arith.constant 4 : i32
      %dma_start3A_914 = arith.constant 0 : i32
      %dma_start3A_915 = tpu.memref_slice %arg10[%dma_start3A, %dma_start3A_914] : memref<16x32xi32, #tpu.memory_space<vmem>> -> memref<1x32xi32, #tpu.memory_space<vmem>>
      %dma_start3A_916 = tpu.memref_squeeze %dma_start3A_915 : memref<1x32xi32, #tpu.memory_space<vmem>> -> memref<32xi32, #tpu.memory_space<vmem>>
      %dma_start3A_917 = arith.constant 0 : i32
      %dma_start3A_918 = arith.constant 0 : i32
      %dma_start3A_919 = tpu.memref_slice %arg2[%dma_start3A_917, %dma_start3A_918] : memref<8192x1024xf32, #tpu.memory_space<hbm>> -> memref<8192x1024xf32, #tpu.memory_space<hbm>>
      tpu.enqueue_indirect_dma source(%dma_start3A_919 : memref<8192x1024xf32, #tpu.memory_space<hbm>>) target(%arg8 : memref<32x1024xf32, #tpu.memory_space<vmem>>) offsets(%dma_start3A_916 : memref<32xi32, #tpu.memory_space<vmem>>) semaphore(%arg13 : memref<!tpu.dma_semaphore, #tpu.memory_space<semaphore_mem>>)
    } else {
    }
    %gt3A_363 = arith.constant 3 : i32
    %gt3A_364 = arith.cmpi sgt, %select_n3A_106, %gt3A_363 : i32
    %convert_element_type3A_365 = arith.extui %gt3A_364 : i1 to i32
    %cond3A_366 = arith.constant 0 : i32
    %cond3A_367 = arith.cmpi ne, %convert_element_type3A_365, %cond3A_366 : i32
    scf.if %cond3A_367 {
      %dma_wait3A = arith.constant 3 : i32
      %dma_wait3A_914 = arith.constant 0 : i32
      %dma_wait3A_915 = tpu.memref_slice %arg10[%dma_wait3A, %dma_wait3A_914] : memref<16x32xi32, #tpu.memory_space<vmem>> -> memref<1x32xi32, #tpu.memory_space<vmem>>
      %dma_wait3A_916 = tpu.memref_squeeze %dma_wait3A_915 : memref<1x32xi32, #tpu.memory_space<vmem>> -> memref<32xi32, #tpu.memory_space<vmem>>
      %dma_wait3A_917 = arith.constant 0 : i32
      %dma_wait3A_918 = arith.constant 0 : i32
      %dma_wait3A_919 = tpu.memref_slice %arg2[%dma_wait3A_917, %dma_wait3A_918] : memref<8192x1024xf32, #tpu.memory_space<hbm>> -> memref<8192x1024xf32, #tpu.memory_space<hbm>>
      tpu.wait_indirect_dma semaphore(%arg12 : memref<!tpu.dma_semaphore, #tpu.memory_space<semaphore_mem>>) src(%dma_wait3A_919 : memref<8192x1024xf32, #tpu.memory_space<hbm>>) dst(%arg7 : memref<32x1024xf32, #tpu.memory_space<vmem>>)
      %add3A_920 = arith.constant 96 : i32
      %add3A_921 = arith.addi %add3A_52, %add3A_920 : i32
      %multiple_of3A_922 = tpu.assume_multiple %add3A_921, 32 : i32
      %dma_start3A = arith.constant 0 : i32
      %dma_start3A_923 = tpu.memref_slice %arg4[%multiple_of3A_922, %dma_start3A] : memref<16384x1024xf32, #tpu.memory_space<hbm>> -> memref<32x1024xf32, #tpu.memory_space<hbm>>
      %dma_start3A_924 = arith.constant 0 : i32
      %dma_start3A_925 = tpu.memref_slice %arg4[%multiple_of3A_922, %dma_start3A_924] : memref<16384x1024xf32, #tpu.memory_space<hbm>> -> memref<32x1024xf32, #tpu.memory_space<hbm>>
      tpu.enqueue_dma source(%arg7 : memref<32x1024xf32, #tpu.memory_space<vmem>>) target(%dma_start3A_925 : memref<32x1024xf32, #tpu.memory_space<hbm>>) target_semaphore(%arg15 : memref<!tpu.dma_semaphore, #tpu.memory_space<semaphore_mem>>)
    } else {
    }
    %gt3A_368 = arith.constant 2 : i32
    %gt3A_369 = arith.cmpi sgt, %select_n3A_106, %gt3A_368 : i32
    %convert_element_type3A_370 = arith.extui %gt3A_369 : i1 to i32
    %cond3A_371 = arith.constant 0 : i32
    %cond3A_372 = arith.cmpi ne, %convert_element_type3A_370, %cond3A_371 : i32
    scf.if %cond3A_372 {
      %add3A_914 = arith.constant 64 : i32
      %add3A_915 = arith.addi %add3A_52, %add3A_914 : i32
      %multiple_of3A_916 = tpu.assume_multiple %add3A_915, 32 : i32
      %dma_wait3A = arith.constant 0 : i32
      %dma_wait3A_917 = tpu.memref_slice %arg4[%multiple_of3A_916, %dma_wait3A] : memref<16384x1024xf32, #tpu.memory_space<hbm>> -> memref<32x1024xf32, #tpu.memory_space<hbm>>
      %dma_wait3A_918 = arith.constant 0 : i32
      %dma_wait3A_919 = tpu.memref_slice %arg4[%multiple_of3A_916, %dma_wait3A_918] : memref<16384x1024xf32, #tpu.memory_space<hbm>> -> memref<32x1024xf32, #tpu.memory_space<hbm>>
      tpu.wait_dma2 semaphore(%arg17 : memref<!tpu.dma_semaphore, #tpu.memory_space<semaphore_mem>>) src(%arg9 : memref<32x1024xf32, #tpu.memory_space<vmem>>) dst(%dma_wait3A_919 : memref<32x1024xf32, #tpu.memory_space<hbm>>)
    } else {
    }
    %add3A_373 = arith.constant 160 : i32
    %add3A_374 = arith.addi %add3A_125, %add3A_373 : i32
    %add3A_375 = vector.broadcast %add3A_374 : i32 to vector<16xi32>
    %add3A_376 = arith.addi %add3A_375, %iota3A : vector<16xi32>
    %min3A_377 = arith.constant 8191 : i32
    %min3A_378 = vector.broadcast %min3A_377 : i32 to vector<16xi32>
    %min3A_379 = arith.minsi %add3A_376, %min3A_378 : vector<16xi32>
    %swap3A_380 = arith.constant 5 : i32
    %swap3A_381 = arith.index_cast %swap3A_380 : i32 to index
    %swap3A_382 = arith.constant 0 : index
    %swap3A_383 = tpu.vector_load %arg10[%swap3A_381, %swap3A_382] {strides = array<i32>} : memref<16x32xi32, #tpu.memory_space<vmem>>, vector<16xi32>,
    tpu.vector_store %arg10[%swap3A_381, %swap3A_382], %min3A_379 {strides = array<i32>} : memref<16x32xi32, #tpu.memory_space<vmem>>, vector<16xi32>,
    %add3A_384 = arith.constant 176 : i32
    %add3A_385 = arith.addi %add3A_125, %add3A_384 : i32
    %add3A_386 = vector.broadcast %add3A_385 : i32 to vector<16xi32>
    %add3A_387 = arith.addi %add3A_386, %iota3A : vector<16xi32>
    %min3A_388 = arith.constant 8191 : i32
    %min3A_389 = vector.broadcast %min3A_388 : i32 to vector<16xi32>
    %min3A_390 = arith.minsi %add3A_387, %min3A_389 : vector<16xi32>
    %swap3A_391 = arith.constant 5 : i32
    %swap3A_392 = arith.index_cast %swap3A_391 : i32 to index
    %swap3A_393 = arith.constant 16 : index
    %swap3A_394 = tpu.vector_load %arg10[%swap3A_392, %swap3A_393] {strides = array<i32>} : memref<16x32xi32, #tpu.memory_space<vmem>>, vector<16xi32>,
    tpu.vector_store %arg10[%swap3A_392, %swap3A_393], %min3A_390 {strides = array<i32>} : memref<16x32xi32, #tpu.memory_space<vmem>>, vector<16xi32>,
    %gt3A_395 = arith.constant 5 : i32
    %gt3A_396 = arith.cmpi sgt, %select_n3A_106, %gt3A_395 : i32
    %convert_element_type3A_397 = arith.extui %gt3A_396 : i1 to i32
    %cond3A_398 = arith.constant 0 : i32
    %cond3A_399 = arith.cmpi ne, %convert_element_type3A_397, %cond3A_398 : i32
    scf.if %cond3A_399 {
      %dma_start3A = arith.constant 5 : i32
      %dma_start3A_914 = arith.constant 0 : i32
      %dma_start3A_915 = tpu.memref_slice %arg10[%dma_start3A, %dma_start3A_914] : memref<16x32xi32, #tpu.memory_space<vmem>> -> memref<1x32xi32, #tpu.memory_space<vmem>>
      %dma_start3A_916 = tpu.memref_squeeze %dma_start3A_915 : memref<1x32xi32, #tpu.memory_space<vmem>> -> memref<32xi32, #tpu.memory_space<vmem>>
      %dma_start3A_917 = arith.constant 0 : i32
      %dma_start3A_918 = arith.constant 0 : i32
      %dma_start3A_919 = tpu.memref_slice %arg2[%dma_start3A_917, %dma_start3A_918] : memref<8192x1024xf32, #tpu.memory_space<hbm>> -> memref<8192x1024xf32, #tpu.memory_space<hbm>>
      tpu.enqueue_indirect_dma source(%dma_start3A_919 : memref<8192x1024xf32, #tpu.memory_space<hbm>>) target(%arg9 : memref<32x1024xf32, #tpu.memory_space<vmem>>) offsets(%dma_start3A_916 : memref<32xi32, #tpu.memory_space<vmem>>) semaphore(%arg14 : memref<!tpu.dma_semaphore, #tpu.memory_space<semaphore_mem>>)
    } else {
    }
    %gt3A_400 = arith.constant 4 : i32
    %gt3A_401 = arith.cmpi sgt, %select_n3A_106, %gt3A_400 : i32
    %convert_element_type3A_402 = arith.extui %gt3A_401 : i1 to i32
    %cond3A_403 = arith.constant 0 : i32
    %cond3A_404 = arith.cmpi ne, %convert_element_type3A_402, %cond3A_403 : i32
    scf.if %cond3A_404 {
      %dma_wait3A = arith.constant 4 : i32
      %dma_wait3A_914 = arith.constant 0 : i32
      %dma_wait3A_915 = tpu.memref_slice %arg10[%dma_wait3A, %dma_wait3A_914] : memref<16x32xi32, #tpu.memory_space<vmem>> -> memref<1x32xi32, #tpu.memory_space<vmem>>
      %dma_wait3A_916 = tpu.memref_squeeze %dma_wait3A_915 : memref<1x32xi32, #tpu.memory_space<vmem>> -> memref<32xi32, #tpu.memory_space<vmem>>
      %dma_wait3A_917 = arith.constant 0 : i32
      %dma_wait3A_918 = arith.constant 0 : i32
      %dma_wait3A_919 = tpu.memref_slice %arg2[%dma_wait3A_917, %dma_wait3A_918] : memref<8192x1024xf32, #tpu.memory_space<hbm>> -> memref<8192x1024xf32, #tpu.memory_space<hbm>>
      tpu.wait_indirect_dma semaphore(%arg13 : memref<!tpu.dma_semaphore, #tpu.memory_space<semaphore_mem>>) src(%dma_wait3A_919 : memref<8192x1024xf32, #tpu.memory_space<hbm>>) dst(%arg8 : memref<32x1024xf32, #tpu.memory_space<vmem>>)
      %add3A_920 = arith.constant 128 : i32
      %add3A_921 = arith.addi %add3A_52, %add3A_920 : i32
      %multiple_of3A_922 = tpu.assume_multiple %add3A_921, 32 : i32
      %dma_start3A = arith.constant 0 : i32
      %dma_start3A_923 = tpu.memref_slice %arg4[%multiple_of3A_922, %dma_start3A] : memref<16384x1024xf32, #tpu.memory_space<hbm>> -> memref<32x1024xf32, #tpu.memory_space<hbm>>
      %dma_start3A_924 = arith.constant 0 : i32
      %dma_start3A_925 = tpu.memref_slice %arg4[%multiple_of3A_922, %dma_start3A_924] : memref<16384x1024xf32, #tpu.memory_space<hbm>> -> memref<32x1024xf32, #tpu.memory_space<hbm>>
      tpu.enqueue_dma source(%arg8 : memref<32x1024xf32, #tpu.memory_space<vmem>>) target(%dma_start3A_925 : memref<32x1024xf32, #tpu.memory_space<hbm>>) target_semaphore(%arg16 : memref<!tpu.dma_semaphore, #tpu.memory_space<semaphore_mem>>)
    } else {
    }
    %gt3A_405 = arith.constant 3 : i32
    %gt3A_406 = arith.cmpi sgt, %select_n3A_106, %gt3A_405 : i32
    %convert_element_type3A_407 = arith.extui %gt3A_406 : i1 to i32
    %cond3A_408 = arith.constant 0 : i32
    %cond3A_409 = arith.cmpi ne, %convert_element_type3A_407, %cond3A_408 : i32
    scf.if %cond3A_409 {
      %add3A_914 = arith.constant 96 : i32
      %add3A_915 = arith.addi %add3A_52, %add3A_914 : i32
      %multiple_of3A_916 = tpu.assume_multiple %add3A_915, 32 : i32
      %dma_wait3A = arith.constant 0 : i32
      %dma_wait3A_917 = tpu.memref_slice %arg4[%multiple_of3A_916, %dma_wait3A] : memref<16384x1024xf32, #tpu.memory_space<hbm>> -> memref<32x1024xf32, #tpu.memory_space<hbm>>
      %dma_wait3A_918 = arith.constant 0 : i32
      %dma_wait3A_919 = tpu.memref_slice %arg4[%multiple_of3A_916, %dma_wait3A_918] : memref<16384x1024xf32, #tpu.memory_space<hbm>> -> memref<32x1024xf32, #tpu.memory_space<hbm>>
      tpu.wait_dma2 semaphore(%arg15 : memref<!tpu.dma_semaphore, #tpu.memory_space<semaphore_mem>>) src(%arg7 : memref<32x1024xf32, #tpu.memory_space<vmem>>) dst(%dma_wait3A_919 : memref<32x1024xf32, #tpu.memory_space<hbm>>)
    } else {
    }
    %add3A_410 = arith.constant 192 : i32
    %add3A_411 = arith.addi %add3A_125, %add3A_410 : i32
    %add3A_412 = vector.broadcast %add3A_411 : i32 to vector<16xi32>
    %add3A_413 = arith.addi %add3A_412, %iota3A : vector<16xi32>
    %min3A_414 = arith.constant 8191 : i32
    %min3A_415 = vector.broadcast %min3A_414 : i32 to vector<16xi32>
    %min3A_416 = arith.minsi %add3A_413, %min3A_415 : vector<16xi32>
    %swap3A_417 = arith.constant 6 : i32
    %swap3A_418 = arith.index_cast %swap3A_417 : i32 to index
    %swap3A_419 = arith.constant 0 : index
    %swap3A_420 = tpu.vector_load %arg10[%swap3A_418, %swap3A_419] {strides = array<i32>} : memref<16x32xi32, #tpu.memory_space<vmem>>, vector<16xi32>,
    tpu.vector_store %arg10[%swap3A_418, %swap3A_419], %min3A_416 {strides = array<i32>} : memref<16x32xi32, #tpu.memory_space<vmem>>, vector<16xi32>,
    %add3A_421 = arith.constant 208 : i32
    %add3A_422 = arith.addi %add3A_125, %add3A_421 : i32
    %add3A_423 = vector.broadcast %add3A_422 : i32 to vector<16xi32>
    %add3A_424 = arith.addi %add3A_423, %iota3A : vector<16xi32>
    %min3A_425 = arith.constant 8191 : i32
    %min3A_426 = vector.broadcast %min3A_425 : i32 to vector<16xi32>
    %min3A_427 = arith.minsi %add3A_424, %min3A_426 : vector<16xi32>
    %swap3A_428 = arith.constant 6 : i32
    %swap3A_429 = arith.index_cast %swap3A_428 : i32 to index
    %swap3A_430 = arith.constant 16 : index
    %swap3A_431 = tpu.vector_load %arg10[%swap3A_429, %swap3A_430] {strides = array<i32>} : memref<16x32xi32, #tpu.memory_space<vmem>>, vector<16xi32>,
    tpu.vector_store %arg10[%swap3A_429, %swap3A_430], %min3A_427 {strides = array<i32>} : memref<16x32xi32, #tpu.memory_space<vmem>>, vector<16xi32>,
    %gt3A_432 = arith.constant 6 : i32
    %gt3A_433 = arith.cmpi sgt, %select_n3A_106, %gt3A_432 : i32
    %convert_element_type3A_434 = arith.extui %gt3A_433 : i1 to i32
    %cond3A_435 = arith.constant 0 : i32
    %cond3A_436 = arith.cmpi ne, %convert_element_type3A_434, %cond3A_435 : i32
    scf.if %cond3A_436 {
      %dma_start3A = arith.constant 6 : i32
      %dma_start3A_914 = arith.constant 0 : i32
      %dma_start3A_915 = tpu.memref_slice %arg10[%dma_start3A, %dma_start3A_914] : memref<16x32xi32, #tpu.memory_space<vmem>> -> memref<1x32xi32, #tpu.memory_space<vmem>>
      %dma_start3A_916 = tpu.memref_squeeze %dma_start3A_915 : memref<1x32xi32, #tpu.memory_space<vmem>> -> memref<32xi32, #tpu.memory_space<vmem>>
      %dma_start3A_917 = arith.constant 0 : i32
      %dma_start3A_918 = arith.constant 0 : i32
      %dma_start3A_919 = tpu.memref_slice %arg2[%dma_start3A_917, %dma_start3A_918] : memref<8192x1024xf32, #tpu.memory_space<hbm>> -> memref<8192x1024xf32, #tpu.memory_space<hbm>>
      tpu.enqueue_indirect_dma source(%dma_start3A_919 : memref<8192x1024xf32, #tpu.memory_space<hbm>>) target(%arg7 : memref<32x1024xf32, #tpu.memory_space<vmem>>) offsets(%dma_start3A_916 : memref<32xi32, #tpu.memory_space<vmem>>) semaphore(%arg12 : memref<!tpu.dma_semaphore, #tpu.memory_space<semaphore_mem>>)
    } else {
    }
    %gt3A_437 = arith.constant 5 : i32
    %gt3A_438 = arith.cmpi sgt, %select_n3A_106, %gt3A_437 : i32
    %convert_element_type3A_439 = arith.extui %gt3A_438 : i1 to i32
    %cond3A_440 = arith.constant 0 : i32
    %cond3A_441 = arith.cmpi ne, %convert_element_type3A_439, %cond3A_440 : i32
    scf.if %cond3A_441 {
      %dma_wait3A = arith.constant 5 : i32
      %dma_wait3A_914 = arith.constant 0 : i32
      %dma_wait3A_915 = tpu.memref_slice %arg10[%dma_wait3A, %dma_wait3A_914] : memref<16x32xi32, #tpu.memory_space<vmem>> -> memref<1x32xi32, #tpu.memory_space<vmem>>
      %dma_wait3A_916 = tpu.memref_squeeze %dma_wait3A_915 : memref<1x32xi32, #tpu.memory_space<vmem>> -> memref<32xi32, #tpu.memory_space<vmem>>
      %dma_wait3A_917 = arith.constant 0 : i32
      %dma_wait3A_918 = arith.constant 0 : i32
      %dma_wait3A_919 = tpu.memref_slice %arg2[%dma_wait3A_917, %dma_wait3A_918] : memref<8192x1024xf32, #tpu.memory_space<hbm>> -> memref<8192x1024xf32, #tpu.memory_space<hbm>>
      tpu.wait_indirect_dma semaphore(%arg14 : memref<!tpu.dma_semaphore, #tpu.memory_space<semaphore_mem>>) src(%dma_wait3A_919 : memref<8192x1024xf32, #tpu.memory_space<hbm>>) dst(%arg9 : memref<32x1024xf32, #tpu.memory_space<vmem>>)
      %add3A_920 = arith.constant 160 : i32
      %add3A_921 = arith.addi %add3A_52, %add3A_920 : i32
      %multiple_of3A_922 = tpu.assume_multiple %add3A_921, 32 : i32
      %dma_start3A = arith.constant 0 : i32
      %dma_start3A_923 = tpu.memref_slice %arg4[%multiple_of3A_922, %dma_start3A] : memref<16384x1024xf32, #tpu.memory_space<hbm>> -> memref<32x1024xf32, #tpu.memory_space<hbm>>
      %dma_start3A_924 = arith.constant 0 : i32
      %dma_start3A_925 = tpu.memref_slice %arg4[%multiple_of3A_922, %dma_start3A_924] : memref<16384x1024xf32, #tpu.memory_space<hbm>> -> memref<32x1024xf32, #tpu.memory_space<hbm>>
      tpu.enqueue_dma source(%arg9 : memref<32x1024xf32, #tpu.memory_space<vmem>>) target(%dma_start3A_925 : memref<32x1024xf32, #tpu.memory_space<hbm>>) target_semaphore(%arg17 : memref<!tpu.dma_semaphore, #tpu.memory_space<semaphore_mem>>)
    } else {
    }
    %gt3A_442 = arith.constant 4 : i32
    %gt3A_443 = arith.cmpi sgt, %select_n3A_106, %gt3A_442 : i32
    %convert_element_type3A_444 = arith.extui %gt3A_443 : i1 to i32
    %cond3A_445 = arith.constant 0 : i32
    %cond3A_446 = arith.cmpi ne, %convert_element_type3A_444, %cond3A_445 : i32
    scf.if %cond3A_446 {
      %add3A_914 = arith.constant 128 : i32
      %add3A_915 = arith.addi %add3A_52, %add3A_914 : i32
      %multiple_of3A_916 = tpu.assume_multiple %add3A_915, 32 : i32
      %dma_wait3A = arith.constant 0 : i32
      %dma_wait3A_917 = tpu.memref_slice %arg4[%multiple_of3A_916, %dma_wait3A] : memref<16384x1024xf32, #tpu.memory_space<hbm>> -> memref<32x1024xf32, #tpu.memory_space<hbm>>
      %dma_wait3A_918 = arith.constant 0 : i32
      %dma_wait3A_919 = tpu.memref_slice %arg4[%multiple_of3A_916, %dma_wait3A_918] : memref<16384x1024xf32, #tpu.memory_space<hbm>> -> memref<32x1024xf32, #tpu.memory_space<hbm>>
      tpu.wait_dma2 semaphore(%arg16 : memref<!tpu.dma_semaphore, #tpu.memory_space<semaphore_mem>>) src(%arg8 : memref<32x1024xf32, #tpu.memory_space<vmem>>) dst(%dma_wait3A_919 : memref<32x1024xf32, #tpu.memory_space<hbm>>)
    } else {
    }
    %add3A_447 = arith.constant 224 : i32
    %add3A_448 = arith.addi %add3A_125, %add3A_447 : i32
    %add3A_449 = vector.broadcast %add3A_448 : i32 to vector<16xi32>
    %add3A_450 = arith.addi %add3A_449, %iota3A : vector<16xi32>
    %min3A_451 = arith.constant 8191 : i32
    %min3A_452 = vector.broadcast %min3A_451 : i32 to vector<16xi32>
    %min3A_453 = arith.minsi %add3A_450, %min3A_452 : vector<16xi32>
    %swap3A_454 = arith.constant 7 : i32
    %swap3A_455 = arith.index_cast %swap3A_454 : i32 to index
    %swap3A_456 = arith.constant 0 : index
    %swap3A_457 = tpu.vector_load %arg10[%swap3A_455, %swap3A_456] {strides = array<i32>} : memref<16x32xi32, #tpu.memory_space<vmem>>, vector<16xi32>,
    tpu.vector_store %arg10[%swap3A_455, %swap3A_456], %min3A_453 {strides = array<i32>} : memref<16x32xi32, #tpu.memory_space<vmem>>, vector<16xi32>,
    %add3A_458 = arith.constant 240 : i32
    %add3A_459 = arith.addi %add3A_125, %add3A_458 : i32
    %add3A_460 = vector.broadcast %add3A_459 : i32 to vector<16xi32>
    %add3A_461 = arith.addi %add3A_460, %iota3A : vector<16xi32>
    %min3A_462 = arith.constant 8191 : i32
    %min3A_463 = vector.broadcast %min3A_462 : i32 to vector<16xi32>
    %min3A_464 = arith.minsi %add3A_461, %min3A_463 : vector<16xi32>
    %swap3A_465 = arith.constant 7 : i32
    %swap3A_466 = arith.index_cast %swap3A_465 : i32 to index
    %swap3A_467 = arith.constant 16 : index
    %swap3A_468 = tpu.vector_load %arg10[%swap3A_466, %swap3A_467] {strides = array<i32>} : memref<16x32xi32, #tpu.memory_space<vmem>>, vector<16xi32>,
    tpu.vector_store %arg10[%swap3A_466, %swap3A_467], %min3A_464 {strides = array<i32>} : memref<16x32xi32, #tpu.memory_space<vmem>>, vector<16xi32>,
    %gt3A_469 = arith.constant 7 : i32
    %gt3A_470 = arith.cmpi sgt, %select_n3A_106, %gt3A_469 : i32
    %convert_element_type3A_471 = arith.extui %gt3A_470 : i1 to i32
    %cond3A_472 = arith.constant 0 : i32
    %cond3A_473 = arith.cmpi ne, %convert_element_type3A_471, %cond3A_472 : i32
    scf.if %cond3A_473 {
      %dma_start3A = arith.constant 7 : i32
      %dma_start3A_914 = arith.constant 0 : i32
      %dma_start3A_915 = tpu.memref_slice %arg10[%dma_start3A, %dma_start3A_914] : memref<16x32xi32, #tpu.memory_space<vmem>> -> memref<1x32xi32, #tpu.memory_space<vmem>>
      %dma_start3A_916 = tpu.memref_squeeze %dma_start3A_915 : memref<1x32xi32, #tpu.memory_space<vmem>> -> memref<32xi32, #tpu.memory_space<vmem>>
      %dma_start3A_917 = arith.constant 0 : i32
      %dma_start3A_918 = arith.constant 0 : i32
      %dma_start3A_919 = tpu.memref_slice %arg2[%dma_start3A_917, %dma_start3A_918] : memref<8192x1024xf32, #tpu.memory_space<hbm>> -> memref<8192x1024xf32, #tpu.memory_space<hbm>>
      tpu.enqueue_indirect_dma source(%dma_start3A_919 : memref<8192x1024xf32, #tpu.memory_space<hbm>>) target(%arg8 : memref<32x1024xf32, #tpu.memory_space<vmem>>) offsets(%dma_start3A_916 : memref<32xi32, #tpu.memory_space<vmem>>) semaphore(%arg13 : memref<!tpu.dma_semaphore, #tpu.memory_space<semaphore_mem>>)
    } else {
    }
    %gt3A_474 = arith.constant 6 : i32
    %gt3A_475 = arith.cmpi sgt, %select_n3A_106, %gt3A_474 : i32
    %convert_element_type3A_476 = arith.extui %gt3A_475 : i1 to i32
    %cond3A_477 = arith.constant 0 : i32
    %cond3A_478 = arith.cmpi ne, %convert_element_type3A_476, %cond3A_477 : i32
    scf.if %cond3A_478 {
      %dma_wait3A = arith.constant 6 : i32
      %dma_wait3A_914 = arith.constant 0 : i32
      %dma_wait3A_915 = tpu.memref_slice %arg10[%dma_wait3A, %dma_wait3A_914] : memref<16x32xi32, #tpu.memory_space<vmem>> -> memref<1x32xi32, #tpu.memory_space<vmem>>
      %dma_wait3A_916 = tpu.memref_squeeze %dma_wait3A_915 : memref<1x32xi32, #tpu.memory_space<vmem>> -> memref<32xi32, #tpu.memory_space<vmem>>
      %dma_wait3A_917 = arith.constant 0 : i32
      %dma_wait3A_918 = arith.constant 0 : i32
      %dma_wait3A_919 = tpu.memref_slice %arg2[%dma_wait3A_917, %dma_wait3A_918] : memref<8192x1024xf32, #tpu.memory_space<hbm>> -> memref<8192x1024xf32, #tpu.memory_space<hbm>>
      tpu.wait_indirect_dma semaphore(%arg12 : memref<!tpu.dma_semaphore, #tpu.memory_space<semaphore_mem>>) src(%dma_wait3A_919 : memref<8192x1024xf32, #tpu.memory_space<hbm>>) dst(%arg7 : memref<32x1024xf32, #tpu.memory_space<vmem>>)
      %add3A_920 = arith.constant 192 : i32
      %add3A_921 = arith.addi %add3A_52, %add3A_920 : i32
      %multiple_of3A_922 = tpu.assume_multiple %add3A_921, 32 : i32
      %dma_start3A = arith.constant 0 : i32
      %dma_start3A_923 = tpu.memref_slice %arg4[%multiple_of3A_922, %dma_start3A] : memref<16384x1024xf32, #tpu.memory_space<hbm>> -> memref<32x1024xf32, #tpu.memory_space<hbm>>
      %dma_start3A_924 = arith.constant 0 : i32
      %dma_start3A_925 = tpu.memref_slice %arg4[%multiple_of3A_922, %dma_start3A_924] : memref<16384x1024xf32, #tpu.memory_space<hbm>> -> memref<32x1024xf32, #tpu.memory_space<hbm>>
      tpu.enqueue_dma source(%arg7 : memref<32x1024xf32, #tpu.memory_space<vmem>>) target(%dma_start3A_925 : memref<32x1024xf32, #tpu.memory_space<hbm>>) target_semaphore(%arg15 : memref<!tpu.dma_semaphore, #tpu.memory_space<semaphore_mem>>)
    } else {
    }
    %gt3A_479 = arith.constant 5 : i32
    %gt3A_480 = arith.cmpi sgt, %select_n3A_106, %gt3A_479 : i32
    %convert_element_type3A_481 = arith.extui %gt3A_480 : i1 to i32
    %cond3A_482 = arith.constant 0 : i32
    %cond3A_483 = arith.cmpi ne, %convert_element_type3A_481, %cond3A_482 : i32
    scf.if %cond3A_483 {
      %add3A_914 = arith.constant 160 : i32
      %add3A_915 = arith.addi %add3A_52, %add3A_914 : i32
      %multiple_of3A_916 = tpu.assume_multiple %add3A_915, 32 : i32
      %dma_wait3A = arith.constant 0 : i32
      %dma_wait3A_917 = tpu.memref_slice %arg4[%multiple_of3A_916, %dma_wait3A] : memref<16384x1024xf32, #tpu.memory_space<hbm>> -> memref<32x1024xf32, #tpu.memory_space<hbm>>
      %dma_wait3A_918 = arith.constant 0 : i32
      %dma_wait3A_919 = tpu.memref_slice %arg4[%multiple_of3A_916, %dma_wait3A_918] : memref<16384x1024xf32, #tpu.memory_space<hbm>> -> memref<32x1024xf32, #tpu.memory_space<hbm>>
      tpu.wait_dma2 semaphore(%arg17 : memref<!tpu.dma_semaphore, #tpu.memory_space<semaphore_mem>>) src(%arg9 : memref<32x1024xf32, #tpu.memory_space<vmem>>) dst(%dma_wait3A_919 : memref<32x1024xf32, #tpu.memory_space<hbm>>)
    } else {
    }
    %add3A_484 = arith.constant 256 : i32
    %add3A_485 = arith.addi %add3A_125, %add3A_484 : i32
    %add3A_486 = vector.broadcast %add3A_485 : i32 to vector<16xi32>
    %add3A_487 = arith.addi %add3A_486, %iota3A : vector<16xi32>
    %min3A_488 = arith.constant 8191 : i32
    %min3A_489 = vector.broadcast %min3A_488 : i32 to vector<16xi32>
    %min3A_490 = arith.minsi %add3A_487, %min3A_489 : vector<16xi32>
    %swap3A_491 = arith.constant 8 : i32
    %swap3A_492 = arith.index_cast %swap3A_491 : i32 to index
    %swap3A_493 = arith.constant 0 : index
    %swap3A_494 = tpu.vector_load %arg10[%swap3A_492, %swap3A_493] {strides = array<i32>} : memref<16x32xi32, #tpu.memory_space<vmem>>, vector<16xi32>,
    tpu.vector_store %arg10[%swap3A_492, %swap3A_493], %min3A_490 {strides = array<i32>} : memref<16x32xi32, #tpu.memory_space<vmem>>, vector<16xi32>,
    %add3A_495 = arith.constant 272 : i32
    %add3A_496 = arith.addi %add3A_125, %add3A_495 : i32
    %add3A_497 = vector.broadcast %add3A_496 : i32 to vector<16xi32>
    %add3A_498 = arith.addi %add3A_497, %iota3A : vector<16xi32>
    %min3A_499 = arith.constant 8191 : i32
    %min3A_500 = vector.broadcast %min3A_499 : i32 to vector<16xi32>
    %min3A_501 = arith.minsi %add3A_498, %min3A_500 : vector<16xi32>
    %swap3A_502 = arith.constant 8 : i32
    %swap3A_503 = arith.index_cast %swap3A_502 : i32 to index
    %swap3A_504 = arith.constant 16 : index
    %swap3A_505 = tpu.vector_load %arg10[%swap3A_503, %swap3A_504] {strides = array<i32>} : memref<16x32xi32, #tpu.memory_space<vmem>>, vector<16xi32>,
    tpu.vector_store %arg10[%swap3A_503, %swap3A_504], %min3A_501 {strides = array<i32>} : memref<16x32xi32, #tpu.memory_space<vmem>>, vector<16xi32>,
    %gt3A_506 = arith.constant 8 : i32
    %gt3A_507 = arith.cmpi sgt, %select_n3A_106, %gt3A_506 : i32
    %convert_element_type3A_508 = arith.extui %gt3A_507 : i1 to i32
    %cond3A_509 = arith.constant 0 : i32
    %cond3A_510 = arith.cmpi ne, %convert_element_type3A_508, %cond3A_509 : i32
    scf.if %cond3A_510 {
      %dma_start3A = arith.constant 8 : i32
      %dma_start3A_914 = arith.constant 0 : i32
      %dma_start3A_915 = tpu.memref_slice %arg10[%dma_start3A, %dma_start3A_914] : memref<16x32xi32, #tpu.memory_space<vmem>> -> memref<1x32xi32, #tpu.memory_space<vmem>>
      %dma_start3A_916 = tpu.memref_squeeze %dma_start3A_915 : memref<1x32xi32, #tpu.memory_space<vmem>> -> memref<32xi32, #tpu.memory_space<vmem>>
      %dma_start3A_917 = arith.constant 0 : i32
      %dma_start3A_918 = arith.constant 0 : i32
      %dma_start3A_919 = tpu.memref_slice %arg2[%dma_start3A_917, %dma_start3A_918] : memref<8192x1024xf32, #tpu.memory_space<hbm>> -> memref<8192x1024xf32, #tpu.memory_space<hbm>>
      tpu.enqueue_indirect_dma source(%dma_start3A_919 : memref<8192x1024xf32, #tpu.memory_space<hbm>>) target(%arg9 : memref<32x1024xf32, #tpu.memory_space<vmem>>) offsets(%dma_start3A_916 : memref<32xi32, #tpu.memory_space<vmem>>) semaphore(%arg14 : memref<!tpu.dma_semaphore, #tpu.memory_space<semaphore_mem>>)
    } else {
    }
    %gt3A_511 = arith.constant 7 : i32
    %gt3A_512 = arith.cmpi sgt, %select_n3A_106, %gt3A_511 : i32
    %convert_element_type3A_513 = arith.extui %gt3A_512 : i1 to i32
    %cond3A_514 = arith.constant 0 : i32
    %cond3A_515 = arith.cmpi ne, %convert_element_type3A_513, %cond3A_514 : i32
    scf.if %cond3A_515 {
      %dma_wait3A = arith.constant 7 : i32
      %dma_wait3A_914 = arith.constant 0 : i32
      %dma_wait3A_915 = tpu.memref_slice %arg10[%dma_wait3A, %dma_wait3A_914] : memref<16x32xi32, #tpu.memory_space<vmem>> -> memref<1x32xi32, #tpu.memory_space<vmem>>
      %dma_wait3A_916 = tpu.memref_squeeze %dma_wait3A_915 : memref<1x32xi32, #tpu.memory_space<vmem>> -> memref<32xi32, #tpu.memory_space<vmem>>
      %dma_wait3A_917 = arith.constant 0 : i32
      %dma_wait3A_918 = arith.constant 0 : i32
      %dma_wait3A_919 = tpu.memref_slice %arg2[%dma_wait3A_917, %dma_wait3A_918] : memref<8192x1024xf32, #tpu.memory_space<hbm>> -> memref<8192x1024xf32, #tpu.memory_space<hbm>>
      tpu.wait_indirect_dma semaphore(%arg13 : memref<!tpu.dma_semaphore, #tpu.memory_space<semaphore_mem>>) src(%dma_wait3A_919 : memref<8192x1024xf32, #tpu.memory_space<hbm>>) dst(%arg8 : memref<32x1024xf32, #tpu.memory_space<vmem>>)
      %add3A_920 = arith.constant 224 : i32
      %add3A_921 = arith.addi %add3A_52, %add3A_920 : i32
      %multiple_of3A_922 = tpu.assume_multiple %add3A_921, 32 : i32
      %dma_start3A = arith.constant 0 : i32
      %dma_start3A_923 = tpu.memref_slice %arg4[%multiple_of3A_922, %dma_start3A] : memref<16384x1024xf32, #tpu.memory_space<hbm>> -> memref<32x1024xf32, #tpu.memory_space<hbm>>
      %dma_start3A_924 = arith.constant 0 : i32
      %dma_start3A_925 = tpu.memref_slice %arg4[%multiple_of3A_922, %dma_start3A_924] : memref<16384x1024xf32, #tpu.memory_space<hbm>> -> memref<32x1024xf32, #tpu.memory_space<hbm>>
      tpu.enqueue_dma source(%arg8 : memref<32x1024xf32, #tpu.memory_space<vmem>>) target(%dma_start3A_925 : memref<32x1024xf32, #tpu.memory_space<hbm>>) target_semaphore(%arg16 : memref<!tpu.dma_semaphore, #tpu.memory_space<semaphore_mem>>)
    } else {
    }
    %gt3A_516 = arith.constant 6 : i32
    %gt3A_517 = arith.cmpi sgt, %select_n3A_106, %gt3A_516 : i32
    %convert_element_type3A_518 = arith.extui %gt3A_517 : i1 to i32
    %cond3A_519 = arith.constant 0 : i32
    %cond3A_520 = arith.cmpi ne, %convert_element_type3A_518, %cond3A_519 : i32
    scf.if %cond3A_520 {
      %add3A_914 = arith.constant 192 : i32
      %add3A_915 = arith.addi %add3A_52, %add3A_914 : i32
      %multiple_of3A_916 = tpu.assume_multiple %add3A_915, 32 : i32
      %dma_wait3A = arith.constant 0 : i32
      %dma_wait3A_917 = tpu.memref_slice %arg4[%multiple_of3A_916, %dma_wait3A] : memref<16384x1024xf32, #tpu.memory_space<hbm>> -> memref<32x1024xf32, #tpu.memory_space<hbm>>
      %dma_wait3A_918 = arith.constant 0 : i32
      %dma_wait3A_919 = tpu.memref_slice %arg4[%multiple_of3A_916, %dma_wait3A_918] : memref<16384x1024xf32, #tpu.memory_space<hbm>> -> memref<32x1024xf32, #tpu.memory_space<hbm>>
      tpu.wait_dma2 semaphore(%arg15 : memref<!tpu.dma_semaphore, #tpu.memory_space<semaphore_mem>>) src(%arg7 : memref<32x1024xf32, #tpu.memory_space<vmem>>) dst(%dma_wait3A_919 : memref<32x1024xf32, #tpu.memory_space<hbm>>)
    } else {
    }
    %add3A_521 = arith.constant 288 : i32
    %add3A_522 = arith.addi %add3A_125, %add3A_521 : i32
    %add3A_523 = vector.broadcast %add3A_522 : i32 to vector<16xi32>
    %add3A_524 = arith.addi %add3A_523, %iota3A : vector<16xi32>
    %min3A_525 = arith.constant 8191 : i32
    %min3A_526 = vector.broadcast %min3A_525 : i32 to vector<16xi32>
    %min3A_527 = arith.minsi %add3A_524, %min3A_526 : vector<16xi32>
    %swap3A_528 = arith.constant 9 : i32
    %swap3A_529 = arith.index_cast %swap3A_528 : i32 to index
    %swap3A_530 = arith.constant 0 : index
    %swap3A_531 = tpu.vector_load %arg10[%swap3A_529, %swap3A_530] {strides = array<i32>} : memref<16x32xi32, #tpu.memory_space<vmem>>, vector<16xi32>,
    tpu.vector_store %arg10[%swap3A_529, %swap3A_530], %min3A_527 {strides = array<i32>} : memref<16x32xi32, #tpu.memory_space<vmem>>, vector<16xi32>,
    %add3A_532 = arith.constant 304 : i32
    %add3A_533 = arith.addi %add3A_125, %add3A_532 : i32
    %add3A_534 = vector.broadcast %add3A_533 : i32 to vector<16xi32>
    %add3A_535 = arith.addi %add3A_534, %iota3A : vector<16xi32>
    %min3A_536 = arith.constant 8191 : i32
    %min3A_537 = vector.broadcast %min3A_536 : i32 to vector<16xi32>
    %min3A_538 = arith.minsi %add3A_535, %min3A_537 : vector<16xi32>
    %swap3A_539 = arith.constant 9 : i32
    %swap3A_540 = arith.index_cast %swap3A_539 : i32 to index
    %swap3A_541 = arith.constant 16 : index
    %swap3A_542 = tpu.vector_load %arg10[%swap3A_540, %swap3A_541] {strides = array<i32>} : memref<16x32xi32, #tpu.memory_space<vmem>>, vector<16xi32>,
    tpu.vector_store %arg10[%swap3A_540, %swap3A_541], %min3A_538 {strides = array<i32>} : memref<16x32xi32, #tpu.memory_space<vmem>>, vector<16xi32>,
    %gt3A_543 = arith.constant 9 : i32
    %gt3A_544 = arith.cmpi sgt, %select_n3A_106, %gt3A_543 : i32
    %convert_element_type3A_545 = arith.extui %gt3A_544 : i1 to i32
    %cond3A_546 = arith.constant 0 : i32
    %cond3A_547 = arith.cmpi ne, %convert_element_type3A_545, %cond3A_546 : i32
    scf.if %cond3A_547 {
      %dma_start3A = arith.constant 9 : i32
      %dma_start3A_914 = arith.constant 0 : i32
      %dma_start3A_915 = tpu.memref_slice %arg10[%dma_start3A, %dma_start3A_914] : memref<16x32xi32, #tpu.memory_space<vmem>> -> memref<1x32xi32, #tpu.memory_space<vmem>>
      %dma_start3A_916 = tpu.memref_squeeze %dma_start3A_915 : memref<1x32xi32, #tpu.memory_space<vmem>> -> memref<32xi32, #tpu.memory_space<vmem>>
      %dma_start3A_917 = arith.constant 0 : i32
      %dma_start3A_918 = arith.constant 0 : i32
      %dma_start3A_919 = tpu.memref_slice %arg2[%dma_start3A_917, %dma_start3A_918] : memref<8192x1024xf32, #tpu.memory_space<hbm>> -> memref<8192x1024xf32, #tpu.memory_space<hbm>>
      tpu.enqueue_indirect_dma source(%dma_start3A_919 : memref<8192x1024xf32, #tpu.memory_space<hbm>>) target(%arg7 : memref<32x1024xf32, #tpu.memory_space<vmem>>) offsets(%dma_start3A_916 : memref<32xi32, #tpu.memory_space<vmem>>) semaphore(%arg12 : memref<!tpu.dma_semaphore, #tpu.memory_space<semaphore_mem>>)
    } else {
    }
    %gt3A_548 = arith.constant 8 : i32
    %gt3A_549 = arith.cmpi sgt, %select_n3A_106, %gt3A_548 : i32
    %convert_element_type3A_550 = arith.extui %gt3A_549 : i1 to i32
    %cond3A_551 = arith.constant 0 : i32
    %cond3A_552 = arith.cmpi ne, %convert_element_type3A_550, %cond3A_551 : i32
    scf.if %cond3A_552 {
      %dma_wait3A = arith.constant 8 : i32
      %dma_wait3A_914 = arith.constant 0 : i32
      %dma_wait3A_915 = tpu.memref_slice %arg10[%dma_wait3A, %dma_wait3A_914] : memref<16x32xi32, #tpu.memory_space<vmem>> -> memref<1x32xi32, #tpu.memory_space<vmem>>
      %dma_wait3A_916 = tpu.memref_squeeze %dma_wait3A_915 : memref<1x32xi32, #tpu.memory_space<vmem>> -> memref<32xi32, #tpu.memory_space<vmem>>
      %dma_wait3A_917 = arith.constant 0 : i32
      %dma_wait3A_918 = arith.constant 0 : i32
      %dma_wait3A_919 = tpu.memref_slice %arg2[%dma_wait3A_917, %dma_wait3A_918] : memref<8192x1024xf32, #tpu.memory_space<hbm>> -> memref<8192x1024xf32, #tpu.memory_space<hbm>>
      tpu.wait_indirect_dma semaphore(%arg14 : memref<!tpu.dma_semaphore, #tpu.memory_space<semaphore_mem>>) src(%dma_wait3A_919 : memref<8192x1024xf32, #tpu.memory_space<hbm>>) dst(%arg9 : memref<32x1024xf32, #tpu.memory_space<vmem>>)
      %add3A_920 = arith.constant 256 : i32
      %add3A_921 = arith.addi %add3A_52, %add3A_920 : i32
      %multiple_of3A_922 = tpu.assume_multiple %add3A_921, 32 : i32
      %dma_start3A = arith.constant 0 : i32
      %dma_start3A_923 = tpu.memref_slice %arg4[%multiple_of3A_922, %dma_start3A] : memref<16384x1024xf32, #tpu.memory_space<hbm>> -> memref<32x1024xf32, #tpu.memory_space<hbm>>
      %dma_start3A_924 = arith.constant 0 : i32
      %dma_start3A_925 = tpu.memref_slice %arg4[%multiple_of3A_922, %dma_start3A_924] : memref<16384x1024xf32, #tpu.memory_space<hbm>> -> memref<32x1024xf32, #tpu.memory_space<hbm>>
      tpu.enqueue_dma source(%arg9 : memref<32x1024xf32, #tpu.memory_space<vmem>>) target(%dma_start3A_925 : memref<32x1024xf32, #tpu.memory_space<hbm>>) target_semaphore(%arg17 : memref<!tpu.dma_semaphore, #tpu.memory_space<semaphore_mem>>)
    } else {
    }
    %gt3A_553 = arith.constant 7 : i32
    %gt3A_554 = arith.cmpi sgt, %select_n3A_106, %gt3A_553 : i32
    %convert_element_type3A_555 = arith.extui %gt3A_554 : i1 to i32
    %cond3A_556 = arith.constant 0 : i32
    %cond3A_557 = arith.cmpi ne, %convert_element_type3A_555, %cond3A_556 : i32
    scf.if %cond3A_557 {
      %add3A_914 = arith.constant 224 : i32
      %add3A_915 = arith.addi %add3A_52, %add3A_914 : i32
      %multiple_of3A_916 = tpu.assume_multiple %add3A_915, 32 : i32
      %dma_wait3A = arith.constant 0 : i32
      %dma_wait3A_917 = tpu.memref_slice %arg4[%multiple_of3A_916, %dma_wait3A] : memref<16384x1024xf32, #tpu.memory_space<hbm>> -> memref<32x1024xf32, #tpu.memory_space<hbm>>
      %dma_wait3A_918 = arith.constant 0 : i32
      %dma_wait3A_919 = tpu.memref_slice %arg4[%multiple_of3A_916, %dma_wait3A_918] : memref<16384x1024xf32, #tpu.memory_space<hbm>> -> memref<32x1024xf32, #tpu.memory_space<hbm>>
      tpu.wait_dma2 semaphore(%arg16 : memref<!tpu.dma_semaphore, #tpu.memory_space<semaphore_mem>>) src(%arg8 : memref<32x1024xf32, #tpu.memory_space<vmem>>) dst(%dma_wait3A_919 : memref<32x1024xf32, #tpu.memory_space<hbm>>)
    } else {
    }
    %add3A_558 = arith.constant 320 : i32
    %add3A_559 = arith.addi %add3A_125, %add3A_558 : i32
    %add3A_560 = vector.broadcast %add3A_559 : i32 to vector<16xi32>
    %add3A_561 = arith.addi %add3A_560, %iota3A : vector<16xi32>
    %min3A_562 = arith.constant 8191 : i32
    %min3A_563 = vector.broadcast %min3A_562 : i32 to vector<16xi32>
    %min3A_564 = arith.minsi %add3A_561, %min3A_563 : vector<16xi32>
    %swap3A_565 = arith.constant 10 : i32
    %swap3A_566 = arith.index_cast %swap3A_565 : i32 to index
    %swap3A_567 = arith.constant 0 : index
    %swap3A_568 = tpu.vector_load %arg10[%swap3A_566, %swap3A_567] {strides = array<i32>} : memref<16x32xi32, #tpu.memory_space<vmem>>, vector<16xi32>,
    tpu.vector_store %arg10[%swap3A_566, %swap3A_567], %min3A_564 {strides = array<i32>} : memref<16x32xi32, #tpu.memory_space<vmem>>, vector<16xi32>,
    %add3A_569 = arith.constant 336 : i32
    %add3A_570 = arith.addi %add3A_125, %add3A_569 : i32
    %add3A_571 = vector.broadcast %add3A_570 : i32 to vector<16xi32>
    %add3A_572 = arith.addi %add3A_571, %iota3A : vector<16xi32>
    %min3A_573 = arith.constant 8191 : i32
    %min3A_574 = vector.broadcast %min3A_573 : i32 to vector<16xi32>
    %min3A_575 = arith.minsi %add3A_572, %min3A_574 : vector<16xi32>
    %swap3A_576 = arith.constant 10 : i32
    %swap3A_577 = arith.index_cast %swap3A_576 : i32 to index
    %swap3A_578 = arith.constant 16 : index
    %swap3A_579 = tpu.vector_load %arg10[%swap3A_577, %swap3A_578] {strides = array<i32>} : memref<16x32xi32, #tpu.memory_space<vmem>>, vector<16xi32>,
    tpu.vector_store %arg10[%swap3A_577, %swap3A_578], %min3A_575 {strides = array<i32>} : memref<16x32xi32, #tpu.memory_space<vmem>>, vector<16xi32>,
    %gt3A_580 = arith.constant 10 : i32
    %gt3A_581 = arith.cmpi sgt, %select_n3A_106, %gt3A_580 : i32
    %convert_element_type3A_582 = arith.extui %gt3A_581 : i1 to i32
    %cond3A_583 = arith.constant 0 : i32
    %cond3A_584 = arith.cmpi ne, %convert_element_type3A_582, %cond3A_583 : i32
    scf.if %cond3A_584 {
      %dma_start3A = arith.constant 10 : i32
      %dma_start3A_914 = arith.constant 0 : i32
      %dma_start3A_915 = tpu.memref_slice %arg10[%dma_start3A, %dma_start3A_914] : memref<16x32xi32, #tpu.memory_space<vmem>> -> memref<1x32xi32, #tpu.memory_space<vmem>>
      %dma_start3A_916 = tpu.memref_squeeze %dma_start3A_915 : memref<1x32xi32, #tpu.memory_space<vmem>> -> memref<32xi32, #tpu.memory_space<vmem>>
      %dma_start3A_917 = arith.constant 0 : i32
      %dma_start3A_918 = arith.constant 0 : i32
      %dma_start3A_919 = tpu.memref_slice %arg2[%dma_start3A_917, %dma_start3A_918] : memref<8192x1024xf32, #tpu.memory_space<hbm>> -> memref<8192x1024xf32, #tpu.memory_space<hbm>>
      tpu.enqueue_indirect_dma source(%dma_start3A_919 : memref<8192x1024xf32, #tpu.memory_space<hbm>>) target(%arg8 : memref<32x1024xf32, #tpu.memory_space<vmem>>) offsets(%dma_start3A_916 : memref<32xi32, #tpu.memory_space<vmem>>) semaphore(%arg13 : memref<!tpu.dma_semaphore, #tpu.memory_space<semaphore_mem>>)
    } else {
    }
    %gt3A_585 = arith.constant 9 : i32
    %gt3A_586 = arith.cmpi sgt, %select_n3A_106, %gt3A_585 : i32
    %convert_element_type3A_587 = arith.extui %gt3A_586 : i1 to i32
    %cond3A_588 = arith.constant 0 : i32
    %cond3A_589 = arith.cmpi ne, %convert_element_type3A_587, %cond3A_588 : i32
    scf.if %cond3A_589 {
      %dma_wait3A = arith.constant 9 : i32
      %dma_wait3A_914 = arith.constant 0 : i32
      %dma_wait3A_915 = tpu.memref_slice %arg10[%dma_wait3A, %dma_wait3A_914] : memref<16x32xi32, #tpu.memory_space<vmem>> -> memref<1x32xi32, #tpu.memory_space<vmem>>
      %dma_wait3A_916 = tpu.memref_squeeze %dma_wait3A_915 : memref<1x32xi32, #tpu.memory_space<vmem>> -> memref<32xi32, #tpu.memory_space<vmem>>
      %dma_wait3A_917 = arith.constant 0 : i32
      %dma_wait3A_918 = arith.constant 0 : i32
      %dma_wait3A_919 = tpu.memref_slice %arg2[%dma_wait3A_917, %dma_wait3A_918] : memref<8192x1024xf32, #tpu.memory_space<hbm>> -> memref<8192x1024xf32, #tpu.memory_space<hbm>>
      tpu.wait_indirect_dma semaphore(%arg12 : memref<!tpu.dma_semaphore, #tpu.memory_space<semaphore_mem>>) src(%dma_wait3A_919 : memref<8192x1024xf32, #tpu.memory_space<hbm>>) dst(%arg7 : memref<32x1024xf32, #tpu.memory_space<vmem>>)
      %add3A_920 = arith.constant 288 : i32
      %add3A_921 = arith.addi %add3A_52, %add3A_920 : i32
      %multiple_of3A_922 = tpu.assume_multiple %add3A_921, 32 : i32
      %dma_start3A = arith.constant 0 : i32
      %dma_start3A_923 = tpu.memref_slice %arg4[%multiple_of3A_922, %dma_start3A] : memref<16384x1024xf32, #tpu.memory_space<hbm>> -> memref<32x1024xf32, #tpu.memory_space<hbm>>
      %dma_start3A_924 = arith.constant 0 : i32
      %dma_start3A_925 = tpu.memref_slice %arg4[%multiple_of3A_922, %dma_start3A_924] : memref<16384x1024xf32, #tpu.memory_space<hbm>> -> memref<32x1024xf32, #tpu.memory_space<hbm>>
      tpu.enqueue_dma source(%arg7 : memref<32x1024xf32, #tpu.memory_space<vmem>>) target(%dma_start3A_925 : memref<32x1024xf32, #tpu.memory_space<hbm>>) target_semaphore(%arg15 : memref<!tpu.dma_semaphore, #tpu.memory_space<semaphore_mem>>)
    } else {
    }
    %gt3A_590 = arith.constant 8 : i32
    %gt3A_591 = arith.cmpi sgt, %select_n3A_106, %gt3A_590 : i32
    %convert_element_type3A_592 = arith.extui %gt3A_591 : i1 to i32
    %cond3A_593 = arith.constant 0 : i32
    %cond3A_594 = arith.cmpi ne, %convert_element_type3A_592, %cond3A_593 : i32
    scf.if %cond3A_594 {
      %add3A_914 = arith.constant 256 : i32
      %add3A_915 = arith.addi %add3A_52, %add3A_914 : i32
      %multiple_of3A_916 = tpu.assume_multiple %add3A_915, 32 : i32
      %dma_wait3A = arith.constant 0 : i32
      %dma_wait3A_917 = tpu.memref_slice %arg4[%multiple_of3A_916, %dma_wait3A] : memref<16384x1024xf32, #tpu.memory_space<hbm>> -> memref<32x1024xf32, #tpu.memory_space<hbm>>
      %dma_wait3A_918 = arith.constant 0 : i32
      %dma_wait3A_919 = tpu.memref_slice %arg4[%multiple_of3A_916, %dma_wait3A_918] : memref<16384x1024xf32, #tpu.memory_space<hbm>> -> memref<32x1024xf32, #tpu.memory_space<hbm>>
      tpu.wait_dma2 semaphore(%arg17 : memref<!tpu.dma_semaphore, #tpu.memory_space<semaphore_mem>>) src(%arg9 : memref<32x1024xf32, #tpu.memory_space<vmem>>) dst(%dma_wait3A_919 : memref<32x1024xf32, #tpu.memory_space<hbm>>)
    } else {
    }
    %add3A_595 = arith.constant 352 : i32
    %add3A_596 = arith.addi %add3A_125, %add3A_595 : i32
    %add3A_597 = vector.broadcast %add3A_596 : i32 to vector<16xi32>
    %add3A_598 = arith.addi %add3A_597, %iota3A : vector<16xi32>
    %min3A_599 = arith.constant 8191 : i32
    %min3A_600 = vector.broadcast %min3A_599 : i32 to vector<16xi32>
    %min3A_601 = arith.minsi %add3A_598, %min3A_600 : vector<16xi32>
    %swap3A_602 = arith.constant 11 : i32
    %swap3A_603 = arith.index_cast %swap3A_602 : i32 to index
    %swap3A_604 = arith.constant 0 : index
    %swap3A_605 = tpu.vector_load %arg10[%swap3A_603, %swap3A_604] {strides = array<i32>} : memref<16x32xi32, #tpu.memory_space<vmem>>, vector<16xi32>,
    tpu.vector_store %arg10[%swap3A_603, %swap3A_604], %min3A_601 {strides = array<i32>} : memref<16x32xi32, #tpu.memory_space<vmem>>, vector<16xi32>,
    %add3A_606 = arith.constant 368 : i32
    %add3A_607 = arith.addi %add3A_125, %add3A_606 : i32
    %add3A_608 = vector.broadcast %add3A_607 : i32 to vector<16xi32>
    %add3A_609 = arith.addi %add3A_608, %iota3A : vector<16xi32>
    %min3A_610 = arith.constant 8191 : i32
    %min3A_611 = vector.broadcast %min3A_610 : i32 to vector<16xi32>
    %min3A_612 = arith.minsi %add3A_609, %min3A_611 : vector<16xi32>
    %swap3A_613 = arith.constant 11 : i32
    %swap3A_614 = arith.index_cast %swap3A_613 : i32 to index
    %swap3A_615 = arith.constant 16 : index
    %swap3A_616 = tpu.vector_load %arg10[%swap3A_614, %swap3A_615] {strides = array<i32>} : memref<16x32xi32, #tpu.memory_space<vmem>>, vector<16xi32>,
    tpu.vector_store %arg10[%swap3A_614, %swap3A_615], %min3A_612 {strides = array<i32>} : memref<16x32xi32, #tpu.memory_space<vmem>>, vector<16xi32>,
    %gt3A_617 = arith.constant 11 : i32
    %gt3A_618 = arith.cmpi sgt, %select_n3A_106, %gt3A_617 : i32
    %convert_element_type3A_619 = arith.extui %gt3A_618 : i1 to i32
    %cond3A_620 = arith.constant 0 : i32
    %cond3A_621 = arith.cmpi ne, %convert_element_type3A_619, %cond3A_620 : i32
    scf.if %cond3A_621 {
      %dma_start3A = arith.constant 11 : i32
      %dma_start3A_914 = arith.constant 0 : i32
      %dma_start3A_915 = tpu.memref_slice %arg10[%dma_start3A, %dma_start3A_914] : memref<16x32xi32, #tpu.memory_space<vmem>> -> memref<1x32xi32, #tpu.memory_space<vmem>>
      %dma_start3A_916 = tpu.memref_squeeze %dma_start3A_915 : memref<1x32xi32, #tpu.memory_space<vmem>> -> memref<32xi32, #tpu.memory_space<vmem>>
      %dma_start3A_917 = arith.constant 0 : i32
      %dma_start3A_918 = arith.constant 0 : i32
      %dma_start3A_919 = tpu.memref_slice %arg2[%dma_start3A_917, %dma_start3A_918] : memref<8192x1024xf32, #tpu.memory_space<hbm>> -> memref<8192x1024xf32, #tpu.memory_space<hbm>>
      tpu.enqueue_indirect_dma source(%dma_start3A_919 : memref<8192x1024xf32, #tpu.memory_space<hbm>>) target(%arg9 : memref<32x1024xf32, #tpu.memory_space<vmem>>) offsets(%dma_start3A_916 : memref<32xi32, #tpu.memory_space<vmem>>) semaphore(%arg14 : memref<!tpu.dma_semaphore, #tpu.memory_space<semaphore_mem>>)
    } else {
    }
    %gt3A_622 = arith.constant 10 : i32
    %gt3A_623 = arith.cmpi sgt, %select_n3A_106, %gt3A_622 : i32
    %convert_element_type3A_624 = arith.extui %gt3A_623 : i1 to i32
    %cond3A_625 = arith.constant 0 : i32
    %cond3A_626 = arith.cmpi ne, %convert_element_type3A_624, %cond3A_625 : i32
    scf.if %cond3A_626 {
      %dma_wait3A = arith.constant 10 : i32
      %dma_wait3A_914 = arith.constant 0 : i32
      %dma_wait3A_915 = tpu.memref_slice %arg10[%dma_wait3A, %dma_wait3A_914] : memref<16x32xi32, #tpu.memory_space<vmem>> -> memref<1x32xi32, #tpu.memory_space<vmem>>
      %dma_wait3A_916 = tpu.memref_squeeze %dma_wait3A_915 : memref<1x32xi32, #tpu.memory_space<vmem>> -> memref<32xi32, #tpu.memory_space<vmem>>
      %dma_wait3A_917 = arith.constant 0 : i32
      %dma_wait3A_918 = arith.constant 0 : i32
      %dma_wait3A_919 = tpu.memref_slice %arg2[%dma_wait3A_917, %dma_wait3A_918] : memref<8192x1024xf32, #tpu.memory_space<hbm>> -> memref<8192x1024xf32, #tpu.memory_space<hbm>>
      tpu.wait_indirect_dma semaphore(%arg13 : memref<!tpu.dma_semaphore, #tpu.memory_space<semaphore_mem>>) src(%dma_wait3A_919 : memref<8192x1024xf32, #tpu.memory_space<hbm>>) dst(%arg8 : memref<32x1024xf32, #tpu.memory_space<vmem>>)
      %add3A_920 = arith.constant 320 : i32
      %add3A_921 = arith.addi %add3A_52, %add3A_920 : i32
      %multiple_of3A_922 = tpu.assume_multiple %add3A_921, 32 : i32
      %dma_start3A = arith.constant 0 : i32
      %dma_start3A_923 = tpu.memref_slice %arg4[%multiple_of3A_922, %dma_start3A] : memref<16384x1024xf32, #tpu.memory_space<hbm>> -> memref<32x1024xf32, #tpu.memory_space<hbm>>
      %dma_start3A_924 = arith.constant 0 : i32
      %dma_start3A_925 = tpu.memref_slice %arg4[%multiple_of3A_922, %dma_start3A_924] : memref<16384x1024xf32, #tpu.memory_space<hbm>> -> memref<32x1024xf32, #tpu.memory_space<hbm>>
      tpu.enqueue_dma source(%arg8 : memref<32x1024xf32, #tpu.memory_space<vmem>>) target(%dma_start3A_925 : memref<32x1024xf32, #tpu.memory_space<hbm>>) target_semaphore(%arg16 : memref<!tpu.dma_semaphore, #tpu.memory_space<semaphore_mem>>)
    } else {
    }
    %gt3A_627 = arith.constant 9 : i32
    %gt3A_628 = arith.cmpi sgt, %select_n3A_106, %gt3A_627 : i32
    %convert_element_type3A_629 = arith.extui %gt3A_628 : i1 to i32
    %cond3A_630 = arith.constant 0 : i32
    %cond3A_631 = arith.cmpi ne, %convert_element_type3A_629, %cond3A_630 : i32
    scf.if %cond3A_631 {
      %add3A_914 = arith.constant 288 : i32
      %add3A_915 = arith.addi %add3A_52, %add3A_914 : i32
      %multiple_of3A_916 = tpu.assume_multiple %add3A_915, 32 : i32
      %dma_wait3A = arith.constant 0 : i32
      %dma_wait3A_917 = tpu.memref_slice %arg4[%multiple_of3A_916, %dma_wait3A] : memref<16384x1024xf32, #tpu.memory_space<hbm>> -> memref<32x1024xf32, #tpu.memory_space<hbm>>
      %dma_wait3A_918 = arith.constant 0 : i32
      %dma_wait3A_919 = tpu.memref_slice %arg4[%multiple_of3A_916, %dma_wait3A_918] : memref<16384x1024xf32, #tpu.memory_space<hbm>> -> memref<32x1024xf32, #tpu.memory_space<hbm>>
      tpu.wait_dma2 semaphore(%arg15 : memref<!tpu.dma_semaphore, #tpu.memory_space<semaphore_mem>>) src(%arg7 : memref<32x1024xf32, #tpu.memory_space<vmem>>) dst(%dma_wait3A_919 : memref<32x1024xf32, #tpu.memory_space<hbm>>)
    } else {
    }
    %add3A_632 = arith.constant 384 : i32
    %add3A_633 = arith.addi %add3A_125, %add3A_632 : i32
    %add3A_634 = vector.broadcast %add3A_633 : i32 to vector<16xi32>
    %add3A_635 = arith.addi %add3A_634, %iota3A : vector<16xi32>
    %min3A_636 = arith.constant 8191 : i32
    %min3A_637 = vector.broadcast %min3A_636 : i32 to vector<16xi32>
    %min3A_638 = arith.minsi %add3A_635, %min3A_637 : vector<16xi32>
    %swap3A_639 = arith.constant 12 : i32
    %swap3A_640 = arith.index_cast %swap3A_639 : i32 to index
    %swap3A_641 = arith.constant 0 : index
    %swap3A_642 = tpu.vector_load %arg10[%swap3A_640, %swap3A_641] {strides = array<i32>} : memref<16x32xi32, #tpu.memory_space<vmem>>, vector<16xi32>,
    tpu.vector_store %arg10[%swap3A_640, %swap3A_641], %min3A_638 {strides = array<i32>} : memref<16x32xi32, #tpu.memory_space<vmem>>, vector<16xi32>,
    %add3A_643 = arith.constant 400 : i32
    %add3A_644 = arith.addi %add3A_125, %add3A_643 : i32
    %add3A_645 = vector.broadcast %add3A_644 : i32 to vector<16xi32>
    %add3A_646 = arith.addi %add3A_645, %iota3A : vector<16xi32>
    %min3A_647 = arith.constant 8191 : i32
    %min3A_648 = vector.broadcast %min3A_647 : i32 to vector<16xi32>
    %min3A_649 = arith.minsi %add3A_646, %min3A_648 : vector<16xi32>
    %swap3A_650 = arith.constant 12 : i32
    %swap3A_651 = arith.index_cast %swap3A_650 : i32 to index
    %swap3A_652 = arith.constant 16 : index
    %swap3A_653 = tpu.vector_load %arg10[%swap3A_651, %swap3A_652] {strides = array<i32>} : memref<16x32xi32, #tpu.memory_space<vmem>>, vector<16xi32>,
    tpu.vector_store %arg10[%swap3A_651, %swap3A_652], %min3A_649 {strides = array<i32>} : memref<16x32xi32, #tpu.memory_space<vmem>>, vector<16xi32>,
    %gt3A_654 = arith.constant 12 : i32
    %gt3A_655 = arith.cmpi sgt, %select_n3A_106, %gt3A_654 : i32
    %convert_element_type3A_656 = arith.extui %gt3A_655 : i1 to i32
    %cond3A_657 = arith.constant 0 : i32
    %cond3A_658 = arith.cmpi ne, %convert_element_type3A_656, %cond3A_657 : i32
    scf.if %cond3A_658 {
      %dma_start3A = arith.constant 12 : i32
      %dma_start3A_914 = arith.constant 0 : i32
      %dma_start3A_915 = tpu.memref_slice %arg10[%dma_start3A, %dma_start3A_914] : memref<16x32xi32, #tpu.memory_space<vmem>> -> memref<1x32xi32, #tpu.memory_space<vmem>>
      %dma_start3A_916 = tpu.memref_squeeze %dma_start3A_915 : memref<1x32xi32, #tpu.memory_space<vmem>> -> memref<32xi32, #tpu.memory_space<vmem>>
      %dma_start3A_917 = arith.constant 0 : i32
      %dma_start3A_918 = arith.constant 0 : i32
      %dma_start3A_919 = tpu.memref_slice %arg2[%dma_start3A_917, %dma_start3A_918] : memref<8192x1024xf32, #tpu.memory_space<hbm>> -> memref<8192x1024xf32, #tpu.memory_space<hbm>>
      tpu.enqueue_indirect_dma source(%dma_start3A_919 : memref<8192x1024xf32, #tpu.memory_space<hbm>>) target(%arg7 : memref<32x1024xf32, #tpu.memory_space<vmem>>) offsets(%dma_start3A_916 : memref<32xi32, #tpu.memory_space<vmem>>) semaphore(%arg12 : memref<!tpu.dma_semaphore, #tpu.memory_space<semaphore_mem>>)
    } else {
    }
    %gt3A_659 = arith.constant 11 : i32
    %gt3A_660 = arith.cmpi sgt, %select_n3A_106, %gt3A_659 : i32
    %convert_element_type3A_661 = arith.extui %gt3A_660 : i1 to i32
    %cond3A_662 = arith.constant 0 : i32
    %cond3A_663 = arith.cmpi ne, %convert_element_type3A_661, %cond3A_662 : i32
    scf.if %cond3A_663 {
      %dma_wait3A = arith.constant 11 : i32
      %dma_wait3A_914 = arith.constant 0 : i32
      %dma_wait3A_915 = tpu.memref_slice %arg10[%dma_wait3A, %dma_wait3A_914] : memref<16x32xi32, #tpu.memory_space<vmem>> -> memref<1x32xi32, #tpu.memory_space<vmem>>
      %dma_wait3A_916 = tpu.memref_squeeze %dma_wait3A_915 : memref<1x32xi32, #tpu.memory_space<vmem>> -> memref<32xi32, #tpu.memory_space<vmem>>
      %dma_wait3A_917 = arith.constant 0 : i32
      %dma_wait3A_918 = arith.constant 0 : i32
      %dma_wait3A_919 = tpu.memref_slice %arg2[%dma_wait3A_917, %dma_wait3A_918] : memref<8192x1024xf32, #tpu.memory_space<hbm>> -> memref<8192x1024xf32, #tpu.memory_space<hbm>>
      tpu.wait_indirect_dma semaphore(%arg14 : memref<!tpu.dma_semaphore, #tpu.memory_space<semaphore_mem>>) src(%dma_wait3A_919 : memref<8192x1024xf32, #tpu.memory_space<hbm>>) dst(%arg9 : memref<32x1024xf32, #tpu.memory_space<vmem>>)
      %add3A_920 = arith.constant 352 : i32
      %add3A_921 = arith.addi %add3A_52, %add3A_920 : i32
      %multiple_of3A_922 = tpu.assume_multiple %add3A_921, 32 : i32
      %dma_start3A = arith.constant 0 : i32
      %dma_start3A_923 = tpu.memref_slice %arg4[%multiple_of3A_922, %dma_start3A] : memref<16384x1024xf32, #tpu.memory_space<hbm>> -> memref<32x1024xf32, #tpu.memory_space<hbm>>
      %dma_start3A_924 = arith.constant 0 : i32
      %dma_start3A_925 = tpu.memref_slice %arg4[%multiple_of3A_922, %dma_start3A_924] : memref<16384x1024xf32, #tpu.memory_space<hbm>> -> memref<32x1024xf32, #tpu.memory_space<hbm>>
      tpu.enqueue_dma source(%arg9 : memref<32x1024xf32, #tpu.memory_space<vmem>>) target(%dma_start3A_925 : memref<32x1024xf32, #tpu.memory_space<hbm>>) target_semaphore(%arg17 : memref<!tpu.dma_semaphore, #tpu.memory_space<semaphore_mem>>)
    } else {
    }
    %gt3A_664 = arith.constant 10 : i32
    %gt3A_665 = arith.cmpi sgt, %select_n3A_106, %gt3A_664 : i32
    %convert_element_type3A_666 = arith.extui %gt3A_665 : i1 to i32
    %cond3A_667 = arith.constant 0 : i32
    %cond3A_668 = arith.cmpi ne, %convert_element_type3A_666, %cond3A_667 : i32
    scf.if %cond3A_668 {
      %add3A_914 = arith.constant 320 : i32
      %add3A_915 = arith.addi %add3A_52, %add3A_914 : i32
      %multiple_of3A_916 = tpu.assume_multiple %add3A_915, 32 : i32
      %dma_wait3A = arith.constant 0 : i32
      %dma_wait3A_917 = tpu.memref_slice %arg4[%multiple_of3A_916, %dma_wait3A] : memref<16384x1024xf32, #tpu.memory_space<hbm>> -> memref<32x1024xf32, #tpu.memory_space<hbm>>
      %dma_wait3A_918 = arith.constant 0 : i32
      %dma_wait3A_919 = tpu.memref_slice %arg4[%multiple_of3A_916, %dma_wait3A_918] : memref<16384x1024xf32, #tpu.memory_space<hbm>> -> memref<32x1024xf32, #tpu.memory_space<hbm>>
      tpu.wait_dma2 semaphore(%arg16 : memref<!tpu.dma_semaphore, #tpu.memory_space<semaphore_mem>>) src(%arg8 : memref<32x1024xf32, #tpu.memory_space<vmem>>) dst(%dma_wait3A_919 : memref<32x1024xf32, #tpu.memory_space<hbm>>)
    } else {
    }
    %add3A_669 = arith.constant 416 : i32
    %add3A_670 = arith.addi %add3A_125, %add3A_669 : i32
    %add3A_671 = vector.broadcast %add3A_670 : i32 to vector<16xi32>
    %add3A_672 = arith.addi %add3A_671, %iota3A : vector<16xi32>
    %min3A_673 = arith.constant 8191 : i32
    %min3A_674 = vector.broadcast %min3A_673 : i32 to vector<16xi32>
    %min3A_675 = arith.minsi %add3A_672, %min3A_674 : vector<16xi32>
    %swap3A_676 = arith.constant 13 : i32
    %swap3A_677 = arith.index_cast %swap3A_676 : i32 to index
    %swap3A_678 = arith.constant 0 : index
    %swap3A_679 = tpu.vector_load %arg10[%swap3A_677, %swap3A_678] {strides = array<i32>} : memref<16x32xi32, #tpu.memory_space<vmem>>, vector<16xi32>,
    tpu.vector_store %arg10[%swap3A_677, %swap3A_678], %min3A_675 {strides = array<i32>} : memref<16x32xi32, #tpu.memory_space<vmem>>, vector<16xi32>,
    %add3A_680 = arith.constant 432 : i32
    %add3A_681 = arith.addi %add3A_125, %add3A_680 : i32
    %add3A_682 = vector.broadcast %add3A_681 : i32 to vector<16xi32>
    %add3A_683 = arith.addi %add3A_682, %iota3A : vector<16xi32>
    %min3A_684 = arith.constant 8191 : i32
    %min3A_685 = vector.broadcast %min3A_684 : i32 to vector<16xi32>
    %min3A_686 = arith.minsi %add3A_683, %min3A_685 : vector<16xi32>
    %swap3A_687 = arith.constant 13 : i32
    %swap3A_688 = arith.index_cast %swap3A_687 : i32 to index
    %swap3A_689 = arith.constant 16 : index
    %swap3A_690 = tpu.vector_load %arg10[%swap3A_688, %swap3A_689] {strides = array<i32>} : memref<16x32xi32, #tpu.memory_space<vmem>>, vector<16xi32>,
    tpu.vector_store %arg10[%swap3A_688, %swap3A_689], %min3A_686 {strides = array<i32>} : memref<16x32xi32, #tpu.memory_space<vmem>>, vector<16xi32>,
    %gt3A_691 = arith.constant 13 : i32
    %gt3A_692 = arith.cmpi sgt, %select_n3A_106, %gt3A_691 : i32
    %convert_element_type3A_693 = arith.extui %gt3A_692 : i1 to i32
    %cond3A_694 = arith.constant 0 : i32
    %cond3A_695 = arith.cmpi ne, %convert_element_type3A_693, %cond3A_694 : i32
    scf.if %cond3A_695 {
      %dma_start3A = arith.constant 13 : i32
      %dma_start3A_914 = arith.constant 0 : i32
      %dma_start3A_915 = tpu.memref_slice %arg10[%dma_start3A, %dma_start3A_914] : memref<16x32xi32, #tpu.memory_space<vmem>> -> memref<1x32xi32, #tpu.memory_space<vmem>>
      %dma_start3A_916 = tpu.memref_squeeze %dma_start3A_915 : memref<1x32xi32, #tpu.memory_space<vmem>> -> memref<32xi32, #tpu.memory_space<vmem>>
      %dma_start3A_917 = arith.constant 0 : i32
      %dma_start3A_918 = arith.constant 0 : i32
      %dma_start3A_919 = tpu.memref_slice %arg2[%dma_start3A_917, %dma_start3A_918] : memref<8192x1024xf32, #tpu.memory_space<hbm>> -> memref<8192x1024xf32, #tpu.memory_space<hbm>>
      tpu.enqueue_indirect_dma source(%dma_start3A_919 : memref<8192x1024xf32, #tpu.memory_space<hbm>>) target(%arg8 : memref<32x1024xf32, #tpu.memory_space<vmem>>) offsets(%dma_start3A_916 : memref<32xi32, #tpu.memory_space<vmem>>) semaphore(%arg13 : memref<!tpu.dma_semaphore, #tpu.memory_space<semaphore_mem>>)
    } else {
    }
    %gt3A_696 = arith.constant 12 : i32
    %gt3A_697 = arith.cmpi sgt, %select_n3A_106, %gt3A_696 : i32
    %convert_element_type3A_698 = arith.extui %gt3A_697 : i1 to i32
    %cond3A_699 = arith.constant 0 : i32
    %cond3A_700 = arith.cmpi ne, %convert_element_type3A_698, %cond3A_699 : i32
    scf.if %cond3A_700 {
      %dma_wait3A = arith.constant 12 : i32
      %dma_wait3A_914 = arith.constant 0 : i32
      %dma_wait3A_915 = tpu.memref_slice %arg10[%dma_wait3A, %dma_wait3A_914] : memref<16x32xi32, #tpu.memory_space<vmem>> -> memref<1x32xi32, #tpu.memory_space<vmem>>
      %dma_wait3A_916 = tpu.memref_squeeze %dma_wait3A_915 : memref<1x32xi32, #tpu.memory_space<vmem>> -> memref<32xi32, #tpu.memory_space<vmem>>
      %dma_wait3A_917 = arith.constant 0 : i32
      %dma_wait3A_918 = arith.constant 0 : i32
      %dma_wait3A_919 = tpu.memref_slice %arg2[%dma_wait3A_917, %dma_wait3A_918] : memref<8192x1024xf32, #tpu.memory_space<hbm>> -> memref<8192x1024xf32, #tpu.memory_space<hbm>>
      tpu.wait_indirect_dma semaphore(%arg12 : memref<!tpu.dma_semaphore, #tpu.memory_space<semaphore_mem>>) src(%dma_wait3A_919 : memref<8192x1024xf32, #tpu.memory_space<hbm>>) dst(%arg7 : memref<32x1024xf32, #tpu.memory_space<vmem>>)
      %add3A_920 = arith.constant 384 : i32
      %add3A_921 = arith.addi %add3A_52, %add3A_920 : i32
      %multiple_of3A_922 = tpu.assume_multiple %add3A_921, 32 : i32
      %dma_start3A = arith.constant 0 : i32
      %dma_start3A_923 = tpu.memref_slice %arg4[%multiple_of3A_922, %dma_start3A] : memref<16384x1024xf32, #tpu.memory_space<hbm>> -> memref<32x1024xf32, #tpu.memory_space<hbm>>
      %dma_start3A_924 = arith.constant 0 : i32
      %dma_start3A_925 = tpu.memref_slice %arg4[%multiple_of3A_922, %dma_start3A_924] : memref<16384x1024xf32, #tpu.memory_space<hbm>> -> memref<32x1024xf32, #tpu.memory_space<hbm>>
      tpu.enqueue_dma source(%arg7 : memref<32x1024xf32, #tpu.memory_space<vmem>>) target(%dma_start3A_925 : memref<32x1024xf32, #tpu.memory_space<hbm>>) target_semaphore(%arg15 : memref<!tpu.dma_semaphore, #tpu.memory_space<semaphore_mem>>)
    } else {
    }
    %gt3A_701 = arith.constant 11 : i32
    %gt3A_702 = arith.cmpi sgt, %select_n3A_106, %gt3A_701 : i32
    %convert_element_type3A_703 = arith.extui %gt3A_702 : i1 to i32
    %cond3A_704 = arith.constant 0 : i32
    %cond3A_705 = arith.cmpi ne, %convert_element_type3A_703, %cond3A_704 : i32
    scf.if %cond3A_705 {
      %add3A_914 = arith.constant 352 : i32
      %add3A_915 = arith.addi %add3A_52, %add3A_914 : i32
      %multiple_of3A_916 = tpu.assume_multiple %add3A_915, 32 : i32
      %dma_wait3A = arith.constant 0 : i32
      %dma_wait3A_917 = tpu.memref_slice %arg4[%multiple_of3A_916, %dma_wait3A] : memref<16384x1024xf32, #tpu.memory_space<hbm>> -> memref<32x1024xf32, #tpu.memory_space<hbm>>
      %dma_wait3A_918 = arith.constant 0 : i32
      %dma_wait3A_919 = tpu.memref_slice %arg4[%multiple_of3A_916, %dma_wait3A_918] : memref<16384x1024xf32, #tpu.memory_space<hbm>> -> memref<32x1024xf32, #tpu.memory_space<hbm>>
      tpu.wait_dma2 semaphore(%arg17 : memref<!tpu.dma_semaphore, #tpu.memory_space<semaphore_mem>>) src(%arg9 : memref<32x1024xf32, #tpu.memory_space<vmem>>) dst(%dma_wait3A_919 : memref<32x1024xf32, #tpu.memory_space<hbm>>)
    } else {
    }
    %add3A_706 = arith.constant 448 : i32
    %add3A_707 = arith.addi %add3A_125, %add3A_706 : i32
    %add3A_708 = vector.broadcast %add3A_707 : i32 to vector<16xi32>
    %add3A_709 = arith.addi %add3A_708, %iota3A : vector<16xi32>
    %min3A_710 = arith.constant 8191 : i32
    %min3A_711 = vector.broadcast %min3A_710 : i32 to vector<16xi32>
    %min3A_712 = arith.minsi %add3A_709, %min3A_711 : vector<16xi32>
    %swap3A_713 = arith.constant 14 : i32
    %swap3A_714 = arith.index_cast %swap3A_713 : i32 to index
    %swap3A_715 = arith.constant 0 : index
    %swap3A_716 = tpu.vector_load %arg10[%swap3A_714, %swap3A_715] {strides = array<i32>} : memref<16x32xi32, #tpu.memory_space<vmem>>, vector<16xi32>,
    tpu.vector_store %arg10[%swap3A_714, %swap3A_715], %min3A_712 {strides = array<i32>} : memref<16x32xi32, #tpu.memory_space<vmem>>, vector<16xi32>,
    %add3A_717 = arith.constant 464 : i32
    %add3A_718 = arith.addi %add3A_125, %add3A_717 : i32
    %add3A_719 = vector.broadcast %add3A_718 : i32 to vector<16xi32>
    %add3A_720 = arith.addi %add3A_719, %iota3A : vector<16xi32>
    %min3A_721 = arith.constant 8191 : i32
    %min3A_722 = vector.broadcast %min3A_721 : i32 to vector<16xi32>
    %min3A_723 = arith.minsi %add3A_720, %min3A_722 : vector<16xi32>
    %swap3A_724 = arith.constant 14 : i32
    %swap3A_725 = arith.index_cast %swap3A_724 : i32 to index
    %swap3A_726 = arith.constant 16 : index
    %swap3A_727 = tpu.vector_load %arg10[%swap3A_725, %swap3A_726] {strides = array<i32>} : memref<16x32xi32, #tpu.memory_space<vmem>>, vector<16xi32>,
    tpu.vector_store %arg10[%swap3A_725, %swap3A_726], %min3A_723 {strides = array<i32>} : memref<16x32xi32, #tpu.memory_space<vmem>>, vector<16xi32>,
    %gt3A_728 = arith.constant 14 : i32
    %gt3A_729 = arith.cmpi sgt, %select_n3A_106, %gt3A_728 : i32
    %convert_element_type3A_730 = arith.extui %gt3A_729 : i1 to i32
    %cond3A_731 = arith.constant 0 : i32
    %cond3A_732 = arith.cmpi ne, %convert_element_type3A_730, %cond3A_731 : i32
    scf.if %cond3A_732 {
      %dma_start3A = arith.constant 14 : i32
      %dma_start3A_914 = arith.constant 0 : i32
      %dma_start3A_915 = tpu.memref_slice %arg10[%dma_start3A, %dma_start3A_914] : memref<16x32xi32, #tpu.memory_space<vmem>> -> memref<1x32xi32, #tpu.memory_space<vmem>>
      %dma_start3A_916 = tpu.memref_squeeze %dma_start3A_915 : memref<1x32xi32, #tpu.memory_space<vmem>> -> memref<32xi32, #tpu.memory_space<vmem>>
      %dma_start3A_917 = arith.constant 0 : i32
      %dma_start3A_918 = arith.constant 0 : i32
      %dma_start3A_919 = tpu.memref_slice %arg2[%dma_start3A_917, %dma_start3A_918] : memref<8192x1024xf32, #tpu.memory_space<hbm>> -> memref<8192x1024xf32, #tpu.memory_space<hbm>>
      tpu.enqueue_indirect_dma source(%dma_start3A_919 : memref<8192x1024xf32, #tpu.memory_space<hbm>>) target(%arg9 : memref<32x1024xf32, #tpu.memory_space<vmem>>) offsets(%dma_start3A_916 : memref<32xi32, #tpu.memory_space<vmem>>) semaphore(%arg14 : memref<!tpu.dma_semaphore, #tpu.memory_space<semaphore_mem>>)
    } else {
    }
    %gt3A_733 = arith.constant 13 : i32
    %gt3A_734 = arith.cmpi sgt, %select_n3A_106, %gt3A_733 : i32
    %convert_element_type3A_735 = arith.extui %gt3A_734 : i1 to i32
    %cond3A_736 = arith.constant 0 : i32
    %cond3A_737 = arith.cmpi ne, %convert_element_type3A_735, %cond3A_736 : i32
    scf.if %cond3A_737 {
      %dma_wait3A = arith.constant 13 : i32
      %dma_wait3A_914 = arith.constant 0 : i32
      %dma_wait3A_915 = tpu.memref_slice %arg10[%dma_wait3A, %dma_wait3A_914] : memref<16x32xi32, #tpu.memory_space<vmem>> -> memref<1x32xi32, #tpu.memory_space<vmem>>
      %dma_wait3A_916 = tpu.memref_squeeze %dma_wait3A_915 : memref<1x32xi32, #tpu.memory_space<vmem>> -> memref<32xi32, #tpu.memory_space<vmem>>
      %dma_wait3A_917 = arith.constant 0 : i32
      %dma_wait3A_918 = arith.constant 0 : i32
      %dma_wait3A_919 = tpu.memref_slice %arg2[%dma_wait3A_917, %dma_wait3A_918] : memref<8192x1024xf32, #tpu.memory_space<hbm>> -> memref<8192x1024xf32, #tpu.memory_space<hbm>>
      tpu.wait_indirect_dma semaphore(%arg13 : memref<!tpu.dma_semaphore, #tpu.memory_space<semaphore_mem>>) src(%dma_wait3A_919 : memref<8192x1024xf32, #tpu.memory_space<hbm>>) dst(%arg8 : memref<32x1024xf32, #tpu.memory_space<vmem>>)
      %add3A_920 = arith.constant 416 : i32
      %add3A_921 = arith.addi %add3A_52, %add3A_920 : i32
      %multiple_of3A_922 = tpu.assume_multiple %add3A_921, 32 : i32
      %dma_start3A = arith.constant 0 : i32
      %dma_start3A_923 = tpu.memref_slice %arg4[%multiple_of3A_922, %dma_start3A] : memref<16384x1024xf32, #tpu.memory_space<hbm>> -> memref<32x1024xf32, #tpu.memory_space<hbm>>
      %dma_start3A_924 = arith.constant 0 : i32
      %dma_start3A_925 = tpu.memref_slice %arg4[%multiple_of3A_922, %dma_start3A_924] : memref<16384x1024xf32, #tpu.memory_space<hbm>> -> memref<32x1024xf32, #tpu.memory_space<hbm>>
      tpu.enqueue_dma source(%arg8 : memref<32x1024xf32, #tpu.memory_space<vmem>>) target(%dma_start3A_925 : memref<32x1024xf32, #tpu.memory_space<hbm>>) target_semaphore(%arg16 : memref<!tpu.dma_semaphore, #tpu.memory_space<semaphore_mem>>)
    } else {
    }
    %gt3A_738 = arith.constant 12 : i32
    %gt3A_739 = arith.cmpi sgt, %select_n3A_106, %gt3A_738 : i32
    %convert_element_type3A_740 = arith.extui %gt3A_739 : i1 to i32
    %cond3A_741 = arith.constant 0 : i32
    %cond3A_742 = arith.cmpi ne, %convert_element_type3A_740, %cond3A_741 : i32
    scf.if %cond3A_742 {
      %add3A_914 = arith.constant 384 : i32
      %add3A_915 = arith.addi %add3A_52, %add3A_914 : i32
      %multiple_of3A_916 = tpu.assume_multiple %add3A_915, 32 : i32
      %dma_wait3A = arith.constant 0 : i32
      %dma_wait3A_917 = tpu.memref_slice %arg4[%multiple_of3A_916, %dma_wait3A] : memref<16384x1024xf32, #tpu.memory_space<hbm>> -> memref<32x1024xf32, #tpu.memory_space<hbm>>
      %dma_wait3A_918 = arith.constant 0 : i32
      %dma_wait3A_919 = tpu.memref_slice %arg4[%multiple_of3A_916, %dma_wait3A_918] : memref<16384x1024xf32, #tpu.memory_space<hbm>> -> memref<32x1024xf32, #tpu.memory_space<hbm>>
      tpu.wait_dma2 semaphore(%arg15 : memref<!tpu.dma_semaphore, #tpu.memory_space<semaphore_mem>>) src(%arg7 : memref<32x1024xf32, #tpu.memory_space<vmem>>) dst(%dma_wait3A_919 : memref<32x1024xf32, #tpu.memory_space<hbm>>)
    } else {
    }
    %add3A_743 = arith.constant 480 : i32
    %add3A_744 = arith.addi %add3A_125, %add3A_743 : i32
    %add3A_745 = vector.broadcast %add3A_744 : i32 to vector<16xi32>
    %add3A_746 = arith.addi %add3A_745, %iota3A : vector<16xi32>
    %min3A_747 = arith.constant 8191 : i32
    %min3A_748 = vector.broadcast %min3A_747 : i32 to vector<16xi32>
    %min3A_749 = arith.minsi %add3A_746, %min3A_748 : vector<16xi32>
    %swap3A_750 = arith.constant 15 : i32
    %swap3A_751 = arith.index_cast %swap3A_750 : i32 to index
    %swap3A_752 = arith.constant 0 : index
    %swap3A_753 = tpu.vector_load %arg10[%swap3A_751, %swap3A_752] {strides = array<i32>} : memref<16x32xi32, #tpu.memory_space<vmem>>, vector<16xi32>,
    tpu.vector_store %arg10[%swap3A_751, %swap3A_752], %min3A_749 {strides = array<i32>} : memref<16x32xi32, #tpu.memory_space<vmem>>, vector<16xi32>,
    %add3A_754 = arith.constant 496 : i32
    %add3A_755 = arith.addi %add3A_125, %add3A_754 : i32
    %add3A_756 = vector.broadcast %add3A_755 : i32 to vector<16xi32>
    %add3A_757 = arith.addi %add3A_756, %iota3A : vector<16xi32>
    %min3A_758 = arith.constant 8191 : i32
    %min3A_759 = vector.broadcast %min3A_758 : i32 to vector<16xi32>
    %min3A_760 = arith.minsi %add3A_757, %min3A_759 : vector<16xi32>
    %swap3A_761 = arith.constant 15 : i32
    %swap3A_762 = arith.index_cast %swap3A_761 : i32 to index
    %swap3A_763 = arith.constant 16 : index
    %swap3A_764 = tpu.vector_load %arg10[%swap3A_762, %swap3A_763] {strides = array<i32>} : memref<16x32xi32, #tpu.memory_space<vmem>>, vector<16xi32>,
    tpu.vector_store %arg10[%swap3A_762, %swap3A_763], %min3A_760 {strides = array<i32>} : memref<16x32xi32, #tpu.memory_space<vmem>>, vector<16xi32>,
    %gt3A_765 = arith.constant 15 : i32
    %gt3A_766 = arith.cmpi sgt, %select_n3A_106, %gt3A_765 : i32
    %convert_element_type3A_767 = arith.extui %gt3A_766 : i1 to i32
    %cond3A_768 = arith.constant 0 : i32
    %cond3A_769 = arith.cmpi ne, %convert_element_type3A_767, %cond3A_768 : i32
    scf.if %cond3A_769 {
      %dma_start3A = arith.constant 15 : i32
      %dma_start3A_914 = arith.constant 0 : i32
      %dma_start3A_915 = tpu.memref_slice %arg10[%dma_start3A, %dma_start3A_914] : memref<16x32xi32, #tpu.memory_space<vmem>> -> memref<1x32xi32, #tpu.memory_space<vmem>>
      %dma_start3A_916 = tpu.memref_squeeze %dma_start3A_915 : memref<1x32xi32, #tpu.memory_space<vmem>> -> memref<32xi32, #tpu.memory_space<vmem>>
      %dma_start3A_917 = arith.constant 0 : i32
      %dma_start3A_918 = arith.constant 0 : i32
      %dma_start3A_919 = tpu.memref_slice %arg2[%dma_start3A_917, %dma_start3A_918] : memref<8192x1024xf32, #tpu.memory_space<hbm>> -> memref<8192x1024xf32, #tpu.memory_space<hbm>>
      tpu.enqueue_indirect_dma source(%dma_start3A_919 : memref<8192x1024xf32, #tpu.memory_space<hbm>>) target(%arg7 : memref<32x1024xf32, #tpu.memory_space<vmem>>) offsets(%dma_start3A_916 : memref<32xi32, #tpu.memory_space<vmem>>) semaphore(%arg12 : memref<!tpu.dma_semaphore, #tpu.memory_space<semaphore_mem>>)
    } else {
    }
    %gt3A_770 = arith.constant 14 : i32
    %gt3A_771 = arith.cmpi sgt, %select_n3A_106, %gt3A_770 : i32
    %convert_element_type3A_772 = arith.extui %gt3A_771 : i1 to i32
    %cond3A_773 = arith.constant 0 : i32
    %cond3A_774 = arith.cmpi ne, %convert_element_type3A_772, %cond3A_773 : i32
    scf.if %cond3A_774 {
      %dma_wait3A = arith.constant 14 : i32
      %dma_wait3A_914 = arith.constant 0 : i32
      %dma_wait3A_915 = tpu.memref_slice %arg10[%dma_wait3A, %dma_wait3A_914] : memref<16x32xi32, #tpu.memory_space<vmem>> -> memref<1x32xi32, #tpu.memory_space<vmem>>
      %dma_wait3A_916 = tpu.memref_squeeze %dma_wait3A_915 : memref<1x32xi32, #tpu.memory_space<vmem>> -> memref<32xi32, #tpu.memory_space<vmem>>
      %dma_wait3A_917 = arith.constant 0 : i32
      %dma_wait3A_918 = arith.constant 0 : i32
      %dma_wait3A_919 = tpu.memref_slice %arg2[%dma_wait3A_917, %dma_wait3A_918] : memref<8192x1024xf32, #tpu.memory_space<hbm>> -> memref<8192x1024xf32, #tpu.memory_space<hbm>>
      tpu.wait_indirect_dma semaphore(%arg14 : memref<!tpu.dma_semaphore, #tpu.memory_space<semaphore_mem>>) src(%dma_wait3A_919 : memref<8192x1024xf32, #tpu.memory_space<hbm>>) dst(%arg9 : memref<32x1024xf32, #tpu.memory_space<vmem>>)
      %add3A_920 = arith.constant 448 : i32
      %add3A_921 = arith.addi %add3A_52, %add3A_920 : i32
      %multiple_of3A_922 = tpu.assume_multiple %add3A_921, 32 : i32
      %dma_start3A = arith.constant 0 : i32
      %dma_start3A_923 = tpu.memref_slice %arg4[%multiple_of3A_922, %dma_start3A] : memref<16384x1024xf32, #tpu.memory_space<hbm>> -> memref<32x1024xf32, #tpu.memory_space<hbm>>
      %dma_start3A_924 = arith.constant 0 : i32
      %dma_start3A_925 = tpu.memref_slice %arg4[%multiple_of3A_922, %dma_start3A_924] : memref<16384x1024xf32, #tpu.memory_space<hbm>> -> memref<32x1024xf32, #tpu.memory_space<hbm>>
      tpu.enqueue_dma source(%arg9 : memref<32x1024xf32, #tpu.memory_space<vmem>>) target(%dma_start3A_925 : memref<32x1024xf32, #tpu.memory_space<hbm>>) target_semaphore(%arg17 : memref<!tpu.dma_semaphore, #tpu.memory_space<semaphore_mem>>)
    } else {
    }
    %gt3A_775 = arith.constant 15 : i32
    %gt3A_776 = arith.cmpi sgt, %select_n3A_106, %gt3A_775 : i32
    %convert_element_type3A_777 = arith.extui %gt3A_776 : i1 to i32
    %cond3A_778 = arith.constant 0 : i32
    %cond3A_779 = arith.cmpi ne, %convert_element_type3A_777, %cond3A_778 : i32
    scf.if %cond3A_779 {
      %dma_wait3A = arith.constant 15 : i32
      %dma_wait3A_914 = arith.constant 0 : i32
      %dma_wait3A_915 = tpu.memref_slice %arg10[%dma_wait3A, %dma_wait3A_914] : memref<16x32xi32, #tpu.memory_space<vmem>> -> memref<1x32xi32, #tpu.memory_space<vmem>>
      %dma_wait3A_916 = tpu.memref_squeeze %dma_wait3A_915 : memref<1x32xi32, #tpu.memory_space<vmem>> -> memref<32xi32, #tpu.memory_space<vmem>>
      %dma_wait3A_917 = arith.constant 0 : i32
      %dma_wait3A_918 = arith.constant 0 : i32
      %dma_wait3A_919 = tpu.memref_slice %arg2[%dma_wait3A_917, %dma_wait3A_918] : memref<8192x1024xf32, #tpu.memory_space<hbm>> -> memref<8192x1024xf32, #tpu.memory_space<hbm>>
      tpu.wait_indirect_dma semaphore(%arg12 : memref<!tpu.dma_semaphore, #tpu.memory_space<semaphore_mem>>) src(%dma_wait3A_919 : memref<8192x1024xf32, #tpu.memory_space<hbm>>) dst(%arg7 : memref<32x1024xf32, #tpu.memory_space<vmem>>)
      %add3A_920 = arith.constant 480 : i32
      %add3A_921 = arith.addi %add3A_52, %add3A_920 : i32
      %multiple_of3A_922 = tpu.assume_multiple %add3A_921, 32 : i32
      %dma_start3A = arith.constant 0 : i32
      %dma_start3A_923 = tpu.memref_slice %arg4[%multiple_of3A_922, %dma_start3A] : memref<16384x1024xf32, #tpu.memory_space<hbm>> -> memref<32x1024xf32, #tpu.memory_space<hbm>>
      %dma_start3A_924 = arith.constant 0 : i32
      %dma_start3A_925 = tpu.memref_slice %arg4[%multiple_of3A_922, %dma_start3A_924] : memref<16384x1024xf32, #tpu.memory_space<hbm>> -> memref<32x1024xf32, #tpu.memory_space<hbm>>
      tpu.enqueue_dma source(%arg7 : memref<32x1024xf32, #tpu.memory_space<vmem>>) target(%dma_start3A_925 : memref<32x1024xf32, #tpu.memory_space<hbm>>) target_semaphore(%arg15 : memref<!tpu.dma_semaphore, #tpu.memory_space<semaphore_mem>>)
    } else {
    }
    %gt3A_780 = arith.constant 13 : i32
    %gt3A_781 = arith.cmpi sgt, %select_n3A_106, %gt3A_780 : i32
    %convert_element_type3A_782 = arith.extui %gt3A_781 : i1 to i32
    %cond3A_783 = arith.constant 0 : i32
    %cond3A_784 = arith.cmpi ne, %convert_element_type3A_782, %cond3A_783 : i32
    scf.if %cond3A_784 {
      %add3A_914 = arith.constant 416 : i32
      %add3A_915 = arith.addi %add3A_52, %add3A_914 : i32
      %multiple_of3A_916 = tpu.assume_multiple %add3A_915, 32 : i32
      %dma_wait3A = arith.constant 0 : i32
      %dma_wait3A_917 = tpu.memref_slice %arg4[%multiple_of3A_916, %dma_wait3A] : memref<16384x1024xf32, #tpu.memory_space<hbm>> -> memref<32x1024xf32, #tpu.memory_space<hbm>>
      %dma_wait3A_918 = arith.constant 0 : i32
      %dma_wait3A_919 = tpu.memref_slice %arg4[%multiple_of3A_916, %dma_wait3A_918] : memref<16384x1024xf32, #tpu.memory_space<hbm>> -> memref<32x1024xf32, #tpu.memory_space<hbm>>
      tpu.wait_dma2 semaphore(%arg16 : memref<!tpu.dma_semaphore, #tpu.memory_space<semaphore_mem>>) src(%arg8 : memref<32x1024xf32, #tpu.memory_space<vmem>>) dst(%dma_wait3A_919 : memref<32x1024xf32, #tpu.memory_space<hbm>>)
    } else {
    }
    %gt3A_785 = arith.constant 14 : i32
    %gt3A_786 = arith.cmpi sgt, %select_n3A_106, %gt3A_785 : i32
    %convert_element_type3A_787 = arith.extui %gt3A_786 : i1 to i32
    %cond3A_788 = arith.constant 0 : i32
    %cond3A_789 = arith.cmpi ne, %convert_element_type3A_787, %cond3A_788 : i32
    scf.if %cond3A_789 {
      %add3A_914 = arith.constant 448 : i32
      %add3A_915 = arith.addi %add3A_52, %add3A_914 : i32
      %multiple_of3A_916 = tpu.assume_multiple %add3A_915, 32 : i32
      %dma_wait3A = arith.constant 0 : i32
      %dma_wait3A_917 = tpu.memref_slice %arg4[%multiple_of3A_916, %dma_wait3A] : memref<16384x1024xf32, #tpu.memory_space<hbm>> -> memref<32x1024xf32, #tpu.memory_space<hbm>>
      %dma_wait3A_918 = arith.constant 0 : i32
      %dma_wait3A_919 = tpu.memref_slice %arg4[%multiple_of3A_916, %dma_wait3A_918] : memref<16384x1024xf32, #tpu.memory_space<hbm>> -> memref<32x1024xf32, #tpu.memory_space<hbm>>
      tpu.wait_dma2 semaphore(%arg17 : memref<!tpu.dma_semaphore, #tpu.memory_space<semaphore_mem>>) src(%arg9 : memref<32x1024xf32, #tpu.memory_space<vmem>>) dst(%dma_wait3A_919 : memref<32x1024xf32, #tpu.memory_space<hbm>>)
    } else {
    }
    %gt3A_790 = arith.constant 15 : i32
    %gt3A_791 = arith.cmpi sgt, %select_n3A_106, %gt3A_790 : i32
    %convert_element_type3A_792 = arith.extui %gt3A_791 : i1 to i32
    %cond3A_793 = arith.constant 0 : i32
    %cond3A_794 = arith.cmpi ne, %convert_element_type3A_792, %cond3A_793 : i32
    scf.if %cond3A_794 {
      %add3A_914 = arith.constant 480 : i32
      %add3A_915 = arith.addi %add3A_52, %add3A_914 : i32
      %multiple_of3A_916 = tpu.assume_multiple %add3A_915, 32 : i32
      %dma_wait3A = arith.constant 0 : i32
      %dma_wait3A_917 = tpu.memref_slice %arg4[%multiple_of3A_916, %dma_wait3A] : memref<16384x1024xf32, #tpu.memory_space<hbm>> -> memref<32x1024xf32, #tpu.memory_space<hbm>>
      %dma_wait3A_918 = arith.constant 0 : i32
      %dma_wait3A_919 = tpu.memref_slice %arg4[%multiple_of3A_916, %dma_wait3A_918] : memref<16384x1024xf32, #tpu.memory_space<hbm>> -> memref<32x1024xf32, #tpu.memory_space<hbm>>
      tpu.wait_dma2 semaphore(%arg15 : memref<!tpu.dma_semaphore, #tpu.memory_space<semaphore_mem>>) src(%arg7 : memref<32x1024xf32, #tpu.memory_space<vmem>>) dst(%dma_wait3A_919 : memref<32x1024xf32, #tpu.memory_space<hbm>>)
    } else {
    }
    %mul3A_795 = arith.constant 32 : i32
    %mul3A_796 = arith.muli %select_n3A_106, %mul3A_795 : i32
    %add3A_797 = arith.addi %add3A_125, %mul3A_796 : i32
    %add3A_798 = arith.constant 0 : i32
    %add3A_799 = arith.addi %add3A_797, %add3A_798 : i32
    %add3A_800 = vector.broadcast %add3A_799 : i32 to vector<16xi32>
    %add3A_801 = arith.addi %add3A_800, %iota3A : vector<16xi32>
    %min3A_802 = arith.constant 8191 : i32
    %min3A_803 = vector.broadcast %min3A_802 : i32 to vector<16xi32>
    %min3A_804 = arith.minsi %add3A_801, %min3A_803 : vector<16xi32>
    %swap3A_805 = arith.constant 0 : index
    %swap3A_806 = tpu.vector_load %arg11[%swap3A_805] {strides = array<i32>} : memref<32xi32, #tpu.memory_space<vmem>>, vector<16xi32>,
    tpu.vector_store %arg11[%swap3A_805], %min3A_804 {strides = array<i32>} : memref<32xi32, #tpu.memory_space<vmem>>, vector<16xi32>,
    %add3A_807 = arith.constant 16 : i32
    %add3A_808 = arith.addi %add3A_797, %add3A_807 : i32
    %add3A_809 = vector.broadcast %add3A_808 : i32 to vector<16xi32>
    %add3A_810 = arith.addi %add3A_809, %iota3A : vector<16xi32>
    %min3A_811 = arith.constant 8191 : i32
    %min3A_812 = vector.broadcast %min3A_811 : i32 to vector<16xi32>
    %min3A_813 = arith.minsi %add3A_810, %min3A_812 : vector<16xi32>
    %swap3A_814 = arith.constant 16 : index
    %swap3A_815 = tpu.vector_load %arg11[%swap3A_814] {strides = array<i32>} : memref<32xi32, #tpu.memory_space<vmem>>, vector<16xi32>,
    tpu.vector_store %arg11[%swap3A_814], %min3A_813 {strides = array<i32>} : memref<32xi32, #tpu.memory_space<vmem>>, vector<16xi32>,
    %gt3A_816 = arith.constant 0 : i32
    %gt3A_817 = arith.cmpi sgt, %select_n3A_122, %gt3A_816 : i32
    %convert_element_type3A_818 = arith.extui %gt3A_817 : i1 to i32
    %cond3A_819 = arith.constant 0 : i32
    %cond3A_820 = arith.cmpi ne, %convert_element_type3A_818, %cond3A_819 : i32
    scf.if %cond3A_820 {
      %dma_start3A = arith.constant 0 : i32
      %dma_start3A_914 = arith.constant 0 : i32
      %dma_start3A_915 = tpu.memref_slice %arg2[%dma_start3A, %dma_start3A_914] : memref<8192x1024xf32, #tpu.memory_space<hbm>> -> memref<8192x1024xf32, #tpu.memory_space<hbm>>
      tpu.enqueue_indirect_dma source(%dma_start3A_915 : memref<8192x1024xf32, #tpu.memory_space<hbm>>) target(%arg7 : memref<32x1024xf32, #tpu.memory_space<vmem>>) offsets(%arg11 : memref<32xi32, #tpu.memory_space<vmem>>) semaphore(%arg12 : memref<!tpu.dma_semaphore, #tpu.memory_space<semaphore_mem>>)
      %dma_wait3A = arith.constant 0 : i32
      %dma_wait3A_916 = arith.constant 0 : i32
      %dma_wait3A_917 = tpu.memref_slice %arg2[%dma_wait3A, %dma_wait3A_916] : memref<8192x1024xf32, #tpu.memory_space<hbm>> -> memref<8192x1024xf32, #tpu.memory_space<hbm>>
      tpu.wait_indirect_dma semaphore(%arg12 : memref<!tpu.dma_semaphore, #tpu.memory_space<semaphore_mem>>) src(%dma_wait3A_917 : memref<8192x1024xf32, #tpu.memory_space<hbm>>) dst(%arg7 : memref<32x1024xf32, #tpu.memory_space<vmem>>)
      %while3A = arith.constant 0 : i32
      %while3A_918 = arith.constant 32 : i32
      %while3A_919 = arith.subi %while3A_918, %select_n3A_122 : i32
      %while3A_920 = arith.addi %select_n3A_122, %while3A_919 : i32
      %while3A_921 = arith.constant 1 : i32
      %while3A_922 = arith.divsi %while3A_919, %while3A_921 : i32
      %while3A_923 = arith.muli %while3A_922, %while3A_921 : i32
      %while3A_924 = arith.addi %select_n3A_122, %while3A_923 : i32
      %while3A_925 = arith.constant 1 : i32
      scf.for %while3A_927 = %select_n3A_122 to %while3A_924 step %while3A_925  : i32 {
        %broadcast_in_dim3A_928 = arith.constant 0.000000e+00 : f32
        %broadcast_in_dim3A_929 = vector.broadcast %broadcast_in_dim3A_928 : f32 to vector<16xf32>
        %swap3A_930 = arith.index_cast %while3A_927 : i32 to index
        %swap3A_931 = arith.constant 0 : index
        %swap3A_932 = tpu.vector_load %arg7[%swap3A_930, %swap3A_931] {strides = array<i32>} : memref<32x1024xf32, #tpu.memory_space<vmem>>, vector<16xf32>,
        tpu.vector_store %arg7[%swap3A_930, %swap3A_931], %broadcast_in_dim3A_929 {strides = array<i32>} : memref<32x1024xf32, #tpu.memory_space<vmem>>, vector<16xf32>,
        %broadcast_in_dim3A_933 = arith.constant 0.000000e+00 : f32
        %broadcast_in_dim3A_934 = vector.broadcast %broadcast_in_dim3A_933 : f32 to vector<16xf32>
        %swap3A_935 = arith.index_cast %while3A_927 : i32 to index
        %swap3A_936 = arith.constant 16 : index
        %swap3A_937 = tpu.vector_load %arg7[%swap3A_935, %swap3A_936] {strides = array<i32>} : memref<32x1024xf32, #tpu.memory_space<vmem>>, vector<16xf32>,
        tpu.vector_store %arg7[%swap3A_935, %swap3A_936], %broadcast_in_dim3A_934 {strides = array<i32>} : memref<32x1024xf32, #tpu.memory_space<vmem>>, vector<16xf32>,
        %broadcast_in_dim3A_938 = arith.constant 0.000000e+00 : f32
        %broadcast_in_dim3A_939 = vector.broadcast %broadcast_in_dim3A_938 : f32 to vector<16xf32>
        %swap3A_940 = arith.index_cast %while3A_927 : i32 to index
        %swap3A_941 = arith.constant 32 : index
        %swap3A_942 = tpu.vector_load %arg7[%swap3A_940, %swap3A_941] {strides = array<i32>} : memref<32x1024xf32, #tpu.memory_space<vmem>>, vector<16xf32>,
        tpu.vector_store %arg7[%swap3A_940, %swap3A_941], %broadcast_in_dim3A_939 {strides = array<i32>} : memref<32x1024xf32, #tpu.memory_space<vmem>>, vector<16xf32>,
        %broadcast_in_dim3A_943 = arith.constant 0.000000e+00 : f32
        %broadcast_in_dim3A_944 = vector.broadcast %broadcast_in_dim3A_943 : f32 to vector<16xf32>
        %swap3A_945 = arith.index_cast %while3A_927 : i32 to index
        %swap3A_946 = arith.constant 48 : index
        %swap3A_947 = tpu.vector_load %arg7[%swap3A_945, %swap3A_946] {strides = array<i32>} : memref<32x1024xf32, #tpu.memory_space<vmem>>, vector<16xf32>,
        tpu.vector_store %arg7[%swap3A_945, %swap3A_946], %broadcast_in_dim3A_944 {strides = array<i32>} : memref<32x1024xf32, #tpu.memory_space<vmem>>, vector<16xf32>,
        %broadcast_in_dim3A_948 = arith.constant 0.000000e+00 : f32
        %broadcast_in_dim3A_949 = vector.broadcast %broadcast_in_dim3A_948 : f32 to vector<16xf32>
        %swap3A_950 = arith.index_cast %while3A_927 : i32 to index
        %swap3A_951 = arith.constant 64 : index
        %swap3A_952 = tpu.vector_load %arg7[%swap3A_950, %swap3A_951] {strides = array<i32>} : memref<32x1024xf32, #tpu.memory_space<vmem>>, vector<16xf32>,
        tpu.vector_store %arg7[%swap3A_950, %swap3A_951], %broadcast_in_dim3A_949 {strides = array<i32>} : memref<32x1024xf32, #tpu.memory_space<vmem>>, vector<16xf32>,
        %broadcast_in_dim3A_953 = arith.constant 0.000000e+00 : f32
        %broadcast_in_dim3A_954 = vector.broadcast %broadcast_in_dim3A_953 : f32 to vector<16xf32>
        %swap3A_955 = arith.index_cast %while3A_927 : i32 to index
        %swap3A_956 = arith.constant 80 : index
        %swap3A_957 = tpu.vector_load %arg7[%swap3A_955, %swap3A_956] {strides = array<i32>} : memref<32x1024xf32, #tpu.memory_space<vmem>>, vector<16xf32>,
        tpu.vector_store %arg7[%swap3A_955, %swap3A_956], %broadcast_in_dim3A_954 {strides = array<i32>} : memref<32x1024xf32, #tpu.memory_space<vmem>>, vector<16xf32>,
        %broadcast_in_dim3A_958 = arith.constant 0.000000e+00 : f32
        %broadcast_in_dim3A_959 = vector.broadcast %broadcast_in_dim3A_958 : f32 to vector<16xf32>
        %swap3A_960 = arith.index_cast %while3A_927 : i32 to index
        %swap3A_961 = arith.constant 96 : index
        %swap3A_962 = tpu.vector_load %arg7[%swap3A_960, %swap3A_961] {strides = array<i32>} : memref<32x1024xf32, #tpu.memory_space<vmem>>, vector<16xf32>,
        tpu.vector_store %arg7[%swap3A_960, %swap3A_961], %broadcast_in_dim3A_959 {strides = array<i32>} : memref<32x1024xf32, #tpu.memory_space<vmem>>, vector<16xf32>,
        %broadcast_in_dim3A_963 = arith.constant 0.000000e+00 : f32
        %broadcast_in_dim3A_964 = vector.broadcast %broadcast_in_dim3A_963 : f32 to vector<16xf32>
        %swap3A_965 = arith.index_cast %while3A_927 : i32 to index
        %swap3A_966 = arith.constant 112 : index
        %swap3A_967 = tpu.vector_load %arg7[%swap3A_965, %swap3A_966] {strides = array<i32>} : memref<32x1024xf32, #tpu.memory_space<vmem>>, vector<16xf32>,
        tpu.vector_store %arg7[%swap3A_965, %swap3A_966], %broadcast_in_dim3A_964 {strides = array<i32>} : memref<32x1024xf32, #tpu.memory_space<vmem>>, vector<16xf32>,
        %broadcast_in_dim3A_968 = arith.constant 0.000000e+00 : f32
        %broadcast_in_dim3A_969 = vector.broadcast %broadcast_in_dim3A_968 : f32 to vector<16xf32>
        %swap3A_970 = arith.index_cast %while3A_927 : i32 to index
        %swap3A_971 = arith.constant 128 : index
        %swap3A_972 = tpu.vector_load %arg7[%swap3A_970, %swap3A_971] {strides = array<i32>} : memref<32x1024xf32, #tpu.memory_space<vmem>>, vector<16xf32>,
        tpu.vector_store %arg7[%swap3A_970, %swap3A_971], %broadcast_in_dim3A_969 {strides = array<i32>} : memref<32x1024xf32, #tpu.memory_space<vmem>>, vector<16xf32>,
        %broadcast_in_dim3A_973 = arith.constant 0.000000e+00 : f32
        %broadcast_in_dim3A_974 = vector.broadcast %broadcast_in_dim3A_973 : f32 to vector<16xf32>
        %swap3A_975 = arith.index_cast %while3A_927 : i32 to index
        %swap3A_976 = arith.constant 144 : index
        %swap3A_977 = tpu.vector_load %arg7[%swap3A_975, %swap3A_976] {strides = array<i32>} : memref<32x1024xf32, #tpu.memory_space<vmem>>, vector<16xf32>,
        tpu.vector_store %arg7[%swap3A_975, %swap3A_976], %broadcast_in_dim3A_974 {strides = array<i32>} : memref<32x1024xf32, #tpu.memory_space<vmem>>, vector<16xf32>,
        %broadcast_in_dim3A_978 = arith.constant 0.000000e+00 : f32
        %broadcast_in_dim3A_979 = vector.broadcast %broadcast_in_dim3A_978 : f32 to vector<16xf32>
        %swap3A_980 = arith.index_cast %while3A_927 : i32 to index
        %swap3A_981 = arith.constant 160 : index
        %swap3A_982 = tpu.vector_load %arg7[%swap3A_980, %swap3A_981] {strides = array<i32>} : memref<32x1024xf32, #tpu.memory_space<vmem>>, vector<16xf32>,
        tpu.vector_store %arg7[%swap3A_980, %swap3A_981], %broadcast_in_dim3A_979 {strides = array<i32>} : memref<32x1024xf32, #tpu.memory_space<vmem>>, vector<16xf32>,
        %broadcast_in_dim3A_983 = arith.constant 0.000000e+00 : f32
        %broadcast_in_dim3A_984 = vector.broadcast %broadcast_in_dim3A_983 : f32 to vector<16xf32>
        %swap3A_985 = arith.index_cast %while3A_927 : i32 to index
        %swap3A_986 = arith.constant 176 : index
        %swap3A_987 = tpu.vector_load %arg7[%swap3A_985, %swap3A_986] {strides = array<i32>} : memref<32x1024xf32, #tpu.memory_space<vmem>>, vector<16xf32>,
        tpu.vector_store %arg7[%swap3A_985, %swap3A_986], %broadcast_in_dim3A_984 {strides = array<i32>} : memref<32x1024xf32, #tpu.memory_space<vmem>>, vector<16xf32>,
        %broadcast_in_dim3A_988 = arith.constant 0.000000e+00 : f32
        %broadcast_in_dim3A_989 = vector.broadcast %broadcast_in_dim3A_988 : f32 to vector<16xf32>
        %swap3A_990 = arith.index_cast %while3A_927 : i32 to index
        %swap3A_991 = arith.constant 192 : index
        %swap3A_992 = tpu.vector_load %arg7[%swap3A_990, %swap3A_991] {strides = array<i32>} : memref<32x1024xf32, #tpu.memory_space<vmem>>, vector<16xf32>,
        tpu.vector_store %arg7[%swap3A_990, %swap3A_991], %broadcast_in_dim3A_989 {strides = array<i32>} : memref<32x1024xf32, #tpu.memory_space<vmem>>, vector<16xf32>,
        %broadcast_in_dim3A_993 = arith.constant 0.000000e+00 : f32
        %broadcast_in_dim3A_994 = vector.broadcast %broadcast_in_dim3A_993 : f32 to vector<16xf32>
        %swap3A_995 = arith.index_cast %while3A_927 : i32 to index
        %swap3A_996 = arith.constant 208 : index
        %swap3A_997 = tpu.vector_load %arg7[%swap3A_995, %swap3A_996] {strides = array<i32>} : memref<32x1024xf32, #tpu.memory_space<vmem>>, vector<16xf32>,
        tpu.vector_store %arg7[%swap3A_995, %swap3A_996], %broadcast_in_dim3A_994 {strides = array<i32>} : memref<32x1024xf32, #tpu.memory_space<vmem>>, vector<16xf32>,
        %broadcast_in_dim3A_998 = arith.constant 0.000000e+00 : f32
        %broadcast_in_dim3A_999 = vector.broadcast %broadcast_in_dim3A_998 : f32 to vector<16xf32>
        %swap3A_1000 = arith.index_cast %while3A_927 : i32 to index
        %swap3A_1001 = arith.constant 224 : index
        %swap3A_1002 = tpu.vector_load %arg7[%swap3A_1000, %swap3A_1001] {strides = array<i32>} : memref<32x1024xf32, #tpu.memory_space<vmem>>, vector<16xf32>,
        tpu.vector_store %arg7[%swap3A_1000, %swap3A_1001], %broadcast_in_dim3A_999 {strides = array<i32>} : memref<32x1024xf32, #tpu.memory_space<vmem>>, vector<16xf32>,
        %broadcast_in_dim3A_1003 = arith.constant 0.000000e+00 : f32
        %broadcast_in_dim3A_1004 = vector.broadcast %broadcast_in_dim3A_1003 : f32 to vector<16xf32>
        %swap3A_1005 = arith.index_cast %while3A_927 : i32 to index
        %swap3A_1006 = arith.constant 240 : index
        %swap3A_1007 = tpu.vector_load %arg7[%swap3A_1005, %swap3A_1006] {strides = array<i32>} : memref<32x1024xf32, #tpu.memory_space<vmem>>, vector<16xf32>,
        tpu.vector_store %arg7[%swap3A_1005, %swap3A_1006], %broadcast_in_dim3A_1004 {strides = array<i32>} : memref<32x1024xf32, #tpu.memory_space<vmem>>, vector<16xf32>,
        %broadcast_in_dim3A_1008 = arith.constant 0.000000e+00 : f32
        %broadcast_in_dim3A_1009 = vector.broadcast %broadcast_in_dim3A_1008 : f32 to vector<16xf32>
        %swap3A_1010 = arith.index_cast %while3A_927 : i32 to index
        %swap3A_1011 = arith.constant 256 : index
        %swap3A_1012 = tpu.vector_load %arg7[%swap3A_1010, %swap3A_1011] {strides = array<i32>} : memref<32x1024xf32, #tpu.memory_space<vmem>>, vector<16xf32>,
        tpu.vector_store %arg7[%swap3A_1010, %swap3A_1011], %broadcast_in_dim3A_1009 {strides = array<i32>} : memref<32x1024xf32, #tpu.memory_space<vmem>>, vector<16xf32>,
        %broadcast_in_dim3A_1013 = arith.constant 0.000000e+00 : f32
        %broadcast_in_dim3A_1014 = vector.broadcast %broadcast_in_dim3A_1013 : f32 to vector<16xf32>
        %swap3A_1015 = arith.index_cast %while3A_927 : i32 to index
        %swap3A_1016 = arith.constant 272 : index
        %swap3A_1017 = tpu.vector_load %arg7[%swap3A_1015, %swap3A_1016] {strides = array<i32>} : memref<32x1024xf32, #tpu.memory_space<vmem>>, vector<16xf32>,
        tpu.vector_store %arg7[%swap3A_1015, %swap3A_1016], %broadcast_in_dim3A_1014 {strides = array<i32>} : memref<32x1024xf32, #tpu.memory_space<vmem>>, vector<16xf32>,
        %broadcast_in_dim3A_1018 = arith.constant 0.000000e+00 : f32
        %broadcast_in_dim3A_1019 = vector.broadcast %broadcast_in_dim3A_1018 : f32 to vector<16xf32>
        %swap3A_1020 = arith.index_cast %while3A_927 : i32 to index
        %swap3A_1021 = arith.constant 288 : index
        %swap3A_1022 = tpu.vector_load %arg7[%swap3A_1020, %swap3A_1021] {strides = array<i32>} : memref<32x1024xf32, #tpu.memory_space<vmem>>, vector<16xf32>,
        tpu.vector_store %arg7[%swap3A_1020, %swap3A_1021], %broadcast_in_dim3A_1019 {strides = array<i32>} : memref<32x1024xf32, #tpu.memory_space<vmem>>, vector<16xf32>,
        %broadcast_in_dim3A_1023 = arith.constant 0.000000e+00 : f32
        %broadcast_in_dim3A_1024 = vector.broadcast %broadcast_in_dim3A_1023 : f32 to vector<16xf32>
        %swap3A_1025 = arith.index_cast %while3A_927 : i32 to index
        %swap3A_1026 = arith.constant 304 : index
        %swap3A_1027 = tpu.vector_load %arg7[%swap3A_1025, %swap3A_1026] {strides = array<i32>} : memref<32x1024xf32, #tpu.memory_space<vmem>>, vector<16xf32>,
        tpu.vector_store %arg7[%swap3A_1025, %swap3A_1026], %broadcast_in_dim3A_1024 {strides = array<i32>} : memref<32x1024xf32, #tpu.memory_space<vmem>>, vector<16xf32>,
        %broadcast_in_dim3A_1028 = arith.constant 0.000000e+00 : f32
        %broadcast_in_dim3A_1029 = vector.broadcast %broadcast_in_dim3A_1028 : f32 to vector<16xf32>
        %swap3A_1030 = arith.index_cast %while3A_927 : i32 to index
        %swap3A_1031 = arith.constant 320 : index
        %swap3A_1032 = tpu.vector_load %arg7[%swap3A_1030, %swap3A_1031] {strides = array<i32>} : memref<32x1024xf32, #tpu.memory_space<vmem>>, vector<16xf32>,
        tpu.vector_store %arg7[%swap3A_1030, %swap3A_1031], %broadcast_in_dim3A_1029 {strides = array<i32>} : memref<32x1024xf32, #tpu.memory_space<vmem>>, vector<16xf32>,
        %broadcast_in_dim3A_1033 = arith.constant 0.000000e+00 : f32
        %broadcast_in_dim3A_1034 = vector.broadcast %broadcast_in_dim3A_1033 : f32 to vector<16xf32>
        %swap3A_1035 = arith.index_cast %while3A_927 : i32 to index
        %swap3A_1036 = arith.constant 336 : index
        %swap3A_1037 = tpu.vector_load %arg7[%swap3A_1035, %swap3A_1036] {strides = array<i32>} : memref<32x1024xf32, #tpu.memory_space<vmem>>, vector<16xf32>,
        tpu.vector_store %arg7[%swap3A_1035, %swap3A_1036], %broadcast_in_dim3A_1034 {strides = array<i32>} : memref<32x1024xf32, #tpu.memory_space<vmem>>, vector<16xf32>,
        %broadcast_in_dim3A_1038 = arith.constant 0.000000e+00 : f32
        %broadcast_in_dim3A_1039 = vector.broadcast %broadcast_in_dim3A_1038 : f32 to vector<16xf32>
        %swap3A_1040 = arith.index_cast %while3A_927 : i32 to index
        %swap3A_1041 = arith.constant 352 : index
        %swap3A_1042 = tpu.vector_load %arg7[%swap3A_1040, %swap3A_1041] {strides = array<i32>} : memref<32x1024xf32, #tpu.memory_space<vmem>>, vector<16xf32>,
        tpu.vector_store %arg7[%swap3A_1040, %swap3A_1041], %broadcast_in_dim3A_1039 {strides = array<i32>} : memref<32x1024xf32, #tpu.memory_space<vmem>>, vector<16xf32>,
        %broadcast_in_dim3A_1043 = arith.constant 0.000000e+00 : f32
        %broadcast_in_dim3A_1044 = vector.broadcast %broadcast_in_dim3A_1043 : f32 to vector<16xf32>
        %swap3A_1045 = arith.index_cast %while3A_927 : i32 to index
        %swap3A_1046 = arith.constant 368 : index
        %swap3A_1047 = tpu.vector_load %arg7[%swap3A_1045, %swap3A_1046] {strides = array<i32>} : memref<32x1024xf32, #tpu.memory_space<vmem>>, vector<16xf32>,
        tpu.vector_store %arg7[%swap3A_1045, %swap3A_1046], %broadcast_in_dim3A_1044 {strides = array<i32>} : memref<32x1024xf32, #tpu.memory_space<vmem>>, vector<16xf32>,
        %broadcast_in_dim3A_1048 = arith.constant 0.000000e+00 : f32
        %broadcast_in_dim3A_1049 = vector.broadcast %broadcast_in_dim3A_1048 : f32 to vector<16xf32>
        %swap3A_1050 = arith.index_cast %while3A_927 : i32 to index
        %swap3A_1051 = arith.constant 384 : index
        %swap3A_1052 = tpu.vector_load %arg7[%swap3A_1050, %swap3A_1051] {strides = array<i32>} : memref<32x1024xf32, #tpu.memory_space<vmem>>, vector<16xf32>,
        tpu.vector_store %arg7[%swap3A_1050, %swap3A_1051], %broadcast_in_dim3A_1049 {strides = array<i32>} : memref<32x1024xf32, #tpu.memory_space<vmem>>, vector<16xf32>,
        %broadcast_in_dim3A_1053 = arith.constant 0.000000e+00 : f32
        %broadcast_in_dim3A_1054 = vector.broadcast %broadcast_in_dim3A_1053 : f32 to vector<16xf32>
        %swap3A_1055 = arith.index_cast %while3A_927 : i32 to index
        %swap3A_1056 = arith.constant 400 : index
        %swap3A_1057 = tpu.vector_load %arg7[%swap3A_1055, %swap3A_1056] {strides = array<i32>} : memref<32x1024xf32, #tpu.memory_space<vmem>>, vector<16xf32>,
        tpu.vector_store %arg7[%swap3A_1055, %swap3A_1056], %broadcast_in_dim3A_1054 {strides = array<i32>} : memref<32x1024xf32, #tpu.memory_space<vmem>>, vector<16xf32>,
        %broadcast_in_dim3A_1058 = arith.constant 0.000000e+00 : f32
        %broadcast_in_dim3A_1059 = vector.broadcast %broadcast_in_dim3A_1058 : f32 to vector<16xf32>
        %swap3A_1060 = arith.index_cast %while3A_927 : i32 to index
        %swap3A_1061 = arith.constant 416 : index
        %swap3A_1062 = tpu.vector_load %arg7[%swap3A_1060, %swap3A_1061] {strides = array<i32>} : memref<32x1024xf32, #tpu.memory_space<vmem>>, vector<16xf32>,
        tpu.vector_store %arg7[%swap3A_1060, %swap3A_1061], %broadcast_in_dim3A_1059 {strides = array<i32>} : memref<32x1024xf32, #tpu.memory_space<vmem>>, vector<16xf32>,
        %broadcast_in_dim3A_1063 = arith.constant 0.000000e+00 : f32
        %broadcast_in_dim3A_1064 = vector.broadcast %broadcast_in_dim3A_1063 : f32 to vector<16xf32>
        %swap3A_1065 = arith.index_cast %while3A_927 : i32 to index
        %swap3A_1066 = arith.constant 432 : index
        %swap3A_1067 = tpu.vector_load %arg7[%swap3A_1065, %swap3A_1066] {strides = array<i32>} : memref<32x1024xf32, #tpu.memory_space<vmem>>, vector<16xf32>,
        tpu.vector_store %arg7[%swap3A_1065, %swap3A_1066], %broadcast_in_dim3A_1064 {strides = array<i32>} : memref<32x1024xf32, #tpu.memory_space<vmem>>, vector<16xf32>,
        %broadcast_in_dim3A_1068 = arith.constant 0.000000e+00 : f32
        %broadcast_in_dim3A_1069 = vector.broadcast %broadcast_in_dim3A_1068 : f32 to vector<16xf32>
        %swap3A_1070 = arith.index_cast %while3A_927 : i32 to index
        %swap3A_1071 = arith.constant 448 : index
        %swap3A_1072 = tpu.vector_load %arg7[%swap3A_1070, %swap3A_1071] {strides = array<i32>} : memref<32x1024xf32, #tpu.memory_space<vmem>>, vector<16xf32>,
        tpu.vector_store %arg7[%swap3A_1070, %swap3A_1071], %broadcast_in_dim3A_1069 {strides = array<i32>} : memref<32x1024xf32, #tpu.memory_space<vmem>>, vector<16xf32>,
        %broadcast_in_dim3A_1073 = arith.constant 0.000000e+00 : f32
        %broadcast_in_dim3A_1074 = vector.broadcast %broadcast_in_dim3A_1073 : f32 to vector<16xf32>
        %swap3A_1075 = arith.index_cast %while3A_927 : i32 to index
        %swap3A_1076 = arith.constant 464 : index
        %swap3A_1077 = tpu.vector_load %arg7[%swap3A_1075, %swap3A_1076] {strides = array<i32>} : memref<32x1024xf32, #tpu.memory_space<vmem>>, vector<16xf32>,
        tpu.vector_store %arg7[%swap3A_1075, %swap3A_1076], %broadcast_in_dim3A_1074 {strides = array<i32>} : memref<32x1024xf32, #tpu.memory_space<vmem>>, vector<16xf32>,
        %broadcast_in_dim3A_1078 = arith.constant 0.000000e+00 : f32
        %broadcast_in_dim3A_1079 = vector.broadcast %broadcast_in_dim3A_1078 : f32 to vector<16xf32>
        %swap3A_1080 = arith.index_cast %while3A_927 : i32 to index
        %swap3A_1081 = arith.constant 480 : index
        %swap3A_1082 = tpu.vector_load %arg7[%swap3A_1080, %swap3A_1081] {strides = array<i32>} : memref<32x1024xf32, #tpu.memory_space<vmem>>, vector<16xf32>,
        tpu.vector_store %arg7[%swap3A_1080, %swap3A_1081], %broadcast_in_dim3A_1079 {strides = array<i32>} : memref<32x1024xf32, #tpu.memory_space<vmem>>, vector<16xf32>,
        %broadcast_in_dim3A_1083 = arith.constant 0.000000e+00 : f32
        %broadcast_in_dim3A_1084 = vector.broadcast %broadcast_in_dim3A_1083 : f32 to vector<16xf32>
        %swap3A_1085 = arith.index_cast %while3A_927 : i32 to index
        %swap3A_1086 = arith.constant 496 : index
        %swap3A_1087 = tpu.vector_load %arg7[%swap3A_1085, %swap3A_1086] {strides = array<i32>} : memref<32x1024xf32, #tpu.memory_space<vmem>>, vector<16xf32>,
        tpu.vector_store %arg7[%swap3A_1085, %swap3A_1086], %broadcast_in_dim3A_1084 {strides = array<i32>} : memref<32x1024xf32, #tpu.memory_space<vmem>>, vector<16xf32>,
        %broadcast_in_dim3A_1088 = arith.constant 0.000000e+00 : f32
        %broadcast_in_dim3A_1089 = vector.broadcast %broadcast_in_dim3A_1088 : f32 to vector<16xf32>
        %swap3A_1090 = arith.index_cast %while3A_927 : i32 to index
        %swap3A_1091 = arith.constant 512 : index
        %swap3A_1092 = tpu.vector_load %arg7[%swap3A_1090, %swap3A_1091] {strides = array<i32>} : memref<32x1024xf32, #tpu.memory_space<vmem>>, vector<16xf32>,
        tpu.vector_store %arg7[%swap3A_1090, %swap3A_1091], %broadcast_in_dim3A_1089 {strides = array<i32>} : memref<32x1024xf32, #tpu.memory_space<vmem>>, vector<16xf32>,
        %broadcast_in_dim3A_1093 = arith.constant 0.000000e+00 : f32
        %broadcast_in_dim3A_1094 = vector.broadcast %broadcast_in_dim3A_1093 : f32 to vector<16xf32>
        %swap3A_1095 = arith.index_cast %while3A_927 : i32 to index
        %swap3A_1096 = arith.constant 528 : index
        %swap3A_1097 = tpu.vector_load %arg7[%swap3A_1095, %swap3A_1096] {strides = array<i32>} : memref<32x1024xf32, #tpu.memory_space<vmem>>, vector<16xf32>,
        tpu.vector_store %arg7[%swap3A_1095, %swap3A_1096], %broadcast_in_dim3A_1094 {strides = array<i32>} : memref<32x1024xf32, #tpu.memory_space<vmem>>, vector<16xf32>,
        %broadcast_in_dim3A_1098 = arith.constant 0.000000e+00 : f32
        %broadcast_in_dim3A_1099 = vector.broadcast %broadcast_in_dim3A_1098 : f32 to vector<16xf32>
        %swap3A_1100 = arith.index_cast %while3A_927 : i32 to index
        %swap3A_1101 = arith.constant 544 : index
        %swap3A_1102 = tpu.vector_load %arg7[%swap3A_1100, %swap3A_1101] {strides = array<i32>} : memref<32x1024xf32, #tpu.memory_space<vmem>>, vector<16xf32>,
        tpu.vector_store %arg7[%swap3A_1100, %swap3A_1101], %broadcast_in_dim3A_1099 {strides = array<i32>} : memref<32x1024xf32, #tpu.memory_space<vmem>>, vector<16xf32>,
        %broadcast_in_dim3A_1103 = arith.constant 0.000000e+00 : f32
        %broadcast_in_dim3A_1104 = vector.broadcast %broadcast_in_dim3A_1103 : f32 to vector<16xf32>
        %swap3A_1105 = arith.index_cast %while3A_927 : i32 to index
        %swap3A_1106 = arith.constant 560 : index
        %swap3A_1107 = tpu.vector_load %arg7[%swap3A_1105, %swap3A_1106] {strides = array<i32>} : memref<32x1024xf32, #tpu.memory_space<vmem>>, vector<16xf32>,
        tpu.vector_store %arg7[%swap3A_1105, %swap3A_1106], %broadcast_in_dim3A_1104 {strides = array<i32>} : memref<32x1024xf32, #tpu.memory_space<vmem>>, vector<16xf32>,
        %broadcast_in_dim3A_1108 = arith.constant 0.000000e+00 : f32
        %broadcast_in_dim3A_1109 = vector.broadcast %broadcast_in_dim3A_1108 : f32 to vector<16xf32>
        %swap3A_1110 = arith.index_cast %while3A_927 : i32 to index
        %swap3A_1111 = arith.constant 576 : index
        %swap3A_1112 = tpu.vector_load %arg7[%swap3A_1110, %swap3A_1111] {strides = array<i32>} : memref<32x1024xf32, #tpu.memory_space<vmem>>, vector<16xf32>,
        tpu.vector_store %arg7[%swap3A_1110, %swap3A_1111], %broadcast_in_dim3A_1109 {strides = array<i32>} : memref<32x1024xf32, #tpu.memory_space<vmem>>, vector<16xf32>,
        %broadcast_in_dim3A_1113 = arith.constant 0.000000e+00 : f32
        %broadcast_in_dim3A_1114 = vector.broadcast %broadcast_in_dim3A_1113 : f32 to vector<16xf32>
        %swap3A_1115 = arith.index_cast %while3A_927 : i32 to index
        %swap3A_1116 = arith.constant 592 : index
        %swap3A_1117 = tpu.vector_load %arg7[%swap3A_1115, %swap3A_1116] {strides = array<i32>} : memref<32x1024xf32, #tpu.memory_space<vmem>>, vector<16xf32>,
        tpu.vector_store %arg7[%swap3A_1115, %swap3A_1116], %broadcast_in_dim3A_1114 {strides = array<i32>} : memref<32x1024xf32, #tpu.memory_space<vmem>>, vector<16xf32>,
        %broadcast_in_dim3A_1118 = arith.constant 0.000000e+00 : f32
        %broadcast_in_dim3A_1119 = vector.broadcast %broadcast_in_dim3A_1118 : f32 to vector<16xf32>
        %swap3A_1120 = arith.index_cast %while3A_927 : i32 to index
        %swap3A_1121 = arith.constant 608 : index
        %swap3A_1122 = tpu.vector_load %arg7[%swap3A_1120, %swap3A_1121] {strides = array<i32>} : memref<32x1024xf32, #tpu.memory_space<vmem>>, vector<16xf32>,
        tpu.vector_store %arg7[%swap3A_1120, %swap3A_1121], %broadcast_in_dim3A_1119 {strides = array<i32>} : memref<32x1024xf32, #tpu.memory_space<vmem>>, vector<16xf32>,
        %broadcast_in_dim3A_1123 = arith.constant 0.000000e+00 : f32
        %broadcast_in_dim3A_1124 = vector.broadcast %broadcast_in_dim3A_1123 : f32 to vector<16xf32>
        %swap3A_1125 = arith.index_cast %while3A_927 : i32 to index
        %swap3A_1126 = arith.constant 624 : index
        %swap3A_1127 = tpu.vector_load %arg7[%swap3A_1125, %swap3A_1126] {strides = array<i32>} : memref<32x1024xf32, #tpu.memory_space<vmem>>, vector<16xf32>,
        tpu.vector_store %arg7[%swap3A_1125, %swap3A_1126], %broadcast_in_dim3A_1124 {strides = array<i32>} : memref<32x1024xf32, #tpu.memory_space<vmem>>, vector<16xf32>,
        %broadcast_in_dim3A_1128 = arith.constant 0.000000e+00 : f32
        %broadcast_in_dim3A_1129 = vector.broadcast %broadcast_in_dim3A_1128 : f32 to vector<16xf32>
        %swap3A_1130 = arith.index_cast %while3A_927 : i32 to index
        %swap3A_1131 = arith.constant 640 : index
        %swap3A_1132 = tpu.vector_load %arg7[%swap3A_1130, %swap3A_1131] {strides = array<i32>} : memref<32x1024xf32, #tpu.memory_space<vmem>>, vector<16xf32>,
        tpu.vector_store %arg7[%swap3A_1130, %swap3A_1131], %broadcast_in_dim3A_1129 {strides = array<i32>} : memref<32x1024xf32, #tpu.memory_space<vmem>>, vector<16xf32>,
        %broadcast_in_dim3A_1133 = arith.constant 0.000000e+00 : f32
        %broadcast_in_dim3A_1134 = vector.broadcast %broadcast_in_dim3A_1133 : f32 to vector<16xf32>
        %swap3A_1135 = arith.index_cast %while3A_927 : i32 to index
        %swap3A_1136 = arith.constant 656 : index
        %swap3A_1137 = tpu.vector_load %arg7[%swap3A_1135, %swap3A_1136] {strides = array<i32>} : memref<32x1024xf32, #tpu.memory_space<vmem>>, vector<16xf32>,
        tpu.vector_store %arg7[%swap3A_1135, %swap3A_1136], %broadcast_in_dim3A_1134 {strides = array<i32>} : memref<32x1024xf32, #tpu.memory_space<vmem>>, vector<16xf32>,
        %broadcast_in_dim3A_1138 = arith.constant 0.000000e+00 : f32
        %broadcast_in_dim3A_1139 = vector.broadcast %broadcast_in_dim3A_1138 : f32 to vector<16xf32>
        %swap3A_1140 = arith.index_cast %while3A_927 : i32 to index
        %swap3A_1141 = arith.constant 672 : index
        %swap3A_1142 = tpu.vector_load %arg7[%swap3A_1140, %swap3A_1141] {strides = array<i32>} : memref<32x1024xf32, #tpu.memory_space<vmem>>, vector<16xf32>,
        tpu.vector_store %arg7[%swap3A_1140, %swap3A_1141], %broadcast_in_dim3A_1139 {strides = array<i32>} : memref<32x1024xf32, #tpu.memory_space<vmem>>, vector<16xf32>,
        %broadcast_in_dim3A_1143 = arith.constant 0.000000e+00 : f32
        %broadcast_in_dim3A_1144 = vector.broadcast %broadcast_in_dim3A_1143 : f32 to vector<16xf32>
        %swap3A_1145 = arith.index_cast %while3A_927 : i32 to index
        %swap3A_1146 = arith.constant 688 : index
        %swap3A_1147 = tpu.vector_load %arg7[%swap3A_1145, %swap3A_1146] {strides = array<i32>} : memref<32x1024xf32, #tpu.memory_space<vmem>>, vector<16xf32>,
        tpu.vector_store %arg7[%swap3A_1145, %swap3A_1146], %broadcast_in_dim3A_1144 {strides = array<i32>} : memref<32x1024xf32, #tpu.memory_space<vmem>>, vector<16xf32>,
        %broadcast_in_dim3A_1148 = arith.constant 0.000000e+00 : f32
        %broadcast_in_dim3A_1149 = vector.broadcast %broadcast_in_dim3A_1148 : f32 to vector<16xf32>
        %swap3A_1150 = arith.index_cast %while3A_927 : i32 to index
        %swap3A_1151 = arith.constant 704 : index
        %swap3A_1152 = tpu.vector_load %arg7[%swap3A_1150, %swap3A_1151] {strides = array<i32>} : memref<32x1024xf32, #tpu.memory_space<vmem>>, vector<16xf32>,
        tpu.vector_store %arg7[%swap3A_1150, %swap3A_1151], %broadcast_in_dim3A_1149 {strides = array<i32>} : memref<32x1024xf32, #tpu.memory_space<vmem>>, vector<16xf32>,
        %broadcast_in_dim3A_1153 = arith.constant 0.000000e+00 : f32
        %broadcast_in_dim3A_1154 = vector.broadcast %broadcast_in_dim3A_1153 : f32 to vector<16xf32>
        %swap3A_1155 = arith.index_cast %while3A_927 : i32 to index
        %swap3A_1156 = arith.constant 720 : index
        %swap3A_1157 = tpu.vector_load %arg7[%swap3A_1155, %swap3A_1156] {strides = array<i32>} : memref<32x1024xf32, #tpu.memory_space<vmem>>, vector<16xf32>,
        tpu.vector_store %arg7[%swap3A_1155, %swap3A_1156], %broadcast_in_dim3A_1154 {strides = array<i32>} : memref<32x1024xf32, #tpu.memory_space<vmem>>, vector<16xf32>,
        %broadcast_in_dim3A_1158 = arith.constant 0.000000e+00 : f32
        %broadcast_in_dim3A_1159 = vector.broadcast %broadcast_in_dim3A_1158 : f32 to vector<16xf32>
        %swap3A_1160 = arith.index_cast %while3A_927 : i32 to index
        %swap3A_1161 = arith.constant 736 : index
        %swap3A_1162 = tpu.vector_load %arg7[%swap3A_1160, %swap3A_1161] {strides = array<i32>} : memref<32x1024xf32, #tpu.memory_space<vmem>>, vector<16xf32>,
        tpu.vector_store %arg7[%swap3A_1160, %swap3A_1161], %broadcast_in_dim3A_1159 {strides = array<i32>} : memref<32x1024xf32, #tpu.memory_space<vmem>>, vector<16xf32>,
        %broadcast_in_dim3A_1163 = arith.constant 0.000000e+00 : f32
        %broadcast_in_dim3A_1164 = vector.broadcast %broadcast_in_dim3A_1163 : f32 to vector<16xf32>
        %swap3A_1165 = arith.index_cast %while3A_927 : i32 to index
        %swap3A_1166 = arith.constant 752 : index
        %swap3A_1167 = tpu.vector_load %arg7[%swap3A_1165, %swap3A_1166] {strides = array<i32>} : memref<32x1024xf32, #tpu.memory_space<vmem>>, vector<16xf32>,
        tpu.vector_store %arg7[%swap3A_1165, %swap3A_1166], %broadcast_in_dim3A_1164 {strides = array<i32>} : memref<32x1024xf32, #tpu.memory_space<vmem>>, vector<16xf32>,
        %broadcast_in_dim3A_1168 = arith.constant 0.000000e+00 : f32
        %broadcast_in_dim3A_1169 = vector.broadcast %broadcast_in_dim3A_1168 : f32 to vector<16xf32>
        %swap3A_1170 = arith.index_cast %while3A_927 : i32 to index
        %swap3A_1171 = arith.constant 768 : index
        %swap3A_1172 = tpu.vector_load %arg7[%swap3A_1170, %swap3A_1171] {strides = array<i32>} : memref<32x1024xf32, #tpu.memory_space<vmem>>, vector<16xf32>,
        tpu.vector_store %arg7[%swap3A_1170, %swap3A_1171], %broadcast_in_dim3A_1169 {strides = array<i32>} : memref<32x1024xf32, #tpu.memory_space<vmem>>, vector<16xf32>,
        %broadcast_in_dim3A_1173 = arith.constant 0.000000e+00 : f32
        %broadcast_in_dim3A_1174 = vector.broadcast %broadcast_in_dim3A_1173 : f32 to vector<16xf32>
        %swap3A_1175 = arith.index_cast %while3A_927 : i32 to index
        %swap3A_1176 = arith.constant 784 : index
        %swap3A_1177 = tpu.vector_load %arg7[%swap3A_1175, %swap3A_1176] {strides = array<i32>} : memref<32x1024xf32, #tpu.memory_space<vmem>>, vector<16xf32>,
        tpu.vector_store %arg7[%swap3A_1175, %swap3A_1176], %broadcast_in_dim3A_1174 {strides = array<i32>} : memref<32x1024xf32, #tpu.memory_space<vmem>>, vector<16xf32>,
        %broadcast_in_dim3A_1178 = arith.constant 0.000000e+00 : f32
        %broadcast_in_dim3A_1179 = vector.broadcast %broadcast_in_dim3A_1178 : f32 to vector<16xf32>
        %swap3A_1180 = arith.index_cast %while3A_927 : i32 to index
        %swap3A_1181 = arith.constant 800 : index
        %swap3A_1182 = tpu.vector_load %arg7[%swap3A_1180, %swap3A_1181] {strides = array<i32>} : memref<32x1024xf32, #tpu.memory_space<vmem>>, vector<16xf32>,
        tpu.vector_store %arg7[%swap3A_1180, %swap3A_1181], %broadcast_in_dim3A_1179 {strides = array<i32>} : memref<32x1024xf32, #tpu.memory_space<vmem>>, vector<16xf32>,
        %broadcast_in_dim3A_1183 = arith.constant 0.000000e+00 : f32
        %broadcast_in_dim3A_1184 = vector.broadcast %broadcast_in_dim3A_1183 : f32 to vector<16xf32>
        %swap3A_1185 = arith.index_cast %while3A_927 : i32 to index
        %swap3A_1186 = arith.constant 816 : index
        %swap3A_1187 = tpu.vector_load %arg7[%swap3A_1185, %swap3A_1186] {strides = array<i32>} : memref<32x1024xf32, #tpu.memory_space<vmem>>, vector<16xf32>,
        tpu.vector_store %arg7[%swap3A_1185, %swap3A_1186], %broadcast_in_dim3A_1184 {strides = array<i32>} : memref<32x1024xf32, #tpu.memory_space<vmem>>, vector<16xf32>,
        %broadcast_in_dim3A_1188 = arith.constant 0.000000e+00 : f32
        %broadcast_in_dim3A_1189 = vector.broadcast %broadcast_in_dim3A_1188 : f32 to vector<16xf32>
        %swap3A_1190 = arith.index_cast %while3A_927 : i32 to index
        %swap3A_1191 = arith.constant 832 : index
        %swap3A_1192 = tpu.vector_load %arg7[%swap3A_1190, %swap3A_1191] {strides = array<i32>} : memref<32x1024xf32, #tpu.memory_space<vmem>>, vector<16xf32>,
        tpu.vector_store %arg7[%swap3A_1190, %swap3A_1191], %broadcast_in_dim3A_1189 {strides = array<i32>} : memref<32x1024xf32, #tpu.memory_space<vmem>>, vector<16xf32>,
        %broadcast_in_dim3A_1193 = arith.constant 0.000000e+00 : f32
        %broadcast_in_dim3A_1194 = vector.broadcast %broadcast_in_dim3A_1193 : f32 to vector<16xf32>
        %swap3A_1195 = arith.index_cast %while3A_927 : i32 to index
        %swap3A_1196 = arith.constant 848 : index
        %swap3A_1197 = tpu.vector_load %arg7[%swap3A_1195, %swap3A_1196] {strides = array<i32>} : memref<32x1024xf32, #tpu.memory_space<vmem>>, vector<16xf32>,
        tpu.vector_store %arg7[%swap3A_1195, %swap3A_1196], %broadcast_in_dim3A_1194 {strides = array<i32>} : memref<32x1024xf32, #tpu.memory_space<vmem>>, vector<16xf32>,
        %broadcast_in_dim3A_1198 = arith.constant 0.000000e+00 : f32
        %broadcast_in_dim3A_1199 = vector.broadcast %broadcast_in_dim3A_1198 : f32 to vector<16xf32>
        %swap3A_1200 = arith.index_cast %while3A_927 : i32 to index
        %swap3A_1201 = arith.constant 864 : index
        %swap3A_1202 = tpu.vector_load %arg7[%swap3A_1200, %swap3A_1201] {strides = array<i32>} : memref<32x1024xf32, #tpu.memory_space<vmem>>, vector<16xf32>,
        tpu.vector_store %arg7[%swap3A_1200, %swap3A_1201], %broadcast_in_dim3A_1199 {strides = array<i32>} : memref<32x1024xf32, #tpu.memory_space<vmem>>, vector<16xf32>,
        %broadcast_in_dim3A_1203 = arith.constant 0.000000e+00 : f32
        %broadcast_in_dim3A_1204 = vector.broadcast %broadcast_in_dim3A_1203 : f32 to vector<16xf32>
        %swap3A_1205 = arith.index_cast %while3A_927 : i32 to index
        %swap3A_1206 = arith.constant 880 : index
        %swap3A_1207 = tpu.vector_load %arg7[%swap3A_1205, %swap3A_1206] {strides = array<i32>} : memref<32x1024xf32, #tpu.memory_space<vmem>>, vector<16xf32>,
        tpu.vector_store %arg7[%swap3A_1205, %swap3A_1206], %broadcast_in_dim3A_1204 {strides = array<i32>} : memref<32x1024xf32, #tpu.memory_space<vmem>>, vector<16xf32>,
        %broadcast_in_dim3A_1208 = arith.constant 0.000000e+00 : f32
        %broadcast_in_dim3A_1209 = vector.broadcast %broadcast_in_dim3A_1208 : f32 to vector<16xf32>
        %swap3A_1210 = arith.index_cast %while3A_927 : i32 to index
        %swap3A_1211 = arith.constant 896 : index
        %swap3A_1212 = tpu.vector_load %arg7[%swap3A_1210, %swap3A_1211] {strides = array<i32>} : memref<32x1024xf32, #tpu.memory_space<vmem>>, vector<16xf32>,
        tpu.vector_store %arg7[%swap3A_1210, %swap3A_1211], %broadcast_in_dim3A_1209 {strides = array<i32>} : memref<32x1024xf32, #tpu.memory_space<vmem>>, vector<16xf32>,
        %broadcast_in_dim3A_1213 = arith.constant 0.000000e+00 : f32
        %broadcast_in_dim3A_1214 = vector.broadcast %broadcast_in_dim3A_1213 : f32 to vector<16xf32>
        %swap3A_1215 = arith.index_cast %while3A_927 : i32 to index
        %swap3A_1216 = arith.constant 912 : index
        %swap3A_1217 = tpu.vector_load %arg7[%swap3A_1215, %swap3A_1216] {strides = array<i32>} : memref<32x1024xf32, #tpu.memory_space<vmem>>, vector<16xf32>,
        tpu.vector_store %arg7[%swap3A_1215, %swap3A_1216], %broadcast_in_dim3A_1214 {strides = array<i32>} : memref<32x1024xf32, #tpu.memory_space<vmem>>, vector<16xf32>,
        %broadcast_in_dim3A_1218 = arith.constant 0.000000e+00 : f32
        %broadcast_in_dim3A_1219 = vector.broadcast %broadcast_in_dim3A_1218 : f32 to vector<16xf32>
        %swap3A_1220 = arith.index_cast %while3A_927 : i32 to index
        %swap3A_1221 = arith.constant 928 : index
        %swap3A_1222 = tpu.vector_load %arg7[%swap3A_1220, %swap3A_1221] {strides = array<i32>} : memref<32x1024xf32, #tpu.memory_space<vmem>>, vector<16xf32>,
        tpu.vector_store %arg7[%swap3A_1220, %swap3A_1221], %broadcast_in_dim3A_1219 {strides = array<i32>} : memref<32x1024xf32, #tpu.memory_space<vmem>>, vector<16xf32>,
        %broadcast_in_dim3A_1223 = arith.constant 0.000000e+00 : f32
        %broadcast_in_dim3A_1224 = vector.broadcast %broadcast_in_dim3A_1223 : f32 to vector<16xf32>
        %swap3A_1225 = arith.index_cast %while3A_927 : i32 to index
        %swap3A_1226 = arith.constant 944 : index
        %swap3A_1227 = tpu.vector_load %arg7[%swap3A_1225, %swap3A_1226] {strides = array<i32>} : memref<32x1024xf32, #tpu.memory_space<vmem>>, vector<16xf32>,
        tpu.vector_store %arg7[%swap3A_1225, %swap3A_1226], %broadcast_in_dim3A_1224 {strides = array<i32>} : memref<32x1024xf32, #tpu.memory_space<vmem>>, vector<16xf32>,
        %broadcast_in_dim3A_1228 = arith.constant 0.000000e+00 : f32
        %broadcast_in_dim3A_1229 = vector.broadcast %broadcast_in_dim3A_1228 : f32 to vector<16xf32>
        %swap3A_1230 = arith.index_cast %while3A_927 : i32 to index
        %swap3A_1231 = arith.constant 960 : index
        %swap3A_1232 = tpu.vector_load %arg7[%swap3A_1230, %swap3A_1231] {strides = array<i32>} : memref<32x1024xf32, #tpu.memory_space<vmem>>, vector<16xf32>,
        tpu.vector_store %arg7[%swap3A_1230, %swap3A_1231], %broadcast_in_dim3A_1229 {strides = array<i32>} : memref<32x1024xf32, #tpu.memory_space<vmem>>, vector<16xf32>,
        %broadcast_in_dim3A_1233 = arith.constant 0.000000e+00 : f32
        %broadcast_in_dim3A_1234 = vector.broadcast %broadcast_in_dim3A_1233 : f32 to vector<16xf32>
        %swap3A_1235 = arith.index_cast %while3A_927 : i32 to index
        %swap3A_1236 = arith.constant 976 : index
        %swap3A_1237 = tpu.vector_load %arg7[%swap3A_1235, %swap3A_1236] {strides = array<i32>} : memref<32x1024xf32, #tpu.memory_space<vmem>>, vector<16xf32>,
        tpu.vector_store %arg7[%swap3A_1235, %swap3A_1236], %broadcast_in_dim3A_1234 {strides = array<i32>} : memref<32x1024xf32, #tpu.memory_space<vmem>>, vector<16xf32>,
        %broadcast_in_dim3A_1238 = arith.constant 0.000000e+00 : f32
        %broadcast_in_dim3A_1239 = vector.broadcast %broadcast_in_dim3A_1238 : f32 to vector<16xf32>
        %swap3A_1240 = arith.index_cast %while3A_927 : i32 to index
        %swap3A_1241 = arith.constant 992 : index
        %swap3A_1242 = tpu.vector_load %arg7[%swap3A_1240, %swap3A_1241] {strides = array<i32>} : memref<32x1024xf32, #tpu.memory_space<vmem>>, vector<16xf32>,
        tpu.vector_store %arg7[%swap3A_1240, %swap3A_1241], %broadcast_in_dim3A_1239 {strides = array<i32>} : memref<32x1024xf32, #tpu.memory_space<vmem>>, vector<16xf32>,
        %broadcast_in_dim3A_1243 = arith.constant 0.000000e+00 : f32
        %broadcast_in_dim3A_1244 = vector.broadcast %broadcast_in_dim3A_1243 : f32 to vector<16xf32>
        %swap3A_1245 = arith.index_cast %while3A_927 : i32 to index
        %swap3A_1246 = arith.constant 1008 : index
        %swap3A_1247 = tpu.vector_load %arg7[%swap3A_1245, %swap3A_1246] {strides = array<i32>} : memref<32x1024xf32, #tpu.memory_space<vmem>>, vector<16xf32>,
        tpu.vector_store %arg7[%swap3A_1245, %swap3A_1246], %broadcast_in_dim3A_1244 {strides = array<i32>} : memref<32x1024xf32, #tpu.memory_space<vmem>>, vector<16xf32>,
      }
      %while3A_926 = arith.constant 1 : i32
      scf.for %while3A_927 = %while3A_924 to %while3A_920 step %while3A_926  : i32 {
        %broadcast_in_dim3A_928 = arith.constant 0.000000e+00 : f32
        %broadcast_in_dim3A_929 = vector.broadcast %broadcast_in_dim3A_928 : f32 to vector<16xf32>
        %swap3A_930 = arith.index_cast %while3A_927 : i32 to index
        %swap3A_931 = arith.constant 0 : index
        %swap3A_932 = tpu.vector_load %arg7[%swap3A_930, %swap3A_931] {strides = array<i32>} : memref<32x1024xf32, #tpu.memory_space<vmem>>, vector<16xf32>,
        tpu.vector_store %arg7[%swap3A_930, %swap3A_931], %broadcast_in_dim3A_929 {strides = array<i32>} : memref<32x1024xf32, #tpu.memory_space<vmem>>, vector<16xf32>,
        %broadcast_in_dim3A_933 = arith.constant 0.000000e+00 : f32
        %broadcast_in_dim3A_934 = vector.broadcast %broadcast_in_dim3A_933 : f32 to vector<16xf32>
        %swap3A_935 = arith.index_cast %while3A_927 : i32 to index
        %swap3A_936 = arith.constant 16 : index
        %swap3A_937 = tpu.vector_load %arg7[%swap3A_935, %swap3A_936] {strides = array<i32>} : memref<32x1024xf32, #tpu.memory_space<vmem>>, vector<16xf32>,
        tpu.vector_store %arg7[%swap3A_935, %swap3A_936], %broadcast_in_dim3A_934 {strides = array<i32>} : memref<32x1024xf32, #tpu.memory_space<vmem>>, vector<16xf32>,
        %broadcast_in_dim3A_938 = arith.constant 0.000000e+00 : f32
        %broadcast_in_dim3A_939 = vector.broadcast %broadcast_in_dim3A_938 : f32 to vector<16xf32>
        %swap3A_940 = arith.index_cast %while3A_927 : i32 to index
        %swap3A_941 = arith.constant 32 : index
        %swap3A_942 = tpu.vector_load %arg7[%swap3A_940, %swap3A_941] {strides = array<i32>} : memref<32x1024xf32, #tpu.memory_space<vmem>>, vector<16xf32>,
        tpu.vector_store %arg7[%swap3A_940, %swap3A_941], %broadcast_in_dim3A_939 {strides = array<i32>} : memref<32x1024xf32, #tpu.memory_space<vmem>>, vector<16xf32>,
        %broadcast_in_dim3A_943 = arith.constant 0.000000e+00 : f32
        %broadcast_in_dim3A_944 = vector.broadcast %broadcast_in_dim3A_943 : f32 to vector<16xf32>
        %swap3A_945 = arith.index_cast %while3A_927 : i32 to index
        %swap3A_946 = arith.constant 48 : index
        %swap3A_947 = tpu.vector_load %arg7[%swap3A_945, %swap3A_946] {strides = array<i32>} : memref<32x1024xf32, #tpu.memory_space<vmem>>, vector<16xf32>,
        tpu.vector_store %arg7[%swap3A_945, %swap3A_946], %broadcast_in_dim3A_944 {strides = array<i32>} : memref<32x1024xf32, #tpu.memory_space<vmem>>, vector<16xf32>,
        %broadcast_in_dim3A_948 = arith.constant 0.000000e+00 : f32
        %broadcast_in_dim3A_949 = vector.broadcast %broadcast_in_dim3A_948 : f32 to vector<16xf32>
        %swap3A_950 = arith.index_cast %while3A_927 : i32 to index
        %swap3A_951 = arith.constant 64 : index
        %swap3A_952 = tpu.vector_load %arg7[%swap3A_950, %swap3A_951] {strides = array<i32>} : memref<32x1024xf32, #tpu.memory_space<vmem>>, vector<16xf32>,
        tpu.vector_store %arg7[%swap3A_950, %swap3A_951], %broadcast_in_dim3A_949 {strides = array<i32>} : memref<32x1024xf32, #tpu.memory_space<vmem>>, vector<16xf32>,
        %broadcast_in_dim3A_953 = arith.constant 0.000000e+00 : f32
        %broadcast_in_dim3A_954 = vector.broadcast %broadcast_in_dim3A_953 : f32 to vector<16xf32>
        %swap3A_955 = arith.index_cast %while3A_927 : i32 to index
        %swap3A_956 = arith.constant 80 : index
        %swap3A_957 = tpu.vector_load %arg7[%swap3A_955, %swap3A_956] {strides = array<i32>} : memref<32x1024xf32, #tpu.memory_space<vmem>>, vector<16xf32>,
        tpu.vector_store %arg7[%swap3A_955, %swap3A_956], %broadcast_in_dim3A_954 {strides = array<i32>} : memref<32x1024xf32, #tpu.memory_space<vmem>>, vector<16xf32>,
        %broadcast_in_dim3A_958 = arith.constant 0.000000e+00 : f32
        %broadcast_in_dim3A_959 = vector.broadcast %broadcast_in_dim3A_958 : f32 to vector<16xf32>
        %swap3A_960 = arith.index_cast %while3A_927 : i32 to index
        %swap3A_961 = arith.constant 96 : index
        %swap3A_962 = tpu.vector_load %arg7[%swap3A_960, %swap3A_961] {strides = array<i32>} : memref<32x1024xf32, #tpu.memory_space<vmem>>, vector<16xf32>,
        tpu.vector_store %arg7[%swap3A_960, %swap3A_961], %broadcast_in_dim3A_959 {strides = array<i32>} : memref<32x1024xf32, #tpu.memory_space<vmem>>, vector<16xf32>,
        %broadcast_in_dim3A_963 = arith.constant 0.000000e+00 : f32
        %broadcast_in_dim3A_964 = vector.broadcast %broadcast_in_dim3A_963 : f32 to vector<16xf32>
        %swap3A_965 = arith.index_cast %while3A_927 : i32 to index
        %swap3A_966 = arith.constant 112 : index
        %swap3A_967 = tpu.vector_load %arg7[%swap3A_965, %swap3A_966] {strides = array<i32>} : memref<32x1024xf32, #tpu.memory_space<vmem>>, vector<16xf32>,
        tpu.vector_store %arg7[%swap3A_965, %swap3A_966], %broadcast_in_dim3A_964 {strides = array<i32>} : memref<32x1024xf32, #tpu.memory_space<vmem>>, vector<16xf32>,
        %broadcast_in_dim3A_968 = arith.constant 0.000000e+00 : f32
        %broadcast_in_dim3A_969 = vector.broadcast %broadcast_in_dim3A_968 : f32 to vector<16xf32>
        %swap3A_970 = arith.index_cast %while3A_927 : i32 to index
        %swap3A_971 = arith.constant 128 : index
        %swap3A_972 = tpu.vector_load %arg7[%swap3A_970, %swap3A_971] {strides = array<i32>} : memref<32x1024xf32, #tpu.memory_space<vmem>>, vector<16xf32>,
        tpu.vector_store %arg7[%swap3A_970, %swap3A_971], %broadcast_in_dim3A_969 {strides = array<i32>} : memref<32x1024xf32, #tpu.memory_space<vmem>>, vector<16xf32>,
        %broadcast_in_dim3A_973 = arith.constant 0.000000e+00 : f32
        %broadcast_in_dim3A_974 = vector.broadcast %broadcast_in_dim3A_973 : f32 to vector<16xf32>
        %swap3A_975 = arith.index_cast %while3A_927 : i32 to index
        %swap3A_976 = arith.constant 144 : index
        %swap3A_977 = tpu.vector_load %arg7[%swap3A_975, %swap3A_976] {strides = array<i32>} : memref<32x1024xf32, #tpu.memory_space<vmem>>, vector<16xf32>,
        tpu.vector_store %arg7[%swap3A_975, %swap3A_976], %broadcast_in_dim3A_974 {strides = array<i32>} : memref<32x1024xf32, #tpu.memory_space<vmem>>, vector<16xf32>,
        %broadcast_in_dim3A_978 = arith.constant 0.000000e+00 : f32
        %broadcast_in_dim3A_979 = vector.broadcast %broadcast_in_dim3A_978 : f32 to vector<16xf32>
        %swap3A_980 = arith.index_cast %while3A_927 : i32 to index
        %swap3A_981 = arith.constant 160 : index
        %swap3A_982 = tpu.vector_load %arg7[%swap3A_980, %swap3A_981] {strides = array<i32>} : memref<32x1024xf32, #tpu.memory_space<vmem>>, vector<16xf32>,
        tpu.vector_store %arg7[%swap3A_980, %swap3A_981], %broadcast_in_dim3A_979 {strides = array<i32>} : memref<32x1024xf32, #tpu.memory_space<vmem>>, vector<16xf32>,
        %broadcast_in_dim3A_983 = arith.constant 0.000000e+00 : f32
        %broadcast_in_dim3A_984 = vector.broadcast %broadcast_in_dim3A_983 : f32 to vector<16xf32>
        %swap3A_985 = arith.index_cast %while3A_927 : i32 to index
        %swap3A_986 = arith.constant 176 : index
        %swap3A_987 = tpu.vector_load %arg7[%swap3A_985, %swap3A_986] {strides = array<i32>} : memref<32x1024xf32, #tpu.memory_space<vmem>>, vector<16xf32>,
        tpu.vector_store %arg7[%swap3A_985, %swap3A_986], %broadcast_in_dim3A_984 {strides = array<i32>} : memref<32x1024xf32, #tpu.memory_space<vmem>>, vector<16xf32>,
        %broadcast_in_dim3A_988 = arith.constant 0.000000e+00 : f32
        %broadcast_in_dim3A_989 = vector.broadcast %broadcast_in_dim3A_988 : f32 to vector<16xf32>
        %swap3A_990 = arith.index_cast %while3A_927 : i32 to index
        %swap3A_991 = arith.constant 192 : index
        %swap3A_992 = tpu.vector_load %arg7[%swap3A_990, %swap3A_991] {strides = array<i32>} : memref<32x1024xf32, #tpu.memory_space<vmem>>, vector<16xf32>,
        tpu.vector_store %arg7[%swap3A_990, %swap3A_991], %broadcast_in_dim3A_989 {strides = array<i32>} : memref<32x1024xf32, #tpu.memory_space<vmem>>, vector<16xf32>,
        %broadcast_in_dim3A_993 = arith.constant 0.000000e+00 : f32
        %broadcast_in_dim3A_994 = vector.broadcast %broadcast_in_dim3A_993 : f32 to vector<16xf32>
        %swap3A_995 = arith.index_cast %while3A_927 : i32 to index
        %swap3A_996 = arith.constant 208 : index
        %swap3A_997 = tpu.vector_load %arg7[%swap3A_995, %swap3A_996] {strides = array<i32>} : memref<32x1024xf32, #tpu.memory_space<vmem>>, vector<16xf32>,
        tpu.vector_store %arg7[%swap3A_995, %swap3A_996], %broadcast_in_dim3A_994 {strides = array<i32>} : memref<32x1024xf32, #tpu.memory_space<vmem>>, vector<16xf32>,
        %broadcast_in_dim3A_998 = arith.constant 0.000000e+00 : f32
        %broadcast_in_dim3A_999 = vector.broadcast %broadcast_in_dim3A_998 : f32 to vector<16xf32>
        %swap3A_1000 = arith.index_cast %while3A_927 : i32 to index
        %swap3A_1001 = arith.constant 224 : index
        %swap3A_1002 = tpu.vector_load %arg7[%swap3A_1000, %swap3A_1001] {strides = array<i32>} : memref<32x1024xf32, #tpu.memory_space<vmem>>, vector<16xf32>,
        tpu.vector_store %arg7[%swap3A_1000, %swap3A_1001], %broadcast_in_dim3A_999 {strides = array<i32>} : memref<32x1024xf32, #tpu.memory_space<vmem>>, vector<16xf32>,
        %broadcast_in_dim3A_1003 = arith.constant 0.000000e+00 : f32
        %broadcast_in_dim3A_1004 = vector.broadcast %broadcast_in_dim3A_1003 : f32 to vector<16xf32>
        %swap3A_1005 = arith.index_cast %while3A_927 : i32 to index
        %swap3A_1006 = arith.constant 240 : index
        %swap3A_1007 = tpu.vector_load %arg7[%swap3A_1005, %swap3A_1006] {strides = array<i32>} : memref<32x1024xf32, #tpu.memory_space<vmem>>, vector<16xf32>,
        tpu.vector_store %arg7[%swap3A_1005, %swap3A_1006], %broadcast_in_dim3A_1004 {strides = array<i32>} : memref<32x1024xf32, #tpu.memory_space<vmem>>, vector<16xf32>,
        %broadcast_in_dim3A_1008 = arith.constant 0.000000e+00 : f32
        %broadcast_in_dim3A_1009 = vector.broadcast %broadcast_in_dim3A_1008 : f32 to vector<16xf32>
        %swap3A_1010 = arith.index_cast %while3A_927 : i32 to index
        %swap3A_1011 = arith.constant 256 : index
        %swap3A_1012 = tpu.vector_load %arg7[%swap3A_1010, %swap3A_1011] {strides = array<i32>} : memref<32x1024xf32, #tpu.memory_space<vmem>>, vector<16xf32>,
        tpu.vector_store %arg7[%swap3A_1010, %swap3A_1011], %broadcast_in_dim3A_1009 {strides = array<i32>} : memref<32x1024xf32, #tpu.memory_space<vmem>>, vector<16xf32>,
        %broadcast_in_dim3A_1013 = arith.constant 0.000000e+00 : f32
        %broadcast_in_dim3A_1014 = vector.broadcast %broadcast_in_dim3A_1013 : f32 to vector<16xf32>
        %swap3A_1015 = arith.index_cast %while3A_927 : i32 to index
        %swap3A_1016 = arith.constant 272 : index
        %swap3A_1017 = tpu.vector_load %arg7[%swap3A_1015, %swap3A_1016] {strides = array<i32>} : memref<32x1024xf32, #tpu.memory_space<vmem>>, vector<16xf32>,
        tpu.vector_store %arg7[%swap3A_1015, %swap3A_1016], %broadcast_in_dim3A_1014 {strides = array<i32>} : memref<32x1024xf32, #tpu.memory_space<vmem>>, vector<16xf32>,
        %broadcast_in_dim3A_1018 = arith.constant 0.000000e+00 : f32
        %broadcast_in_dim3A_1019 = vector.broadcast %broadcast_in_dim3A_1018 : f32 to vector<16xf32>
        %swap3A_1020 = arith.index_cast %while3A_927 : i32 to index
        %swap3A_1021 = arith.constant 288 : index
        %swap3A_1022 = tpu.vector_load %arg7[%swap3A_1020, %swap3A_1021] {strides = array<i32>} : memref<32x1024xf32, #tpu.memory_space<vmem>>, vector<16xf32>,
        tpu.vector_store %arg7[%swap3A_1020, %swap3A_1021], %broadcast_in_dim3A_1019 {strides = array<i32>} : memref<32x1024xf32, #tpu.memory_space<vmem>>, vector<16xf32>,
        %broadcast_in_dim3A_1023 = arith.constant 0.000000e+00 : f32
        %broadcast_in_dim3A_1024 = vector.broadcast %broadcast_in_dim3A_1023 : f32 to vector<16xf32>
        %swap3A_1025 = arith.index_cast %while3A_927 : i32 to index
        %swap3A_1026 = arith.constant 304 : index
        %swap3A_1027 = tpu.vector_load %arg7[%swap3A_1025, %swap3A_1026] {strides = array<i32>} : memref<32x1024xf32, #tpu.memory_space<vmem>>, vector<16xf32>,
        tpu.vector_store %arg7[%swap3A_1025, %swap3A_1026], %broadcast_in_dim3A_1024 {strides = array<i32>} : memref<32x1024xf32, #tpu.memory_space<vmem>>, vector<16xf32>,
        %broadcast_in_dim3A_1028 = arith.constant 0.000000e+00 : f32
        %broadcast_in_dim3A_1029 = vector.broadcast %broadcast_in_dim3A_1028 : f32 to vector<16xf32>
        %swap3A_1030 = arith.index_cast %while3A_927 : i32 to index
        %swap3A_1031 = arith.constant 320 : index
        %swap3A_1032 = tpu.vector_load %arg7[%swap3A_1030, %swap3A_1031] {strides = array<i32>} : memref<32x1024xf32, #tpu.memory_space<vmem>>, vector<16xf32>,
        tpu.vector_store %arg7[%swap3A_1030, %swap3A_1031], %broadcast_in_dim3A_1029 {strides = array<i32>} : memref<32x1024xf32, #tpu.memory_space<vmem>>, vector<16xf32>,
        %broadcast_in_dim3A_1033 = arith.constant 0.000000e+00 : f32
        %broadcast_in_dim3A_1034 = vector.broadcast %broadcast_in_dim3A_1033 : f32 to vector<16xf32>
        %swap3A_1035 = arith.index_cast %while3A_927 : i32 to index
        %swap3A_1036 = arith.constant 336 : index
        %swap3A_1037 = tpu.vector_load %arg7[%swap3A_1035, %swap3A_1036] {strides = array<i32>} : memref<32x1024xf32, #tpu.memory_space<vmem>>, vector<16xf32>,
        tpu.vector_store %arg7[%swap3A_1035, %swap3A_1036], %broadcast_in_dim3A_1034 {strides = array<i32>} : memref<32x1024xf32, #tpu.memory_space<vmem>>, vector<16xf32>,
        %broadcast_in_dim3A_1038 = arith.constant 0.000000e+00 : f32
        %broadcast_in_dim3A_1039 = vector.broadcast %broadcast_in_dim3A_1038 : f32 to vector<16xf32>
        %swap3A_1040 = arith.index_cast %while3A_927 : i32 to index
        %swap3A_1041 = arith.constant 352 : index
        %swap3A_1042 = tpu.vector_load %arg7[%swap3A_1040, %swap3A_1041] {strides = array<i32>} : memref<32x1024xf32, #tpu.memory_space<vmem>>, vector<16xf32>,
        tpu.vector_store %arg7[%swap3A_1040, %swap3A_1041], %broadcast_in_dim3A_1039 {strides = array<i32>} : memref<32x1024xf32, #tpu.memory_space<vmem>>, vector<16xf32>,
        %broadcast_in_dim3A_1043 = arith.constant 0.000000e+00 : f32
        %broadcast_in_dim3A_1044 = vector.broadcast %broadcast_in_dim3A_1043 : f32 to vector<16xf32>
        %swap3A_1045 = arith.index_cast %while3A_927 : i32 to index
        %swap3A_1046 = arith.constant 368 : index
        %swap3A_1047 = tpu.vector_load %arg7[%swap3A_1045, %swap3A_1046] {strides = array<i32>} : memref<32x1024xf32, #tpu.memory_space<vmem>>, vector<16xf32>,
        tpu.vector_store %arg7[%swap3A_1045, %swap3A_1046], %broadcast_in_dim3A_1044 {strides = array<i32>} : memref<32x1024xf32, #tpu.memory_space<vmem>>, vector<16xf32>,
        %broadcast_in_dim3A_1048 = arith.constant 0.000000e+00 : f32
        %broadcast_in_dim3A_1049 = vector.broadcast %broadcast_in_dim3A_1048 : f32 to vector<16xf32>
        %swap3A_1050 = arith.index_cast %while3A_927 : i32 to index
        %swap3A_1051 = arith.constant 384 : index
        %swap3A_1052 = tpu.vector_load %arg7[%swap3A_1050, %swap3A_1051] {strides = array<i32>} : memref<32x1024xf32, #tpu.memory_space<vmem>>, vector<16xf32>,
        tpu.vector_store %arg7[%swap3A_1050, %swap3A_1051], %broadcast_in_dim3A_1049 {strides = array<i32>} : memref<32x1024xf32, #tpu.memory_space<vmem>>, vector<16xf32>,
        %broadcast_in_dim3A_1053 = arith.constant 0.000000e+00 : f32
        %broadcast_in_dim3A_1054 = vector.broadcast %broadcast_in_dim3A_1053 : f32 to vector<16xf32>
        %swap3A_1055 = arith.index_cast %while3A_927 : i32 to index
        %swap3A_1056 = arith.constant 400 : index
        %swap3A_1057 = tpu.vector_load %arg7[%swap3A_1055, %swap3A_1056] {strides = array<i32>} : memref<32x1024xf32, #tpu.memory_space<vmem>>, vector<16xf32>,
        tpu.vector_store %arg7[%swap3A_1055, %swap3A_1056], %broadcast_in_dim3A_1054 {strides = array<i32>} : memref<32x1024xf32, #tpu.memory_space<vmem>>, vector<16xf32>,
        %broadcast_in_dim3A_1058 = arith.constant 0.000000e+00 : f32
        %broadcast_in_dim3A_1059 = vector.broadcast %broadcast_in_dim3A_1058 : f32 to vector<16xf32>
        %swap3A_1060 = arith.index_cast %while3A_927 : i32 to index
        %swap3A_1061 = arith.constant 416 : index
        %swap3A_1062 = tpu.vector_load %arg7[%swap3A_1060, %swap3A_1061] {strides = array<i32>} : memref<32x1024xf32, #tpu.memory_space<vmem>>, vector<16xf32>,
        tpu.vector_store %arg7[%swap3A_1060, %swap3A_1061], %broadcast_in_dim3A_1059 {strides = array<i32>} : memref<32x1024xf32, #tpu.memory_space<vmem>>, vector<16xf32>,
        %broadcast_in_dim3A_1063 = arith.constant 0.000000e+00 : f32
        %broadcast_in_dim3A_1064 = vector.broadcast %broadcast_in_dim3A_1063 : f32 to vector<16xf32>
        %swap3A_1065 = arith.index_cast %while3A_927 : i32 to index
        %swap3A_1066 = arith.constant 432 : index
        %swap3A_1067 = tpu.vector_load %arg7[%swap3A_1065, %swap3A_1066] {strides = array<i32>} : memref<32x1024xf32, #tpu.memory_space<vmem>>, vector<16xf32>,
        tpu.vector_store %arg7[%swap3A_1065, %swap3A_1066], %broadcast_in_dim3A_1064 {strides = array<i32>} : memref<32x1024xf32, #tpu.memory_space<vmem>>, vector<16xf32>,
        %broadcast_in_dim3A_1068 = arith.constant 0.000000e+00 : f32
        %broadcast_in_dim3A_1069 = vector.broadcast %broadcast_in_dim3A_1068 : f32 to vector<16xf32>
        %swap3A_1070 = arith.index_cast %while3A_927 : i32 to index
        %swap3A_1071 = arith.constant 448 : index
        %swap3A_1072 = tpu.vector_load %arg7[%swap3A_1070, %swap3A_1071] {strides = array<i32>} : memref<32x1024xf32, #tpu.memory_space<vmem>>, vector<16xf32>,
        tpu.vector_store %arg7[%swap3A_1070, %swap3A_1071], %broadcast_in_dim3A_1069 {strides = array<i32>} : memref<32x1024xf32, #tpu.memory_space<vmem>>, vector<16xf32>,
        %broadcast_in_dim3A_1073 = arith.constant 0.000000e+00 : f32
        %broadcast_in_dim3A_1074 = vector.broadcast %broadcast_in_dim3A_1073 : f32 to vector<16xf32>
        %swap3A_1075 = arith.index_cast %while3A_927 : i32 to index
        %swap3A_1076 = arith.constant 464 : index
        %swap3A_1077 = tpu.vector_load %arg7[%swap3A_1075, %swap3A_1076] {strides = array<i32>} : memref<32x1024xf32, #tpu.memory_space<vmem>>, vector<16xf32>,
        tpu.vector_store %arg7[%swap3A_1075, %swap3A_1076], %broadcast_in_dim3A_1074 {strides = array<i32>} : memref<32x1024xf32, #tpu.memory_space<vmem>>, vector<16xf32>,
        %broadcast_in_dim3A_1078 = arith.constant 0.000000e+00 : f32
        %broadcast_in_dim3A_1079 = vector.broadcast %broadcast_in_dim3A_1078 : f32 to vector<16xf32>
        %swap3A_1080 = arith.index_cast %while3A_927 : i32 to index
        %swap3A_1081 = arith.constant 480 : index
        %swap3A_1082 = tpu.vector_load %arg7[%swap3A_1080, %swap3A_1081] {strides = array<i32>} : memref<32x1024xf32, #tpu.memory_space<vmem>>, vector<16xf32>,
        tpu.vector_store %arg7[%swap3A_1080, %swap3A_1081], %broadcast_in_dim3A_1079 {strides = array<i32>} : memref<32x1024xf32, #tpu.memory_space<vmem>>, vector<16xf32>,
        %broadcast_in_dim3A_1083 = arith.constant 0.000000e+00 : f32
        %broadcast_in_dim3A_1084 = vector.broadcast %broadcast_in_dim3A_1083 : f32 to vector<16xf32>
        %swap3A_1085 = arith.index_cast %while3A_927 : i32 to index
        %swap3A_1086 = arith.constant 496 : index
        %swap3A_1087 = tpu.vector_load %arg7[%swap3A_1085, %swap3A_1086] {strides = array<i32>} : memref<32x1024xf32, #tpu.memory_space<vmem>>, vector<16xf32>,
        tpu.vector_store %arg7[%swap3A_1085, %swap3A_1086], %broadcast_in_dim3A_1084 {strides = array<i32>} : memref<32x1024xf32, #tpu.memory_space<vmem>>, vector<16xf32>,
        %broadcast_in_dim3A_1088 = arith.constant 0.000000e+00 : f32
        %broadcast_in_dim3A_1089 = vector.broadcast %broadcast_in_dim3A_1088 : f32 to vector<16xf32>
        %swap3A_1090 = arith.index_cast %while3A_927 : i32 to index
        %swap3A_1091 = arith.constant 512 : index
        %swap3A_1092 = tpu.vector_load %arg7[%swap3A_1090, %swap3A_1091] {strides = array<i32>} : memref<32x1024xf32, #tpu.memory_space<vmem>>, vector<16xf32>,
        tpu.vector_store %arg7[%swap3A_1090, %swap3A_1091], %broadcast_in_dim3A_1089 {strides = array<i32>} : memref<32x1024xf32, #tpu.memory_space<vmem>>, vector<16xf32>,
        %broadcast_in_dim3A_1093 = arith.constant 0.000000e+00 : f32
        %broadcast_in_dim3A_1094 = vector.broadcast %broadcast_in_dim3A_1093 : f32 to vector<16xf32>
        %swap3A_1095 = arith.index_cast %while3A_927 : i32 to index
        %swap3A_1096 = arith.constant 528 : index
        %swap3A_1097 = tpu.vector_load %arg7[%swap3A_1095, %swap3A_1096] {strides = array<i32>} : memref<32x1024xf32, #tpu.memory_space<vmem>>, vector<16xf32>,
        tpu.vector_store %arg7[%swap3A_1095, %swap3A_1096], %broadcast_in_dim3A_1094 {strides = array<i32>} : memref<32x1024xf32, #tpu.memory_space<vmem>>, vector<16xf32>,
        %broadcast_in_dim3A_1098 = arith.constant 0.000000e+00 : f32
        %broadcast_in_dim3A_1099 = vector.broadcast %broadcast_in_dim3A_1098 : f32 to vector<16xf32>
        %swap3A_1100 = arith.index_cast %while3A_927 : i32 to index
        %swap3A_1101 = arith.constant 544 : index
        %swap3A_1102 = tpu.vector_load %arg7[%swap3A_1100, %swap3A_1101] {strides = array<i32>} : memref<32x1024xf32, #tpu.memory_space<vmem>>, vector<16xf32>,
        tpu.vector_store %arg7[%swap3A_1100, %swap3A_1101], %broadcast_in_dim3A_1099 {strides = array<i32>} : memref<32x1024xf32, #tpu.memory_space<vmem>>, vector<16xf32>,
        %broadcast_in_dim3A_1103 = arith.constant 0.000000e+00 : f32
        %broadcast_in_dim3A_1104 = vector.broadcast %broadcast_in_dim3A_1103 : f32 to vector<16xf32>
        %swap3A_1105 = arith.index_cast %while3A_927 : i32 to index
        %swap3A_1106 = arith.constant 560 : index
        %swap3A_1107 = tpu.vector_load %arg7[%swap3A_1105, %swap3A_1106] {strides = array<i32>} : memref<32x1024xf32, #tpu.memory_space<vmem>>, vector<16xf32>,
        tpu.vector_store %arg7[%swap3A_1105, %swap3A_1106], %broadcast_in_dim3A_1104 {strides = array<i32>} : memref<32x1024xf32, #tpu.memory_space<vmem>>, vector<16xf32>,
        %broadcast_in_dim3A_1108 = arith.constant 0.000000e+00 : f32
        %broadcast_in_dim3A_1109 = vector.broadcast %broadcast_in_dim3A_1108 : f32 to vector<16xf32>
        %swap3A_1110 = arith.index_cast %while3A_927 : i32 to index
        %swap3A_1111 = arith.constant 576 : index
        %swap3A_1112 = tpu.vector_load %arg7[%swap3A_1110, %swap3A_1111] {strides = array<i32>} : memref<32x1024xf32, #tpu.memory_space<vmem>>, vector<16xf32>,
        tpu.vector_store %arg7[%swap3A_1110, %swap3A_1111], %broadcast_in_dim3A_1109 {strides = array<i32>} : memref<32x1024xf32, #tpu.memory_space<vmem>>, vector<16xf32>,
        %broadcast_in_dim3A_1113 = arith.constant 0.000000e+00 : f32
        %broadcast_in_dim3A_1114 = vector.broadcast %broadcast_in_dim3A_1113 : f32 to vector<16xf32>
        %swap3A_1115 = arith.index_cast %while3A_927 : i32 to index
        %swap3A_1116 = arith.constant 592 : index
        %swap3A_1117 = tpu.vector_load %arg7[%swap3A_1115, %swap3A_1116] {strides = array<i32>} : memref<32x1024xf32, #tpu.memory_space<vmem>>, vector<16xf32>,
        tpu.vector_store %arg7[%swap3A_1115, %swap3A_1116], %broadcast_in_dim3A_1114 {strides = array<i32>} : memref<32x1024xf32, #tpu.memory_space<vmem>>, vector<16xf32>,
        %broadcast_in_dim3A_1118 = arith.constant 0.000000e+00 : f32
        %broadcast_in_dim3A_1119 = vector.broadcast %broadcast_in_dim3A_1118 : f32 to vector<16xf32>
        %swap3A_1120 = arith.index_cast %while3A_927 : i32 to index
        %swap3A_1121 = arith.constant 608 : index
        %swap3A_1122 = tpu.vector_load %arg7[%swap3A_1120, %swap3A_1121] {strides = array<i32>} : memref<32x1024xf32, #tpu.memory_space<vmem>>, vector<16xf32>,
        tpu.vector_store %arg7[%swap3A_1120, %swap3A_1121], %broadcast_in_dim3A_1119 {strides = array<i32>} : memref<32x1024xf32, #tpu.memory_space<vmem>>, vector<16xf32>,
        %broadcast_in_dim3A_1123 = arith.constant 0.000000e+00 : f32
        %broadcast_in_dim3A_1124 = vector.broadcast %broadcast_in_dim3A_1123 : f32 to vector<16xf32>
        %swap3A_1125 = arith.index_cast %while3A_927 : i32 to index
        %swap3A_1126 = arith.constant 624 : index
        %swap3A_1127 = tpu.vector_load %arg7[%swap3A_1125, %swap3A_1126] {strides = array<i32>} : memref<32x1024xf32, #tpu.memory_space<vmem>>, vector<16xf32>,
        tpu.vector_store %arg7[%swap3A_1125, %swap3A_1126], %broadcast_in_dim3A_1124 {strides = array<i32>} : memref<32x1024xf32, #tpu.memory_space<vmem>>, vector<16xf32>,
        %broadcast_in_dim3A_1128 = arith.constant 0.000000e+00 : f32
        %broadcast_in_dim3A_1129 = vector.broadcast %broadcast_in_dim3A_1128 : f32 to vector<16xf32>
        %swap3A_1130 = arith.index_cast %while3A_927 : i32 to index
        %swap3A_1131 = arith.constant 640 : index
        %swap3A_1132 = tpu.vector_load %arg7[%swap3A_1130, %swap3A_1131] {strides = array<i32>} : memref<32x1024xf32, #tpu.memory_space<vmem>>, vector<16xf32>,
        tpu.vector_store %arg7[%swap3A_1130, %swap3A_1131], %broadcast_in_dim3A_1129 {strides = array<i32>} : memref<32x1024xf32, #tpu.memory_space<vmem>>, vector<16xf32>,
        %broadcast_in_dim3A_1133 = arith.constant 0.000000e+00 : f32
        %broadcast_in_dim3A_1134 = vector.broadcast %broadcast_in_dim3A_1133 : f32 to vector<16xf32>
        %swap3A_1135 = arith.index_cast %while3A_927 : i32 to index
        %swap3A_1136 = arith.constant 656 : index
        %swap3A_1137 = tpu.vector_load %arg7[%swap3A_1135, %swap3A_1136] {strides = array<i32>} : memref<32x1024xf32, #tpu.memory_space<vmem>>, vector<16xf32>,
        tpu.vector_store %arg7[%swap3A_1135, %swap3A_1136], %broadcast_in_dim3A_1134 {strides = array<i32>} : memref<32x1024xf32, #tpu.memory_space<vmem>>, vector<16xf32>,
        %broadcast_in_dim3A_1138 = arith.constant 0.000000e+00 : f32
        %broadcast_in_dim3A_1139 = vector.broadcast %broadcast_in_dim3A_1138 : f32 to vector<16xf32>
        %swap3A_1140 = arith.index_cast %while3A_927 : i32 to index
        %swap3A_1141 = arith.constant 672 : index
        %swap3A_1142 = tpu.vector_load %arg7[%swap3A_1140, %swap3A_1141] {strides = array<i32>} : memref<32x1024xf32, #tpu.memory_space<vmem>>, vector<16xf32>,
        tpu.vector_store %arg7[%swap3A_1140, %swap3A_1141], %broadcast_in_dim3A_1139 {strides = array<i32>} : memref<32x1024xf32, #tpu.memory_space<vmem>>, vector<16xf32>,
        %broadcast_in_dim3A_1143 = arith.constant 0.000000e+00 : f32
        %broadcast_in_dim3A_1144 = vector.broadcast %broadcast_in_dim3A_1143 : f32 to vector<16xf32>
        %swap3A_1145 = arith.index_cast %while3A_927 : i32 to index
        %swap3A_1146 = arith.constant 688 : index
        %swap3A_1147 = tpu.vector_load %arg7[%swap3A_1145, %swap3A_1146] {strides = array<i32>} : memref<32x1024xf32, #tpu.memory_space<vmem>>, vector<16xf32>,
        tpu.vector_store %arg7[%swap3A_1145, %swap3A_1146], %broadcast_in_dim3A_1144 {strides = array<i32>} : memref<32x1024xf32, #tpu.memory_space<vmem>>, vector<16xf32>,
        %broadcast_in_dim3A_1148 = arith.constant 0.000000e+00 : f32
        %broadcast_in_dim3A_1149 = vector.broadcast %broadcast_in_dim3A_1148 : f32 to vector<16xf32>
        %swap3A_1150 = arith.index_cast %while3A_927 : i32 to index
        %swap3A_1151 = arith.constant 704 : index
        %swap3A_1152 = tpu.vector_load %arg7[%swap3A_1150, %swap3A_1151] {strides = array<i32>} : memref<32x1024xf32, #tpu.memory_space<vmem>>, vector<16xf32>,
        tpu.vector_store %arg7[%swap3A_1150, %swap3A_1151], %broadcast_in_dim3A_1149 {strides = array<i32>} : memref<32x1024xf32, #tpu.memory_space<vmem>>, vector<16xf32>,
        %broadcast_in_dim3A_1153 = arith.constant 0.000000e+00 : f32
        %broadcast_in_dim3A_1154 = vector.broadcast %broadcast_in_dim3A_1153 : f32 to vector<16xf32>
        %swap3A_1155 = arith.index_cast %while3A_927 : i32 to index
        %swap3A_1156 = arith.constant 720 : index
        %swap3A_1157 = tpu.vector_load %arg7[%swap3A_1155, %swap3A_1156] {strides = array<i32>} : memref<32x1024xf32, #tpu.memory_space<vmem>>, vector<16xf32>,
        tpu.vector_store %arg7[%swap3A_1155, %swap3A_1156], %broadcast_in_dim3A_1154 {strides = array<i32>} : memref<32x1024xf32, #tpu.memory_space<vmem>>, vector<16xf32>,
        %broadcast_in_dim3A_1158 = arith.constant 0.000000e+00 : f32
        %broadcast_in_dim3A_1159 = vector.broadcast %broadcast_in_dim3A_1158 : f32 to vector<16xf32>
        %swap3A_1160 = arith.index_cast %while3A_927 : i32 to index
        %swap3A_1161 = arith.constant 736 : index
        %swap3A_1162 = tpu.vector_load %arg7[%swap3A_1160, %swap3A_1161] {strides = array<i32>} : memref<32x1024xf32, #tpu.memory_space<vmem>>, vector<16xf32>,
        tpu.vector_store %arg7[%swap3A_1160, %swap3A_1161], %broadcast_in_dim3A_1159 {strides = array<i32>} : memref<32x1024xf32, #tpu.memory_space<vmem>>, vector<16xf32>,
        %broadcast_in_dim3A_1163 = arith.constant 0.000000e+00 : f32
        %broadcast_in_dim3A_1164 = vector.broadcast %broadcast_in_dim3A_1163 : f32 to vector<16xf32>
        %swap3A_1165 = arith.index_cast %while3A_927 : i32 to index
        %swap3A_1166 = arith.constant 752 : index
        %swap3A_1167 = tpu.vector_load %arg7[%swap3A_1165, %swap3A_1166] {strides = array<i32>} : memref<32x1024xf32, #tpu.memory_space<vmem>>, vector<16xf32>,
        tpu.vector_store %arg7[%swap3A_1165, %swap3A_1166], %broadcast_in_dim3A_1164 {strides = array<i32>} : memref<32x1024xf32, #tpu.memory_space<vmem>>, vector<16xf32>,
        %broadcast_in_dim3A_1168 = arith.constant 0.000000e+00 : f32
        %broadcast_in_dim3A_1169 = vector.broadcast %broadcast_in_dim3A_1168 : f32 to vector<16xf32>
        %swap3A_1170 = arith.index_cast %while3A_927 : i32 to index
        %swap3A_1171 = arith.constant 768 : index
        %swap3A_1172 = tpu.vector_load %arg7[%swap3A_1170, %swap3A_1171] {strides = array<i32>} : memref<32x1024xf32, #tpu.memory_space<vmem>>, vector<16xf32>,
        tpu.vector_store %arg7[%swap3A_1170, %swap3A_1171], %broadcast_in_dim3A_1169 {strides = array<i32>} : memref<32x1024xf32, #tpu.memory_space<vmem>>, vector<16xf32>,
        %broadcast_in_dim3A_1173 = arith.constant 0.000000e+00 : f32
        %broadcast_in_dim3A_1174 = vector.broadcast %broadcast_in_dim3A_1173 : f32 to vector<16xf32>
        %swap3A_1175 = arith.index_cast %while3A_927 : i32 to index
        %swap3A_1176 = arith.constant 784 : index
        %swap3A_1177 = tpu.vector_load %arg7[%swap3A_1175, %swap3A_1176] {strides = array<i32>} : memref<32x1024xf32, #tpu.memory_space<vmem>>, vector<16xf32>,
        tpu.vector_store %arg7[%swap3A_1175, %swap3A_1176], %broadcast_in_dim3A_1174 {strides = array<i32>} : memref<32x1024xf32, #tpu.memory_space<vmem>>, vector<16xf32>,
        %broadcast_in_dim3A_1178 = arith.constant 0.000000e+00 : f32
        %broadcast_in_dim3A_1179 = vector.broadcast %broadcast_in_dim3A_1178 : f32 to vector<16xf32>
        %swap3A_1180 = arith.index_cast %while3A_927 : i32 to index
        %swap3A_1181 = arith.constant 800 : index
        %swap3A_1182 = tpu.vector_load %arg7[%swap3A_1180, %swap3A_1181] {strides = array<i32>} : memref<32x1024xf32, #tpu.memory_space<vmem>>, vector<16xf32>,
        tpu.vector_store %arg7[%swap3A_1180, %swap3A_1181], %broadcast_in_dim3A_1179 {strides = array<i32>} : memref<32x1024xf32, #tpu.memory_space<vmem>>, vector<16xf32>,
        %broadcast_in_dim3A_1183 = arith.constant 0.000000e+00 : f32
        %broadcast_in_dim3A_1184 = vector.broadcast %broadcast_in_dim3A_1183 : f32 to vector<16xf32>
        %swap3A_1185 = arith.index_cast %while3A_927 : i32 to index
        %swap3A_1186 = arith.constant 816 : index
        %swap3A_1187 = tpu.vector_load %arg7[%swap3A_1185, %swap3A_1186] {strides = array<i32>} : memref<32x1024xf32, #tpu.memory_space<vmem>>, vector<16xf32>,
        tpu.vector_store %arg7[%swap3A_1185, %swap3A_1186], %broadcast_in_dim3A_1184 {strides = array<i32>} : memref<32x1024xf32, #tpu.memory_space<vmem>>, vector<16xf32>,
        %broadcast_in_dim3A_1188 = arith.constant 0.000000e+00 : f32
        %broadcast_in_dim3A_1189 = vector.broadcast %broadcast_in_dim3A_1188 : f32 to vector<16xf32>
        %swap3A_1190 = arith.index_cast %while3A_927 : i32 to index
        %swap3A_1191 = arith.constant 832 : index
        %swap3A_1192 = tpu.vector_load %arg7[%swap3A_1190, %swap3A_1191] {strides = array<i32>} : memref<32x1024xf32, #tpu.memory_space<vmem>>, vector<16xf32>,
        tpu.vector_store %arg7[%swap3A_1190, %swap3A_1191], %broadcast_in_dim3A_1189 {strides = array<i32>} : memref<32x1024xf32, #tpu.memory_space<vmem>>, vector<16xf32>,
        %broadcast_in_dim3A_1193 = arith.constant 0.000000e+00 : f32
        %broadcast_in_dim3A_1194 = vector.broadcast %broadcast_in_dim3A_1193 : f32 to vector<16xf32>
        %swap3A_1195 = arith.index_cast %while3A_927 : i32 to index
        %swap3A_1196 = arith.constant 848 : index
        %swap3A_1197 = tpu.vector_load %arg7[%swap3A_1195, %swap3A_1196] {strides = array<i32>} : memref<32x1024xf32, #tpu.memory_space<vmem>>, vector<16xf32>,
        tpu.vector_store %arg7[%swap3A_1195, %swap3A_1196], %broadcast_in_dim3A_1194 {strides = array<i32>} : memref<32x1024xf32, #tpu.memory_space<vmem>>, vector<16xf32>,
        %broadcast_in_dim3A_1198 = arith.constant 0.000000e+00 : f32
        %broadcast_in_dim3A_1199 = vector.broadcast %broadcast_in_dim3A_1198 : f32 to vector<16xf32>
        %swap3A_1200 = arith.index_cast %while3A_927 : i32 to index
        %swap3A_1201 = arith.constant 864 : index
        %swap3A_1202 = tpu.vector_load %arg7[%swap3A_1200, %swap3A_1201] {strides = array<i32>} : memref<32x1024xf32, #tpu.memory_space<vmem>>, vector<16xf32>,
        tpu.vector_store %arg7[%swap3A_1200, %swap3A_1201], %broadcast_in_dim3A_1199 {strides = array<i32>} : memref<32x1024xf32, #tpu.memory_space<vmem>>, vector<16xf32>,
        %broadcast_in_dim3A_1203 = arith.constant 0.000000e+00 : f32
        %broadcast_in_dim3A_1204 = vector.broadcast %broadcast_in_dim3A_1203 : f32 to vector<16xf32>
        %swap3A_1205 = arith.index_cast %while3A_927 : i32 to index
        %swap3A_1206 = arith.constant 880 : index
        %swap3A_1207 = tpu.vector_load %arg7[%swap3A_1205, %swap3A_1206] {strides = array<i32>} : memref<32x1024xf32, #tpu.memory_space<vmem>>, vector<16xf32>,
        tpu.vector_store %arg7[%swap3A_1205, %swap3A_1206], %broadcast_in_dim3A_1204 {strides = array<i32>} : memref<32x1024xf32, #tpu.memory_space<vmem>>, vector<16xf32>,
        %broadcast_in_dim3A_1208 = arith.constant 0.000000e+00 : f32
        %broadcast_in_dim3A_1209 = vector.broadcast %broadcast_in_dim3A_1208 : f32 to vector<16xf32>
        %swap3A_1210 = arith.index_cast %while3A_927 : i32 to index
        %swap3A_1211 = arith.constant 896 : index
        %swap3A_1212 = tpu.vector_load %arg7[%swap3A_1210, %swap3A_1211] {strides = array<i32>} : memref<32x1024xf32, #tpu.memory_space<vmem>>, vector<16xf32>,
        tpu.vector_store %arg7[%swap3A_1210, %swap3A_1211], %broadcast_in_dim3A_1209 {strides = array<i32>} : memref<32x1024xf32, #tpu.memory_space<vmem>>, vector<16xf32>,
        %broadcast_in_dim3A_1213 = arith.constant 0.000000e+00 : f32
        %broadcast_in_dim3A_1214 = vector.broadcast %broadcast_in_dim3A_1213 : f32 to vector<16xf32>
        %swap3A_1215 = arith.index_cast %while3A_927 : i32 to index
        %swap3A_1216 = arith.constant 912 : index
        %swap3A_1217 = tpu.vector_load %arg7[%swap3A_1215, %swap3A_1216] {strides = array<i32>} : memref<32x1024xf32, #tpu.memory_space<vmem>>, vector<16xf32>,
        tpu.vector_store %arg7[%swap3A_1215, %swap3A_1216], %broadcast_in_dim3A_1214 {strides = array<i32>} : memref<32x1024xf32, #tpu.memory_space<vmem>>, vector<16xf32>,
        %broadcast_in_dim3A_1218 = arith.constant 0.000000e+00 : f32
        %broadcast_in_dim3A_1219 = vector.broadcast %broadcast_in_dim3A_1218 : f32 to vector<16xf32>
        %swap3A_1220 = arith.index_cast %while3A_927 : i32 to index
        %swap3A_1221 = arith.constant 928 : index
        %swap3A_1222 = tpu.vector_load %arg7[%swap3A_1220, %swap3A_1221] {strides = array<i32>} : memref<32x1024xf32, #tpu.memory_space<vmem>>, vector<16xf32>,
        tpu.vector_store %arg7[%swap3A_1220, %swap3A_1221], %broadcast_in_dim3A_1219 {strides = array<i32>} : memref<32x1024xf32, #tpu.memory_space<vmem>>, vector<16xf32>,
        %broadcast_in_dim3A_1223 = arith.constant 0.000000e+00 : f32
        %broadcast_in_dim3A_1224 = vector.broadcast %broadcast_in_dim3A_1223 : f32 to vector<16xf32>
        %swap3A_1225 = arith.index_cast %while3A_927 : i32 to index
        %swap3A_1226 = arith.constant 944 : index
        %swap3A_1227 = tpu.vector_load %arg7[%swap3A_1225, %swap3A_1226] {strides = array<i32>} : memref<32x1024xf32, #tpu.memory_space<vmem>>, vector<16xf32>,
        tpu.vector_store %arg7[%swap3A_1225, %swap3A_1226], %broadcast_in_dim3A_1224 {strides = array<i32>} : memref<32x1024xf32, #tpu.memory_space<vmem>>, vector<16xf32>,
        %broadcast_in_dim3A_1228 = arith.constant 0.000000e+00 : f32
        %broadcast_in_dim3A_1229 = vector.broadcast %broadcast_in_dim3A_1228 : f32 to vector<16xf32>
        %swap3A_1230 = arith.index_cast %while3A_927 : i32 to index
        %swap3A_1231 = arith.constant 960 : index
        %swap3A_1232 = tpu.vector_load %arg7[%swap3A_1230, %swap3A_1231] {strides = array<i32>} : memref<32x1024xf32, #tpu.memory_space<vmem>>, vector<16xf32>,
        tpu.vector_store %arg7[%swap3A_1230, %swap3A_1231], %broadcast_in_dim3A_1229 {strides = array<i32>} : memref<32x1024xf32, #tpu.memory_space<vmem>>, vector<16xf32>,
        %broadcast_in_dim3A_1233 = arith.constant 0.000000e+00 : f32
        %broadcast_in_dim3A_1234 = vector.broadcast %broadcast_in_dim3A_1233 : f32 to vector<16xf32>
        %swap3A_1235 = arith.index_cast %while3A_927 : i32 to index
        %swap3A_1236 = arith.constant 976 : index
        %swap3A_1237 = tpu.vector_load %arg7[%swap3A_1235, %swap3A_1236] {strides = array<i32>} : memref<32x1024xf32, #tpu.memory_space<vmem>>, vector<16xf32>,
        tpu.vector_store %arg7[%swap3A_1235, %swap3A_1236], %broadcast_in_dim3A_1234 {strides = array<i32>} : memref<32x1024xf32, #tpu.memory_space<vmem>>, vector<16xf32>,
        %broadcast_in_dim3A_1238 = arith.constant 0.000000e+00 : f32
        %broadcast_in_dim3A_1239 = vector.broadcast %broadcast_in_dim3A_1238 : f32 to vector<16xf32>
        %swap3A_1240 = arith.index_cast %while3A_927 : i32 to index
        %swap3A_1241 = arith.constant 992 : index
        %swap3A_1242 = tpu.vector_load %arg7[%swap3A_1240, %swap3A_1241] {strides = array<i32>} : memref<32x1024xf32, #tpu.memory_space<vmem>>, vector<16xf32>,
        tpu.vector_store %arg7[%swap3A_1240, %swap3A_1241], %broadcast_in_dim3A_1239 {strides = array<i32>} : memref<32x1024xf32, #tpu.memory_space<vmem>>, vector<16xf32>,
        %broadcast_in_dim3A_1243 = arith.constant 0.000000e+00 : f32
        %broadcast_in_dim3A_1244 = vector.broadcast %broadcast_in_dim3A_1243 : f32 to vector<16xf32>
        %swap3A_1245 = arith.index_cast %while3A_927 : i32 to index
        %swap3A_1246 = arith.constant 1008 : index
        %swap3A_1247 = tpu.vector_load %arg7[%swap3A_1245, %swap3A_1246] {strides = array<i32>} : memref<32x1024xf32, #tpu.memory_space<vmem>>, vector<16xf32>,
        tpu.vector_store %arg7[%swap3A_1245, %swap3A_1246], %broadcast_in_dim3A_1244 {strides = array<i32>} : memref<32x1024xf32, #tpu.memory_space<vmem>>, vector<16xf32>,
      }
    } else {
    }
    %mul3A_821 = arith.constant 32 : i32
    %mul3A_822 = arith.muli %select_n3A_106, %mul3A_821 : i32
    %add3A_823 = arith.addi %add3A_52, %mul3A_822 : i32
    %multiple_of3A = tpu.assume_multiple %add3A_823, 32 : i32
    %gt3A_824 = arith.constant 0 : i32
    %gt3A_825 = arith.cmpi sgt, %select_n3A_122, %gt3A_824 : i32
    %convert_element_type3A_826 = arith.extui %gt3A_825 : i1 to i32
    %cond3A_827 = arith.constant 0 : i32
    %cond3A_828 = arith.cmpi ne, %convert_element_type3A_826, %cond3A_827 : i32
    scf.if %cond3A_828 {
      %dma_start3A = arith.constant 0 : i32
      %dma_start3A_914 = tpu.memref_slice %arg4[%multiple_of3A, %dma_start3A] : memref<16384x1024xf32, #tpu.memory_space<hbm>> -> memref<32x1024xf32, #tpu.memory_space<hbm>>
      %dma_start3A_915 = arith.constant 0 : i32
      %dma_start3A_916 = tpu.memref_slice %arg4[%multiple_of3A, %dma_start3A_915] : memref<16384x1024xf32, #tpu.memory_space<hbm>> -> memref<32x1024xf32, #tpu.memory_space<hbm>>
      tpu.enqueue_dma source(%arg7 : memref<32x1024xf32, #tpu.memory_space<vmem>>) target(%dma_start3A_916 : memref<32x1024xf32, #tpu.memory_space<hbm>>) target_semaphore(%arg18 : memref<!tpu.dma_semaphore, #tpu.memory_space<semaphore_mem>>)
    } else {
    }
    %le3A_829 = arith.constant 0 : i32
    %le3A_830 = arith.cmpi sle, %add3A_124, %le3A_829 : i32
    %convert_element_type3A_831 = arith.extui %le3A_830 : i1 to i32
    %cond3A_832 = arith.constant 0 : i32
    %cond3A_833 = arith.cmpi ne, %convert_element_type3A_831, %cond3A_832 : i32
    scf.if %cond3A_833 {
      %add3A_914 = arith.constant 0 : i32
      %add3A_915 = arith.addi %add3A_52, %add3A_914 : i32
      %add3A_916 = arith.constant 0 : i32
      %add3A_917 = arith.addi %add3A_915, %add3A_916 : i32
      %multiple_of3A_918 = tpu.assume_multiple %add3A_917, 16 : i32
      %dma_wait3A = arith.constant 0 : i32
      %dma_wait3A_919 = tpu.memref_slice %arg4[%multiple_of3A_918, %dma_wait3A] : memref<16384x1024xf32, #tpu.memory_space<hbm>> -> memref<16x1024xf32, #tpu.memory_space<hbm>>
      %dma_wait3A_920 = arith.constant 0 : i32
      %dma_wait3A_921 = tpu.memref_slice %arg4[%multiple_of3A_918, %dma_wait3A_920] : memref<16384x1024xf32, #tpu.memory_space<hbm>> -> memref<16x1024xf32, #tpu.memory_space<hbm>>
      tpu.wait_dma2 semaphore(%arg18 : memref<!tpu.dma_semaphore, #tpu.memory_space<semaphore_mem>>) src(%arg6 : memref<16x1024xf32, #tpu.memory_space<vmem>>) dst(%dma_wait3A_921 : memref<16x1024xf32, #tpu.memory_space<hbm>>)
      %add3A_922 = arith.constant 0 : i32
      %add3A_923 = arith.addi %add3A_52, %add3A_922 : i32
      %add3A_924 = arith.constant 16 : i32
      %add3A_925 = arith.addi %add3A_923, %add3A_924 : i32
      %multiple_of3A_926 = tpu.assume_multiple %add3A_925, 16 : i32
      %dma_wait3A_927 = arith.constant 0 : i32
      %dma_wait3A_928 = tpu.memref_slice %arg4[%multiple_of3A_926, %dma_wait3A_927] : memref<16384x1024xf32, #tpu.memory_space<hbm>> -> memref<16x1024xf32, #tpu.memory_space<hbm>>
      %dma_wait3A_929 = arith.constant 0 : i32
      %dma_wait3A_930 = tpu.memref_slice %arg4[%multiple_of3A_926, %dma_wait3A_929] : memref<16384x1024xf32, #tpu.memory_space<hbm>> -> memref<16x1024xf32, #tpu.memory_space<hbm>>
      tpu.wait_dma2 semaphore(%arg18 : memref<!tpu.dma_semaphore, #tpu.memory_space<semaphore_mem>>) src(%arg6 : memref<16x1024xf32, #tpu.memory_space<vmem>>) dst(%dma_wait3A_930 : memref<16x1024xf32, #tpu.memory_space<hbm>>)
    } else {
    }
    %le3A_834 = arith.constant 1 : i32
    %le3A_835 = arith.cmpi sle, %add3A_124, %le3A_834 : i32
    %convert_element_type3A_836 = arith.extui %le3A_835 : i1 to i32
    %cond3A_837 = arith.constant 0 : i32
    %cond3A_838 = arith.cmpi ne, %convert_element_type3A_836, %cond3A_837 : i32
    scf.if %cond3A_838 {
      %add3A_914 = arith.constant 32 : i32
      %add3A_915 = arith.addi %add3A_52, %add3A_914 : i32
      %add3A_916 = arith.constant 0 : i32
      %add3A_917 = arith.addi %add3A_915, %add3A_916 : i32
      %multiple_of3A_918 = tpu.assume_multiple %add3A_917, 16 : i32
      %dma_wait3A = arith.constant 0 : i32
      %dma_wait3A_919 = tpu.memref_slice %arg4[%multiple_of3A_918, %dma_wait3A] : memref<16384x1024xf32, #tpu.memory_space<hbm>> -> memref<16x1024xf32, #tpu.memory_space<hbm>>
      %dma_wait3A_920 = arith.constant 0 : i32
      %dma_wait3A_921 = tpu.memref_slice %arg4[%multiple_of3A_918, %dma_wait3A_920] : memref<16384x1024xf32, #tpu.memory_space<hbm>> -> memref<16x1024xf32, #tpu.memory_space<hbm>>
      tpu.wait_dma2 semaphore(%arg18 : memref<!tpu.dma_semaphore, #tpu.memory_space<semaphore_mem>>) src(%arg6 : memref<16x1024xf32, #tpu.memory_space<vmem>>) dst(%dma_wait3A_921 : memref<16x1024xf32, #tpu.memory_space<hbm>>)
      %add3A_922 = arith.constant 32 : i32
      %add3A_923 = arith.addi %add3A_52, %add3A_922 : i32
      %add3A_924 = arith.constant 16 : i32
      %add3A_925 = arith.addi %add3A_923, %add3A_924 : i32
      %multiple_of3A_926 = tpu.assume_multiple %add3A_925, 16 : i32
      %dma_wait3A_927 = arith.constant 0 : i32
      %dma_wait3A_928 = tpu.memref_slice %arg4[%multiple_of3A_926, %dma_wait3A_927] : memref<16384x1024xf32, #tpu.memory_space<hbm>> -> memref<16x1024xf32, #tpu.memory_space<hbm>>
      %dma_wait3A_929 = arith.constant 0 : i32
      %dma_wait3A_930 = tpu.memref_slice %arg4[%multiple_of3A_926, %dma_wait3A_929] : memref<16384x1024xf32, #tpu.memory_space<hbm>> -> memref<16x1024xf32, #tpu.memory_space<hbm>>
      tpu.wait_dma2 semaphore(%arg18 : memref<!tpu.dma_semaphore, #tpu.memory_space<semaphore_mem>>) src(%arg6 : memref<16x1024xf32, #tpu.memory_space<vmem>>) dst(%dma_wait3A_930 : memref<16x1024xf32, #tpu.memory_space<hbm>>)
    } else {
    }
    %le3A_839 = arith.constant 2 : i32
    %le3A_840 = arith.cmpi sle, %add3A_124, %le3A_839 : i32
    %convert_element_type3A_841 = arith.extui %le3A_840 : i1 to i32
    %cond3A_842 = arith.constant 0 : i32
    %cond3A_843 = arith.cmpi ne, %convert_element_type3A_841, %cond3A_842 : i32
    scf.if %cond3A_843 {
      %add3A_914 = arith.constant 64 : i32
      %add3A_915 = arith.addi %add3A_52, %add3A_914 : i32
      %add3A_916 = arith.constant 0 : i32
      %add3A_917 = arith.addi %add3A_915, %add3A_916 : i32
      %multiple_of3A_918 = tpu.assume_multiple %add3A_917, 16 : i32
      %dma_wait3A = arith.constant 0 : i32
      %dma_wait3A_919 = tpu.memref_slice %arg4[%multiple_of3A_918, %dma_wait3A] : memref<16384x1024xf32, #tpu.memory_space<hbm>> -> memref<16x1024xf32, #tpu.memory_space<hbm>>
      %dma_wait3A_920 = arith.constant 0 : i32
      %dma_wait3A_921 = tpu.memref_slice %arg4[%multiple_of3A_918, %dma_wait3A_920] : memref<16384x1024xf32, #tpu.memory_space<hbm>> -> memref<16x1024xf32, #tpu.memory_space<hbm>>
      tpu.wait_dma2 semaphore(%arg18 : memref<!tpu.dma_semaphore, #tpu.memory_space<semaphore_mem>>) src(%arg6 : memref<16x1024xf32, #tpu.memory_space<vmem>>) dst(%dma_wait3A_921 : memref<16x1024xf32, #tpu.memory_space<hbm>>)
      %add3A_922 = arith.constant 64 : i32
      %add3A_923 = arith.addi %add3A_52, %add3A_922 : i32
      %add3A_924 = arith.constant 16 : i32
      %add3A_925 = arith.addi %add3A_923, %add3A_924 : i32
      %multiple_of3A_926 = tpu.assume_multiple %add3A_925, 16 : i32
      %dma_wait3A_927 = arith.constant 0 : i32
      %dma_wait3A_928 = tpu.memref_slice %arg4[%multiple_of3A_926, %dma_wait3A_927] : memref<16384x1024xf32, #tpu.memory_space<hbm>> -> memref<16x1024xf32, #tpu.memory_space<hbm>>
      %dma_wait3A_929 = arith.constant 0 : i32
      %dma_wait3A_930 = tpu.memref_slice %arg4[%multiple_of3A_926, %dma_wait3A_929] : memref<16384x1024xf32, #tpu.memory_space<hbm>> -> memref<16x1024xf32, #tpu.memory_space<hbm>>
      tpu.wait_dma2 semaphore(%arg18 : memref<!tpu.dma_semaphore, #tpu.memory_space<semaphore_mem>>) src(%arg6 : memref<16x1024xf32, #tpu.memory_space<vmem>>) dst(%dma_wait3A_930 : memref<16x1024xf32, #tpu.memory_space<hbm>>)
    } else {
    }
    %le3A_844 = arith.constant 3 : i32
    %le3A_845 = arith.cmpi sle, %add3A_124, %le3A_844 : i32
    %convert_element_type3A_846 = arith.extui %le3A_845 : i1 to i32
    %cond3A_847 = arith.constant 0 : i32
    %cond3A_848 = arith.cmpi ne, %convert_element_type3A_846, %cond3A_847 : i32
    scf.if %cond3A_848 {
      %add3A_914 = arith.constant 96 : i32
      %add3A_915 = arith.addi %add3A_52, %add3A_914 : i32
      %add3A_916 = arith.constant 0 : i32
      %add3A_917 = arith.addi %add3A_915, %add3A_916 : i32
      %multiple_of3A_918 = tpu.assume_multiple %add3A_917, 16 : i32
      %dma_wait3A = arith.constant 0 : i32
      %dma_wait3A_919 = tpu.memref_slice %arg4[%multiple_of3A_918, %dma_wait3A] : memref<16384x1024xf32, #tpu.memory_space<hbm>> -> memref<16x1024xf32, #tpu.memory_space<hbm>>
      %dma_wait3A_920 = arith.constant 0 : i32
      %dma_wait3A_921 = tpu.memref_slice %arg4[%multiple_of3A_918, %dma_wait3A_920] : memref<16384x1024xf32, #tpu.memory_space<hbm>> -> memref<16x1024xf32, #tpu.memory_space<hbm>>
      tpu.wait_dma2 semaphore(%arg18 : memref<!tpu.dma_semaphore, #tpu.memory_space<semaphore_mem>>) src(%arg6 : memref<16x1024xf32, #tpu.memory_space<vmem>>) dst(%dma_wait3A_921 : memref<16x1024xf32, #tpu.memory_space<hbm>>)
      %add3A_922 = arith.constant 96 : i32
      %add3A_923 = arith.addi %add3A_52, %add3A_922 : i32
      %add3A_924 = arith.constant 16 : i32
      %add3A_925 = arith.addi %add3A_923, %add3A_924 : i32
      %multiple_of3A_926 = tpu.assume_multiple %add3A_925, 16 : i32
      %dma_wait3A_927 = arith.constant 0 : i32
      %dma_wait3A_928 = tpu.memref_slice %arg4[%multiple_of3A_926, %dma_wait3A_927] : memref<16384x1024xf32, #tpu.memory_space<hbm>> -> memref<16x1024xf32, #tpu.memory_space<hbm>>
      %dma_wait3A_929 = arith.constant 0 : i32
      %dma_wait3A_930 = tpu.memref_slice %arg4[%multiple_of3A_926, %dma_wait3A_929] : memref<16384x1024xf32, #tpu.memory_space<hbm>> -> memref<16x1024xf32, #tpu.memory_space<hbm>>
      tpu.wait_dma2 semaphore(%arg18 : memref<!tpu.dma_semaphore, #tpu.memory_space<semaphore_mem>>) src(%arg6 : memref<16x1024xf32, #tpu.memory_space<vmem>>) dst(%dma_wait3A_930 : memref<16x1024xf32, #tpu.memory_space<hbm>>)
    } else {
    }
    %le3A_849 = arith.constant 4 : i32
    %le3A_850 = arith.cmpi sle, %add3A_124, %le3A_849 : i32
    %convert_element_type3A_851 = arith.extui %le3A_850 : i1 to i32
    %cond3A_852 = arith.constant 0 : i32
    %cond3A_853 = arith.cmpi ne, %convert_element_type3A_851, %cond3A_852 : i32
    scf.if %cond3A_853 {
      %add3A_914 = arith.constant 128 : i32
      %add3A_915 = arith.addi %add3A_52, %add3A_914 : i32
      %add3A_916 = arith.constant 0 : i32
      %add3A_917 = arith.addi %add3A_915, %add3A_916 : i32
      %multiple_of3A_918 = tpu.assume_multiple %add3A_917, 16 : i32
      %dma_wait3A = arith.constant 0 : i32
      %dma_wait3A_919 = tpu.memref_slice %arg4[%multiple_of3A_918, %dma_wait3A] : memref<16384x1024xf32, #tpu.memory_space<hbm>> -> memref<16x1024xf32, #tpu.memory_space<hbm>>
      %dma_wait3A_920 = arith.constant 0 : i32
      %dma_wait3A_921 = tpu.memref_slice %arg4[%multiple_of3A_918, %dma_wait3A_920] : memref<16384x1024xf32, #tpu.memory_space<hbm>> -> memref<16x1024xf32, #tpu.memory_space<hbm>>
      tpu.wait_dma2 semaphore(%arg18 : memref<!tpu.dma_semaphore, #tpu.memory_space<semaphore_mem>>) src(%arg6 : memref<16x1024xf32, #tpu.memory_space<vmem>>) dst(%dma_wait3A_921 : memref<16x1024xf32, #tpu.memory_space<hbm>>)
      %add3A_922 = arith.constant 128 : i32
      %add3A_923 = arith.addi %add3A_52, %add3A_922 : i32
      %add3A_924 = arith.constant 16 : i32
      %add3A_925 = arith.addi %add3A_923, %add3A_924 : i32
      %multiple_of3A_926 = tpu.assume_multiple %add3A_925, 16 : i32
      %dma_wait3A_927 = arith.constant 0 : i32
      %dma_wait3A_928 = tpu.memref_slice %arg4[%multiple_of3A_926, %dma_wait3A_927] : memref<16384x1024xf32, #tpu.memory_space<hbm>> -> memref<16x1024xf32, #tpu.memory_space<hbm>>
      %dma_wait3A_929 = arith.constant 0 : i32
      %dma_wait3A_930 = tpu.memref_slice %arg4[%multiple_of3A_926, %dma_wait3A_929] : memref<16384x1024xf32, #tpu.memory_space<hbm>> -> memref<16x1024xf32, #tpu.memory_space<hbm>>
      tpu.wait_dma2 semaphore(%arg18 : memref<!tpu.dma_semaphore, #tpu.memory_space<semaphore_mem>>) src(%arg6 : memref<16x1024xf32, #tpu.memory_space<vmem>>) dst(%dma_wait3A_930 : memref<16x1024xf32, #tpu.memory_space<hbm>>)
    } else {
    }
    %le3A_854 = arith.constant 5 : i32
    %le3A_855 = arith.cmpi sle, %add3A_124, %le3A_854 : i32
    %convert_element_type3A_856 = arith.extui %le3A_855 : i1 to i32
    %cond3A_857 = arith.constant 0 : i32
    %cond3A_858 = arith.cmpi ne, %convert_element_type3A_856, %cond3A_857 : i32
    scf.if %cond3A_858 {
      %add3A_914 = arith.constant 160 : i32
      %add3A_915 = arith.addi %add3A_52, %add3A_914 : i32
      %add3A_916 = arith.constant 0 : i32
      %add3A_917 = arith.addi %add3A_915, %add3A_916 : i32
      %multiple_of3A_918 = tpu.assume_multiple %add3A_917, 16 : i32
      %dma_wait3A = arith.constant 0 : i32
      %dma_wait3A_919 = tpu.memref_slice %arg4[%multiple_of3A_918, %dma_wait3A] : memref<16384x1024xf32, #tpu.memory_space<hbm>> -> memref<16x1024xf32, #tpu.memory_space<hbm>>
      %dma_wait3A_920 = arith.constant 0 : i32
      %dma_wait3A_921 = tpu.memref_slice %arg4[%multiple_of3A_918, %dma_wait3A_920] : memref<16384x1024xf32, #tpu.memory_space<hbm>> -> memref<16x1024xf32, #tpu.memory_space<hbm>>
      tpu.wait_dma2 semaphore(%arg18 : memref<!tpu.dma_semaphore, #tpu.memory_space<semaphore_mem>>) src(%arg6 : memref<16x1024xf32, #tpu.memory_space<vmem>>) dst(%dma_wait3A_921 : memref<16x1024xf32, #tpu.memory_space<hbm>>)
      %add3A_922 = arith.constant 160 : i32
      %add3A_923 = arith.addi %add3A_52, %add3A_922 : i32
      %add3A_924 = arith.constant 16 : i32
      %add3A_925 = arith.addi %add3A_923, %add3A_924 : i32
      %multiple_of3A_926 = tpu.assume_multiple %add3A_925, 16 : i32
      %dma_wait3A_927 = arith.constant 0 : i32
      %dma_wait3A_928 = tpu.memref_slice %arg4[%multiple_of3A_926, %dma_wait3A_927] : memref<16384x1024xf32, #tpu.memory_space<hbm>> -> memref<16x1024xf32, #tpu.memory_space<hbm>>
      %dma_wait3A_929 = arith.constant 0 : i32
      %dma_wait3A_930 = tpu.memref_slice %arg4[%multiple_of3A_926, %dma_wait3A_929] : memref<16384x1024xf32, #tpu.memory_space<hbm>> -> memref<16x1024xf32, #tpu.memory_space<hbm>>
      tpu.wait_dma2 semaphore(%arg18 : memref<!tpu.dma_semaphore, #tpu.memory_space<semaphore_mem>>) src(%arg6 : memref<16x1024xf32, #tpu.memory_space<vmem>>) dst(%dma_wait3A_930 : memref<16x1024xf32, #tpu.memory_space<hbm>>)
    } else {
    }
    %le3A_859 = arith.constant 6 : i32
    %le3A_860 = arith.cmpi sle, %add3A_124, %le3A_859 : i32
    %convert_element_type3A_861 = arith.extui %le3A_860 : i1 to i32
    %cond3A_862 = arith.constant 0 : i32
    %cond3A_863 = arith.cmpi ne, %convert_element_type3A_861, %cond3A_862 : i32
    scf.if %cond3A_863 {
      %add3A_914 = arith.constant 192 : i32
      %add3A_915 = arith.addi %add3A_52, %add3A_914 : i32
      %add3A_916 = arith.constant 0 : i32
      %add3A_917 = arith.addi %add3A_915, %add3A_916 : i32
      %multiple_of3A_918 = tpu.assume_multiple %add3A_917, 16 : i32
      %dma_wait3A = arith.constant 0 : i32
      %dma_wait3A_919 = tpu.memref_slice %arg4[%multiple_of3A_918, %dma_wait3A] : memref<16384x1024xf32, #tpu.memory_space<hbm>> -> memref<16x1024xf32, #tpu.memory_space<hbm>>
      %dma_wait3A_920 = arith.constant 0 : i32
      %dma_wait3A_921 = tpu.memref_slice %arg4[%multiple_of3A_918, %dma_wait3A_920] : memref<16384x1024xf32, #tpu.memory_space<hbm>> -> memref<16x1024xf32, #tpu.memory_space<hbm>>
      tpu.wait_dma2 semaphore(%arg18 : memref<!tpu.dma_semaphore, #tpu.memory_space<semaphore_mem>>) src(%arg6 : memref<16x1024xf32, #tpu.memory_space<vmem>>) dst(%dma_wait3A_921 : memref<16x1024xf32, #tpu.memory_space<hbm>>)
      %add3A_922 = arith.constant 192 : i32
      %add3A_923 = arith.addi %add3A_52, %add3A_922 : i32
      %add3A_924 = arith.constant 16 : i32
      %add3A_925 = arith.addi %add3A_923, %add3A_924 : i32
      %multiple_of3A_926 = tpu.assume_multiple %add3A_925, 16 : i32
      %dma_wait3A_927 = arith.constant 0 : i32
      %dma_wait3A_928 = tpu.memref_slice %arg4[%multiple_of3A_926, %dma_wait3A_927] : memref<16384x1024xf32, #tpu.memory_space<hbm>> -> memref<16x1024xf32, #tpu.memory_space<hbm>>
      %dma_wait3A_929 = arith.constant 0 : i32
      %dma_wait3A_930 = tpu.memref_slice %arg4[%multiple_of3A_926, %dma_wait3A_929] : memref<16384x1024xf32, #tpu.memory_space<hbm>> -> memref<16x1024xf32, #tpu.memory_space<hbm>>
      tpu.wait_dma2 semaphore(%arg18 : memref<!tpu.dma_semaphore, #tpu.memory_space<semaphore_mem>>) src(%arg6 : memref<16x1024xf32, #tpu.memory_space<vmem>>) dst(%dma_wait3A_930 : memref<16x1024xf32, #tpu.memory_space<hbm>>)
    } else {
    }
    %le3A_864 = arith.constant 7 : i32
    %le3A_865 = arith.cmpi sle, %add3A_124, %le3A_864 : i32
    %convert_element_type3A_866 = arith.extui %le3A_865 : i1 to i32
    %cond3A_867 = arith.constant 0 : i32
    %cond3A_868 = arith.cmpi ne, %convert_element_type3A_866, %cond3A_867 : i32
    scf.if %cond3A_868 {
      %add3A_914 = arith.constant 224 : i32
      %add3A_915 = arith.addi %add3A_52, %add3A_914 : i32
      %add3A_916 = arith.constant 0 : i32
      %add3A_917 = arith.addi %add3A_915, %add3A_916 : i32
      %multiple_of3A_918 = tpu.assume_multiple %add3A_917, 16 : i32
      %dma_wait3A = arith.constant 0 : i32
      %dma_wait3A_919 = tpu.memref_slice %arg4[%multiple_of3A_918, %dma_wait3A] : memref<16384x1024xf32, #tpu.memory_space<hbm>> -> memref<16x1024xf32, #tpu.memory_space<hbm>>
      %dma_wait3A_920 = arith.constant 0 : i32
      %dma_wait3A_921 = tpu.memref_slice %arg4[%multiple_of3A_918, %dma_wait3A_920] : memref<16384x1024xf32, #tpu.memory_space<hbm>> -> memref<16x1024xf32, #tpu.memory_space<hbm>>
      tpu.wait_dma2 semaphore(%arg18 : memref<!tpu.dma_semaphore, #tpu.memory_space<semaphore_mem>>) src(%arg6 : memref<16x1024xf32, #tpu.memory_space<vmem>>) dst(%dma_wait3A_921 : memref<16x1024xf32, #tpu.memory_space<hbm>>)
      %add3A_922 = arith.constant 224 : i32
      %add3A_923 = arith.addi %add3A_52, %add3A_922 : i32
      %add3A_924 = arith.constant 16 : i32
      %add3A_925 = arith.addi %add3A_923, %add3A_924 : i32
      %multiple_of3A_926 = tpu.assume_multiple %add3A_925, 16 : i32
      %dma_wait3A_927 = arith.constant 0 : i32
      %dma_wait3A_928 = tpu.memref_slice %arg4[%multiple_of3A_926, %dma_wait3A_927] : memref<16384x1024xf32, #tpu.memory_space<hbm>> -> memref<16x1024xf32, #tpu.memory_space<hbm>>
      %dma_wait3A_929 = arith.constant 0 : i32
      %dma_wait3A_930 = tpu.memref_slice %arg4[%multiple_of3A_926, %dma_wait3A_929] : memref<16384x1024xf32, #tpu.memory_space<hbm>> -> memref<16x1024xf32, #tpu.memory_space<hbm>>
      tpu.wait_dma2 semaphore(%arg18 : memref<!tpu.dma_semaphore, #tpu.memory_space<semaphore_mem>>) src(%arg6 : memref<16x1024xf32, #tpu.memory_space<vmem>>) dst(%dma_wait3A_930 : memref<16x1024xf32, #tpu.memory_space<hbm>>)
    } else {
    }
    %le3A_869 = arith.constant 8 : i32
    %le3A_870 = arith.cmpi sle, %add3A_124, %le3A_869 : i32
    %convert_element_type3A_871 = arith.extui %le3A_870 : i1 to i32
    %cond3A_872 = arith.constant 0 : i32
    %cond3A_873 = arith.cmpi ne, %convert_element_type3A_871, %cond3A_872 : i32
    scf.if %cond3A_873 {
      %add3A_914 = arith.constant 256 : i32
      %add3A_915 = arith.addi %add3A_52, %add3A_914 : i32
      %add3A_916 = arith.constant 0 : i32
      %add3A_917 = arith.addi %add3A_915, %add3A_916 : i32
      %multiple_of3A_918 = tpu.assume_multiple %add3A_917, 16 : i32
      %dma_wait3A = arith.constant 0 : i32
      %dma_wait3A_919 = tpu.memref_slice %arg4[%multiple_of3A_918, %dma_wait3A] : memref<16384x1024xf32, #tpu.memory_space<hbm>> -> memref<16x1024xf32, #tpu.memory_space<hbm>>
      %dma_wait3A_920 = arith.constant 0 : i32
      %dma_wait3A_921 = tpu.memref_slice %arg4[%multiple_of3A_918, %dma_wait3A_920] : memref<16384x1024xf32, #tpu.memory_space<hbm>> -> memref<16x1024xf32, #tpu.memory_space<hbm>>
      tpu.wait_dma2 semaphore(%arg18 : memref<!tpu.dma_semaphore, #tpu.memory_space<semaphore_mem>>) src(%arg6 : memref<16x1024xf32, #tpu.memory_space<vmem>>) dst(%dma_wait3A_921 : memref<16x1024xf32, #tpu.memory_space<hbm>>)
      %add3A_922 = arith.constant 256 : i32
      %add3A_923 = arith.addi %add3A_52, %add3A_922 : i32
      %add3A_924 = arith.constant 16 : i32
      %add3A_925 = arith.addi %add3A_923, %add3A_924 : i32
      %multiple_of3A_926 = tpu.assume_multiple %add3A_925, 16 : i32
      %dma_wait3A_927 = arith.constant 0 : i32
      %dma_wait3A_928 = tpu.memref_slice %arg4[%multiple_of3A_926, %dma_wait3A_927] : memref<16384x1024xf32, #tpu.memory_space<hbm>> -> memref<16x1024xf32, #tpu.memory_space<hbm>>
      %dma_wait3A_929 = arith.constant 0 : i32
      %dma_wait3A_930 = tpu.memref_slice %arg4[%multiple_of3A_926, %dma_wait3A_929] : memref<16384x1024xf32, #tpu.memory_space<hbm>> -> memref<16x1024xf32, #tpu.memory_space<hbm>>
      tpu.wait_dma2 semaphore(%arg18 : memref<!tpu.dma_semaphore, #tpu.memory_space<semaphore_mem>>) src(%arg6 : memref<16x1024xf32, #tpu.memory_space<vmem>>) dst(%dma_wait3A_930 : memref<16x1024xf32, #tpu.memory_space<hbm>>)
    } else {
    }
    %le3A_874 = arith.constant 9 : i32
    %le3A_875 = arith.cmpi sle, %add3A_124, %le3A_874 : i32
    %convert_element_type3A_876 = arith.extui %le3A_875 : i1 to i32
    %cond3A_877 = arith.constant 0 : i32
    %cond3A_878 = arith.cmpi ne, %convert_element_type3A_876, %cond3A_877 : i32
    scf.if %cond3A_878 {
      %add3A_914 = arith.constant 288 : i32
      %add3A_915 = arith.addi %add3A_52, %add3A_914 : i32
      %add3A_916 = arith.constant 0 : i32
      %add3A_917 = arith.addi %add3A_915, %add3A_916 : i32
      %multiple_of3A_918 = tpu.assume_multiple %add3A_917, 16 : i32
      %dma_wait3A = arith.constant 0 : i32
      %dma_wait3A_919 = tpu.memref_slice %arg4[%multiple_of3A_918, %dma_wait3A] : memref<16384x1024xf32, #tpu.memory_space<hbm>> -> memref<16x1024xf32, #tpu.memory_space<hbm>>
      %dma_wait3A_920 = arith.constant 0 : i32
      %dma_wait3A_921 = tpu.memref_slice %arg4[%multiple_of3A_918, %dma_wait3A_920] : memref<16384x1024xf32, #tpu.memory_space<hbm>> -> memref<16x1024xf32, #tpu.memory_space<hbm>>
      tpu.wait_dma2 semaphore(%arg18 : memref<!tpu.dma_semaphore, #tpu.memory_space<semaphore_mem>>) src(%arg6 : memref<16x1024xf32, #tpu.memory_space<vmem>>) dst(%dma_wait3A_921 : memref<16x1024xf32, #tpu.memory_space<hbm>>)
      %add3A_922 = arith.constant 288 : i32
      %add3A_923 = arith.addi %add3A_52, %add3A_922 : i32
      %add3A_924 = arith.constant 16 : i32
      %add3A_925 = arith.addi %add3A_923, %add3A_924 : i32
      %multiple_of3A_926 = tpu.assume_multiple %add3A_925, 16 : i32
      %dma_wait3A_927 = arith.constant 0 : i32
      %dma_wait3A_928 = tpu.memref_slice %arg4[%multiple_of3A_926, %dma_wait3A_927] : memref<16384x1024xf32, #tpu.memory_space<hbm>> -> memref<16x1024xf32, #tpu.memory_space<hbm>>
      %dma_wait3A_929 = arith.constant 0 : i32
      %dma_wait3A_930 = tpu.memref_slice %arg4[%multiple_of3A_926, %dma_wait3A_929] : memref<16384x1024xf32, #tpu.memory_space<hbm>> -> memref<16x1024xf32, #tpu.memory_space<hbm>>
      tpu.wait_dma2 semaphore(%arg18 : memref<!tpu.dma_semaphore, #tpu.memory_space<semaphore_mem>>) src(%arg6 : memref<16x1024xf32, #tpu.memory_space<vmem>>) dst(%dma_wait3A_930 : memref<16x1024xf32, #tpu.memory_space<hbm>>)
    } else {
    }
    %le3A_879 = arith.constant 10 : i32
    %le3A_880 = arith.cmpi sle, %add3A_124, %le3A_879 : i32
    %convert_element_type3A_881 = arith.extui %le3A_880 : i1 to i32
    %cond3A_882 = arith.constant 0 : i32
    %cond3A_883 = arith.cmpi ne, %convert_element_type3A_881, %cond3A_882 : i32
    scf.if %cond3A_883 {
      %add3A_914 = arith.constant 320 : i32
      %add3A_915 = arith.addi %add3A_52, %add3A_914 : i32
      %add3A_916 = arith.constant 0 : i32
      %add3A_917 = arith.addi %add3A_915, %add3A_916 : i32
      %multiple_of3A_918 = tpu.assume_multiple %add3A_917, 16 : i32
      %dma_wait3A = arith.constant 0 : i32
      %dma_wait3A_919 = tpu.memref_slice %arg4[%multiple_of3A_918, %dma_wait3A] : memref<16384x1024xf32, #tpu.memory_space<hbm>> -> memref<16x1024xf32, #tpu.memory_space<hbm>>
      %dma_wait3A_920 = arith.constant 0 : i32
      %dma_wait3A_921 = tpu.memref_slice %arg4[%multiple_of3A_918, %dma_wait3A_920] : memref<16384x1024xf32, #tpu.memory_space<hbm>> -> memref<16x1024xf32, #tpu.memory_space<hbm>>
      tpu.wait_dma2 semaphore(%arg18 : memref<!tpu.dma_semaphore, #tpu.memory_space<semaphore_mem>>) src(%arg6 : memref<16x1024xf32, #tpu.memory_space<vmem>>) dst(%dma_wait3A_921 : memref<16x1024xf32, #tpu.memory_space<hbm>>)
      %add3A_922 = arith.constant 320 : i32
      %add3A_923 = arith.addi %add3A_52, %add3A_922 : i32
      %add3A_924 = arith.constant 16 : i32
      %add3A_925 = arith.addi %add3A_923, %add3A_924 : i32
      %multiple_of3A_926 = tpu.assume_multiple %add3A_925, 16 : i32
      %dma_wait3A_927 = arith.constant 0 : i32
      %dma_wait3A_928 = tpu.memref_slice %arg4[%multiple_of3A_926, %dma_wait3A_927] : memref<16384x1024xf32, #tpu.memory_space<hbm>> -> memref<16x1024xf32, #tpu.memory_space<hbm>>
      %dma_wait3A_929 = arith.constant 0 : i32
      %dma_wait3A_930 = tpu.memref_slice %arg4[%multiple_of3A_926, %dma_wait3A_929] : memref<16384x1024xf32, #tpu.memory_space<hbm>> -> memref<16x1024xf32, #tpu.memory_space<hbm>>
      tpu.wait_dma2 semaphore(%arg18 : memref<!tpu.dma_semaphore, #tpu.memory_space<semaphore_mem>>) src(%arg6 : memref<16x1024xf32, #tpu.memory_space<vmem>>) dst(%dma_wait3A_930 : memref<16x1024xf32, #tpu.memory_space<hbm>>)
    } else {
    }
    %le3A_884 = arith.constant 11 : i32
    %le3A_885 = arith.cmpi sle, %add3A_124, %le3A_884 : i32
    %convert_element_type3A_886 = arith.extui %le3A_885 : i1 to i32
    %cond3A_887 = arith.constant 0 : i32
    %cond3A_888 = arith.cmpi ne, %convert_element_type3A_886, %cond3A_887 : i32
    scf.if %cond3A_888 {
      %add3A_914 = arith.constant 352 : i32
      %add3A_915 = arith.addi %add3A_52, %add3A_914 : i32
      %add3A_916 = arith.constant 0 : i32
      %add3A_917 = arith.addi %add3A_915, %add3A_916 : i32
      %multiple_of3A_918 = tpu.assume_multiple %add3A_917, 16 : i32
      %dma_wait3A = arith.constant 0 : i32
      %dma_wait3A_919 = tpu.memref_slice %arg4[%multiple_of3A_918, %dma_wait3A] : memref<16384x1024xf32, #tpu.memory_space<hbm>> -> memref<16x1024xf32, #tpu.memory_space<hbm>>
      %dma_wait3A_920 = arith.constant 0 : i32
      %dma_wait3A_921 = tpu.memref_slice %arg4[%multiple_of3A_918, %dma_wait3A_920] : memref<16384x1024xf32, #tpu.memory_space<hbm>> -> memref<16x1024xf32, #tpu.memory_space<hbm>>
      tpu.wait_dma2 semaphore(%arg18 : memref<!tpu.dma_semaphore, #tpu.memory_space<semaphore_mem>>) src(%arg6 : memref<16x1024xf32, #tpu.memory_space<vmem>>) dst(%dma_wait3A_921 : memref<16x1024xf32, #tpu.memory_space<hbm>>)
      %add3A_922 = arith.constant 352 : i32
      %add3A_923 = arith.addi %add3A_52, %add3A_922 : i32
      %add3A_924 = arith.constant 16 : i32
      %add3A_925 = arith.addi %add3A_923, %add3A_924 : i32
      %multiple_of3A_926 = tpu.assume_multiple %add3A_925, 16 : i32
      %dma_wait3A_927 = arith.constant 0 : i32
      %dma_wait3A_928 = tpu.memref_slice %arg4[%multiple_of3A_926, %dma_wait3A_927] : memref<16384x1024xf32, #tpu.memory_space<hbm>> -> memref<16x1024xf32, #tpu.memory_space<hbm>>
      %dma_wait3A_929 = arith.constant 0 : i32
      %dma_wait3A_930 = tpu.memref_slice %arg4[%multiple_of3A_926, %dma_wait3A_929] : memref<16384x1024xf32, #tpu.memory_space<hbm>> -> memref<16x1024xf32, #tpu.memory_space<hbm>>
      tpu.wait_dma2 semaphore(%arg18 : memref<!tpu.dma_semaphore, #tpu.memory_space<semaphore_mem>>) src(%arg6 : memref<16x1024xf32, #tpu.memory_space<vmem>>) dst(%dma_wait3A_930 : memref<16x1024xf32, #tpu.memory_space<hbm>>)
    } else {
    }
    %le3A_889 = arith.constant 12 : i32
    %le3A_890 = arith.cmpi sle, %add3A_124, %le3A_889 : i32
    %convert_element_type3A_891 = arith.extui %le3A_890 : i1 to i32
    %cond3A_892 = arith.constant 0 : i32
    %cond3A_893 = arith.cmpi ne, %convert_element_type3A_891, %cond3A_892 : i32
    scf.if %cond3A_893 {
      %add3A_914 = arith.constant 384 : i32
      %add3A_915 = arith.addi %add3A_52, %add3A_914 : i32
      %add3A_916 = arith.constant 0 : i32
      %add3A_917 = arith.addi %add3A_915, %add3A_916 : i32
      %multiple_of3A_918 = tpu.assume_multiple %add3A_917, 16 : i32
      %dma_wait3A = arith.constant 0 : i32
      %dma_wait3A_919 = tpu.memref_slice %arg4[%multiple_of3A_918, %dma_wait3A] : memref<16384x1024xf32, #tpu.memory_space<hbm>> -> memref<16x1024xf32, #tpu.memory_space<hbm>>
      %dma_wait3A_920 = arith.constant 0 : i32
      %dma_wait3A_921 = tpu.memref_slice %arg4[%multiple_of3A_918, %dma_wait3A_920] : memref<16384x1024xf32, #tpu.memory_space<hbm>> -> memref<16x1024xf32, #tpu.memory_space<hbm>>
      tpu.wait_dma2 semaphore(%arg18 : memref<!tpu.dma_semaphore, #tpu.memory_space<semaphore_mem>>) src(%arg6 : memref<16x1024xf32, #tpu.memory_space<vmem>>) dst(%dma_wait3A_921 : memref<16x1024xf32, #tpu.memory_space<hbm>>)
      %add3A_922 = arith.constant 384 : i32
      %add3A_923 = arith.addi %add3A_52, %add3A_922 : i32
      %add3A_924 = arith.constant 16 : i32
      %add3A_925 = arith.addi %add3A_923, %add3A_924 : i32
      %multiple_of3A_926 = tpu.assume_multiple %add3A_925, 16 : i32
      %dma_wait3A_927 = arith.constant 0 : i32
      %dma_wait3A_928 = tpu.memref_slice %arg4[%multiple_of3A_926, %dma_wait3A_927] : memref<16384x1024xf32, #tpu.memory_space<hbm>> -> memref<16x1024xf32, #tpu.memory_space<hbm>>
      %dma_wait3A_929 = arith.constant 0 : i32
      %dma_wait3A_930 = tpu.memref_slice %arg4[%multiple_of3A_926, %dma_wait3A_929] : memref<16384x1024xf32, #tpu.memory_space<hbm>> -> memref<16x1024xf32, #tpu.memory_space<hbm>>
      tpu.wait_dma2 semaphore(%arg18 : memref<!tpu.dma_semaphore, #tpu.memory_space<semaphore_mem>>) src(%arg6 : memref<16x1024xf32, #tpu.memory_space<vmem>>) dst(%dma_wait3A_930 : memref<16x1024xf32, #tpu.memory_space<hbm>>)
    } else {
    }
    %le3A_894 = arith.constant 13 : i32
    %le3A_895 = arith.cmpi sle, %add3A_124, %le3A_894 : i32
    %convert_element_type3A_896 = arith.extui %le3A_895 : i1 to i32
    %cond3A_897 = arith.constant 0 : i32
    %cond3A_898 = arith.cmpi ne, %convert_element_type3A_896, %cond3A_897 : i32
    scf.if %cond3A_898 {
      %add3A_914 = arith.constant 416 : i32
      %add3A_915 = arith.addi %add3A_52, %add3A_914 : i32
      %add3A_916 = arith.constant 0 : i32
      %add3A_917 = arith.addi %add3A_915, %add3A_916 : i32
      %multiple_of3A_918 = tpu.assume_multiple %add3A_917, 16 : i32
      %dma_wait3A = arith.constant 0 : i32
      %dma_wait3A_919 = tpu.memref_slice %arg4[%multiple_of3A_918, %dma_wait3A] : memref<16384x1024xf32, #tpu.memory_space<hbm>> -> memref<16x1024xf32, #tpu.memory_space<hbm>>
      %dma_wait3A_920 = arith.constant 0 : i32
      %dma_wait3A_921 = tpu.memref_slice %arg4[%multiple_of3A_918, %dma_wait3A_920] : memref<16384x1024xf32, #tpu.memory_space<hbm>> -> memref<16x1024xf32, #tpu.memory_space<hbm>>
      tpu.wait_dma2 semaphore(%arg18 : memref<!tpu.dma_semaphore, #tpu.memory_space<semaphore_mem>>) src(%arg6 : memref<16x1024xf32, #tpu.memory_space<vmem>>) dst(%dma_wait3A_921 : memref<16x1024xf32, #tpu.memory_space<hbm>>)
      %add3A_922 = arith.constant 416 : i32
      %add3A_923 = arith.addi %add3A_52, %add3A_922 : i32
      %add3A_924 = arith.constant 16 : i32
      %add3A_925 = arith.addi %add3A_923, %add3A_924 : i32
      %multiple_of3A_926 = tpu.assume_multiple %add3A_925, 16 : i32
      %dma_wait3A_927 = arith.constant 0 : i32
      %dma_wait3A_928 = tpu.memref_slice %arg4[%multiple_of3A_926, %dma_wait3A_927] : memref<16384x1024xf32, #tpu.memory_space<hbm>> -> memref<16x1024xf32, #tpu.memory_space<hbm>>
      %dma_wait3A_929 = arith.constant 0 : i32
      %dma_wait3A_930 = tpu.memref_slice %arg4[%multiple_of3A_926, %dma_wait3A_929] : memref<16384x1024xf32, #tpu.memory_space<hbm>> -> memref<16x1024xf32, #tpu.memory_space<hbm>>
      tpu.wait_dma2 semaphore(%arg18 : memref<!tpu.dma_semaphore, #tpu.memory_space<semaphore_mem>>) src(%arg6 : memref<16x1024xf32, #tpu.memory_space<vmem>>) dst(%dma_wait3A_930 : memref<16x1024xf32, #tpu.memory_space<hbm>>)
    } else {
    }
    %le3A_899 = arith.constant 14 : i32
    %le3A_900 = arith.cmpi sle, %add3A_124, %le3A_899 : i32
    %convert_element_type3A_901 = arith.extui %le3A_900 : i1 to i32
    %cond3A_902 = arith.constant 0 : i32
    %cond3A_903 = arith.cmpi ne, %convert_element_type3A_901, %cond3A_902 : i32
    scf.if %cond3A_903 {
      %add3A_914 = arith.constant 448 : i32
      %add3A_915 = arith.addi %add3A_52, %add3A_914 : i32
      %add3A_916 = arith.constant 0 : i32
      %add3A_917 = arith.addi %add3A_915, %add3A_916 : i32
      %multiple_of3A_918 = tpu.assume_multiple %add3A_917, 16 : i32
      %dma_wait3A = arith.constant 0 : i32
      %dma_wait3A_919 = tpu.memref_slice %arg4[%multiple_of3A_918, %dma_wait3A] : memref<16384x1024xf32, #tpu.memory_space<hbm>> -> memref<16x1024xf32, #tpu.memory_space<hbm>>
      %dma_wait3A_920 = arith.constant 0 : i32
      %dma_wait3A_921 = tpu.memref_slice %arg4[%multiple_of3A_918, %dma_wait3A_920] : memref<16384x1024xf32, #tpu.memory_space<hbm>> -> memref<16x1024xf32, #tpu.memory_space<hbm>>
      tpu.wait_dma2 semaphore(%arg18 : memref<!tpu.dma_semaphore, #tpu.memory_space<semaphore_mem>>) src(%arg6 : memref<16x1024xf32, #tpu.memory_space<vmem>>) dst(%dma_wait3A_921 : memref<16x1024xf32, #tpu.memory_space<hbm>>)
      %add3A_922 = arith.constant 448 : i32
      %add3A_923 = arith.addi %add3A_52, %add3A_922 : i32
      %add3A_924 = arith.constant 16 : i32
      %add3A_925 = arith.addi %add3A_923, %add3A_924 : i32
      %multiple_of3A_926 = tpu.assume_multiple %add3A_925, 16 : i32
      %dma_wait3A_927 = arith.constant 0 : i32
      %dma_wait3A_928 = tpu.memref_slice %arg4[%multiple_of3A_926, %dma_wait3A_927] : memref<16384x1024xf32, #tpu.memory_space<hbm>> -> memref<16x1024xf32, #tpu.memory_space<hbm>>
      %dma_wait3A_929 = arith.constant 0 : i32
      %dma_wait3A_930 = tpu.memref_slice %arg4[%multiple_of3A_926, %dma_wait3A_929] : memref<16384x1024xf32, #tpu.memory_space<hbm>> -> memref<16x1024xf32, #tpu.memory_space<hbm>>
      tpu.wait_dma2 semaphore(%arg18 : memref<!tpu.dma_semaphore, #tpu.memory_space<semaphore_mem>>) src(%arg6 : memref<16x1024xf32, #tpu.memory_space<vmem>>) dst(%dma_wait3A_930 : memref<16x1024xf32, #tpu.memory_space<hbm>>)
    } else {
    }
    %le3A_904 = arith.constant 15 : i32
    %le3A_905 = arith.cmpi sle, %add3A_124, %le3A_904 : i32
    %convert_element_type3A_906 = arith.extui %le3A_905 : i1 to i32
    %cond3A_907 = arith.constant 0 : i32
    %cond3A_908 = arith.cmpi ne, %convert_element_type3A_906, %cond3A_907 : i32
    scf.if %cond3A_908 {
      %add3A_914 = arith.constant 480 : i32
      %add3A_915 = arith.addi %add3A_52, %add3A_914 : i32
      %add3A_916 = arith.constant 0 : i32
      %add3A_917 = arith.addi %add3A_915, %add3A_916 : i32
      %multiple_of3A_918 = tpu.assume_multiple %add3A_917, 16 : i32
      %dma_wait3A = arith.constant 0 : i32
      %dma_wait3A_919 = tpu.memref_slice %arg4[%multiple_of3A_918, %dma_wait3A] : memref<16384x1024xf32, #tpu.memory_space<hbm>> -> memref<16x1024xf32, #tpu.memory_space<hbm>>
      %dma_wait3A_920 = arith.constant 0 : i32
      %dma_wait3A_921 = tpu.memref_slice %arg4[%multiple_of3A_918, %dma_wait3A_920] : memref<16384x1024xf32, #tpu.memory_space<hbm>> -> memref<16x1024xf32, #tpu.memory_space<hbm>>
      tpu.wait_dma2 semaphore(%arg18 : memref<!tpu.dma_semaphore, #tpu.memory_space<semaphore_mem>>) src(%arg6 : memref<16x1024xf32, #tpu.memory_space<vmem>>) dst(%dma_wait3A_921 : memref<16x1024xf32, #tpu.memory_space<hbm>>)
      %add3A_922 = arith.constant 480 : i32
      %add3A_923 = arith.addi %add3A_52, %add3A_922 : i32
      %add3A_924 = arith.constant 16 : i32
      %add3A_925 = arith.addi %add3A_923, %add3A_924 : i32
      %multiple_of3A_926 = tpu.assume_multiple %add3A_925, 16 : i32
      %dma_wait3A_927 = arith.constant 0 : i32
      %dma_wait3A_928 = tpu.memref_slice %arg4[%multiple_of3A_926, %dma_wait3A_927] : memref<16384x1024xf32, #tpu.memory_space<hbm>> -> memref<16x1024xf32, #tpu.memory_space<hbm>>
      %dma_wait3A_929 = arith.constant 0 : i32
      %dma_wait3A_930 = tpu.memref_slice %arg4[%multiple_of3A_926, %dma_wait3A_929] : memref<16384x1024xf32, #tpu.memory_space<hbm>> -> memref<16x1024xf32, #tpu.memory_space<hbm>>
      tpu.wait_dma2 semaphore(%arg18 : memref<!tpu.dma_semaphore, #tpu.memory_space<semaphore_mem>>) src(%arg6 : memref<16x1024xf32, #tpu.memory_space<vmem>>) dst(%dma_wait3A_930 : memref<16x1024xf32, #tpu.memory_space<hbm>>)
    } else {
    }
    %gt3A_909 = arith.constant 0 : i32
    %gt3A_910 = arith.cmpi sgt, %select_n3A_122, %gt3A_909 : i32
    %convert_element_type3A_911 = arith.extui %gt3A_910 : i1 to i32
    %cond3A_912 = arith.constant 0 : i32
    %cond3A_913 = arith.cmpi ne, %convert_element_type3A_911, %cond3A_912 : i32
    scf.if %cond3A_913 {
      %dma_wait3A = arith.constant 0 : i32
      %dma_wait3A_914 = tpu.memref_slice %arg4[%multiple_of3A, %dma_wait3A] : memref<16384x1024xf32, #tpu.memory_space<hbm>> -> memref<32x1024xf32, #tpu.memory_space<hbm>>
      %dma_wait3A_915 = arith.constant 0 : i32
      %dma_wait3A_916 = tpu.memref_slice %arg4[%multiple_of3A, %dma_wait3A_915] : memref<16384x1024xf32, #tpu.memory_space<hbm>> -> memref<32x1024xf32, #tpu.memory_space<hbm>>
      tpu.wait_dma2 semaphore(%arg18 : memref<!tpu.dma_semaphore, #tpu.memory_space<semaphore_mem>>) src(%arg7 : memref<32x1024xf32, #tpu.memory_space<vmem>>) dst(%dma_wait3A_916 : memref<32x1024xf32, #tpu.memory_space<hbm>>)
    } else {
    }
    return
  }
}

</mosaic_0001>

<sc_bundles>
// kernel: kernel.3.cloned.1.call-start
scs
__scs_entry_jumppad:
0x0: {  	(pc) =	sbr.rel $0x88, $3  }
0x1: {  	(tag) =	ssettag $0x0;
	lr =	simm.s32 $0x1  }
0x2: {  	[smem:$0x3F9F] =	sst lr;
	_ =	strace $0xD0000000  }
0x3: {  	_ = 	snop  }
0x4: {  	_ = 	snop  }
0x5: {  	_ = 	snop  }
0x6: {  	_ = 	snop  }
0x7: {  	_ = 	snop  }
__scs_overlays_trampoline_lowered:
0x8: {  	[smem:$0x3FAE] =	sst s0  }
0x9: {  	[smem:$0x3FAF] =	sst s1  }
0xa: {  	[smem:$0x3FB0] =	sst s2  }
0xb: {  	[smem:$0x3FB1] =	sst s3  }
0xc: {  	[smem:$0x3FB2] =	sst s4  }
0xd: {  	[smem:$0x3FB3] =	sst s5  }
0xe: {  	[smem:$0x3FB4] =	sst s6  }
0xf: {  	[smem:$0x3FB5] =	sst s7  }
0x10: {  	[smem:$0x3FB6] =	sst s8  }
0x11: {  	[smem:$0x3FB7] =	sst s9;
	s0 =	simm.s32 @!p0 $0x0  }
0x12: {  	s1 =	sld [smem:$0x3F9D];
	s0 =	simm.s32 @p0 $0x1  }
0x13: {  	[smem:$0x3FB8] =	sst s0;
	s0 =	simm.s32 @!p1 $0x0  }
0x14: {  	s2 =	sld [smem:$0x3F9C];
	s0 =	simm.s32 @p1 $0x1  }
0x15: {  	[smem:$0x3FB9] =	sst s0;
	s0 =	simm.s32 @!p2 $0x0  }
0x16: {  	s3 =	sld [smem:$0x3FDB];
	s0 =	simm.s32 @p2 $0x1  }
0x17: {  	s4 =	simm.s32 $0x1BF5;
	[smem:$0x3FBB] =	sst s0  }
0x18: {  	s0 =	sld [smem:$0x3F9E];
	_ =	swait.ge [sflag:s4], $0x0  }
0x19: {  	s7 =	sld [smem:$0x3F9F]  }
0x1a: {  	s8 =	sadd.s32 $0xFFFFE003, lr  }
0x1b: {  	s9 =	sadd.s32 $0xFFFFFEF7, lr;
	s5 =	simm.s32 $0xFFFFFFFF;
	p2 =	slt.u32 s8, $0xFFFFF086  }
0x1c: {  	p1 =	slt.u32 s9, $0xF7A;
	s5 =	simm.s32 @!p2 $0x0  }
0x1d: {  	s5 =	simm.s32 @p1 $0x1;
	p0 =	seq.s32 s7, s2  }
0x1e: {  	s7 =	smul.u32 @!p0 $0xF7A, s2;
	p2 =	seq.s32 @!p0 s5, $0x0  }
0x1f: {  	s9 =	smul.u32 $0xF7A, s1;
	s8 =	simm.s32 @!p0 $0x1BF5;
	p2 =	por !p2, p0  }
0x20: {  	[sflag:s8] =	ssyncset.s32 @!p0 $0xFFFFF086;
	s6 =	sadd.s32 @!p0 s3, s7;
	s7 =	simm.s32 @!p0 $0x108  }
0x21: {  	s3 =	sadd.s32 s3, s9;
	s6 =	sadd.s32 @!p0 $0x88, s6;
	s7 =	simm.s32 @p2 $0x1082  }
0x22: {  	[simem:s7], [sflag:s8] =	dma.local @!p0 [hbm:s6], $0xF7A  }
0x23: {  	s9 =	sor.u32 $0xD0000000, s2;
	s6 =	simm.s32 $0x108;
	_ =	swait.ge @!p0 [sflag:s8], $0x0  }
0x24: {  	s3 =	sadd.s32 $0x88, s3;
	s6 =	simm.s32 @!p1 $0x1082;
	[sflag:s4] =	ssyncset.s32 $0xFFFFF086  }
0x25: {  	[simem:s6], [sflag:s4] =	dma.local [hbm:s3], $0xF7A  }
0x26: {  	[smem:$0x3F9F] =	sst s1;
	(tag) =	ssettag s2;
	_ =	strace s9  }
0x27: {  	s1 =	sld [smem:$0x3FAF]  }
0x28: {  	s2 =	sld [smem:$0x3FB0]  }
0x29: {  	s4 =	sld [smem:$0x3FB2]  }
0x2a: {  	p0 =	seq.s32 s5, $0x0;
	s5 =	sld [smem:$0x3FB3]  }
0x2b: {  	s6 =	sld [smem:$0x3FB4]  }
0x2c: {  	s7 =	sld [smem:$0x3FB5]  }
0x2d: {  	s3 =	simm.s32 $0x108;
	s8 =	sld [smem:$0x3FB6]  }
0x2e: {  	s3 =	simm.s32 @!p0 $0x1082;
	s9 =	sld [smem:$0x3FB7]  }
0x2f: {  	lr =	sadd.s32 s0, s3;
	s0 =	sld [smem:$0x3FAE]  }
0x30: {  	s3 =	sld [smem:$0x3FB1]  }
0x31: {  	[smem:$0x3FBA] =	sst s10  }
0x32: {  	s10 =	sld [smem:$0x3FB8];
	_ =	sdelay $0x3  }
0x33: {  	p0 =	seq.s32 s10, $0x1;
	s10 =	sld [smem:$0x3FBA];
	_ =	sdelay $0x3  }
0x34: {  	[smem:$0x3FBA] =	sst s10  }
0x35: {  	s10 =	sld [smem:$0x3FB9];
	_ =	sdelay $0x3  }
0x36: {  	p1 =	seq.s32 s10, $0x1;
	s10 =	sld [smem:$0x3FBA];
	_ =	sdelay $0x3  }
0x37: {  	[smem:$0x3FBA] =	sst s10  }
0x38: {  	s10 =	sld [smem:$0x3FBB]  }
0x39: {  	_ = 	snop;
	(pc) =	sbr.ind lr, $3  }
0x3a: {  	_ = 	snop  }
0x3b: {  	_ = 	snop  }
0x3c: {  	p2 =	seq.s32 s10, $0x1;
	s10 =	sld [smem:$0x3FBA]  }
0x3d: {  	_ =	shalt  }
0x3e: {  	_ =	shalt  }
0x3f: {  	_ =	shalt  }
0x40: {  	_ =	shalt  }
0x41: {  	_ =	shalt  }
0x42: {  	_ =	shalt  }
0x43: {  	_ =	shalt  }
0x44: {  	_ =	shalt  }
0x45: {  	_ =	shalt  }
0x46: {  	_ =	shalt  }
0x47: {  	_ =	shalt  }
0x48: {  	_ =	shalt  }
0x49: {  	_ =	shalt  }
0x4a: {  	_ =	shalt  }
0x4b: {  	_ =	shalt  }
0x4c: {  	_ =	shalt  }
0x4d: {  	_ =	shalt  }
0x4e: {  	_ =	shalt  }
0x4f: {  	_ =	shalt  }
0x50: {  	_ =	shalt  }
0x51: {  	_ =	shalt  }
0x52: {  	_ =	shalt  }
0x53: {  	_ =	shalt  }
0x54: {  	_ =	shalt  }
0x55: {  	_ =	shalt  }
0x56: {  	_ =	shalt  }
0x57: {  	_ =	shalt  }
0x58: {  	_ =	shalt  }
0x59: {  	_ =	shalt  }
0x5a: {  	_ =	shalt  }
0x5b: {  	_ =	shalt  }
0x5c: {  	_ =	shalt  }
0x5d: {  	_ =	shalt  }
0x5e: {  	_ =	shalt  }
0x5f: {  	_ =	shalt  }
0x60: {  	_ =	shalt  }
0x61: {  	_ =	shalt  }
0x62: {  	_ =	shalt  }
0x63: {  	_ =	shalt  }
0x64: {  	_ =	shalt  }
0x65: {  	_ =	shalt  }
0x66: {  	_ =	shalt  }
0x67: {  	_ =	shalt  }
0x68: {  	_ =	shalt  }
0x69: {  	_ =	shalt  }
0x6a: {  	_ =	shalt  }
0x6b: {  	_ =	shalt  }
0x6c: {  	_ =	shalt  }
0x6d: {  	_ =	shalt  }
0x6e: {  	_ =	shalt  }
0x6f: {  	_ =	shalt  }
0x70: {  	_ =	shalt  }
0x71: {  	_ =	shalt  }
0x72: {  	_ =	shalt  }
0x73: {  	_ =	shalt  }
0x74: {  	_ =	shalt  }
0x75: {  	_ =	shalt  }
0x76: {  	_ =	shalt  }
0x77: {  	_ =	shalt  }
0x78: {  	_ =	shalt  }
0x79: {  	_ =	shalt  }
0x7a: {  	_ =	shalt  }
0x7b: {  	_ =	shalt  }
0x7c: {  	_ =	shalt  }
0x7d: {  	_ =	shalt  }
0x7e: {  	_ =	shalt  }
0x7f: {  	_ =	shalt  }
0x80: {  	_ =	shalt  }
0x81: {  	_ =	shalt  }
0x82: {  	_ =	shalt  }
0x83: {  	_ =	shalt  }
0x84: {  	_ =	shalt  }
0x85: {  	_ =	shalt  }
0x86: {  	_ =	shalt  }
0x87: {  	_ =	shalt  }
.Lfunc_end0:
.L_simem_size_0:
called_computation_lowered:
.L_overlay_start_0:
0x88: {  	s2 =	sld [smem:$0x3FD9]  }
0x89: {  	s3 =	sld [smem:$0x3FFE];
	_ =	sdelay $0x1  }
0x8a: {  	s1 =	srdreg.scid  }
0x8b: {  	s0 =	sand.u32 $0x1, s1  }
0x8c: {  	s18 =	sshll.u32 s0, $0xA;
	s2 =	sadd.s32 s3, s2  }
0x8d: {  	s2 =	sadd.s32 s2, s18  }
0x8e: {  	[smem:$0x3FC6] =	sst s2  }
0x8f: {  	_ = 	snop  }
0x90: {  	s2 =	sld [smem:$0x3FC9]  }
0x91: {  	s19 =	sld [smem:$0x3FC8]  }
0x92: {  	s4 =	sld [smem:$0x3FD0];
	(tm) =	ssettm $0x1  }
0x93: {  	s5 =	sld [smem:$0x3FFB];
	_ =	sdelay $0x3  }
0x94: {  	_ =	strace s5  }
0x95: {  	s5 =	sld [smem:$0x3FFC];
	_ =	sdelay $0x3  }
0x96: {  	_ =	strace s5  }
0x97: {  	s5 =	sld [smem:$0x3FFD];
	_ =	sdelay $0x3  }
0x98: {  	_ =	strace s5  }
0x99: {  	_ =	strace $0x8FFFFFFF  }
0x9a: {  	s20 =	sld [smem:$0x3FDB];
	_ =	sdelay $0x1  }
0x9b: {  	s6 =	simm.s32 $_scs_section_size  }
0x9c: {  	s7 =	simm.s32 $_size__tile_overlayer_lowered;
	s8 =	simm.s32 $_tile_overlayer_lowered  }
0x9d: {  	s23 =	simm.s32 $0x1BFF;
	s22 =	sshll.u32 s8, $0x1;
	s5 =	sadd.s32 s6, s20  }
0x9e: {  	s9 =	simm.s32 $0x0;
	s21 =	sshll.u32 s7, $0x1;
	s7 =	sadd.s32 s22, s5  }
0x9f: {  	[timem:s9], [sflag:s23] =	dma.local [hbm:s7], s21  }
0xa0: {  	_ =	swait.ge [sflag:s23], s21  }
0xa1: {  	s6 =	ssub.s32 $0x0, s21;
	[sflag:s23] =	ssyncset.done $0x0  }
0xa2: {  	[sflag:s23] =	ssyncadd.s32 s6;
	_ =	sdelay $0x1  }
0xa3: {  	s24 =	simm.s32 $0x1B8B  }
0xa4: {  	_ =	swait.ge [sflag:s24], $0x1  }
0xa5: {  	[sflag:s24] =	ssyncset.done $0x0  }
0xa6: {  	s25 =	simm.s32 $0x1B8E;
	[sflag:s24] =	ssyncadd.s32 $0xFFFFFFFF  }
0xa7: {  	s26 =	simm.s32 $execute0_lowered;
	[smem:$0x3FD2] =	sst s25  }
0xa8: {  	s6 =	sshll.u32 s26, $0x1;
	_ =	strace $0x80000046;
	[dreg:$0x1] =	wrdreg $0xFFFFFFFF  }
0xa9: {  	s28 =	simm.s32 $_size_execute0_lowered;
	s5 =	sadd.s32 s5, s6;
	[dreg:$0x0] =	wrdreg $0x0  }
0xaa: {  	s6 =	sshll.u32 s28, $0x1;
	[dreg:$0x2] =	wrdreg s5  }
0xab: {  	[dreg:$0x3] =	wrdreg s6  }
0xac: {  	[dreg:$0x4] =	wrdreg $0xC0  }
0xad: {  	_ =	task [dreg:s9], $0x5FFFF  }
0xae: {  	[dreg:$0x1] =	wrdreg $0xFFFFFFFF  }
0xaf: {  	[dreg:$0x0] =	wrdreg $0x60  }
0xb0: {  	[dreg:$0x2] =	wrdreg s2  }
0xb1: {  	[dreg:$0x3] =	wrdreg s19  }
0xb2: {  	[dreg:$0x4] =	wrdreg s4  }
0xb3: {  	[dreg:$0x5] =	wrdreg $0x9  }
0xb4: {  	_ =	task.clear_ibuf [dreg:s9], $0x6FFFF;
	_ =	strace $0x90000046  }
0xb5: {  	s29 =	simm.s32 $0x9;
	_ =	strace $0x80000048  }
0xb6: {  	_ =	swait.ge [sflag:s29], $0x1  }
0xb7: {  	[sflag:s29] =	ssyncadd.s32 $0xFFFFFFFF  }
0xb8: {  	_ =	strace $0x90000048  }
0xb9: {  	_ =	sfence  }
0xba: {  	s30 =	sld [smem:$0x0];
	_ =	sdelay $0x2  }
0xbb: {  	s31 =	sshll.u32 s1, $0xD;
	s1 =	sshrl.u32 s1, $0x2  }
0xbc: {  	s3 =	sand.u32 $0x4000, s31;
	s1 =	sadd.s32 s1, s30  }
0xbd: {  	s0 =	sor.u32 s3, s0;
	s1 =	sshll.u32 s1, $0x11  }
0xbe: {  	s0 =	sor.u32 s1, s0  }
0xbf: {  	s0 =	sadd.s32 $0x8F2B, s0  }
0xc0: {  	[sflag:s0] =	ssyncadd.remote.s32 $0x1  }
0xc1: {  	_ =	sfence.sel $0xFFFF  }
0xc2: {  	[dreg:$0x0] =	wrdreg $0xFFFFFFFF;
	(pc) =	sbr.abs _section_cstart, $3  }
0xc3: {  	[dreg:$0x1] =	wrdreg $0xFFFFFFFF  }
0xc4: {  	_ =	task.clear_ibuf [dreg:s9], $0x2FFFF;
	_ =	strace $0x9FFFFFFF  }
0xc5: {  	(tm) =	ssettm $0x7FFFFFFF  }
tec
execute0_lowered:
.L_overlay_start_1:
0x0: {  	(tag) =	ssettag $0x1  }
0x1: {  	s2 =	stileid.u32  }
0x2: {  	s0 =	srdreg.scid;
	s10 =	sshrl.u32 s2, $0x1  }
0x3: {  	s2 =	sshll.u32 s2, $0x1;
	s3 =	sadd.s32 s0, s10  }
0x4: {  	s1 =	rddreg [dreg:$0x0];
	s2 =	sand.u32 $0x2, s2;
	s3 =	sand.u32 $0x1, s3  }
0x5: {  	s4 =	rddreg [dreg:$0x2];
	s0 =	sand.u32 $0x1, s0;
	s2 =	sor.u32 s2, s3  }
0x6: {  	s18 =	sshll.u32 s10, $0xB;
	s0 =	ssub.s32 $0x2, s0;
	s5 =	sshll.u32 s2, $0x9  }
0x7: {  	s6 =	simm.s32 $0x0;
	s20 =	sshrl.u32 s0, $0x1;
	s19 =	sor.u32 s18, s5  }
0x8: {  	[smem:$0x7FF] =	sst s6;
	s0 =	ssub.s32 s0, s20;
	s3 =	sshll.u32 s19, $0x7  }
0x9: {  	s0 =	smax.u32 s0, $0x1;
	[dreg:$0x4] =	wrdreg s19;
	s8 =	sadd.s32 s4, s3  }
0xa: {  	_ =	strace $0x80000047;
	[dreg:$0x13] =	wrdreg s0;
	s21 =	sadd.s32 $0x800, s8  }
0xb: {  	s22 =	sadd.s32 $0x1000, s8;
	[dreg:$0x5] =	wrdreg s21  }
0xc: {  	s23 =	sadd.s32 $0x1800, s8;
	[dreg:$0x6] =	wrdreg s22  }
0xd: {  	s24 =	sadd.s32 $0x2000, s8;
	[dreg:$0x7] =	wrdreg s23  }
0xe: {  	s25 =	sadd.s32 $0x2800, s8;
	[dreg:$0x8] =	wrdreg s24  }
0xf: {  	s26 =	sadd.s32 $0x3000, s8;
	[dreg:$0x9] =	wrdreg s25  }
0x10: {  	s3 =	sadd.s32 $0x3800, s8;
	[dreg:$0xa] =	wrdreg s26  }
0x11: {  	s4 =	sadd.s32 $0x4000, s8;
	[dreg:$0xb] =	wrdreg s3  }
0x12: {  	s7 =	sadd.s32 $0x4800, s8;
	[dreg:$0xc] =	wrdreg s4  }
0x13: {  	s9 =	sadd.s32 $0x5000, s8;
	[dreg:$0xd] =	wrdreg s7  }
0x14: {  	s29 =	simm.s32 $0x80;
	s11 =	sadd.s32 $0x5800, s8;
	[dreg:$0xe] =	wrdreg s9  }
0x15: {  	s31 =	simm.s32 $0xC080;
	s13 =	sadd.s32 $0x6000, s8;
	[dreg:$0xf] =	wrdreg s11  }
0x16: {  	s28 =	simm.s32 $0x4880;
	s14 =	sadd.s32 $0x6800, s8;
	[dreg:$0x10] =	wrdreg s13  }
0x17: {  	s12 =	sadd.s32 $0x1, s10;
	s15 =	sadd.s32 $0x7000, s8;
	[dreg:$0x11] =	wrdreg s14  }
0x18: {  	v3 =	vmov s10;
	s10 =	simm.s32 $0x6;
	s16 =	sadd.s32 $0x7800, s8;
	[dreg:$0x12] =	wrdreg s15  }
0x19: {  	v2 =	vmov s12;
	s12 =	simm.s32 $0x3;
	s17 =	sadd.s32 $0x8000, s8;
	[dreg:$0x14] =	wrdreg s16  }
0x1a: {  	s0 =	simm.s32 $0x4080;
	s18 =	sadd.s32 $0x8800, s8;
	[dreg:$0x15] =	wrdreg s17  }
0x1b: {  	s19 =	sadd.s32 $0x9000, s8;
	s20 =	sadd.s32 $0x9800, s8;
	[dreg:$0x16] =	wrdreg s18  }
0x1c: {  	s30 =	sadd.s32 $0xA000, s8;
	s2 =	sadd.s32 $0xB000, s8;
	[dreg:$0x17] =	wrdreg s19  }
0x1d: {  	[dreg:$0x18] =	wrdreg s20;
	s21 =	sadd.s32 $0xA800, s8;
	s22 =	sadd.s32 $0xB800, s8  }
0x1e: {  	s4 =	sadd.s32 $0xC000, s8;
	s23 =	sadd.s32 $0xC800, s8;
	s3 =	sadd.s32 $0xD000, s8  }
0x1f: {  	s24 =	sadd.s32 $0xD800, s8;
	s11 =	sadd.s32 $0xE000, s8;
	[dreg:$0x19] =	wrdreg s21  }
0x20: {  	s25 =	sadd.s32 $0xE800, s8;
	s15 =	sadd.s32 $0xF000, s8;
	[dreg:$0x1a] =	wrdreg s22  }
.Ltmp0:
0x21: {  	s26 =	sadd.s32 $0xF800, s8;
	[dreg:$0x1b] =	wrdreg s23;
	(pc) =	sbr.rel .LBB2_1-.Ltmp0, $4  }
0x22: {  	s19 =	sadd.s32 $0x100, s1;
	s9 =	simm.s32 $0x14080;
	[dreg:$0x1c] =	wrdreg s24  }
0x23: {  	v0 =	vlaneseq.u32;
	v1 =	vimm.f32 $0.0e+00;
	vm2 =	vmmov $0xffff;
	s7 =	simm.s32 $0x2;
	s13 =	simm.s32 $0x4;
	[dreg:$0x1d] =	wrdreg s25  }
0x24: {  	v4 =	vor.u32 $0x8, v0;
	vm1 =	veq.s32 v3, v0;
	v3 =	vshrl.u32 v0, $0x3;
	s17 =	simm.s32 $0x5;
	[dreg:$0x1e] =	wrdreg s26;
	s21 =	sadd.s32 $0x200, s1  }
0x25: {  	vm0 =	veq.s32 v2, v0;
	v2 =	vand.u32 $0x7, v0;
	v3 =	vmul.u32 $0x8, v3;
	s24 =	sadd.s32 $0x300, s1;
	s23 =	simm.s32 $0x1;
	s26 =	simm.s32 $0x0  }
.LBB2_126:
0x26: {  	s14 =	sld [smem:$0x7FD];
	_ =	sdelay $0x2  }
0x27: {  	p0 =	seq.s32 s14, $0x1  }
0x28: {  	s14 =	simm.s32 @!p0 $0x7  }
0x29: {  	_ =	swait.ge @!p0 [sflag:s14], $0x4000  }
0x2a: {  	[sflag:s14] =	ssyncset.done @!p0 $0x0  }
0x2b: {  	[sflag:s14] =	ssyncadd.s32 @!p0 $0xFFFFC000  }
0x2c: {  	_ =	swait.ge @!p0 [sflag:s14], $0x4000  }
0x2d: {  	s18 =	sld [smem:$0x7EA];
	_ =	sdelay $0x1  }
0x2e: {  	[sflag:s14] =	ssyncset.done @!p0 $0x0  }
0x2f: {  	[sflag:s14] =	ssyncadd.s32 @!p0 $0xFFFFC000;
	p0 =	seq.s32 s18, $0x1  }
0x30: {  	s14 =	simm.s32 @p0 $0x7  }
0x31: {  	_ =	swait.ge @p0 [sflag:s14], $0x4000  }
0x32: {  	[sflag:s14] =	ssyncset.done @p0 $0x0  }
0x33: {  	[sflag:s14] =	ssyncadd.s32 @p0 $0xFFFFC000  }
0x34: {  	_ =	swait.ge @p0 [sflag:s14], $0x4000  }
0x35: {  	s20 =	sld [smem:$0x7EB];
	_ =	sdelay $0x1  }
0x36: {  	[sflag:s14] =	ssyncset.done @p0 $0x0  }
0x37: {  	[sflag:s14] =	ssyncadd.s32 @p0 $0xFFFFC000;
	p0 =	seq.s32 s20, $0x1  }
0x38: {  	s14 =	simm.s32 @p0 $0x7  }
0x39: {  	_ =	swait.ge @p0 [sflag:s14], $0x4000  }
0x3a: {  	[sflag:s14] =	ssyncset.done @p0 $0x0  }
0x3b: {  	[sflag:s14] =	ssyncadd.s32 @p0 $0xFFFFC000  }
0x3c: {  	_ =	swait.ge @p0 [sflag:s14], $0x4000  }
0x3d: {  	s22 =	sld [smem:$0x7E9];
	_ =	sdelay $0x1  }
0x3e: {  	[sflag:s14] =	ssyncset.done @p0 $0x0  }
0x3f: {  	[sflag:s14] =	ssyncadd.s32 @p0 $0xFFFFC000;
	p0 =	seq.s32 s22, $0x1  }
0x40: {  	s14 =	simm.s32 @p0 $0x7  }
0x41: {  	_ =	swait.ge @p0 [sflag:s14], $0x4000  }
0x42: {  	[sflag:s14] =	ssyncset.done @p0 $0x0  }
0x43: {  	[sflag:s14] =	ssyncadd.s32 @p0 $0xFFFFC000  }
0x44: {  	_ =	swait.ge @p0 [sflag:s14], $0x4000  }
0x45: {  	s25 =	sld [smem:$0x7EC];
	_ =	sdelay $0x1  }
0x46: {  	[sflag:s14] =	ssyncset.done @p0 $0x0  }
0x47: {  	[sflag:s14] =	ssyncadd.s32 @p0 $0xFFFFC000;
	p0 =	seq.s32 s25, $0x1  }
0x48: {  	s14 =	simm.s32 @p0 $0x7  }
0x49: {  	_ =	swait.ge @p0 [sflag:s14], $0x4000  }
0x4a: {  	[sflag:s14] =	ssyncset.done @p0 $0x0  }
0x4b: {  	[sflag:s14] =	ssyncadd.s32 @p0 $0xFFFFC000  }
0x4c: {  	_ =	swait.ge @p0 [sflag:s14], $0x4000  }
0x4d: {  	s16 =	sld [smem:$0x7E8];
	_ =	sdelay $0x1  }
0x4e: {  	[sflag:s14] =	ssyncset.done @p0 $0x0  }
0x4f: {  	[sflag:s14] =	ssyncadd.s32 @p0 $0xFFFFC000;
	p0 =	seq.s32 s16, $0x1  }
0x50: {  	s14 =	simm.s32 @p0 $0x7  }
0x51: {  	_ =	swait.ge @p0 [sflag:s14], $0x4000  }
0x52: {  	[sflag:s14] =	ssyncset.done @p0 $0x0  }
0x53: {  	[sflag:s14] =	ssyncadd.s32 @p0 $0xFFFFC000  }
0x54: {  	_ =	swait.ge @p0 [sflag:s14], $0x4000  }
0x55: {  	s18 =	sld [smem:$0x7ED];
	_ =	sdelay $0x1  }
0x56: {  	[sflag:s14] =	ssyncset.done @p0 $0x0  }
0x57: {  	[sflag:s14] =	ssyncadd.s32 @p0 $0xFFFFC000;
	p0 =	seq.s32 s18, $0x1  }
0x58: {  	s14 =	simm.s32 @p0 $0x7  }
0x59: {  	_ =	swait.ge @p0 [sflag:s14], $0x4000  }
0x5a: {  	[sflag:s14] =	ssyncset.done @p0 $0x0  }
0x5b: {  	[sflag:s14] =	ssyncadd.s32 @p0 $0xFFFFC000  }
0x5c: {  	_ =	swait.ge @p0 [sflag:s14], $0x4000  }
0x5d: {  	s20 =	sld [smem:$0x7E7];
	_ =	sdelay $0x1  }
0x5e: {  	[sflag:s14] =	ssyncset.done @p0 $0x0  }
0x5f: {  	[sflag:s14] =	ssyncadd.s32 @p0 $0xFFFFC000;
	p0 =	seq.s32 s20, $0x1  }
0x60: {  	s14 =	simm.s32 @p0 $0x7  }
0x61: {  	_ =	swait.ge @p0 [sflag:s14], $0x4000  }
0x62: {  	[sflag:s14] =	ssyncset.done @p0 $0x0  }
0x63: {  	[sflag:s14] =	ssyncadd.s32 @p0 $0xFFFFC000  }
0x64: {  	_ =	swait.ge @p0 [sflag:s14], $0x4000  }
0x65: {  	s22 =	sld [smem:$0x7EE];
	_ =	sdelay $0x1  }
0x66: {  	[sflag:s14] =	ssyncset.done @p0 $0x0  }
0x67: {  	[sflag:s14] =	ssyncadd.s32 @p0 $0xFFFFC000;
	p0 =	seq.s32 s22, $0x1  }
0x68: {  	s14 =	simm.s32 @p0 $0x7  }
0x69: {  	_ =	swait.ge @p0 [sflag:s14], $0x4000  }
0x6a: {  	[sflag:s14] =	ssyncset.done @p0 $0x0  }
0x6b: {  	[sflag:s14] =	ssyncadd.s32 @p0 $0xFFFFC000  }
0x6c: {  	_ =	swait.ge @p0 [sflag:s14], $0x4000  }
0x6d: {  	s25 =	sld [smem:$0x7E6];
	_ =	sdelay $0x1  }
0x6e: {  	[sflag:s14] =	ssyncset.done @p0 $0x0  }
0x6f: {  	[sflag:s14] =	ssyncadd.s32 @p0 $0xFFFFC000;
	p0 =	seq.s32 s25, $0x1  }
0x70: {  	s14 =	simm.s32 @p0 $0x7  }
0x71: {  	_ =	swait.ge @p0 [sflag:s14], $0x4000  }
0x72: {  	[sflag:s14] =	ssyncset.done @p0 $0x0  }
0x73: {  	[sflag:s14] =	ssyncadd.s32 @p0 $0xFFFFC000  }
0x74: {  	_ =	swait.ge @p0 [sflag:s14], $0x4000  }
0x75: {  	s16 =	sld [smem:$0x7EF];
	_ =	sdelay $0x1  }
0x76: {  	[sflag:s14] =	ssyncset.done @p0 $0x0  }
0x77: {  	[sflag:s14] =	ssyncadd.s32 @p0 $0xFFFFC000;
	p0 =	seq.s32 s16, $0x1  }
0x78: {  	s14 =	simm.s32 @p0 $0x7  }
0x79: {  	_ =	swait.ge @p0 [sflag:s14], $0x4000  }
0x7a: {  	[sflag:s14] =	ssyncset.done @p0 $0x0  }
0x7b: {  	[sflag:s14] =	ssyncadd.s32 @p0 $0xFFFFC000  }
0x7c: {  	_ =	swait.ge @p0 [sflag:s14], $0x4000  }
0x7d: {  	[sflag:s14] =	ssyncset.done @p0 $0x0  }
0x7e: {  	[sflag:s14] =	ssyncadd.s32 @p0 $0xFFFFC000;
	s14 =	simm.s32 @p1 $0x7  }
0x7f: {  	_ =	swait.ge @p1 [sflag:s14], $0x4000  }
0x80: {  	[sflag:s14] =	ssyncset.done @p1 $0x0  }
0x81: {  	[sflag:s14] =	ssyncadd.s32 @p1 $0xFFFFC000  }
0x82: {  	_ =	swait.ge @p1 [sflag:s14], $0x4000  }
0x83: {  	s18 =	sld [smem:$0x7F0];
	_ =	sdelay $0x2  }
0x84: {  	[sflag:s14] =	ssyncset.done @p1 $0x0;
	p0 =	seq.s32 s18, $0x1  }
0x85: {  	[sflag:s14] =	ssyncadd.s32 @p1 $0xFFFFC000;
	s14 =	simm.s32 @p0 $0x7  }
0x86: {  	_ =	swait.ge @p0 [sflag:s14], $0x4000  }
0x87: {  	[sflag:s14] =	ssyncset.done @p0 $0x0  }
0x88: {  	[sflag:s14] =	ssyncadd.s32 @p0 $0xFFFFC000  }
0x89: {  	_ =	swait.ge @p0 [sflag:s14], $0x4000  }
0x8a: {  	s20 =	sld [smem:$0x7E5];
	_ =	sdelay $0x1  }
0x8b: {  	[sflag:s14] =	ssyncset.done @p0 $0x0  }
0x8c: {  	[sflag:s14] =	ssyncadd.s32 @p0 $0xFFFFC000;
	p0 =	seq.s32 s20, $0x1  }
0x8d: {  	s14 =	simm.s32 @p0 $0x7  }
0x8e: {  	_ =	swait.ge @p0 [sflag:s14], $0x4000  }
0x8f: {  	[sflag:s14] =	ssyncset.done @p0 $0x0  }
0x90: {  	[sflag:s14] =	ssyncadd.s32 @p0 $0xFFFFC000  }
0x91: {  	_ =	swait.ge @p0 [sflag:s14], $0x4000  }
0x92: {  	s22 =	sld [smem:$0x7F1];
	_ =	sdelay $0x1  }
0x93: {  	[sflag:s14] =	ssyncset.done @p0 $0x0  }
0x94: {  	[sflag:s14] =	ssyncadd.s32 @p0 $0xFFFFC000;
	p0 =	seq.s32 s22, $0x1  }
0x95: {  	s14 =	simm.s32 @p0 $0x7  }
0x96: {  	_ =	swait.ge @p0 [sflag:s14], $0x4000  }
0x97: {  	[sflag:s14] =	ssyncset.done @p0 $0x0  }
0x98: {  	[sflag:s14] =	ssyncadd.s32 @p0 $0xFFFFC000  }
0x99: {  	_ =	swait.ge @p0 [sflag:s14], $0x4000  }
0x9a: {  	s25 =	sld [smem:$0x7F5];
	_ =	sdelay $0x1  }
0x9b: {  	[sflag:s14] =	ssyncset.done @p0 $0x0  }
0x9c: {  	[sflag:s14] =	ssyncadd.s32 @p0 $0xFFFFC000;
	p0 =	seq.s32 s25, $0x1  }
0x9d: {  	s14 =	simm.s32 @p0 $0x7  }
0x9e: {  	_ =	swait.ge @p0 [sflag:s14], $0x4000  }
0x9f: {  	[sflag:s14] =	ssyncset.done @p0 $0x0  }
0xa0: {  	[sflag:s14] =	ssyncadd.s32 @p0 $0xFFFFC000  }
0xa1: {  	_ =	swait.ge @p0 [sflag:s14], $0x4000  }
0xa2: {  	[sflag:s14] =	ssyncset.done @p0 $0x0  }
0xa3: {  	[sflag:s14] =	ssyncadd.s32 @p0 $0xFFFFC000;
	s14 =	simm.s32 @!p4 $0x7  }
0xa4: {  	_ =	swait.ge @!p4 [sflag:s14], $0x8000  }
0xa5: {  	s26 =	sadd.s32 $0x1, s26;
	s16 =	rddreg [dreg:$0x13]  }
0xa6: {  	p0 =	sne.s32 s26, s16  }
.Ltmp1:
0xa7: {  	_ = 	snop;
	(pc) =	sbr.rel @!p0 .LBB2_127-.Ltmp1, $3  }
0xa8: {  	_ =	sdelay $0x1  }
0xa9: {  	[sflag:s14] =	ssyncset.done @!p4 $0x0  }
0xaa: {  	[sflag:s14] =	ssyncadd.s32 @!p4 $0xFFFF8000  }
.LBB2_1:
0xab: {  	s14 =	rddreg [dreg:$0x1];
	s25 =	simm.s32 $0x8  }
0xac: {  	[tilespmem:s6], [sflag:$0x8] =	stream.linear.gather [hbm4b:s14+s6], $0x9, $0x38;
	[tilespmem:$0x1C900] =	vst v63  }
0xad: {  	_ =	swait.ge [sflag:s25], $0x9  }
0xae: {  	s16 =	simm.s32 $0x0;
	s18 =	simm.s32 $0x0;
	[sflag:s25] =	ssyncset.done $0x0  }
0xaf: {  	s20 =	simm.s32 $0x0;
	s14 =	simm.s32 $0xFFFFC000;
	[sflag:s25] =	ssyncadd.s32 $0xFFFFFFF7  }
.LBB2_2:
0xb0: {  	s22 =	sadd.s32 $0x4000, s14  }
0xb1: {  	s25 =	sand.u32 $0x380, s20;
	s22 =	sand.u32 $0x2000, s22  }
0xb2: {  	s22 =	sor.u32 s25, s22  }
0xb3: {  	[tilespmem:s22+$0x80] =	vst v1  }
0xb4: {  	[tilespmem:s22+$0x90] =	vst v1  }
0xb5: {  	[tilespmem:s22+$0xA0] =	vst v1  }
0xb6: {  	[tilespmem:s22+$0xB0] =	vst v1  }
0xb7: {  	[tilespmem:s22+$0xC0] =	vst v1  }
0xb8: {  	[tilespmem:s22+$0xD0] =	vst v1  }
0xb9: {  	[tilespmem:s22+$0xE0] =	vst v1  }
0xba: {  	[tilespmem:s22+$0xF0] =	vst v1  }
0xbb: {  	[tilespmem:s22+$0x480] =	vst v1  }
0xbc: {  	[tilespmem:s22+$0x490] =	vst v1  }
0xbd: {  	[tilespmem:s22+$0x4A0] =	vst v1  }
0xbe: {  	[tilespmem:s22+$0x4B0] =	vst v1  }
0xbf: {  	[tilespmem:s22+$0x4C0] =	vst v1  }
0xc0: {  	[tilespmem:s22+$0x4D0] =	vst v1  }
0xc1: {  	[tilespmem:s22+$0x4E0] =	vst v1  }
0xc2: {  	[tilespmem:s22+$0x4F0] =	vst v1  }
0xc3: {  	[tilespmem:s22+$0x880] =	vst v1  }
0xc4: {  	[tilespmem:s22+$0x890] =	vst v1  }
0xc5: {  	[tilespmem:s22+$0x8A0] =	vst v1  }
0xc6: {  	[tilespmem:s22+$0x8B0] =	vst v1  }
0xc7: {  	[tilespmem:s22+$0x8C0] =	vst v1  }
0xc8: {  	[tilespmem:s22+$0x8D0] =	vst v1  }
0xc9: {  	[tilespmem:s22+$0x8E0] =	vst v1  }
0xca: {  	[tilespmem:s22+$0x8F0] =	vst v1  }
0xcb: {  	[tilespmem:s22+$0xC80] =	vst v1  }
0xcc: {  	[tilespmem:s22+$0xC90] =	vst v1  }
0xcd: {  	[tilespmem:s22+$0xCA0] =	vst v1  }
0xce: {  	[tilespmem:s22+$0xCB0] =	vst v1  }
0xcf: {  	[tilespmem:s22+$0xCC0] =	vst v1  }
0xd0: {  	[tilespmem:s22+$0xCD0] =	vst v1  }
0xd1: {  	[tilespmem:s22+$0xCE0] =	vst v1  }
0xd2: {  	[tilespmem:s22+$0xCF0] =	vst v1  }
0xd3: {  	[tilespmem:s22+$0x1080] =	vst v1  }
0xd4: {  	[tilespmem:s22+$0x1090] =	vst v1  }
0xd5: {  	[tilespmem:s22+$0x10A0] =	vst v1  }
0xd6: {  	[tilespmem:s22+$0x10B0] =	vst v1  }
0xd7: {  	[tilespmem:s22+$0x10C0] =	vst v1  }
0xd8: {  	[tilespmem:s22+$0x10D0] =	vst v1  }
0xd9: {  	[tilespmem:s22+$0x10E0] =	vst v1  }
0xda: {  	[tilespmem:s22+$0x10F0] =	vst v1  }
0xdb: {  	[tilespmem:s22+$0x1480] =	vst v1  }
0xdc: {  	[tilespmem:s22+$0x1490] =	vst v1  }
0xdd: {  	[tilespmem:s22+$0x14A0] =	vst v1  }
0xde: {  	[tilespmem:s22+$0x14B0] =	vst v1  }
0xdf: {  	[tilespmem:s22+$0x14C0] =	vst v1  }
0xe0: {  	[tilespmem:s22+$0x14D0] =	vst v1  }
0xe1: {  	[tilespmem:s22+$0x14E0] =	vst v1  }
0xe2: {  	[tilespmem:s22+$0x14F0] =	vst v1  }
0xe3: {  	[tilespmem:s22+$0x1880] =	vst v1  }
0xe4: {  	[tilespmem:s22+$0x1890] =	vst v1  }
0xe5: {  	[tilespmem:s22+$0x18A0] =	vst v1  }
0xe6: {  	[tilespmem:s22+$0x18B0] =	vst v1  }
0xe7: {  	s25 =	sand.u32 $0x7, s16;
	[tilespmem:s22+$0x18C0] =	vst v1  }
0xe8: {  	s25 =	sshll.u32 s25, $0x7;
	[tilespmem:s22+$0x18D0] =	vst v1  }
0xe9: {  	[tilespmem:s22+$0x18E0] =	vst v1;
	s25 =	sadd.s32 s25, s18  }
0xea: {  	[tilespmem:s22+$0x18F0] =	vst v1;
	s22 =	sor.u32 $0x1C00, s25  }
0xeb: {  	[tilespmem:s22+$0x80] =	vst v1;
	s22 =	sor.u32 $0x1C10, s25  }
0xec: {  	[tilespmem:s22+$0x80] =	vst v1;
	s22 =	sor.u32 $0x1C20, s25  }
0xed: {  	p0 =	sne.s32 s20, $0x780;
	[tilespmem:s22+$0x80] =	vst v1;
	s22 =	sor.u32 $0x1C30, s25  }
.Ltmp2:
0xee: {  	[tilespmem:s22+$0x80] =	vst v1;
	s22 =	sor.u32 $0x1C40, s25;
	(pc) =	sbr.rel @p0 .LBB2_2-.Ltmp2, $4  }
0xef: {  	[tilespmem:s22+$0x80] =	vst v1;
	s22 =	sor.u32 $0x1C50, s25  }
0xf0: {  	[tilespmem:s22+$0x80] =	vst v1;
	s22 =	sor.u32 $0x1C60, s25  }
0xf1: {  	s14 =	sadd.s32 $0x400, s14;
	s25 =	sor.u32 $0x1C70, s25;
	[tilespmem:s22+$0x80] =	vst v1  }
0xf2: {  	s20 =	sadd.s32 $0x80, s20;
	s16 =	sadd.s32 $0x1, s16;
	s18 =	sadd.s32 $0x400, s18;
	[tilespmem:s25+$0x80] =	vst v1  }
0xf3: {  	v5 =	vld [tilespmem:$0x0];
	_ =	sdelay $0x4  }
0xf4: {  	v6 =	vnsel vm1, $0x0, v5  }
0xf5: {  	v5 =	vnsel vm0, $0x0, v5;
	(xrf0) =	vadd.scan.msk.s32 $0xffff, v6  }
0xf6: {  	(xrf0) =	vadd.scan.msk.s32 $0xffff, v5;
	_ =	sdelay $0x4  }
0xf7: {  	v5, _, _ =	vpop (xrf0)  }
0xf8: {  	(v2sf) =	vpush v5, $0xF;
	v5, _, _ =	vpop (xrf0)  }
0xf9: {  	(v2sf) =	vpush v5, $0xF;
	_ =	sdelay $0xd  }
0xfa: {  	s20 =	spop (v2sf)  }
0xfb: {  	s14 =	spop (v2sf)  }
0xfc: {  	s14 =	ssub.s32 s14, s20  }
0xfd: {  	p0 =	slt.s32 s14, $0x800  }
0xfe: {  	s14 =	simm.s32 @!p0 $0x800  }
0xff: {  	s14 =	ssub.s32 s14, s5  }
0x100: {  	p0 =	sgt.s32 s14, $0x0  }
0x101: {  	p1 =	slt.s32 s14, $0x1;
	s14 =	simm.s32 @!p0 $0x0  }
0x102: {  	s14 =	smin.u32 s14, $0x200  }
0x103: {  	s16 =	sand.u32 $0x1F, s14  }
0x104: {  	p0 =	sne.s32 s16, $0x0  }
0x105: {  	p1 =	por !p1, !p0  }
0x106: {  	s18 =	simm.s32 $0x1;
	p1 =	por !p1, !p1  }
0x107: {  	s25 =	simm.s32 $0x1;
	s22 =	sshrl.u32 s14, $0x5;
	s18 =	simm.s32 @!p1 $0x0  }
0x108: {  	s25 =	simm.s32 @!p0 $0x0;
	s18 =	ssub.s32 s22, s18  }
0x109: {  	s22 =	sadd.s32 s25, s18  }
0x10a: {  	p0 =	sgt.s32 s22, $0x0  }
.Ltmp3:
0x10b: {  	_ = 	snop;
	(pc) =	sbr.rel @!p0 .LBB2_4-.Ltmp3, $4  }
0x10c: {  	_ = 	snop  }
0x10d: {  	s25 =	simm.s32 @!p0 $0x0  }
0x10e: {  	s25 =	simm.s32 @p0 $0x1  }
0x10f: {  	[smem:$0x7FD] =	sst s25  }
0x110: {  	p0 =	sne.s32 s22, $0x1  }
.Ltmp4:
0x111: {  	_ = 	snop;
	(pc) =	sbr.rel @!p0 .LBB2_6-.Ltmp4, $1  }
0x112: {  	_ =	sdelay $0x3  }
0x113: {  	p0 =	sgt.u32 s22, $0x2  }
.Ltmp5:
0x114: {  	_ = 	snop;
	(pc) =	sbr.rel @!p0 .LBB2_8-.Ltmp5, $2  }
0x115: {  	_ =	sdelay $0x2  }
0x116: {  	p1 =	por $0x0, $0x0  }
0x117: {  	p0 =	sne.s32 s22, $0x3  }
.Ltmp6:
0x118: {  	_ = 	snop;
	(pc) =	sbr.rel @!p0 .LBB2_10-.Ltmp6, $2  }
0x119: {  	_ =	sdelay $0x2  }
0x11a: {  	p1 =	por $0x0, $0x0;
	p5 =	por $0x0, $0x0  }
0x11b: {  	p0 =	sgt.u32 s22, $0x4  }
.Ltmp7:
0x11c: {  	_ = 	snop;
	(pc) =	sbr.rel @!p0 .LBB2_12-.Ltmp7, $2  }
0x11d: {  	_ =	sdelay $0x2  }
0x11e: {  	p5 =	por $0x0, $0x0;
	p1 =	por $0x0, $0x0;
	p6 =	por $0x0, $0x0  }
0x11f: {  	p0 =	sne.s32 s22, $0x5  }
.Ltmp8:
0x120: {  	_ = 	snop;
	(pc) =	sbr.rel @!p0 .LBB2_14-.Ltmp8, $3  }
0x121: {  	_ =	sdelay $0x1  }
0x122: {  	p6 =	por $0x0, $0x0  }
0x123: {  	p1 =	por $0x0, $0x0;
	p5 =	por $0x0, $0x0;
	p4 =	por $0x0, $0x0  }
0x124: {  	p0 =	sgt.u32 s22, $0x6  }
.Ltmp9:
0x125: {  	_ = 	snop;
	(pc) =	sbr.rel @!p0 .LBB2_16-.Ltmp9, $3  }
0x126: {  	_ =	sdelay $0x1  }
0x127: {  	p4 =	por $0x0, $0x0;
	p5 =	por $0x0, $0x0  }
0x128: {  	p1 =	por $0x0, $0x0;
	p6 =	por $0x0, $0x0;
	p3 =	por $0x0, $0x0  }
0x129: {  	p0 =	sne.s32 s22, $0x7  }
.Ltmp10:
0x12a: {  	_ = 	snop;
	(pc) =	sbr.rel @!p0 .LBB2_18-.Ltmp10, $4  }
0x12b: {  	p2 =	por $0x0, $0x0  }
0x12c: {  	p3 =	por $0x0, $0x0;
	s25 =	simm.s32 @!p2 $0x0  }
0x12d: {  	p6 =	por $0x0, $0x0;
	p1 =	por $0x0, $0x0;
	s25 =	simm.s32 @p2 $0x1  }
0x12e: {  	p5 =	por $0x0, $0x0;
	p4 =	por $0x0, $0x0;
	[smem:$0x7FC] =	sst s25  }
0x12f: {  	p0 =	sgt.u32 s22, $0x8;
	p1 =	por $0x0, $0x0  }
.Ltmp11:
0x130: {  	s25 =	simm.s32 @!p1 $0x0;
	(pc) =	sbr.rel @!p0 .LBB2_20-.Ltmp11, $4  }
0x131: {  	p2 =	por $0x0, $0x0;
	s25 =	simm.s32 @p1 $0x1  }
0x132: {  	p4 =	por $0x0, $0x0;
	[smem:$0x7FC] =	sst s25;
	s25 =	simm.s32 @!p2 $0x0  }
0x133: {  	p5 =	por $0x0, $0x0;
	p6 =	por $0x0, $0x0;
	s25 =	simm.s32 @p2 $0x1  }
0x134: {  	p3 =	por $0x0, $0x0;
	p1 =	por $0x0, $0x0;
	[smem:$0x7FB] =	sst s25  }
0x135: {  	p0 =	por $0x0, $0x0  }
0x136: {  	s25 =	simm.s32 @!p0 $0x0  }
0x137: {  	p2 =	sne.s32 s22, $0x9;
	s25 =	simm.s32 @p0 $0x1;
	p0 =	por $0x0, $0x0  }
.Ltmp12:
0x138: {  	[smem:$0x7FB] =	sst s25;
	s25 =	simm.s32 @!p0 $0x0;
	(pc) =	sbr.rel @!p2 .LBB2_22-.Ltmp12, $4  }
0x139: {  	s25 =	simm.s32 @p0 $0x1;
	p0 =	por $0x0, $0x0  }
0x13a: {  	p3 =	por $0x0, $0x0;
	[smem:$0x7FC] =	sst s25;
	s25 =	simm.s32 @!p0 $0x0  }
0x13b: {  	p6 =	por $0x0, $0x0;
	p1 =	por $0x0, $0x0;
	s25 =	simm.s32 @p0 $0x1  }
0x13c: {  	p5 =	por $0x0, $0x0;
	p4 =	por $0x0, $0x0;
	[smem:$0x7FA] =	sst s25  }
0x13d: {  	p0 =	por $0x0, $0x0  }
0x13e: {  	s25 =	simm.s32 @!p0 $0x0  }
0x13f: {  	s25 =	simm.s32 @p0 $0x1;
	p0 =	por $0x0, $0x0  }
0x140: {  	[smem:$0x7FA] =	sst s25;
	s25 =	simm.s32 @!p0 $0x0  }
0x141: {  	p3 =	sgt.u32 s22, $0xA;
	s25 =	simm.s32 @p0 $0x1;
	p0 =	por $0x0, $0x0  }
.Ltmp13:
0x142: {  	[smem:$0x7FC] =	sst s25;
	s25 =	simm.s32 @!p0 $0x0;
	(pc) =	sbr.rel @!p3 .LBB2_24-.Ltmp13, $4  }
0x143: {  	s25 =	simm.s32 @p0 $0x1;
	p0 =	por $0x0, $0x0  }
0x144: {  	p4 =	por $0x0, $0x0;
	[smem:$0x7F9] =	sst s25;
	s25 =	simm.s32 @!p0 $0x0  }
0x145: {  	p5 =	por $0x0, $0x0;
	p1 =	por $0x0, $0x0;
	s25 =	simm.s32 @p0 $0x1  }
0x146: {  	p6 =	por $0x0, $0x0;
	p2 =	por $0x0, $0x0;
	[smem:$0x7FB] =	sst s25  }
0x147: {  	p0 =	por $0x0, $0x0  }
0x148: {  	s25 =	simm.s32 @!p0 $0x0  }
0x149: {  	s25 =	simm.s32 @p0 $0x1;
	p0 =	por $0x0, $0x0  }
0x14a: {  	[smem:$0x7FB] =	sst s25;
	s25 =	simm.s32 @!p0 $0x0  }
0x14b: {  	s25 =	simm.s32 @p0 $0x1;
	p0 =	por $0x0, $0x0  }
0x14c: {  	[smem:$0x7F9] =	sst s25;
	s25 =	simm.s32 @!p0 $0x0  }
0x14d: {  	p3 =	sne.s32 s22, $0xB;
	s25 =	simm.s32 @p0 $0x1;
	p0 =	por $0x0, $0x0  }
.Ltmp14:
0x14e: {  	[smem:$0x7FC] =	sst s25;
	s25 =	simm.s32 @!p0 $0x0;
	(pc) =	sbr.rel @!p3 .LBB2_26-.Ltmp14, $4  }
0x14f: {  	s25 =	simm.s32 @p0 $0x1;
	p0 =	por $0x0, $0x0  }
0x150: {  	p2 =	por $0x0, $0x0;
	[smem:$0x7FA] =	sst s25;
	s25 =	simm.s32 @!p0 $0x0  }
0x151: {  	p6 =	por $0x0, $0x0;
	p1 =	por $0x0, $0x0;
	s25 =	simm.s32 @p0 $0x1  }
0x152: {  	p5 =	por $0x0, $0x0;
	p4 =	por $0x0, $0x0;
	[smem:$0x7F8] =	sst s25  }
0x153: {  	p0 =	por $0x0, $0x0  }
0x154: {  	s25 =	simm.s32 @!p0 $0x0  }
0x155: {  	s25 =	simm.s32 @p0 $0x1;
	p0 =	por $0x0, $0x0  }
0x156: {  	[smem:$0x7F8] =	sst s25;
	s25 =	simm.s32 @!p0 $0x0  }
0x157: {  	s25 =	simm.s32 @p0 $0x1;
	p0 =	por $0x0, $0x0  }
0x158: {  	[smem:$0x7FA] =	sst s25;
	s25 =	simm.s32 @!p0 $0x0  }
0x159: {  	s25 =	simm.s32 @p0 $0x1;
	p0 =	por $0x0, $0x0  }
0x15a: {  	[smem:$0x7FC] =	sst s25;
	s25 =	simm.s32 @!p0 $0x0  }
0x15b: {  	s25 =	simm.s32 @p0 $0x1;
	p0 =	por $0x0, $0x0  }
0x15c: {  	[smem:$0x7F7] =	sst s25;
	s25 =	simm.s32 @!p0 $0x0  }
0x15d: {  	p3 =	sgt.u32 s22, $0xC;
	s25 =	simm.s32 @p0 $0x1;
	p0 =	por $0x0, $0x0  }
.Ltmp15:
0x15e: {  	[smem:$0x7F6] =	sst s25;
	s25 =	simm.s32 @!p0 $0x0;
	(pc) =	sbr.rel @!p3 .LBB2_28-.Ltmp15, $4  }
0x15f: {  	s25 =	simm.s32 @p0 $0x1;
	p0 =	por $0x0, $0x0  }
0x160: {  	[smem:$0x7F9] =	sst s25;
	s25 =	simm.s32 @!p0 $0x0  }
0x161: {  	p5 =	por $0x0, $0x0;
	p1 =	por $0x0, $0x0;
	s25 =	simm.s32 @p0 $0x1  }
0x162: {  	p2 =	por $0x0, $0x0;
	p6 =	por $0x0, $0x0;
	[smem:$0x7FB] =	sst s25  }
0x163: {  	p0 =	por $0x0, $0x0  }
0x164: {  	s25 =	simm.s32 @!p0 $0x0  }
0x165: {  	s25 =	simm.s32 @p0 $0x1;
	p0 =	por $0x0, $0x0  }
0x166: {  	[smem:$0x7FB] =	sst s25;
	s25 =	simm.s32 @!p0 $0x0  }
0x167: {  	s25 =	simm.s32 @p0 $0x1;
	p0 =	por $0x0, $0x0  }
0x168: {  	[smem:$0x7F9] =	sst s25;
	s25 =	simm.s32 @!p0 $0x0  }
0x169: {  	s25 =	simm.s32 @p0 $0x1;
	p0 =	por $0x0, $0x0  }
0x16a: {  	[smem:$0x7F6] =	sst s25;
	s25 =	simm.s32 @!p0 $0x0  }
0x16b: {  	s25 =	simm.s32 @p0 $0x1;
	p0 =	por $0x0, $0x0  }
0x16c: {  	[smem:$0x7F7] =	sst s25;
	s25 =	simm.s32 @!p0 $0x0  }
0x16d: {  	p3 =	sne.s32 s22, $0xD;
	s25 =	simm.s32 @p0 $0x1;
	p0 =	por $0x0, $0x0  }
.Ltmp16:
0x16e: {  	[smem:$0x7FC] =	sst s25;
	s25 =	simm.s32 @!p0 $0x0;
	(pc) =	sbr.rel @!p3 .LBB2_30-.Ltmp16, $4  }
0x16f: {  	s25 =	simm.s32 @p0 $0x1;
	p0 =	por $0x0, $0x0  }
0x170: {  	p6 =	por $0x0, $0x0;
	[smem:$0x7FA] =	sst s25;
	s25 =	simm.s32 @!p0 $0x0  }
0x171: {  	p4 =	por $0x0, $0x0;
	p1 =	por $0x0, $0x0;
	s25 =	simm.s32 @p0 $0x1  }
0x172: {  	p2 =	por $0x0, $0x0;
	p5 =	por $0x0, $0x0;
	[smem:$0x7F8] =	sst s25  }
0x173: {  	p0 =	sgt.u32 s22, $0xE  }
0x174: {  	s25 =	simm.s32 @!p0 $0x0  }
0x175: {  	s25 =	simm.s32 @p0 $0x1;
	p0 =	por $0x0, $0x0  }
0x176: {  	[smem:$0x7F4] =	sst s25;
	s25 =	simm.s32 @!p0 $0x0  }
0x177: {  	s25 =	simm.s32 @p0 $0x1;
	p0 =	por $0x0, $0x0  }
0x178: {  	[smem:$0x7F8] =	sst s25;
	s25 =	simm.s32 @!p0 $0x0  }
0x179: {  	s25 =	simm.s32 @p0 $0x1;
	p0 =	por $0x0, $0x0  }
0x17a: {  	[smem:$0x7FA] =	sst s25;
	s25 =	simm.s32 @!p0 $0x0  }
0x17b: {  	s25 =	simm.s32 @p0 $0x1;
	p0 =	por $0x0, $0x0  }
0x17c: {  	[smem:$0x7FC] =	sst s25;
	s25 =	simm.s32 @!p0 $0x0  }
0x17d: {  	s25 =	simm.s32 @p0 $0x1;
	p0 =	por $0x0, $0x0  }
0x17e: {  	[smem:$0x7F7] =	sst s25;
	s25 =	simm.s32 @!p0 $0x0  }
0x17f: {  	s25 =	simm.s32 @p0 $0x1;
	p0 =	por $0x0, $0x0  }
0x180: {  	[smem:$0x7F6] =	sst s25;
	s25 =	simm.s32 @!p0 $0x0  }
0x181: {  	s25 =	simm.s32 @p0 $0x1;
	p0 =	por $0x0, $0x0  }
0x182: {  	[smem:$0x7F9] =	sst s25;
	s25 =	simm.s32 @!p0 $0x0  }
0x183: {  	p3 =	por $0x0, $0x0;
	s25 =	simm.s32 @p0 $0x1  }
0x184: {  	[smem:$0x7FB] =	sst s25;
	s25 =	simm.s32 @!p3 $0x0  }
0x185: {  	s25 =	simm.s32 @p3 $0x1  }
0x186: {  	[smem:$0x7F5] =	sst s25  }
0x187: {  	s25 =	sld [smem:$0x7F4];
	_ =	sdelay $0x2  }
0x188: {  	p0 =	seq.s32 s25, $0x1  }
.Ltmp17:
0x189: {  	_ = 	snop;
	(pc) =	sbr.rel @!p0 .LBB2_32-.Ltmp17, $3  }
0x18a: {  	_ =	sdelay $0x1  }
0x18b: {  	p5 =	por $0x0, $0x0;
	p2 =	por $0x0, $0x0  }
0x18c: {  	p1 =	por $0x0, $0x0;
	p4 =	por $0x0, $0x0;
	p6 =	por $0x0, $0x0  }
0x18d: {  	p0 =	sne.s32 s22, $0xF  }
0x18e: {  	s22 =	simm.s32 @!p0 $0x0  }
0x18f: {  	s22 =	simm.s32 @p0 $0x1;
	p0 =	por $0x0, $0x0  }
0x190: {  	[smem:$0x7F3] =	sst s22;
	s22 =	simm.s32 @!p0 $0x0  }
0x191: {  	s22 =	simm.s32 @p0 $0x1;
	p0 =	por $0x0, $0x0  }
0x192: {  	[smem:$0x7F5] =	sst s22;
	s22 =	simm.s32 @!p0 $0x0  }
0x193: {  	s22 =	simm.s32 @p0 $0x1;
	p0 =	por $0x0, $0x0  }
0x194: {  	[smem:$0x7FB] =	sst s22;
	s22 =	simm.s32 @!p0 $0x0  }
0x195: {  	s22 =	simm.s32 @p0 $0x1;
	p0 =	por $0x0, $0x0  }
0x196: {  	[smem:$0x7F9] =	sst s22;
	s22 =	simm.s32 @!p0 $0x0  }
0x197: {  	p1 =	por $0x0, $0x0;
	s22 =	simm.s32 @p0 $0x1  }
0x198: {  	[smem:$0x7F6] =	sst s22;
	s22 =	simm.s32 @!p1 $0x0  }
0x199: {  	s22 =	simm.s32 @p1 $0x1;
	p1 =	por $0x0, $0x0  }
0x19a: {  	[smem:$0x7F7] =	sst s22;
	s22 =	simm.s32 @!p1 $0x0  }
0x19b: {  	s22 =	simm.s32 @p1 $0x1;
	p1 =	por $0x0, $0x0  }
0x19c: {  	[smem:$0x7FC] =	sst s22;
	s22 =	simm.s32 @!p1 $0x0  }
0x19d: {  	s22 =	simm.s32 @p1 $0x1;
	p1 =	por $0x0, $0x0  }
0x19e: {  	[smem:$0x7FA] =	sst s22;
	s22 =	simm.s32 @!p1 $0x0  }
0x19f: {  	s22 =	simm.s32 @p1 $0x1;
	p1 =	por $0x0, $0x0  }
0x1a0: {  	[smem:$0x7F8] =	sst s22;
	s22 =	simm.s32 @!p1 $0x0  }
0x1a1: {  	s22 =	simm.s32 @p1 $0x1;
	p1 =	por $0x0, $0x0  }
0x1a2: {  	[smem:$0x7E5] =	sst s22;
	s22 =	simm.s32 @!p1 $0x0  }
0x1a3: {  	s22 =	simm.s32 @p1 $0x1;
	p1 =	por $0x0, $0x0  }
0x1a4: {  	[smem:$0x7E6] =	sst s22;
	s22 =	simm.s32 @!p1 $0x0  }
0x1a5: {  	s22 =	simm.s32 @p1 $0x1;
	p1 =	por $0x0, $0x0  }
0x1a6: {  	[smem:$0x7E7] =	sst s22;
	s22 =	simm.s32 @!p1 $0x0  }
0x1a7: {  	s22 =	simm.s32 @p1 $0x1;
	p1 =	por $0x0, $0x0  }
0x1a8: {  	[smem:$0x7E8] =	sst s22;
	s22 =	simm.s32 @!p1 $0x0  }
0x1a9: {  	s22 =	simm.s32 @p1 $0x1;
	p1 =	por $0x0, $0x0  }
0x1aa: {  	[smem:$0x7E9] =	sst s22;
	s22 =	simm.s32 @!p1 $0x0  }
0x1ab: {  	s22 =	simm.s32 @p1 $0x1;
	p1 =	por $0x0, $0x0  }
0x1ac: {  	[smem:$0x7EA] =	sst s22;
	s22 =	simm.s32 @!p1 $0x0  }
0x1ad: {  	s22 =	simm.s32 @p1 $0x1;
	p1 =	por $0x0, $0x0  }
0x1ae: {  	[smem:$0x7EB] =	sst s22;
	s22 =	simm.s32 @!p1 $0x0  }
0x1af: {  	s22 =	simm.s32 @p1 $0x1;
	p1 =	por $0x0, $0x0  }
0x1b0: {  	[smem:$0x7EC] =	sst s22;
	s22 =	simm.s32 @!p1 $0x0  }
0x1b1: {  	s22 =	simm.s32 @p1 $0x1;
	p1 =	por $0x0, $0x0  }
0x1b2: {  	[smem:$0x7ED] =	sst s22;
	s22 =	simm.s32 @!p1 $0x0  }
0x1b3: {  	s22 =	simm.s32 @p1 $0x1;
	p1 =	por $0x0, $0x0  }
0x1b4: {  	[smem:$0x7EE] =	sst s22;
	s22 =	simm.s32 @!p1 $0x0  }
0x1b5: {  	s22 =	simm.s32 @p1 $0x1;
	p1 =	por $0x0, $0x0  }
0x1b6: {  	[smem:$0x7EF] =	sst s22;
	s22 =	simm.s32 @!p1 $0x0  }
0x1b7: {  	s25 =	sld [smem:$0x7F3];
	s22 =	simm.s32 @p1 $0x1;
	p1 =	por $0x0, $0x0  }
0x1b8: {  	[smem:$0x7F0] =	sst s22;
	s22 =	simm.s32 @!p1 $0x0  }
0x1b9: {  	s22 =	simm.s32 @p1 $0x1;
	p1 =	por $0x0, $0x0  }
0x1ba: {  	[smem:$0x7F1] =	sst s22;
	s22 =	simm.s32 @!p1 $0x0  }
0x1bb: {  	s22 =	simm.s32 @p1 $0x1;
	p1 =	seq.s32 s25, $0x1  }
.Ltmp18:
0x1bc: {  	_ = 	snop;
	(pc) =	sbr.rel @p1 .LBB2_35-.Ltmp18, $4  }
.Ltmp19:
0x1bd: {  	_ = 	snop;
	(pc) =	sbr.rel @!p1 .LBB2_34-.Ltmp19, $4  }
0x1be: {  	p6 =	por $0x0, $0x0  }
0x1bf: {  	p4 =	por $0x0, $0x0;
	p2 =	por $0x0, $0x0;
	p5 =	por $0x0, $0x0  }
0x1c0: {  	p3 =	por $0x0, $0x0;
	p0 =	por $0x0, $0x0;
	[smem:$0x7F2] =	sst s22  }
0x1c1: {  	_ = 	snop  }
.LBB2_4:
0x1c2: {  	[hbm4b:s8+s6] =	stream.linear.scatter [tilespmem:s29], [sflag:$0x7], $0x4000, $0x38;
	[tilespmem:$0x1C900] =	vst v63  }
0x1c3: {  	s22 =	rddreg [dreg:$0x5]  }
0x1c4: {  	[hbm4b:s22+s6] =	stream.linear.scatter [tilespmem:s29], [sflag:$0x7], $0x4000, $0x38;
	[tilespmem:$0x1C900] =	vst v63  }
.LBB2_6:
0x1c5: {  	s22 =	rddreg [dreg:$0x6]  }
0x1c6: {  	[hbm4b:s22+s6] =	stream.linear.scatter [tilespmem:s29], [sflag:$0x7], $0x4000, $0x38;
	[tilespmem:$0x1C900] =	vst v63  }
0x1c7: {  	s25 =	rddreg [dreg:$0x7];
	p1 =	por $0x1, $0x1  }
0x1c8: {  	[hbm4b:s25+s6] =	stream.linear.scatter [tilespmem:s29], [sflag:$0x7], $0x4000, $0x38;
	[tilespmem:$0x1C900] =	vst v63  }
.LBB2_8:
0x1c9: {  	s22 =	rddreg [dreg:$0x8]  }
0x1ca: {  	[hbm4b:s22+s6] =	stream.linear.scatter [tilespmem:s29], [sflag:$0x7], $0x4000, $0x38;
	[tilespmem:$0x1C900] =	vst v63  }
0x1cb: {  	s25 =	rddreg [dreg:$0x9];
	p5 =	por $0x1, $0x1  }
0x1cc: {  	[hbm4b:s25+s6] =	stream.linear.scatter [tilespmem:s29], [sflag:$0x7], $0x4000, $0x38;
	[tilespmem:$0x1C900] =	vst v63  }
.LBB2_10:
0x1cd: {  	s22 =	rddreg [dreg:$0xa]  }
0x1ce: {  	[hbm4b:s22+s6] =	stream.linear.scatter [tilespmem:s29], [sflag:$0x7], $0x4000, $0x38;
	[tilespmem:$0x1C900] =	vst v63  }
0x1cf: {  	s25 =	rddreg [dreg:$0xb];
	p6 =	por $0x1, $0x1  }
0x1d0: {  	[hbm4b:s25+s6] =	stream.linear.scatter [tilespmem:s29], [sflag:$0x7], $0x4000, $0x38;
	[tilespmem:$0x1C900] =	vst v63  }
.LBB2_12:
0x1d1: {  	s22 =	rddreg [dreg:$0xc]  }
0x1d2: {  	[hbm4b:s22+s6] =	stream.linear.scatter [tilespmem:s29], [sflag:$0x7], $0x4000, $0x38;
	[tilespmem:$0x1C900] =	vst v63  }
0x1d3: {  	s25 =	rddreg [dreg:$0xd];
	p4 =	por $0x1, $0x1  }
0x1d4: {  	[hbm4b:s25+s6] =	stream.linear.scatter [tilespmem:s29], [sflag:$0x7], $0x4000, $0x38;
	[tilespmem:$0x1C900] =	vst v63  }
.LBB2_14:
0x1d5: {  	s22 =	rddreg [dreg:$0xe]  }
0x1d6: {  	[hbm4b:s22+s6] =	stream.linear.scatter [tilespmem:s29], [sflag:$0x7], $0x4000, $0x38;
	[tilespmem:$0x1C900] =	vst v63  }
0x1d7: {  	s25 =	rddreg [dreg:$0xf];
	p3 =	por $0x1, $0x1  }
0x1d8: {  	[hbm4b:s25+s6] =	stream.linear.scatter [tilespmem:s29], [sflag:$0x7], $0x4000, $0x38;
	[tilespmem:$0x1C900] =	vst v63  }
.LBB2_16:
0x1d9: {  	s22 =	rddreg [dreg:$0x10];
	p0 =	por $0x1, $0x1  }
0x1da: {  	[hbm4b:s22+s6] =	stream.linear.scatter [tilespmem:s29], [sflag:$0x7], $0x4000, $0x38;
	[tilespmem:$0x1C900] =	vst v63  }
0x1db: {  	s22 =	simm.s32 @!p0 $0x0  }
0x1dc: {  	s25 =	rddreg [dreg:$0x11];
	s22 =	simm.s32 @p0 $0x1  }
0x1dd: {  	[hbm4b:s25+s6] =	stream.linear.scatter [tilespmem:s29], [sflag:$0x7], $0x4000, $0x38;
	[tilespmem:$0x1C900] =	vst v63  }
0x1de: {  	[smem:$0x7FC] =	sst s22  }
.LBB2_18:
0x1df: {  	s22 =	rddreg [dreg:$0x12];
	p0 =	por $0x1, $0x1  }
0x1e0: {  	[hbm4b:s22+s6] =	stream.linear.scatter [tilespmem:s29], [sflag:$0x7], $0x4000, $0x38;
	[tilespmem:$0x1C900] =	vst v63  }
0x1e1: {  	s22 =	simm.s32 @!p0 $0x0  }
0x1e2: {  	s25 =	rddreg [dreg:$0x14];
	s22 =	simm.s32 @p0 $0x1  }
0x1e3: {  	[hbm4b:s25+s6] =	stream.linear.scatter [tilespmem:s29], [sflag:$0x7], $0x4000, $0x38;
	[tilespmem:$0x1C900] =	vst v63  }
0x1e4: {  	[smem:$0x7FB] =	sst s22  }
.LBB2_20:
0x1e5: {  	s22 =	rddreg [dreg:$0x15];
	p0 =	por $0x1, $0x1  }
0x1e6: {  	[hbm4b:s22+s6] =	stream.linear.scatter [tilespmem:s29], [sflag:$0x7], $0x4000, $0x38;
	[tilespmem:$0x1C900] =	vst v63  }
0x1e7: {  	s22 =	simm.s32 @!p0 $0x0  }
0x1e8: {  	s25 =	rddreg [dreg:$0x16];
	s22 =	simm.s32 @p0 $0x1  }
0x1e9: {  	[hbm4b:s25+s6] =	stream.linear.scatter [tilespmem:s29], [sflag:$0x7], $0x4000, $0x38;
	[tilespmem:$0x1C900] =	vst v63  }
0x1ea: {  	[smem:$0x7FA] =	sst s22  }
.LBB2_22:
0x1eb: {  	s22 =	simm.s32 @!p3 $0x0;
	s25 =	rddreg [dreg:$0x17]  }
0x1ec: {  	[hbm4b:s25+s6] =	stream.linear.scatter [tilespmem:s29], [sflag:$0x7], $0x4000, $0x38;
	[tilespmem:$0x1C900] =	vst v63  }
0x1ed: {  	s22 =	simm.s32 @p3 $0x1;
	s25 =	rddreg [dreg:$0x18]  }
0x1ee: {  	p2 =	por $0x1, $0x1;
	[smem:$0x7F9] =	sst s22  }
0x1ef: {  	[hbm4b:s25+s6] =	stream.linear.scatter [tilespmem:s29], [sflag:$0x7], $0x4000, $0x38;
	[tilespmem:$0x1C900] =	vst v63  }
.LBB2_24:
0x1f0: {  	[hbm4b:s30+s6] =	stream.linear.scatter [tilespmem:s29], [sflag:$0x7], $0x4000, $0x38;
	[tilespmem:$0x1C900] =	vst v63  }
0x1f1: {  	s22 =	rddreg [dreg:$0x19];
	p0 =	por $0x1, $0x1  }
0x1f2: {  	[hbm4b:s22+s6] =	stream.linear.scatter [tilespmem:s29], [sflag:$0x7], $0x4000, $0x38;
	[tilespmem:$0x1C900] =	vst v63  }
0x1f3: {  	s22 =	simm.s32 @!p0 $0x0  }
0x1f4: {  	s22 =	simm.s32 @p0 $0x1  }
0x1f5: {  	[smem:$0x7F8] =	sst s22  }
.LBB2_26:
0x1f6: {  	s22 =	simm.s32 @!p6 $0x0  }
0x1f7: {  	[hbm4b:s2+s6] =	stream.linear.scatter [tilespmem:s29], [sflag:$0x7], $0x4000, $0x38;
	[tilespmem:$0x1C900] =	vst v63  }
0x1f8: {  	s25 =	rddreg [dreg:$0x1a];
	s22 =	simm.s32 @p6 $0x1  }
0x1f9: {  	[smem:$0x7F6] =	sst s22;
	s22 =	simm.s32 @!p4 $0x0  }
0x1fa: {  	[hbm4b:s25+s6] =	stream.linear.scatter [tilespmem:s29], [sflag:$0x7], $0x4000, $0x38;
	[tilespmem:$0x1C900] =	vst v63  }
0x1fb: {  	s22 =	simm.s32 @p4 $0x1  }
0x1fc: {  	p6 =	por $0x1, $0x1;
	[smem:$0x7F7] =	sst s22  }
.LBB2_28:
0x1fd: {  	p4 =	por p2, p2  }
0x1fe: {  	[hbm4b:s4+s6] =	stream.linear.scatter [tilespmem:s29], [sflag:$0x7], $0x4000, $0x38;
	[tilespmem:$0x1C900] =	vst v63  }
0x1ff: {  	p2 =	por p5, p5;
	s22 =	rddreg [dreg:$0x1b];
	p5 =	por $0x1, $0x1  }
0x200: {  	[hbm4b:s22+s6] =	stream.linear.scatter [tilespmem:s29], [sflag:$0x7], $0x4000, $0x38;
	[tilespmem:$0x1C900] =	vst v63  }
.LBB2_30:
0x201: {  	[hbm4b:s3+s6] =	stream.linear.scatter [tilespmem:s29], [sflag:$0x7], $0x4000, $0x38;
	[tilespmem:$0x1C900] =	vst v63  }
0x202: {  	s22 =	rddreg [dreg:$0x1c];
	p3 =	por $0x1, $0x1  }
0x203: {  	[hbm4b:s22+s6] =	stream.linear.scatter [tilespmem:s29], [sflag:$0x7], $0x4000, $0x38;
	[tilespmem:$0x1C900] =	vst v63  }
0x204: {  	s22 =	simm.s32 @!p3 $0x0  }
0x205: {  	s22 =	simm.s32 @p3 $0x1  }
0x206: {  	[smem:$0x7F5] =	sst s22  }
.LBB2_32:
0x207: {  	[hbm4b:s11+s6] =	stream.linear.scatter [tilespmem:s29], [sflag:$0x7], $0x4000, $0x38;
	[tilespmem:$0x1C900] =	vst v63  }
0x208: {  	p0 =	por p1, p1;
	s22 =	rddreg [dreg:$0x1d];
	p3 =	por $0x1, $0x1  }
0x209: {  	[hbm4b:s22+s6] =	stream.linear.scatter [tilespmem:s29], [sflag:$0x7], $0x4000, $0x38;
	[tilespmem:$0x1C900] =	vst v63  }
.LBB2_34:
0x20a: {  	[hbm4b:s15+s6] =	stream.linear.scatter [tilespmem:s29], [sflag:$0x7], $0x4000, $0x38;
	[tilespmem:$0x1C900] =	vst v63  }
0x20b: {  	s25 =	sld [smem:$0x7F5]  }
0x20c: {  	s22 =	rddreg [dreg:$0x1e]  }
0x20d: {  	[hbm4b:s22+s6] =	stream.linear.scatter [tilespmem:s29], [sflag:$0x7], $0x4000, $0x38;
	[tilespmem:$0x1C900] =	vst v63  }
0x20e: {  	p1 =	seq.s32 s25, $0x1  }
0x20f: {  	s25 =	sld [smem:$0x7FB];
	s22 =	simm.s32 @!p1 $0x0  }
0x210: {  	s22 =	simm.s32 @p1 $0x1  }
0x211: {  	[smem:$0x7E5] =	sst s22;
	s22 =	simm.s32 @!p6 $0x0  }
0x212: {  	s22 =	simm.s32 @p6 $0x1;
	p6 =	seq.s32 s25, $0x1;
	s25 =	sld [smem:$0x7F9]  }
0x213: {  	[smem:$0x7F2] =	sst s22;
	s22 =	simm.s32 @!p4 $0x0  }
0x214: {  	s22 =	simm.s32 @p4 $0x1  }
0x215: {  	[smem:$0x7E6] =	sst s22;
	s22 =	simm.s32 @!p6 $0x0  }
0x216: {  	s22 =	simm.s32 @p6 $0x1;
	p6 =	seq.s32 s25, $0x1;
	s25 =	sld [smem:$0x7F6]  }
0x217: {  	[smem:$0x7E7] =	sst s22;
	s22 =	simm.s32 @!p6 $0x0  }
0x218: {  	s22 =	simm.s32 @p6 $0x1  }
0x219: {  	[smem:$0x7E8] =	sst s22;
	p4 =	seq.s32 s25, $0x1  }
0x21a: {  	s25 =	sld [smem:$0x7F7];
	s22 =	simm.s32 @!p4 $0x0  }
0x21b: {  	s22 =	simm.s32 @p4 $0x1  }
0x21c: {  	[smem:$0x7E9] =	sst s22;
	s22 =	simm.s32 @!p0 $0x0  }
0x21d: {  	s22 =	simm.s32 @p0 $0x1;
	p0 =	seq.s32 s25, $0x1;
	s25 =	sld [smem:$0x7FC]  }
0x21e: {  	[smem:$0x7EA] =	sst s22;
	s22 =	simm.s32 @!p2 $0x0  }
0x21f: {  	s22 =	simm.s32 @p2 $0x1  }
0x220: {  	[smem:$0x7EB] =	sst s22;
	s22 =	simm.s32 @!p0 $0x0  }
0x221: {  	s22 =	simm.s32 @p0 $0x1;
	p0 =	seq.s32 s25, $0x1;
	s25 =	sld [smem:$0x7FA]  }
0x222: {  	_ = 	snop  }
0x223: {  	[smem:$0x7EC] =	sst s22;
	s22 =	simm.s32 @!p0 $0x0  }
0x224: {  	s22 =	simm.s32 @p0 $0x1;
	p0 =	seq.s32 s25, $0x1;
	s25 =	sld [smem:$0x7F8]  }
0x225: {  	_ = 	snop  }
0x226: {  	[smem:$0x7ED] =	sst s22;
	s22 =	simm.s32 @!p0 $0x0  }
0x227: {  	s22 =	simm.s32 @p0 $0x1;
	p0 =	seq.s32 s25, $0x1  }
0x228: {  	[smem:$0x7EE] =	sst s22;
	s22 =	simm.s32 @!p0 $0x0  }
0x229: {  	s22 =	simm.s32 @p0 $0x1  }
0x22a: {  	[smem:$0x7EF] =	sst s22;
	s22 =	simm.s32 @!p5 $0x0  }
0x22b: {  	s22 =	simm.s32 @p5 $0x1  }
0x22c: {  	[smem:$0x7F0] =	sst s22;
	s22 =	simm.s32 @!p3 $0x0  }
0x22d: {  	p0 =	por $0x1, $0x1;
	s22 =	simm.s32 @p3 $0x1  }
0x22e: {  	[smem:$0x7F1] =	sst s22;
	s22 =	simm.s32 @!p0 $0x0  }
0x22f: {  	s22 =	simm.s32 @p0 $0x1  }
0x230: {  	[smem:$0x7F5] =	sst s22  }
.LBB2_35:
0x231: {  	s20 =	sadd.s32 s5, s20  }
0x232: {  	v5 =	vadd.s32 s20, v0  }
0x233: {  	vm3 =	vlt.s32 v5, $0x1FFF  }
0x234: {  	p2 =	slt.s32 s18, $0x1;
	v5 =	vnsel vm3, $0x1FFF, v5  }
0x235: {  	v6 =	vshll.u32 @!p2 v5, $0x3  }
0x236: {  	v8 =	vlaneseq.u32 @!p2;
	v7 =	vand.u32 @!p2 $0x7, v5;
	v6 =	vand.u32 @!p2 $0xFFFFFFC0, v6  }
0x237: {  	v9 =	vshrl.u32 @!p2 v8, $0x3;
	v6 =	vor.u32 @!p2 v7, v6;
	v7 =	vand.u32 @!p2 $0x7, v8  }
0x238: {  	v9 =	vmul.u32 @!p2 $0x8, v9;
	v10 =	vperm.xlane @!p2 v6, v7;
	_ =	sdelay $0x1  }
0x239: {  	s22 =	sadd.s32 $0x10, s20;
	v10 =	vadd.s32 @!p2 v9, v10  }
0x23a: {  	v11 =	vadd.s32 s22, v0  }
0x23b: {  	vm3 =	vlt.s32 v11, $0x1FFF  }
0x23c: {  	[tilespmem:$0x1C080] =	vst v5;
	v5 =	vnsel vm3, $0x1FFF, v11  }
0x23d: {  	s25 =	simm.s32 @!p2 $0x4080;
	s22 =	simm.s32 @!p2 $0x0;
	vm3 =	vmmov @!p2 $0xffff;
	[tilespmem:$0x1C090] =	vst v5  }
0x23e: {  	v5 =	vor.u32 @!p2 $0x8, v8;
	[tilespmem:s25], [sflag:$0x1] =	stream.indirect_vreg.gather @!p2 [hbm4b:s1+s22], $0x80, v10, vm3, $0xb8;
	[tilespmem:$0x1C900] =	vst v63  }
0x23f: {  	v6 =	vperm.xlane @!p2 v6, v5;
	s25 =	simm.s32 @!p2 $0x4880  }
0x240: {  	[tilespmem:s25], [sflag:$0x1] =	stream.indirect_vreg.gather @!p2 [hbm4b:s19+s22], $0x80, v10, vm3, $0xb8;
	[tilespmem:$0x1C900] =	vst v63  }
0x241: {  	v6 =	vadd.s32 @!p2 v9, v6;
	s25 =	simm.s32 @!p2 $0x5080  }
0x242: {  	[tilespmem:s25], [sflag:$0x1] =	stream.indirect_vreg.gather @!p2 [hbm4b:s21+s22], $0x80, v10, vm3, $0xb8;
	[tilespmem:$0x1C900] =	vst v63  }
0x243: {  	s25 =	simm.s32 @!p2 $0x5880  }
0x244: {  	[tilespmem:s25], [sflag:$0x1] =	stream.indirect_vreg.gather @!p2 [hbm4b:s24+s22], $0x80, v10, vm3, $0xb8;
	[tilespmem:$0x1C900] =	vst v63  }
0x245: {  	s25 =	simm.s32 @!p2 $0x6080  }
0x246: {  	[tilespmem:s25], [sflag:$0x1] =	stream.indirect_vreg.gather @!p2 [hbm4b:s1+s22], $0x80, v6, vm3, $0xb8;
	[tilespmem:$0x1C900] =	vst v63  }
0x247: {  	s25 =	simm.s32 @!p2 $0x6880  }
0x248: {  	[tilespmem:s25], [sflag:$0x1] =	stream.indirect_vreg.gather @!p2 [hbm4b:s19+s22], $0x80, v6, vm3, $0xb8;
	[tilespmem:$0x1C900] =	vst v63  }
0x249: {  	s25 =	simm.s32 @!p2 $0x7080  }
0x24a: {  	[tilespmem:s25], [sflag:$0x1] =	stream.indirect_vreg.gather @!p2 [hbm4b:s21+s22], $0x80, v6, vm3, $0xb8;
	[tilespmem:$0x1C900] =	vst v63  }
0x24b: {  	s25 =	simm.s32 @!p2 $0x7880  }
0x24c: {  	[tilespmem:s25], [sflag:$0x1] =	stream.indirect_vreg.gather @!p2 [hbm4b:s24+s22], $0x80, v6, vm3, $0xb8;
	[tilespmem:$0x1C900] =	vst v63  }
0x24d: {  	v6 =	vld @!p2 [tilespmem:$0x1C090];
	_ =	sdelay $0x4  }
0x24e: {  	v8 =	vshll.u32 @!p2 v6, $0x3  }
0x24f: {  	v6 =	vand.u32 @!p2 $0x7, v6;
	v8 =	vand.u32 @!p2 $0xFFFFFFC0, v8  }
0x250: {  	v6 =	vor.u32 @!p2 v6, v8  }
0x251: {  	v7 =	vperm.xlane @!p2 v6, v7;
	_ =	sdelay $0x1  }
0x252: {  	v7 =	vadd.s32 @!p2 v9, v7;
	_ =	sdelay $0x3  }
0x253: {  	s25 =	simm.s32 @!p2 $0x8080  }
0x254: {  	[tilespmem:s25], [sflag:$0x1] =	stream.indirect_vreg.gather @!p2 [hbm4b:s1+s22], $0x80, v7, vm3, $0xb8;
	[tilespmem:$0x1C900] =	vst v63  }
0x255: {  	v5 =	vperm.xlane @!p2 v6, v5;
	s25 =	simm.s32 @!p2 $0x8880  }
0x256: {  	[tilespmem:s25], [sflag:$0x1] =	stream.indirect_vreg.gather @!p2 [hbm4b:s19+s22], $0x80, v7, vm3, $0xb8;
	[tilespmem:$0x1C900] =	vst v63  }
0x257: {  	v5 =	vadd.s32 @!p2 v9, v5;
	s25 =	simm.s32 @!p2 $0x9080  }
0x258: {  	[tilespmem:s25], [sflag:$0x1] =	stream.indirect_vreg.gather @!p2 [hbm4b:s21+s22], $0x80, v7, vm3, $0xb8;
	[tilespmem:$0x1C900] =	vst v63  }
0x259: {  	s25 =	simm.s32 @!p2 $0x9880  }
0x25a: {  	[tilespmem:s25], [sflag:$0x1] =	stream.indirect_vreg.gather @!p2 [hbm4b:s24+s22], $0x80, v7, vm3, $0xb8;
	[tilespmem:$0x1C900] =	vst v63  }
0x25b: {  	s25 =	simm.s32 @!p2 $0xA080  }
0x25c: {  	[tilespmem:s25], [sflag:$0x1] =	stream.indirect_vreg.gather @!p2 [hbm4b:s1+s22], $0x80, v5, vm3, $0xb8;
	[tilespmem:$0x1C900] =	vst v63  }
0x25d: {  	s25 =	simm.s32 @!p2 $0xA880  }
0x25e: {  	[tilespmem:s25], [sflag:$0x1] =	stream.indirect_vreg.gather @!p2 [hbm4b:s19+s22], $0x80, v5, vm3, $0xb8;
	[tilespmem:$0x1C900] =	vst v63  }
0x25f: {  	s25 =	simm.s32 @!p2 $0xB080  }
0x260: {  	[tilespmem:s25], [sflag:$0x1] =	stream.indirect_vreg.gather @!p2 [hbm4b:s21+s22], $0x80, v5, vm3, $0xb8;
	[tilespmem:$0x1C900] =	vst v63  }
0x261: {  	p3 =	slt.s32 s18, $0x2;
	s25 =	sadd.s32 $0x20, s20  }
.Ltmp20:
0x262: {  	v6 =	vadd.s32 s25, v0;
	s25 =	sadd.s32 $0x30, s20;
	(pc) =	sbr.rel @p3 .LBB2_37-.Ltmp20, $4  }
0x263: {  	v7 =	vadd.s32 s25, v0;
	s25 =	simm.s32 @!p2 $0xB880;
	vm4 =	vlt.s32 v6, $0x1FFF  }
0x264: {  	[tilespmem:s25], [sflag:$0x1] =	stream.indirect_vreg.gather @!p2 [hbm4b:s24+s22], $0x80, v5, vm3, $0xb8;
	v5 =	vnsel vm4, $0x1FFF, v6;
	vm3 =	vlt.s32 v7, $0x1FFF;
	[tilespmem:$0x1C900] =	vst v63  }
0x265: {  	[tilespmem:$0x1C100] =	vst v5;
	v6 =	vnsel vm3, $0x1FFF, v7  }
0x266: {  	[tilespmem:$0x1C110] =	vst v6  }
0x267: {  	v6 =	vshll.u32 v5, $0x3  }
0x268: {  	v5 =	vand.u32 $0x7, v5;
	v6 =	vand.u32 $0xFFFFFFC0, v6  }
0x269: {  	v5 =	vor.u32 v5, v6  }
0x26a: {  	v6 =	vperm.xlane v5, v2;
	_ =	sdelay $0x1  }
0x26b: {  	v6 =	vadd.s32 v3, v6;
	_ =	sdelay $0x4  }
0x26c: {  	[tilespmem:s31], [sflag:$0x2] =	stream.indirect_vreg.gather [hbm4b:s1+s6], $0x80, v6, vm2, $0xb8;
	[tilespmem:$0x1C900] =	vst v63  }
0x26d: {  	s22 =	simm.s32 $0xC880;
	v5 =	vperm.xlane v5, v4  }
0x26e: {  	[tilespmem:s22], [sflag:$0x2] =	stream.indirect_vreg.gather [hbm4b:s19+s6], $0x80, v6, vm2, $0xb8;
	[tilespmem:$0x1C900] =	vst v63  }
0x26f: {  	s25 =	simm.s32 $0xD080;
	v5 =	vadd.s32 v3, v5  }
0x270: {  	[tilespmem:s25], [sflag:$0x2] =	stream.indirect_vreg.gather [hbm4b:s21+s6], $0x80, v6, vm2, $0xb8;
	[tilespmem:$0x1C900] =	vst v63  }
0x271: {  	s25 =	simm.s32 $0xD880  }
0x272: {  	[tilespmem:s25], [sflag:$0x2] =	stream.indirect_vreg.gather [hbm4b:s24+s6], $0x80, v6, vm2, $0xb8;
	[tilespmem:$0x1C900] =	vst v63  }
0x273: {  	s25 =	simm.s32 $0xE080  }
0x274: {  	[tilespmem:s25], [sflag:$0x2] =	stream.indirect_vreg.gather [hbm4b:s1+s6], $0x80, v5, vm2, $0xb8;
	[tilespmem:$0x1C900] =	vst v63  }
0x275: {  	s25 =	simm.s32 $0xE880  }
0x276: {  	[tilespmem:s25], [sflag:$0x2] =	stream.indirect_vreg.gather [hbm4b:s19+s6], $0x80, v5, vm2, $0xb8;
	[tilespmem:$0x1C900] =	vst v63  }
0x277: {  	s25 =	simm.s32 $0xF080  }
0x278: {  	[tilespmem:s25], [sflag:$0x2] =	stream.indirect_vreg.gather [hbm4b:s21+s6], $0x80, v5, vm2, $0xb8;
	[tilespmem:$0x1C900] =	vst v63  }
0x279: {  	s25 =	simm.s32 $0xF880  }
0x27a: {  	[tilespmem:s25], [sflag:$0x2] =	stream.indirect_vreg.gather [hbm4b:s24+s6], $0x80, v5, vm2, $0xb8;
	[tilespmem:$0x1C900] =	vst v63  }
0x27b: {  	v5 =	vld [tilespmem:$0x1C110];
	_ =	sdelay $0x4  }
0x27c: {  	v6 =	vshll.u32 v5, $0x3  }
0x27d: {  	v5 =	vand.u32 $0x7, v5;
	v6 =	vand.u32 $0xFFFFFFC0, v6  }
0x27e: {  	v5 =	vor.u32 v5, v6  }
0x27f: {  	v6 =	vperm.xlane v5, v2;
	_ =	sdelay $0x1  }
0x280: {  	v6 =	vadd.s32 v3, v6;
	_ =	sdelay $0x3  }
0x281: {  	s25 =	simm.s32 $0x10080  }
0x282: {  	[tilespmem:s25], [sflag:$0x2] =	stream.indirect_vreg.gather [hbm4b:s1+s6], $0x80, v6, vm2, $0xb8;
	[tilespmem:$0x1C900] =	vst v63  }
0x283: {  	v5 =	vperm.xlane v5, v4;
	s25 =	simm.s32 $0x10880  }
0x284: {  	[tilespmem:s25], [sflag:$0x2] =	stream.indirect_vreg.gather [hbm4b:s19+s6], $0x80, v6, vm2, $0xb8;
	[tilespmem:$0x1C900] =	vst v63  }
0x285: {  	v5 =	vadd.s32 v3, v5;
	s25 =	simm.s32 $0x11080  }
0x286: {  	[tilespmem:s25], [sflag:$0x2] =	stream.indirect_vreg.gather [hbm4b:s21+s6], $0x80, v6, vm2, $0xb8;
	[tilespmem:$0x1C900] =	vst v63  }
0x287: {  	s25 =	simm.s32 $0x11880  }
0x288: {  	[tilespmem:s25], [sflag:$0x2] =	stream.indirect_vreg.gather [hbm4b:s24+s6], $0x80, v6, vm2, $0xb8;
	[tilespmem:$0x1C900] =	vst v63  }
0x289: {  	s25 =	simm.s32 $0x12080  }
0x28a: {  	[tilespmem:s25], [sflag:$0x2] =	stream.indirect_vreg.gather [hbm4b:s1+s6], $0x80, v5, vm2, $0xb8;
	[tilespmem:$0x1C900] =	vst v63  }
0x28b: {  	s25 =	simm.s32 $0x12880  }
0x28c: {  	[tilespmem:s25], [sflag:$0x2] =	stream.indirect_vreg.gather [hbm4b:s19+s6], $0x80, v5, vm2, $0xb8;
	[tilespmem:$0x1C900] =	vst v63  }
.Ltmp21:
0x28d: {  	_ = 	snop;
	(pc) =	sbr.rel .LBB2_38-.Ltmp21, $4  }
0x28e: {  	s25 =	simm.s32 $0x13080  }
0x28f: {  	[tilespmem:s25], [sflag:$0x2] =	stream.indirect_vreg.gather [hbm4b:s21+s6], $0x80, v5, vm2, $0xb8;
	[tilespmem:$0x1C900] =	vst v63  }
0x290: {  	s25 =	simm.s32 $0x13880  }
0x291: {  	[tilespmem:s25], [sflag:$0x2] =	stream.indirect_vreg.gather [hbm4b:s24+s6], $0x80, v5, vm2, $0xb8;
	[tilespmem:$0x1C900] =	vst v63  }
.LBB2_37:
.Ltmp22:
0x292: {  	(pc) =	sbr.rel @p2 .LBB2_39-.Ltmp22, $1  }
0x293: {  	_ =	sdelay $0x3  }
.LBB2_38:
0x294: {  	_ =	swait.ge [sflag:s23], $0x8000  }
0x295: {  	[sflag:s23] =	ssyncset.done $0x0  }
0x296: {  	[sflag:s23] =	ssyncadd.s32 $0xFFFF8000  }
0x297: {  	[hbm4b:s8+s6] =	stream.linear.scatter [tilespmem:s0], [sflag:$0x4], $0x8000, $0x38;
	[tilespmem:$0x1C900] =	vst v63  }
.LBB2_39:
0x298: {  	s22 =	sadd.s32 $0x40, s20;
	p0 =	slt.s32 s18, $0x3  }
.Ltmp23:
0x299: {  	s25 =	sadd.s32 $0x50, s20;
	v5 =	vadd.s32 s22, v0;
	(pc) =	sbr.rel @p0 .LBB2_41-.Ltmp23, $4  }
0x29a: {  	v6 =	vadd.s32 s25, v0;
	vm3 =	vlt.s32 v5, $0x1FFF  }
0x29b: {  	v5 =	vnsel vm3, $0x1FFF, v5;
	vm3 =	vlt.s32 v6, $0x1FFF  }
0x29c: {  	[tilespmem:$0x1C180] =	vst v5;
	v6 =	vnsel vm3, $0x1FFF, v6  }
0x29d: {  	[tilespmem:$0x1C190] =	vst v6  }
0x29e: {  	v6 =	vshll.u32 v5, $0x3  }
0x29f: {  	v5 =	vand.u32 $0x7, v5;
	v6 =	vand.u32 $0xFFFFFFC0, v6  }
0x2a0: {  	v5 =	vor.u32 v5, v6  }
0x2a1: {  	v6 =	vperm.xlane v5, v2;
	_ =	sdelay $0x1  }
0x2a2: {  	v6 =	vadd.s32 v3, v6;
	_ =	sdelay $0x4  }
0x2a3: {  	[tilespmem:s9], [sflag:$0x3] =	stream.indirect_vreg.gather [hbm4b:s1+s6], $0x80, v6, vm2, $0xb8;
	[tilespmem:$0x1C900] =	vst v63  }
0x2a4: {  	s22 =	simm.s32 $0x14880;
	v5 =	vperm.xlane v5, v4  }
0x2a5: {  	[tilespmem:s22], [sflag:$0x3] =	stream.indirect_vreg.gather [hbm4b:s19+s6], $0x80, v6, vm2, $0xb8;
	[tilespmem:$0x1C900] =	vst v63  }
0x2a6: {  	s25 =	simm.s32 $0x15080;
	v5 =	vadd.s32 v3, v5  }
0x2a7: {  	[tilespmem:s25], [sflag:$0x3] =	stream.indirect_vreg.gather [hbm4b:s21+s6], $0x80, v6, vm2, $0xb8;
	[tilespmem:$0x1C900] =	vst v63  }
0x2a8: {  	s25 =	simm.s32 $0x15880  }
0x2a9: {  	[tilespmem:s25], [sflag:$0x3] =	stream.indirect_vreg.gather [hbm4b:s24+s6], $0x80, v6, vm2, $0xb8;
	[tilespmem:$0x1C900] =	vst v63  }
0x2aa: {  	s25 =	simm.s32 $0x16080  }
0x2ab: {  	[tilespmem:s25], [sflag:$0x3] =	stream.indirect_vreg.gather [hbm4b:s1+s6], $0x80, v5, vm2, $0xb8;
	[tilespmem:$0x1C900] =	vst v63  }
0x2ac: {  	s25 =	simm.s32 $0x16880  }
0x2ad: {  	[tilespmem:s25], [sflag:$0x3] =	stream.indirect_vreg.gather [hbm4b:s19+s6], $0x80, v5, vm2, $0xb8;
	[tilespmem:$0x1C900] =	vst v63  }
0x2ae: {  	s25 =	simm.s32 $0x17080  }
0x2af: {  	[tilespmem:s25], [sflag:$0x3] =	stream.indirect_vreg.gather [hbm4b:s21+s6], $0x80, v5, vm2, $0xb8;
	[tilespmem:$0x1C900] =	vst v63  }
0x2b0: {  	s25 =	simm.s32 $0x17880  }
0x2b1: {  	[tilespmem:s25], [sflag:$0x3] =	stream.indirect_vreg.gather [hbm4b:s24+s6], $0x80, v5, vm2, $0xb8;
	[tilespmem:$0x1C900] =	vst v63  }
0x2b2: {  	v5 =	vld [tilespmem:$0x1C190];
	_ =	sdelay $0x4  }
0x2b3: {  	v6 =	vshll.u32 v5, $0x3  }
0x2b4: {  	v5 =	vand.u32 $0x7, v5;
	v6 =	vand.u32 $0xFFFFFFC0, v6  }
0x2b5: {  	v5 =	vor.u32 v5, v6  }
0x2b6: {  	v6 =	vperm.xlane v5, v2;
	_ =	sdelay $0x1  }
0x2b7: {  	v6 =	vadd.s32 v3, v6;
	_ =	sdelay $0x3  }
0x2b8: {  	s25 =	simm.s32 $0x18080  }
0x2b9: {  	[tilespmem:s25], [sflag:$0x3] =	stream.indirect_vreg.gather [hbm4b:s1+s6], $0x80, v6, vm2, $0xb8;
	[tilespmem:$0x1C900] =	vst v63  }
0x2ba: {  	v5 =	vperm.xlane v5, v4;
	s25 =	simm.s32 $0x18880  }
0x2bb: {  	[tilespmem:s25], [sflag:$0x3] =	stream.indirect_vreg.gather [hbm4b:s19+s6], $0x80, v6, vm2, $0xb8;
	[tilespmem:$0x1C900] =	vst v63  }
0x2bc: {  	v5 =	vadd.s32 v3, v5;
	s25 =	simm.s32 $0x19080  }
0x2bd: {  	[tilespmem:s25], [sflag:$0x3] =	stream.indirect_vreg.gather [hbm4b:s21+s6], $0x80, v6, vm2, $0xb8;
	[tilespmem:$0x1C900] =	vst v63  }
0x2be: {  	s25 =	simm.s32 $0x19880  }
0x2bf: {  	[tilespmem:s25], [sflag:$0x3] =	stream.indirect_vreg.gather [hbm4b:s24+s6], $0x80, v6, vm2, $0xb8;
	[tilespmem:$0x1C900] =	vst v63  }
0x2c0: {  	s25 =	simm.s32 $0x1A080  }
0x2c1: {  	[tilespmem:s25], [sflag:$0x3] =	stream.indirect_vreg.gather [hbm4b:s1+s6], $0x80, v5, vm2, $0xb8;
	[tilespmem:$0x1C900] =	vst v63  }
0x2c2: {  	s25 =	simm.s32 $0x1A880  }
0x2c3: {  	[tilespmem:s25], [sflag:$0x3] =	stream.indirect_vreg.gather [hbm4b:s19+s6], $0x80, v5, vm2, $0xb8;
	[tilespmem:$0x1C900] =	vst v63  }
.Ltmp24:
0x2c4: {  	_ = 	snop;
	(pc) =	sbr.rel .LBB2_42-.Ltmp24, $4  }
0x2c5: {  	s25 =	simm.s32 $0x1B080  }
0x2c6: {  	[tilespmem:s25], [sflag:$0x3] =	stream.indirect_vreg.gather [hbm4b:s21+s6], $0x80, v5, vm2, $0xb8;
	[tilespmem:$0x1C900] =	vst v63  }
0x2c7: {  	s25 =	simm.s32 $0x1B880  }
0x2c8: {  	[tilespmem:s25], [sflag:$0x3] =	stream.indirect_vreg.gather [hbm4b:s24+s6], $0x80, v5, vm2, $0xb8;
	[tilespmem:$0x1C900] =	vst v63  }
.LBB2_41:
.Ltmp25:
0x2c9: {  	(pc) =	sbr.rel @p3 .LBB2_43-.Ltmp25, $1  }
0x2ca: {  	_ =	sdelay $0x3  }
.LBB2_42:
0x2cb: {  	_ =	swait.ge [sflag:s7], $0x8000  }
0x2cc: {  	[sflag:s7] =	ssyncset.done $0x0  }
0x2cd: {  	s22 =	rddreg [dreg:$0x6];
	[sflag:s7] =	ssyncadd.s32 $0xFFFF8000  }
0x2ce: {  	[hbm4b:s22+s6] =	stream.linear.scatter [tilespmem:s31], [sflag:$0x5], $0x8000, $0x38;
	[tilespmem:$0x1C900] =	vst v63  }
.LBB2_44:
0x2cf: {  	_ =	swait.ge [sflag:s13], $0x8000  }
0x2d0: {  	[sflag:s13] =	ssyncset.done $0x0  }
0x2d1: {  	[sflag:s13] =	ssyncadd.s32 $0xFFFF8000  }
.LBB2_45:
0x2d2: {  	s22 =	sadd.s32 $0x60, s20;
	p2 =	slt.s32 s18, $0x4  }
.Ltmp26:
0x2d3: {  	s25 =	sadd.s32 $0x70, s20;
	v5 =	vadd.s32 s22, v0;
	(pc) =	sbr.rel @p2 .LBB2_47-.Ltmp26, $4  }
0x2d4: {  	v6 =	vadd.s32 s25, v0;
	vm3 =	vlt.s32 v5, $0x1FFF  }
0x2d5: {  	v5 =	vnsel vm3, $0x1FFF, v5;
	vm3 =	vlt.s32 v6, $0x1FFF  }
0x2d6: {  	[tilespmem:$0x1C200] =	vst v5;
	v6 =	vnsel vm3, $0x1FFF, v6  }
0x2d7: {  	[tilespmem:$0x1C210] =	vst v6  }
0x2d8: {  	v6 =	vshll.u32 v5, $0x3  }
0x2d9: {  	v5 =	vand.u32 $0x7, v5;
	v6 =	vand.u32 $0xFFFFFFC0, v6  }
0x2da: {  	v5 =	vor.u32 v5, v6  }
0x2db: {  	v6 =	vperm.xlane v5, v2;
	_ =	sdelay $0x1  }
0x2dc: {  	v6 =	vadd.s32 v3, v6;
	_ =	sdelay $0x4  }
0x2dd: {  	[tilespmem:s0], [sflag:$0x1] =	stream.indirect_vreg.gather [hbm4b:s1+s6], $0x80, v6, vm2, $0xb8;
	[tilespmem:$0x1C900] =	vst v63  }
0x2de: {  	v5 =	vperm.xlane v5, v4  }
0x2df: {  	[tilespmem:s28], [sflag:$0x1] =	stream.indirect_vreg.gather [hbm4b:s19+s6], $0x80, v6, vm2, $0xb8;
	[tilespmem:$0x1C900] =	vst v63  }
0x2e0: {  	s22 =	simm.s32 $0x5080;
	v5 =	vadd.s32 v3, v5  }
0x2e1: {  	[tilespmem:s22], [sflag:$0x1] =	stream.indirect_vreg.gather [hbm4b:s21+s6], $0x80, v6, vm2, $0xb8;
	[tilespmem:$0x1C900] =	vst v63  }
0x2e2: {  	s25 =	simm.s32 $0x5880  }
0x2e3: {  	[tilespmem:s25], [sflag:$0x1] =	stream.indirect_vreg.gather [hbm4b:s24+s6], $0x80, v6, vm2, $0xb8;
	[tilespmem:$0x1C900] =	vst v63  }
0x2e4: {  	s25 =	simm.s32 $0x6080  }
0x2e5: {  	[tilespmem:s25], [sflag:$0x1] =	stream.indirect_vreg.gather [hbm4b:s1+s6], $0x80, v5, vm2, $0xb8;
	[tilespmem:$0x1C900] =	vst v63  }
0x2e6: {  	s25 =	simm.s32 $0x6880  }
0x2e7: {  	[tilespmem:s25], [sflag:$0x1] =	stream.indirect_vreg.gather [hbm4b:s19+s6], $0x80, v5, vm2, $0xb8;
	[tilespmem:$0x1C900] =	vst v63  }
0x2e8: {  	s25 =	simm.s32 $0x7080  }
0x2e9: {  	[tilespmem:s25], [sflag:$0x1] =	stream.indirect_vreg.gather [hbm4b:s21+s6], $0x80, v5, vm2, $0xb8;
	[tilespmem:$0x1C900] =	vst v63  }
0x2ea: {  	s25 =	simm.s32 $0x7880  }
0x2eb: {  	[tilespmem:s25], [sflag:$0x1] =	stream.indirect_vreg.gather [hbm4b:s24+s6], $0x80, v5, vm2, $0xb8;
	[tilespmem:$0x1C900] =	vst v63  }
0x2ec: {  	v5 =	vld [tilespmem:$0x1C210];
	_ =	sdelay $0x4  }
0x2ed: {  	v6 =	vshll.u32 v5, $0x3  }
0x2ee: {  	v5 =	vand.u32 $0x7, v5;
	v6 =	vand.u32 $0xFFFFFFC0, v6  }
0x2ef: {  	v5 =	vor.u32 v5, v6  }
0x2f0: {  	v6 =	vperm.xlane v5, v2;
	_ =	sdelay $0x1  }
0x2f1: {  	v6 =	vadd.s32 v3, v6;
	_ =	sdelay $0x3  }
0x2f2: {  	s25 =	simm.s32 $0x8080  }
0x2f3: {  	[tilespmem:s25], [sflag:$0x1] =	stream.indirect_vreg.gather [hbm4b:s1+s6], $0x80, v6, vm2, $0xb8;
	[tilespmem:$0x1C900] =	vst v63  }
0x2f4: {  	v5 =	vperm.xlane v5, v4;
	s25 =	simm.s32 $0x8880  }
0x2f5: {  	[tilespmem:s25], [sflag:$0x1] =	stream.indirect_vreg.gather [hbm4b:s19+s6], $0x80, v6, vm2, $0xb8;
	[tilespmem:$0x1C900] =	vst v63  }
0x2f6: {  	v5 =	vadd.s32 v3, v5;
	s25 =	simm.s32 $0x9080  }
0x2f7: {  	[tilespmem:s25], [sflag:$0x1] =	stream.indirect_vreg.gather [hbm4b:s21+s6], $0x80, v6, vm2, $0xb8;
	[tilespmem:$0x1C900] =	vst v63  }
0x2f8: {  	s25 =	simm.s32 $0x9880  }
0x2f9: {  	[tilespmem:s25], [sflag:$0x1] =	stream.indirect_vreg.gather [hbm4b:s24+s6], $0x80, v6, vm2, $0xb8;
	[tilespmem:$0x1C900] =	vst v63  }
0x2fa: {  	s25 =	simm.s32 $0xA080  }
0x2fb: {  	[tilespmem:s25], [sflag:$0x1] =	stream.indirect_vreg.gather [hbm4b:s1+s6], $0x80, v5, vm2, $0xb8;
	[tilespmem:$0x1C900] =	vst v63  }
0x2fc: {  	s25 =	simm.s32 $0xA880  }
0x2fd: {  	[tilespmem:s25], [sflag:$0x1] =	stream.indirect_vreg.gather [hbm4b:s19+s6], $0x80, v5, vm2, $0xb8;
	[tilespmem:$0x1C900] =	vst v63  }
.Ltmp27:
0x2fe: {  	_ = 	snop;
	(pc) =	sbr.rel .LBB2_48-.Ltmp27, $4  }
0x2ff: {  	s25 =	simm.s32 $0xB080  }
0x300: {  	[tilespmem:s25], [sflag:$0x1] =	stream.indirect_vreg.gather [hbm4b:s21+s6], $0x80, v5, vm2, $0xb8;
	[tilespmem:$0x1C900] =	vst v63  }
0x301: {  	s25 =	simm.s32 $0xB880  }
0x302: {  	[tilespmem:s25], [sflag:$0x1] =	stream.indirect_vreg.gather [hbm4b:s24+s6], $0x80, v5, vm2, $0xb8;
	[tilespmem:$0x1C900] =	vst v63  }
.LBB2_47:
.Ltmp28:
0x303: {  	(pc) =	sbr.rel @p0 .LBB2_49-.Ltmp28, $1  }
0x304: {  	_ =	sdelay $0x3  }
.LBB2_48:
0x305: {  	_ =	swait.ge [sflag:s12], $0x8000  }
0x306: {  	[sflag:s12] =	ssyncset.done $0x0  }
0x307: {  	s22 =	rddreg [dreg:$0x8];
	[sflag:s12] =	ssyncadd.s32 $0xFFFF8000  }
0x308: {  	[hbm4b:s22+s6] =	stream.linear.scatter [tilespmem:s9], [sflag:$0x6], $0x8000, $0x38;
	[tilespmem:$0x1C900] =	vst v63  }
.LBB2_50:
0x309: {  	_ =	swait.ge [sflag:s17], $0x8000  }
0x30a: {  	[sflag:s17] =	ssyncset.done $0x0  }
0x30b: {  	[sflag:s17] =	ssyncadd.s32 $0xFFFF8000  }
.LBB2_51:
0x30c: {  	s22 =	sadd.s32 $0x80, s20;
	p4 =	slt.s32 s18, $0x5  }
.Ltmp29:
0x30d: {  	s25 =	sadd.s32 $0x90, s20;
	v5 =	vadd.s32 s22, v0;
	(pc) =	sbr.rel @p4 .LBB2_53-.Ltmp29, $4  }
0x30e: {  	v6 =	vadd.s32 s25, v0;
	vm3 =	vlt.s32 v5, $0x1FFF  }
0x30f: {  	v5 =	vnsel vm3, $0x1FFF, v5;
	vm3 =	vlt.s32 v6, $0x1FFF  }
0x310: {  	[tilespmem:$0x1C280] =	vst v5;
	v6 =	vnsel vm3, $0x1FFF, v6  }
0x311: {  	[tilespmem:$0x1C290] =	vst v6  }
0x312: {  	v6 =	vshll.u32 v5, $0x3  }
0x313: {  	v5 =	vand.u32 $0x7, v5;
	v6 =	vand.u32 $0xFFFFFFC0, v6  }
0x314: {  	v5 =	vor.u32 v5, v6  }
0x315: {  	v6 =	vperm.xlane v5, v2;
	_ =	sdelay $0x1  }
0x316: {  	v6 =	vadd.s32 v3, v6;
	_ =	sdelay $0x4  }
0x317: {  	[tilespmem:s31], [sflag:$0x2] =	stream.indirect_vreg.gather [hbm4b:s1+s6], $0x80, v6, vm2, $0xb8;
	[tilespmem:$0x1C900] =	vst v63  }
0x318: {  	s22 =	simm.s32 $0xC880;
	v5 =	vperm.xlane v5, v4  }
0x319: {  	[tilespmem:s22], [sflag:$0x2] =	stream.indirect_vreg.gather [hbm4b:s19+s6], $0x80, v6, vm2, $0xb8;
	[tilespmem:$0x1C900] =	vst v63  }
0x31a: {  	s25 =	simm.s32 $0xD080;
	v5 =	vadd.s32 v3, v5  }
0x31b: {  	[tilespmem:s25], [sflag:$0x2] =	stream.indirect_vreg.gather [hbm4b:s21+s6], $0x80, v6, vm2, $0xb8;
	[tilespmem:$0x1C900] =	vst v63  }
0x31c: {  	s25 =	simm.s32 $0xD880  }
0x31d: {  	[tilespmem:s25], [sflag:$0x2] =	stream.indirect_vreg.gather [hbm4b:s24+s6], $0x80, v6, vm2, $0xb8;
	[tilespmem:$0x1C900] =	vst v63  }
0x31e: {  	s25 =	simm.s32 $0xE080  }
0x31f: {  	[tilespmem:s25], [sflag:$0x2] =	stream.indirect_vreg.gather [hbm4b:s1+s6], $0x80, v5, vm2, $0xb8;
	[tilespmem:$0x1C900] =	vst v63  }
0x320: {  	s25 =	simm.s32 $0xE880  }
0x321: {  	[tilespmem:s25], [sflag:$0x2] =	stream.indirect_vreg.gather [hbm4b:s19+s6], $0x80, v5, vm2, $0xb8;
	[tilespmem:$0x1C900] =	vst v63  }
0x322: {  	s25 =	simm.s32 $0xF080  }
0x323: {  	[tilespmem:s25], [sflag:$0x2] =	stream.indirect_vreg.gather [hbm4b:s21+s6], $0x80, v5, vm2, $0xb8;
	[tilespmem:$0x1C900] =	vst v63  }
0x324: {  	s25 =	simm.s32 $0xF880  }
0x325: {  	[tilespmem:s25], [sflag:$0x2] =	stream.indirect_vreg.gather [hbm4b:s24+s6], $0x80, v5, vm2, $0xb8;
	[tilespmem:$0x1C900] =	vst v63  }
0x326: {  	v5 =	vld [tilespmem:$0x1C290];
	_ =	sdelay $0x4  }
0x327: {  	v6 =	vshll.u32 v5, $0x3  }
0x328: {  	v5 =	vand.u32 $0x7, v5;
	v6 =	vand.u32 $0xFFFFFFC0, v6  }
0x329: {  	v5 =	vor.u32 v5, v6  }
0x32a: {  	v6 =	vperm.xlane v5, v2;
	_ =	sdelay $0x1  }
0x32b: {  	v6 =	vadd.s32 v3, v6;
	_ =	sdelay $0x3  }
0x32c: {  	s25 =	simm.s32 $0x10080  }
0x32d: {  	[tilespmem:s25], [sflag:$0x2] =	stream.indirect_vreg.gather [hbm4b:s1+s6], $0x80, v6, vm2, $0xb8;
	[tilespmem:$0x1C900] =	vst v63  }
0x32e: {  	v5 =	vperm.xlane v5, v4;
	s25 =	simm.s32 $0x10880  }
0x32f: {  	[tilespmem:s25], [sflag:$0x2] =	stream.indirect_vreg.gather [hbm4b:s19+s6], $0x80, v6, vm2, $0xb8;
	[tilespmem:$0x1C900] =	vst v63  }
0x330: {  	v5 =	vadd.s32 v3, v5;
	s25 =	simm.s32 $0x11080  }
0x331: {  	[tilespmem:s25], [sflag:$0x2] =	stream.indirect_vreg.gather [hbm4b:s21+s6], $0x80, v6, vm2, $0xb8;
	[tilespmem:$0x1C900] =	vst v63  }
0x332: {  	s25 =	simm.s32 $0x11880  }
0x333: {  	[tilespmem:s25], [sflag:$0x2] =	stream.indirect_vreg.gather [hbm4b:s24+s6], $0x80, v6, vm2, $0xb8;
	[tilespmem:$0x1C900] =	vst v63  }
0x334: {  	s25 =	simm.s32 $0x12080  }
0x335: {  	[tilespmem:s25], [sflag:$0x2] =	stream.indirect_vreg.gather [hbm4b:s1+s6], $0x80, v5, vm2, $0xb8;
	[tilespmem:$0x1C900] =	vst v63  }
0x336: {  	s25 =	simm.s32 $0x12880  }
0x337: {  	[tilespmem:s25], [sflag:$0x2] =	stream.indirect_vreg.gather [hbm4b:s19+s6], $0x80, v5, vm2, $0xb8;
	[tilespmem:$0x1C900] =	vst v63  }
.Ltmp30:
0x338: {  	_ = 	snop;
	(pc) =	sbr.rel .LBB2_54-.Ltmp30, $4  }
0x339: {  	s25 =	simm.s32 $0x13080  }
0x33a: {  	[tilespmem:s25], [sflag:$0x2] =	stream.indirect_vreg.gather [hbm4b:s21+s6], $0x80, v5, vm2, $0xb8;
	[tilespmem:$0x1C900] =	vst v63  }
0x33b: {  	s25 =	simm.s32 $0x13880  }
0x33c: {  	[tilespmem:s25], [sflag:$0x2] =	stream.indirect_vreg.gather [hbm4b:s24+s6], $0x80, v5, vm2, $0xb8;
	[tilespmem:$0x1C900] =	vst v63  }
.LBB2_53:
.Ltmp31:
0x33d: {  	(pc) =	sbr.rel @p2 .LBB2_55-.Ltmp31, $1  }
0x33e: {  	_ =	sdelay $0x3  }
.LBB2_54:
0x33f: {  	_ =	swait.ge [sflag:s23], $0x8000  }
0x340: {  	[sflag:s23] =	ssyncset.done $0x0  }
0x341: {  	s22 =	rddreg [dreg:$0xa];
	[sflag:s23] =	ssyncadd.s32 $0xFFFF8000  }
0x342: {  	[hbm4b:s22+s6] =	stream.linear.scatter [tilespmem:s0], [sflag:$0x4], $0x8000, $0x38;
	[tilespmem:$0x1C900] =	vst v63  }
.LBB2_56:
0x343: {  	_ =	swait.ge [sflag:s10], $0x8000  }
0x344: {  	[sflag:s10] =	ssyncset.done $0x0  }
0x345: {  	[sflag:s10] =	ssyncadd.s32 $0xFFFF8000  }
.LBB2_57:
0x346: {  	s22 =	sadd.s32 $0xA0, s20;
	p0 =	slt.s32 s18, $0x6  }
.Ltmp32:
0x347: {  	s25 =	sadd.s32 $0xB0, s20;
	v5 =	vadd.s32 s22, v0;
	(pc) =	sbr.rel @p0 .LBB2_59-.Ltmp32, $4  }
0x348: {  	v6 =	vadd.s32 s25, v0;
	vm3 =	vlt.s32 v5, $0x1FFF  }
0x349: {  	v5 =	vnsel vm3, $0x1FFF, v5;
	vm3 =	vlt.s32 v6, $0x1FFF  }
0x34a: {  	[tilespmem:$0x1C300] =	vst v5;
	v6 =	vnsel vm3, $0x1FFF, v6  }
0x34b: {  	[tilespmem:$0x1C310] =	vst v6  }
0x34c: {  	v6 =	vshll.u32 v5, $0x3  }
0x34d: {  	v5 =	vand.u32 $0x7, v5;
	v6 =	vand.u32 $0xFFFFFFC0, v6  }
0x34e: {  	v5 =	vor.u32 v5, v6  }
0x34f: {  	v6 =	vperm.xlane v5, v2;
	_ =	sdelay $0x1  }
0x350: {  	v6 =	vadd.s32 v3, v6;
	_ =	sdelay $0x4  }
0x351: {  	[tilespmem:s9], [sflag:$0x3] =	stream.indirect_vreg.gather [hbm4b:s1+s6], $0x80, v6, vm2, $0xb8;
	[tilespmem:$0x1C900] =	vst v63  }
0x352: {  	s22 =	simm.s32 $0x14880;
	v5 =	vperm.xlane v5, v4  }
0x353: {  	[tilespmem:s22], [sflag:$0x3] =	stream.indirect_vreg.gather [hbm4b:s19+s6], $0x80, v6, vm2, $0xb8;
	[tilespmem:$0x1C900] =	vst v63  }
0x354: {  	s25 =	simm.s32 $0x15080;
	v5 =	vadd.s32 v3, v5  }
0x355: {  	[tilespmem:s25], [sflag:$0x3] =	stream.indirect_vreg.gather [hbm4b:s21+s6], $0x80, v6, vm2, $0xb8;
	[tilespmem:$0x1C900] =	vst v63  }
0x356: {  	s25 =	simm.s32 $0x15880  }
0x357: {  	[tilespmem:s25], [sflag:$0x3] =	stream.indirect_vreg.gather [hbm4b:s24+s6], $0x80, v6, vm2, $0xb8;
	[tilespmem:$0x1C900] =	vst v63  }
0x358: {  	s25 =	simm.s32 $0x16080  }
0x359: {  	[tilespmem:s25], [sflag:$0x3] =	stream.indirect_vreg.gather [hbm4b:s1+s6], $0x80, v5, vm2, $0xb8;
	[tilespmem:$0x1C900] =	vst v63  }
0x35a: {  	s25 =	simm.s32 $0x16880  }
0x35b: {  	[tilespmem:s25], [sflag:$0x3] =	stream.indirect_vreg.gather [hbm4b:s19+s6], $0x80, v5, vm2, $0xb8;
	[tilespmem:$0x1C900] =	vst v63  }
0x35c: {  	s25 =	simm.s32 $0x17080  }
0x35d: {  	[tilespmem:s25], [sflag:$0x3] =	stream.indirect_vreg.gather [hbm4b:s21+s6], $0x80, v5, vm2, $0xb8;
	[tilespmem:$0x1C900] =	vst v63  }
0x35e: {  	s25 =	simm.s32 $0x17880  }
0x35f: {  	[tilespmem:s25], [sflag:$0x3] =	stream.indirect_vreg.gather [hbm4b:s24+s6], $0x80, v5, vm2, $0xb8;
	[tilespmem:$0x1C900] =	vst v63  }
0x360: {  	v5 =	vld [tilespmem:$0x1C310];
	_ =	sdelay $0x4  }
0x361: {  	v6 =	vshll.u32 v5, $0x3  }
0x362: {  	v5 =	vand.u32 $0x7, v5;
	v6 =	vand.u32 $0xFFFFFFC0, v6  }
0x363: {  	v5 =	vor.u32 v5, v6  }
0x364: {  	v6 =	vperm.xlane v5, v2;
	_ =	sdelay $0x1  }
0x365: {  	v6 =	vadd.s32 v3, v6;
	_ =	sdelay $0x3  }
0x366: {  	s25 =	simm.s32 $0x18080  }
0x367: {  	[tilespmem:s25], [sflag:$0x3] =	stream.indirect_vreg.gather [hbm4b:s1+s6], $0x80, v6, vm2, $0xb8;
	[tilespmem:$0x1C900] =	vst v63  }
0x368: {  	v5 =	vperm.xlane v5, v4;
	s25 =	simm.s32 $0x18880  }
0x369: {  	[tilespmem:s25], [sflag:$0x3] =	stream.indirect_vreg.gather [hbm4b:s19+s6], $0x80, v6, vm2, $0xb8;
	[tilespmem:$0x1C900] =	vst v63  }
0x36a: {  	v5 =	vadd.s32 v3, v5;
	s25 =	simm.s32 $0x19080  }
0x36b: {  	[tilespmem:s25], [sflag:$0x3] =	stream.indirect_vreg.gather [hbm4b:s21+s6], $0x80, v6, vm2, $0xb8;
	[tilespmem:$0x1C900] =	vst v63  }
0x36c: {  	s25 =	simm.s32 $0x19880  }
0x36d: {  	[tilespmem:s25], [sflag:$0x3] =	stream.indirect_vreg.gather [hbm4b:s24+s6], $0x80, v6, vm2, $0xb8;
	[tilespmem:$0x1C900] =	vst v63  }
0x36e: {  	s25 =	simm.s32 $0x1A080  }
0x36f: {  	[tilespmem:s25], [sflag:$0x3] =	stream.indirect_vreg.gather [hbm4b:s1+s6], $0x80, v5, vm2, $0xb8;
	[tilespmem:$0x1C900] =	vst v63  }
0x370: {  	s25 =	simm.s32 $0x1A880  }
0x371: {  	[tilespmem:s25], [sflag:$0x3] =	stream.indirect_vreg.gather [hbm4b:s19+s6], $0x80, v5, vm2, $0xb8;
	[tilespmem:$0x1C900] =	vst v63  }
.Ltmp33:
0x372: {  	_ = 	snop;
	(pc) =	sbr.rel .LBB2_60-.Ltmp33, $4  }
0x373: {  	s25 =	simm.s32 $0x1B080  }
0x374: {  	[tilespmem:s25], [sflag:$0x3] =	stream.indirect_vreg.gather [hbm4b:s21+s6], $0x80, v5, vm2, $0xb8;
	[tilespmem:$0x1C900] =	vst v63  }
0x375: {  	s25 =	simm.s32 $0x1B880  }
0x376: {  	[tilespmem:s25], [sflag:$0x3] =	stream.indirect_vreg.gather [hbm4b:s24+s6], $0x80, v5, vm2, $0xb8;
	[tilespmem:$0x1C900] =	vst v63  }
.LBB2_59:
.Ltmp34:
0x377: {  	(pc) =	sbr.rel @p4 .LBB2_61-.Ltmp34, $1  }
0x378: {  	_ =	sdelay $0x3  }
.LBB2_60:
0x379: {  	_ =	swait.ge [sflag:s7], $0x8000  }
0x37a: {  	[sflag:s7] =	ssyncset.done $0x0  }
0x37b: {  	s22 =	rddreg [dreg:$0xc];
	[sflag:s7] =	ssyncadd.s32 $0xFFFF8000  }
0x37c: {  	[hbm4b:s22+s6] =	stream.linear.scatter [tilespmem:s31], [sflag:$0x5], $0x8000, $0x38;
	[tilespmem:$0x1C900] =	vst v63  }
.LBB2_62:
0x37d: {  	_ =	swait.ge [sflag:s13], $0x8000  }
0x37e: {  	[sflag:s13] =	ssyncset.done $0x0  }
0x37f: {  	[sflag:s13] =	ssyncadd.s32 $0xFFFF8000  }
.LBB2_63:
0x380: {  	s22 =	sadd.s32 $0xC0, s20;
	p2 =	slt.s32 s18, $0x7  }
.Ltmp35:
0x381: {  	s25 =	sadd.s32 $0xD0, s20;
	v5 =	vadd.s32 s22, v0;
	(pc) =	sbr.rel @p2 .LBB2_65-.Ltmp35, $4  }
0x382: {  	v6 =	vadd.s32 s25, v0;
	vm3 =	vlt.s32 v5, $0x1FFF  }
0x383: {  	v5 =	vnsel vm3, $0x1FFF, v5;
	vm3 =	vlt.s32 v6, $0x1FFF  }
0x384: {  	[tilespmem:$0x1C380] =	vst v5;
	v6 =	vnsel vm3, $0x1FFF, v6  }
0x385: {  	[tilespmem:$0x1C390] =	vst v6  }
0x386: {  	v6 =	vshll.u32 v5, $0x3  }
0x387: {  	v5 =	vand.u32 $0x7, v5;
	v6 =	vand.u32 $0xFFFFFFC0, v6  }
0x388: {  	v5 =	vor.u32 v5, v6  }
0x389: {  	v6 =	vperm.xlane v5, v2;
	_ =	sdelay $0x1  }
0x38a: {  	v6 =	vadd.s32 v3, v6;
	_ =	sdelay $0x4  }
0x38b: {  	[tilespmem:s0], [sflag:$0x1] =	stream.indirect_vreg.gather [hbm4b:s1+s6], $0x80, v6, vm2, $0xb8;
	[tilespmem:$0x1C900] =	vst v63  }
0x38c: {  	v5 =	vperm.xlane v5, v4  }
0x38d: {  	[tilespmem:s28], [sflag:$0x1] =	stream.indirect_vreg.gather [hbm4b:s19+s6], $0x80, v6, vm2, $0xb8;
	[tilespmem:$0x1C900] =	vst v63  }
0x38e: {  	s22 =	simm.s32 $0x5080;
	v5 =	vadd.s32 v3, v5  }
0x38f: {  	[tilespmem:s22], [sflag:$0x1] =	stream.indirect_vreg.gather [hbm4b:s21+s6], $0x80, v6, vm2, $0xb8;
	[tilespmem:$0x1C900] =	vst v63  }
0x390: {  	s25 =	simm.s32 $0x5880  }
0x391: {  	[tilespmem:s25], [sflag:$0x1] =	stream.indirect_vreg.gather [hbm4b:s24+s6], $0x80, v6, vm2, $0xb8;
	[tilespmem:$0x1C900] =	vst v63  }
0x392: {  	s25 =	simm.s32 $0x6080  }
0x393: {  	[tilespmem:s25], [sflag:$0x1] =	stream.indirect_vreg.gather [hbm4b:s1+s6], $0x80, v5, vm2, $0xb8;
	[tilespmem:$0x1C900] =	vst v63  }
0x394: {  	s25 =	simm.s32 $0x6880  }
0x395: {  	[tilespmem:s25], [sflag:$0x1] =	stream.indirect_vreg.gather [hbm4b:s19+s6], $0x80, v5, vm2, $0xb8;
	[tilespmem:$0x1C900] =	vst v63  }
0x396: {  	s25 =	simm.s32 $0x7080  }
0x397: {  	[tilespmem:s25], [sflag:$0x1] =	stream.indirect_vreg.gather [hbm4b:s21+s6], $0x80, v5, vm2, $0xb8;
	[tilespmem:$0x1C900] =	vst v63  }
0x398: {  	s25 =	simm.s32 $0x7880  }
0x399: {  	[tilespmem:s25], [sflag:$0x1] =	stream.indirect_vreg.gather [hbm4b:s24+s6], $0x80, v5, vm2, $0xb8;
	[tilespmem:$0x1C900] =	vst v63  }
0x39a: {  	v5 =	vld [tilespmem:$0x1C390];
	_ =	sdelay $0x4  }
0x39b: {  	v6 =	vshll.u32 v5, $0x3  }
0x39c: {  	v5 =	vand.u32 $0x7, v5;
	v6 =	vand.u32 $0xFFFFFFC0, v6  }
0x39d: {  	v5 =	vor.u32 v5, v6  }
0x39e: {  	v6 =	vperm.xlane v5, v2;
	_ =	sdelay $0x1  }
0x39f: {  	v6 =	vadd.s32 v3, v6;
	_ =	sdelay $0x3  }
0x3a0: {  	s25 =	simm.s32 $0x8080  }
0x3a1: {  	[tilespmem:s25], [sflag:$0x1] =	stream.indirect_vreg.gather [hbm4b:s1+s6], $0x80, v6, vm2, $0xb8;
	[tilespmem:$0x1C900] =	vst v63  }
0x3a2: {  	v5 =	vperm.xlane v5, v4;
	s25 =	simm.s32 $0x8880  }
0x3a3: {  	[tilespmem:s25], [sflag:$0x1] =	stream.indirect_vreg.gather [hbm4b:s19+s6], $0x80, v6, vm2, $0xb8;
	[tilespmem:$0x1C900] =	vst v63  }
0x3a4: {  	v5 =	vadd.s32 v3, v5;
	s25 =	simm.s32 $0x9080  }
0x3a5: {  	[tilespmem:s25], [sflag:$0x1] =	stream.indirect_vreg.gather [hbm4b:s21+s6], $0x80, v6, vm2, $0xb8;
	[tilespmem:$0x1C900] =	vst v63  }
0x3a6: {  	s25 =	simm.s32 $0x9880  }
0x3a7: {  	[tilespmem:s25], [sflag:$0x1] =	stream.indirect_vreg.gather [hbm4b:s24+s6], $0x80, v6, vm2, $0xb8;
	[tilespmem:$0x1C900] =	vst v63  }
0x3a8: {  	s25 =	simm.s32 $0xA080  }
0x3a9: {  	[tilespmem:s25], [sflag:$0x1] =	stream.indirect_vreg.gather [hbm4b:s1+s6], $0x80, v5, vm2, $0xb8;
	[tilespmem:$0x1C900] =	vst v63  }
0x3aa: {  	s25 =	simm.s32 $0xA880  }
0x3ab: {  	[tilespmem:s25], [sflag:$0x1] =	stream.indirect_vreg.gather [hbm4b:s19+s6], $0x80, v5, vm2, $0xb8;
	[tilespmem:$0x1C900] =	vst v63  }
.Ltmp36:
0x3ac: {  	_ = 	snop;
	(pc) =	sbr.rel .LBB2_66-.Ltmp36, $4  }
0x3ad: {  	s25 =	simm.s32 $0xB080  }
0x3ae: {  	[tilespmem:s25], [sflag:$0x1] =	stream.indirect_vreg.gather [hbm4b:s21+s6], $0x80, v5, vm2, $0xb8;
	[tilespmem:$0x1C900] =	vst v63  }
0x3af: {  	s25 =	simm.s32 $0xB880  }
0x3b0: {  	[tilespmem:s25], [sflag:$0x1] =	stream.indirect_vreg.gather [hbm4b:s24+s6], $0x80, v5, vm2, $0xb8;
	[tilespmem:$0x1C900] =	vst v63  }
.LBB2_65:
.Ltmp37:
0x3b1: {  	(pc) =	sbr.rel @p0 .LBB2_67-.Ltmp37, $1  }
0x3b2: {  	_ =	sdelay $0x3  }
.LBB2_66:
0x3b3: {  	_ =	swait.ge [sflag:s12], $0x8000  }
0x3b4: {  	[sflag:s12] =	ssyncset.done $0x0  }
0x3b5: {  	s22 =	rddreg [dreg:$0xe];
	[sflag:s12] =	ssyncadd.s32 $0xFFFF8000  }
0x3b6: {  	[hbm4b:s22+s6] =	stream.linear.scatter [tilespmem:s9], [sflag:$0x6], $0x8000, $0x38;
	[tilespmem:$0x1C900] =	vst v63  }
.LBB2_68:
0x3b7: {  	_ =	swait.ge [sflag:s17], $0x8000  }
0x3b8: {  	[sflag:s17] =	ssyncset.done $0x0  }
0x3b9: {  	[sflag:s17] =	ssyncadd.s32 $0xFFFF8000  }
.LBB2_69:
0x3ba: {  	s22 =	sadd.s32 $0xE0, s20;
	p4 =	slt.s32 s18, $0x8  }
.Ltmp38:
0x3bb: {  	s25 =	sadd.s32 $0xF0, s20;
	v5 =	vadd.s32 s22, v0;
	(pc) =	sbr.rel @p4 .LBB2_71-.Ltmp38, $4  }
0x3bc: {  	v6 =	vadd.s32 s25, v0;
	vm3 =	vlt.s32 v5, $0x1FFF  }
0x3bd: {  	v5 =	vnsel vm3, $0x1FFF, v5;
	vm3 =	vlt.s32 v6, $0x1FFF  }
0x3be: {  	[tilespmem:$0x1C400] =	vst v5;
	v6 =	vnsel vm3, $0x1FFF, v6  }
0x3bf: {  	[tilespmem:$0x1C410] =	vst v6  }
0x3c0: {  	v6 =	vshll.u32 v5, $0x3  }
0x3c1: {  	v5 =	vand.u32 $0x7, v5;
	v6 =	vand.u32 $0xFFFFFFC0, v6  }
0x3c2: {  	v5 =	vor.u32 v5, v6  }
0x3c3: {  	v6 =	vperm.xlane v5, v2;
	_ =	sdelay $0x1  }
0x3c4: {  	v6 =	vadd.s32 v3, v6;
	_ =	sdelay $0x4  }
0x3c5: {  	[tilespmem:s31], [sflag:$0x2] =	stream.indirect_vreg.gather [hbm4b:s1+s6], $0x80, v6, vm2, $0xb8;
	[tilespmem:$0x1C900] =	vst v63  }
0x3c6: {  	s22 =	simm.s32 $0xC880;
	v5 =	vperm.xlane v5, v4  }
0x3c7: {  	[tilespmem:s22], [sflag:$0x2] =	stream.indirect_vreg.gather [hbm4b:s19+s6], $0x80, v6, vm2, $0xb8;
	[tilespmem:$0x1C900] =	vst v63  }
0x3c8: {  	s25 =	simm.s32 $0xD080;
	v5 =	vadd.s32 v3, v5  }
0x3c9: {  	[tilespmem:s25], [sflag:$0x2] =	stream.indirect_vreg.gather [hbm4b:s21+s6], $0x80, v6, vm2, $0xb8;
	[tilespmem:$0x1C900] =	vst v63  }
0x3ca: {  	s25 =	simm.s32 $0xD880  }
0x3cb: {  	[tilespmem:s25], [sflag:$0x2] =	stream.indirect_vreg.gather [hbm4b:s24+s6], $0x80, v6, vm2, $0xb8;
	[tilespmem:$0x1C900] =	vst v63  }
0x3cc: {  	s25 =	simm.s32 $0xE080  }
0x3cd: {  	[tilespmem:s25], [sflag:$0x2] =	stream.indirect_vreg.gather [hbm4b:s1+s6], $0x80, v5, vm2, $0xb8;
	[tilespmem:$0x1C900] =	vst v63  }
0x3ce: {  	s25 =	simm.s32 $0xE880  }
0x3cf: {  	[tilespmem:s25], [sflag:$0x2] =	stream.indirect_vreg.gather [hbm4b:s19+s6], $0x80, v5, vm2, $0xb8;
	[tilespmem:$0x1C900] =	vst v63  }
0x3d0: {  	s25 =	simm.s32 $0xF080  }
0x3d1: {  	[tilespmem:s25], [sflag:$0x2] =	stream.indirect_vreg.gather [hbm4b:s21+s6], $0x80, v5, vm2, $0xb8;
	[tilespmem:$0x1C900] =	vst v63  }
0x3d2: {  	s25 =	simm.s32 $0xF880  }
0x3d3: {  	[tilespmem:s25], [sflag:$0x2] =	stream.indirect_vreg.gather [hbm4b:s24+s6], $0x80, v5, vm2, $0xb8;
	[tilespmem:$0x1C900] =	vst v63  }
0x3d4: {  	v5 =	vld [tilespmem:$0x1C410];
	_ =	sdelay $0x4  }
0x3d5: {  	v6 =	vshll.u32 v5, $0x3  }
0x3d6: {  	v5 =	vand.u32 $0x7, v5;
	v6 =	vand.u32 $0xFFFFFFC0, v6  }
0x3d7: {  	v5 =	vor.u32 v5, v6  }
0x3d8: {  	v6 =	vperm.xlane v5, v2;
	_ =	sdelay $0x1  }
0x3d9: {  	v6 =	vadd.s32 v3, v6;
	_ =	sdelay $0x3  }
0x3da: {  	s25 =	simm.s32 $0x10080  }
0x3db: {  	[tilespmem:s25], [sflag:$0x2] =	stream.indirect_vreg.gather [hbm4b:s1+s6], $0x80, v6, vm2, $0xb8;
	[tilespmem:$0x1C900] =	vst v63  }
0x3dc: {  	v5 =	vperm.xlane v5, v4;
	s25 =	simm.s32 $0x10880  }
0x3dd: {  	[tilespmem:s25], [sflag:$0x2] =	stream.indirect_vreg.gather [hbm4b:s19+s6], $0x80, v6, vm2, $0xb8;
	[tilespmem:$0x1C900] =	vst v63  }
0x3de: {  	v5 =	vadd.s32 v3, v5;
	s25 =	simm.s32 $0x11080  }
0x3df: {  	[tilespmem:s25], [sflag:$0x2] =	stream.indirect_vreg.gather [hbm4b:s21+s6], $0x80, v6, vm2, $0xb8;
	[tilespmem:$0x1C900] =	vst v63  }
0x3e0: {  	s25 =	simm.s32 $0x11880  }
0x3e1: {  	[tilespmem:s25], [sflag:$0x2] =	stream.indirect_vreg.gather [hbm4b:s24+s6], $0x80, v6, vm2, $0xb8;
	[tilespmem:$0x1C900] =	vst v63  }
0x3e2: {  	s25 =	simm.s32 $0x12080  }
0x3e3: {  	[tilespmem:s25], [sflag:$0x2] =	stream.indirect_vreg.gather [hbm4b:s1+s6], $0x80, v5, vm2, $0xb8;
	[tilespmem:$0x1C900] =	vst v63  }
0x3e4: {  	s25 =	simm.s32 $0x12880  }
0x3e5: {  	[tilespmem:s25], [sflag:$0x2] =	stream.indirect_vreg.gather [hbm4b:s19+s6], $0x80, v5, vm2, $0xb8;
	[tilespmem:$0x1C900] =	vst v63  }
.Ltmp39:
0x3e6: {  	_ = 	snop;
	(pc) =	sbr.rel .LBB2_72-.Ltmp39, $4  }
0x3e7: {  	s25 =	simm.s32 $0x13080  }
0x3e8: {  	[tilespmem:s25], [sflag:$0x2] =	stream.indirect_vreg.gather [hbm4b:s21+s6], $0x80, v5, vm2, $0xb8;
	[tilespmem:$0x1C900] =	vst v63  }
0x3e9: {  	s25 =	simm.s32 $0x13880  }
0x3ea: {  	[tilespmem:s25], [sflag:$0x2] =	stream.indirect_vreg.gather [hbm4b:s24+s6], $0x80, v5, vm2, $0xb8;
	[tilespmem:$0x1C900] =	vst v63  }
.LBB2_71:
.Ltmp40:
0x3eb: {  	(pc) =	sbr.rel @p2 .LBB2_73-.Ltmp40, $1  }
0x3ec: {  	_ =	sdelay $0x3  }
.LBB2_72:
0x3ed: {  	_ =	swait.ge [sflag:s23], $0x8000  }
0x3ee: {  	[sflag:s23] =	ssyncset.done $0x0  }
0x3ef: {  	s22 =	rddreg [dreg:$0x10];
	[sflag:s23] =	ssyncadd.s32 $0xFFFF8000  }
0x3f0: {  	[hbm4b:s22+s6] =	stream.linear.scatter [tilespmem:s0], [sflag:$0x4], $0x8000, $0x38;
	[tilespmem:$0x1C900] =	vst v63  }
.LBB2_74:
0x3f1: {  	_ =	swait.ge [sflag:s10], $0x8000  }
0x3f2: {  	[sflag:s10] =	ssyncset.done $0x0  }
0x3f3: {  	[sflag:s10] =	ssyncadd.s32 $0xFFFF8000  }
.LBB2_75:
0x3f4: {  	s22 =	sadd.s32 $0x100, s20;
	p0 =	slt.s32 s18, $0x9  }
.Ltmp41:
0x3f5: {  	s25 =	sadd.s32 $0x110, s20;
	v5 =	vadd.s32 s22, v0;
	(pc) =	sbr.rel @p0 .LBB2_77-.Ltmp41, $4  }
0x3f6: {  	v6 =	vadd.s32 s25, v0;
	vm3 =	vlt.s32 v5, $0x1FFF  }
0x3f7: {  	v5 =	vnsel vm3, $0x1FFF, v5;
	vm3 =	vlt.s32 v6, $0x1FFF  }
0x3f8: {  	[tilespmem:$0x1C480] =	vst v5;
	v6 =	vnsel vm3, $0x1FFF, v6  }
0x3f9: {  	[tilespmem:$0x1C490] =	vst v6  }
0x3fa: {  	v6 =	vshll.u32 v5, $0x3  }
0x3fb: {  	v5 =	vand.u32 $0x7, v5;
	v6 =	vand.u32 $0xFFFFFFC0, v6  }
0x3fc: {  	v5 =	vor.u32 v5, v6  }
0x3fd: {  	v6 =	vperm.xlane v5, v2;
	_ =	sdelay $0x1  }
0x3fe: {  	v6 =	vadd.s32 v3, v6;
	_ =	sdelay $0x4  }
0x3ff: {  	[tilespmem:s9], [sflag:$0x3] =	stream.indirect_vreg.gather [hbm4b:s1+s6], $0x80, v6, vm2, $0xb8;
	[tilespmem:$0x1C900] =	vst v63  }
0x400: {  	s22 =	simm.s32 $0x14880;
	v5 =	vperm.xlane v5, v4  }
0x401: {  	[tilespmem:s22], [sflag:$0x3] =	stream.indirect_vreg.gather [hbm4b:s19+s6], $0x80, v6, vm2, $0xb8;
	[tilespmem:$0x1C900] =	vst v63  }
0x402: {  	s25 =	simm.s32 $0x15080;
	v5 =	vadd.s32 v3, v5  }
0x403: {  	[tilespmem:s25], [sflag:$0x3] =	stream.indirect_vreg.gather [hbm4b:s21+s6], $0x80, v6, vm2, $0xb8;
	[tilespmem:$0x1C900] =	vst v63  }
0x404: {  	s25 =	simm.s32 $0x15880  }
0x405: {  	[tilespmem:s25], [sflag:$0x3] =	stream.indirect_vreg.gather [hbm4b:s24+s6], $0x80, v6, vm2, $0xb8;
	[tilespmem:$0x1C900] =	vst v63  }
0x406: {  	s25 =	simm.s32 $0x16080  }
0x407: {  	[tilespmem:s25], [sflag:$0x3] =	stream.indirect_vreg.gather [hbm4b:s1+s6], $0x80, v5, vm2, $0xb8;
	[tilespmem:$0x1C900] =	vst v63  }
0x408: {  	s25 =	simm.s32 $0x16880  }
0x409: {  	[tilespmem:s25], [sflag:$0x3] =	stream.indirect_vreg.gather [hbm4b:s19+s6], $0x80, v5, vm2, $0xb8;
	[tilespmem:$0x1C900] =	vst v63  }
0x40a: {  	s25 =	simm.s32 $0x17080  }
0x40b: {  	[tilespmem:s25], [sflag:$0x3] =	stream.indirect_vreg.gather [hbm4b:s21+s6], $0x80, v5, vm2, $0xb8;
	[tilespmem:$0x1C900] =	vst v63  }
0x40c: {  	s25 =	simm.s32 $0x17880  }
0x40d: {  	[tilespmem:s25], [sflag:$0x3] =	stream.indirect_vreg.gather [hbm4b:s24+s6], $0x80, v5, vm2, $0xb8;
	[tilespmem:$0x1C900] =	vst v63  }
0x40e: {  	v5 =	vld [tilespmem:$0x1C490];
	_ =	sdelay $0x4  }
0x40f: {  	v6 =	vshll.u32 v5, $0x3  }
0x410: {  	v5 =	vand.u32 $0x7, v5;
	v6 =	vand.u32 $0xFFFFFFC0, v6  }
0x411: {  	v5 =	vor.u32 v5, v6  }
0x412: {  	v6 =	vperm.xlane v5, v2;
	_ =	sdelay $0x1  }
0x413: {  	v6 =	vadd.s32 v3, v6;
	_ =	sdelay $0x3  }
0x414: {  	s25 =	simm.s32 $0x18080  }
0x415: {  	[tilespmem:s25], [sflag:$0x3] =	stream.indirect_vreg.gather [hbm4b:s1+s6], $0x80, v6, vm2, $0xb8;
	[tilespmem:$0x1C900] =	vst v63  }
0x416: {  	v5 =	vperm.xlane v5, v4;
	s25 =	simm.s32 $0x18880  }
0x417: {  	[tilespmem:s25], [sflag:$0x3] =	stream.indirect_vreg.gather [hbm4b:s19+s6], $0x80, v6, vm2, $0xb8;
	[tilespmem:$0x1C900] =	vst v63  }
0x418: {  	v5 =	vadd.s32 v3, v5;
	s25 =	simm.s32 $0x19080  }
0x419: {  	[tilespmem:s25], [sflag:$0x3] =	stream.indirect_vreg.gather [hbm4b:s21+s6], $0x80, v6, vm2, $0xb8;
	[tilespmem:$0x1C900] =	vst v63  }
0x41a: {  	s25 =	simm.s32 $0x19880  }
0x41b: {  	[tilespmem:s25], [sflag:$0x3] =	stream.indirect_vreg.gather [hbm4b:s24+s6], $0x80, v6, vm2, $0xb8;
	[tilespmem:$0x1C900] =	vst v63  }
0x41c: {  	s25 =	simm.s32 $0x1A080  }
0x41d: {  	[tilespmem:s25], [sflag:$0x3] =	stream.indirect_vreg.gather [hbm4b:s1+s6], $0x80, v5, vm2, $0xb8;
	[tilespmem:$0x1C900] =	vst v63  }
0x41e: {  	s25 =	simm.s32 $0x1A880  }
0x41f: {  	[tilespmem:s25], [sflag:$0x3] =	stream.indirect_vreg.gather [hbm4b:s19+s6], $0x80, v5, vm2, $0xb8;
	[tilespmem:$0x1C900] =	vst v63  }
.Ltmp42:
0x420: {  	_ = 	snop;
	(pc) =	sbr.rel .LBB2_78-.Ltmp42, $4  }
0x421: {  	s25 =	simm.s32 $0x1B080  }
0x422: {  	[tilespmem:s25], [sflag:$0x3] =	stream.indirect_vreg.gather [hbm4b:s21+s6], $0x80, v5, vm2, $0xb8;
	[tilespmem:$0x1C900] =	vst v63  }
0x423: {  	s25 =	simm.s32 $0x1B880  }
0x424: {  	[tilespmem:s25], [sflag:$0x3] =	stream.indirect_vreg.gather [hbm4b:s24+s6], $0x80, v5, vm2, $0xb8;
	[tilespmem:$0x1C900] =	vst v63  }
.LBB2_77:
.Ltmp43:
0x425: {  	(pc) =	sbr.rel @p4 .LBB2_79-.Ltmp43, $1  }
0x426: {  	_ =	sdelay $0x3  }
.LBB2_78:
0x427: {  	_ =	swait.ge [sflag:s7], $0x8000  }
0x428: {  	[sflag:s7] =	ssyncset.done $0x0  }
0x429: {  	s22 =	rddreg [dreg:$0x12];
	[sflag:s7] =	ssyncadd.s32 $0xFFFF8000  }
0x42a: {  	[hbm4b:s22+s6] =	stream.linear.scatter [tilespmem:s31], [sflag:$0x5], $0x8000, $0x38;
	[tilespmem:$0x1C900] =	vst v63  }
.LBB2_80:
0x42b: {  	_ =	swait.ge [sflag:s13], $0x8000  }
0x42c: {  	[sflag:s13] =	ssyncset.done $0x0  }
0x42d: {  	[sflag:s13] =	ssyncadd.s32 $0xFFFF8000  }
.LBB2_81:
0x42e: {  	s22 =	sadd.s32 $0x120, s20;
	p2 =	slt.s32 s18, $0xA  }
.Ltmp44:
0x42f: {  	s25 =	sadd.s32 $0x130, s20;
	v5 =	vadd.s32 s22, v0;
	(pc) =	sbr.rel @p2 .LBB2_83-.Ltmp44, $4  }
0x430: {  	v6 =	vadd.s32 s25, v0;
	vm3 =	vlt.s32 v5, $0x1FFF  }
0x431: {  	v5 =	vnsel vm3, $0x1FFF, v5;
	vm3 =	vlt.s32 v6, $0x1FFF  }
0x432: {  	[tilespmem:$0x1C500] =	vst v5;
	v6 =	vnsel vm3, $0x1FFF, v6  }
0x433: {  	[tilespmem:$0x1C510] =	vst v6  }
0x434: {  	v6 =	vshll.u32 v5, $0x3  }
0x435: {  	v5 =	vand.u32 $0x7, v5;
	v6 =	vand.u32 $0xFFFFFFC0, v6  }
0x436: {  	v5 =	vor.u32 v5, v6  }
0x437: {  	v6 =	vperm.xlane v5, v2;
	_ =	sdelay $0x1  }
0x438: {  	v6 =	vadd.s32 v3, v6;
	_ =	sdelay $0x4  }
0x439: {  	[tilespmem:s0], [sflag:$0x1] =	stream.indirect_vreg.gather [hbm4b:s1+s6], $0x80, v6, vm2, $0xb8;
	[tilespmem:$0x1C900] =	vst v63  }
0x43a: {  	v5 =	vperm.xlane v5, v4  }
0x43b: {  	[tilespmem:s28], [sflag:$0x1] =	stream.indirect_vreg.gather [hbm4b:s19+s6], $0x80, v6, vm2, $0xb8;
	[tilespmem:$0x1C900] =	vst v63  }
0x43c: {  	s22 =	simm.s32 $0x5080;
	v5 =	vadd.s32 v3, v5  }
0x43d: {  	[tilespmem:s22], [sflag:$0x1] =	stream.indirect_vreg.gather [hbm4b:s21+s6], $0x80, v6, vm2, $0xb8;
	[tilespmem:$0x1C900] =	vst v63  }
0x43e: {  	s25 =	simm.s32 $0x5880  }
0x43f: {  	[tilespmem:s25], [sflag:$0x1] =	stream.indirect_vreg.gather [hbm4b:s24+s6], $0x80, v6, vm2, $0xb8;
	[tilespmem:$0x1C900] =	vst v63  }
0x440: {  	s25 =	simm.s32 $0x6080  }
0x441: {  	[tilespmem:s25], [sflag:$0x1] =	stream.indirect_vreg.gather [hbm4b:s1+s6], $0x80, v5, vm2, $0xb8;
	[tilespmem:$0x1C900] =	vst v63  }
0x442: {  	s25 =	simm.s32 $0x6880  }
0x443: {  	[tilespmem:s25], [sflag:$0x1] =	stream.indirect_vreg.gather [hbm4b:s19+s6], $0x80, v5, vm2, $0xb8;
	[tilespmem:$0x1C900] =	vst v63  }
0x444: {  	s25 =	simm.s32 $0x7080  }
0x445: {  	[tilespmem:s25], [sflag:$0x1] =	stream.indirect_vreg.gather [hbm4b:s21+s6], $0x80, v5, vm2, $0xb8;
	[tilespmem:$0x1C900] =	vst v63  }
0x446: {  	s25 =	simm.s32 $0x7880  }
0x447: {  	[tilespmem:s25], [sflag:$0x1] =	stream.indirect_vreg.gather [hbm4b:s24+s6], $0x80, v5, vm2, $0xb8;
	[tilespmem:$0x1C900] =	vst v63  }
0x448: {  	v5 =	vld [tilespmem:$0x1C510];
	_ =	sdelay $0x4  }
0x449: {  	v6 =	vshll.u32 v5, $0x3  }
0x44a: {  	v5 =	vand.u32 $0x7, v5;
	v6 =	vand.u32 $0xFFFFFFC0, v6  }
0x44b: {  	v5 =	vor.u32 v5, v6  }
0x44c: {  	v6 =	vperm.xlane v5, v2;
	_ =	sdelay $0x1  }
0x44d: {  	v6 =	vadd.s32 v3, v6;
	_ =	sdelay $0x3  }
0x44e: {  	s25 =	simm.s32 $0x8080  }
0x44f: {  	[tilespmem:s25], [sflag:$0x1] =	stream.indirect_vreg.gather [hbm4b:s1+s6], $0x80, v6, vm2, $0xb8;
	[tilespmem:$0x1C900] =	vst v63  }
0x450: {  	v5 =	vperm.xlane v5, v4;
	s25 =	simm.s32 $0x8880  }
0x451: {  	[tilespmem:s25], [sflag:$0x1] =	stream.indirect_vreg.gather [hbm4b:s19+s6], $0x80, v6, vm2, $0xb8;
	[tilespmem:$0x1C900] =	vst v63  }
0x452: {  	v5 =	vadd.s32 v3, v5;
	s25 =	simm.s32 $0x9080  }
0x453: {  	[tilespmem:s25], [sflag:$0x1] =	stream.indirect_vreg.gather [hbm4b:s21+s6], $0x80, v6, vm2, $0xb8;
	[tilespmem:$0x1C900] =	vst v63  }
0x454: {  	s25 =	simm.s32 $0x9880  }
0x455: {  	[tilespmem:s25], [sflag:$0x1] =	stream.indirect_vreg.gather [hbm4b:s24+s6], $0x80, v6, vm2, $0xb8;
	[tilespmem:$0x1C900] =	vst v63  }
0x456: {  	s25 =	simm.s32 $0xA080  }
0x457: {  	[tilespmem:s25], [sflag:$0x1] =	stream.indirect_vreg.gather [hbm4b:s1+s6], $0x80, v5, vm2, $0xb8;
	[tilespmem:$0x1C900] =	vst v63  }
0x458: {  	s25 =	simm.s32 $0xA880  }
0x459: {  	[tilespmem:s25], [sflag:$0x1] =	stream.indirect_vreg.gather [hbm4b:s19+s6], $0x80, v5, vm2, $0xb8;
	[tilespmem:$0x1C900] =	vst v63  }
.Ltmp45:
0x45a: {  	_ = 	snop;
	(pc) =	sbr.rel .LBB2_84-.Ltmp45, $4  }
0x45b: {  	s25 =	simm.s32 $0xB080  }
0x45c: {  	[tilespmem:s25], [sflag:$0x1] =	stream.indirect_vreg.gather [hbm4b:s21+s6], $0x80, v5, vm2, $0xb8;
	[tilespmem:$0x1C900] =	vst v63  }
0x45d: {  	s25 =	simm.s32 $0xB880  }
0x45e: {  	[tilespmem:s25], [sflag:$0x1] =	stream.indirect_vreg.gather [hbm4b:s24+s6], $0x80, v5, vm2, $0xb8;
	[tilespmem:$0x1C900] =	vst v63  }
.LBB2_83:
.Ltmp46:
0x45f: {  	(pc) =	sbr.rel @p0 .LBB2_85-.Ltmp46, $1  }
0x460: {  	_ =	sdelay $0x3  }
.LBB2_84:
0x461: {  	_ =	swait.ge [sflag:s12], $0x8000  }
0x462: {  	[sflag:s12] =	ssyncset.done $0x0  }
0x463: {  	s22 =	rddreg [dreg:$0x15];
	[sflag:s12] =	ssyncadd.s32 $0xFFFF8000  }
0x464: {  	[hbm4b:s22+s6] =	stream.linear.scatter [tilespmem:s9], [sflag:$0x6], $0x8000, $0x38;
	[tilespmem:$0x1C900] =	vst v63  }
.LBB2_86:
0x465: {  	_ =	swait.ge [sflag:s17], $0x8000  }
0x466: {  	[sflag:s17] =	ssyncset.done $0x0  }
0x467: {  	[sflag:s17] =	ssyncadd.s32 $0xFFFF8000  }
.LBB2_87:
0x468: {  	s22 =	sadd.s32 $0x140, s20;
	p4 =	slt.s32 s18, $0xB  }
.Ltmp47:
0x469: {  	s25 =	sadd.s32 $0x150, s20;
	v5 =	vadd.s32 s22, v0;
	(pc) =	sbr.rel @p4 .LBB2_89-.Ltmp47, $4  }
0x46a: {  	v6 =	vadd.s32 s25, v0;
	vm3 =	vlt.s32 v5, $0x1FFF  }
0x46b: {  	v5 =	vnsel vm3, $0x1FFF, v5;
	vm3 =	vlt.s32 v6, $0x1FFF  }
0x46c: {  	[tilespmem:$0x1C580] =	vst v5;
	v6 =	vnsel vm3, $0x1FFF, v6  }
0x46d: {  	[tilespmem:$0x1C590] =	vst v6  }
0x46e: {  	v6 =	vshll.u32 v5, $0x3  }
0x46f: {  	v5 =	vand.u32 $0x7, v5;
	v6 =	vand.u32 $0xFFFFFFC0, v6  }
0x470: {  	v5 =	vor.u32 v5, v6  }
0x471: {  	v6 =	vperm.xlane v5, v2;
	_ =	sdelay $0x1  }
0x472: {  	v6 =	vadd.s32 v3, v6;
	_ =	sdelay $0x4  }
0x473: {  	[tilespmem:s31], [sflag:$0x2] =	stream.indirect_vreg.gather [hbm4b:s1+s6], $0x80, v6, vm2, $0xb8;
	[tilespmem:$0x1C900] =	vst v63  }
0x474: {  	s22 =	simm.s32 $0xC880;
	v5 =	vperm.xlane v5, v4  }
0x475: {  	[tilespmem:s22], [sflag:$0x2] =	stream.indirect_vreg.gather [hbm4b:s19+s6], $0x80, v6, vm2, $0xb8;
	[tilespmem:$0x1C900] =	vst v63  }
0x476: {  	s25 =	simm.s32 $0xD080;
	v5 =	vadd.s32 v3, v5  }
0x477: {  	[tilespmem:s25], [sflag:$0x2] =	stream.indirect_vreg.gather [hbm4b:s21+s6], $0x80, v6, vm2, $0xb8;
	[tilespmem:$0x1C900] =	vst v63  }
0x478: {  	s25 =	simm.s32 $0xD880  }
0x479: {  	[tilespmem:s25], [sflag:$0x2] =	stream.indirect_vreg.gather [hbm4b:s24+s6], $0x80, v6, vm2, $0xb8;
	[tilespmem:$0x1C900] =	vst v63  }
0x47a: {  	s25 =	simm.s32 $0xE080  }
0x47b: {  	[tilespmem:s25], [sflag:$0x2] =	stream.indirect_vreg.gather [hbm4b:s1+s6], $0x80, v5, vm2, $0xb8;
	[tilespmem:$0x1C900] =	vst v63  }
0x47c: {  	s25 =	simm.s32 $0xE880  }
0x47d: {  	[tilespmem:s25], [sflag:$0x2] =	stream.indirect_vreg.gather [hbm4b:s19+s6], $0x80, v5, vm2, $0xb8;
	[tilespmem:$0x1C900] =	vst v63  }
0x47e: {  	s25 =	simm.s32 $0xF080  }
0x47f: {  	[tilespmem:s25], [sflag:$0x2] =	stream.indirect_vreg.gather [hbm4b:s21+s6], $0x80, v5, vm2, $0xb8;
	[tilespmem:$0x1C900] =	vst v63  }
0x480: {  	s25 =	simm.s32 $0xF880  }
0x481: {  	[tilespmem:s25], [sflag:$0x2] =	stream.indirect_vreg.gather [hbm4b:s24+s6], $0x80, v5, vm2, $0xb8;
	[tilespmem:$0x1C900] =	vst v63  }
0x482: {  	v5 =	vld [tilespmem:$0x1C590];
	_ =	sdelay $0x4  }
0x483: {  	v6 =	vshll.u32 v5, $0x3  }
0x484: {  	v5 =	vand.u32 $0x7, v5;
	v6 =	vand.u32 $0xFFFFFFC0, v6  }
0x485: {  	v5 =	vor.u32 v5, v6  }
0x486: {  	v6 =	vperm.xlane v5, v2;
	_ =	sdelay $0x1  }
0x487: {  	v6 =	vadd.s32 v3, v6;
	_ =	sdelay $0x3  }
0x488: {  	s25 =	simm.s32 $0x10080  }
0x489: {  	[tilespmem:s25], [sflag:$0x2] =	stream.indirect_vreg.gather [hbm4b:s1+s6], $0x80, v6, vm2, $0xb8;
	[tilespmem:$0x1C900] =	vst v63  }
0x48a: {  	v5 =	vperm.xlane v5, v4;
	s25 =	simm.s32 $0x10880  }
0x48b: {  	[tilespmem:s25], [sflag:$0x2] =	stream.indirect_vreg.gather [hbm4b:s19+s6], $0x80, v6, vm2, $0xb8;
	[tilespmem:$0x1C900] =	vst v63  }
0x48c: {  	v5 =	vadd.s32 v3, v5;
	s25 =	simm.s32 $0x11080  }
0x48d: {  	[tilespmem:s25], [sflag:$0x2] =	stream.indirect_vreg.gather [hbm4b:s21+s6], $0x80, v6, vm2, $0xb8;
	[tilespmem:$0x1C900] =	vst v63  }
0x48e: {  	s25 =	simm.s32 $0x11880  }
0x48f: {  	[tilespmem:s25], [sflag:$0x2] =	stream.indirect_vreg.gather [hbm4b:s24+s6], $0x80, v6, vm2, $0xb8;
	[tilespmem:$0x1C900] =	vst v63  }
0x490: {  	s25 =	simm.s32 $0x12080  }
0x491: {  	[tilespmem:s25], [sflag:$0x2] =	stream.indirect_vreg.gather [hbm4b:s1+s6], $0x80, v5, vm2, $0xb8;
	[tilespmem:$0x1C900] =	vst v63  }
0x492: {  	s25 =	simm.s32 $0x12880  }
0x493: {  	[tilespmem:s25], [sflag:$0x2] =	stream.indirect_vreg.gather [hbm4b:s19+s6], $0x80, v5, vm2, $0xb8;
	[tilespmem:$0x1C900] =	vst v63  }
.Ltmp48:
0x494: {  	_ = 	snop;
	(pc) =	sbr.rel .LBB2_90-.Ltmp48, $4  }
0x495: {  	s25 =	simm.s32 $0x13080  }
0x496: {  	[tilespmem:s25], [sflag:$0x2] =	stream.indirect_vreg.gather [hbm4b:s21+s6], $0x80, v5, vm2, $0xb8;
	[tilespmem:$0x1C900] =	vst v63  }
0x497: {  	s25 =	simm.s32 $0x13880  }
0x498: {  	[tilespmem:s25], [sflag:$0x2] =	stream.indirect_vreg.gather [hbm4b:s24+s6], $0x80, v5, vm2, $0xb8;
	[tilespmem:$0x1C900] =	vst v63  }
.LBB2_89:
.Ltmp49:
0x499: {  	(pc) =	sbr.rel @p2 .LBB2_91-.Ltmp49, $1  }
0x49a: {  	_ =	sdelay $0x3  }
.LBB2_90:
0x49b: {  	_ =	swait.ge [sflag:s23], $0x8000  }
0x49c: {  	[sflag:s23] =	ssyncset.done $0x0  }
0x49d: {  	s22 =	rddreg [dreg:$0x17];
	[sflag:s23] =	ssyncadd.s32 $0xFFFF8000  }
0x49e: {  	[hbm4b:s22+s6] =	stream.linear.scatter [tilespmem:s0], [sflag:$0x4], $0x8000, $0x38;
	[tilespmem:$0x1C900] =	vst v63  }
.LBB2_92:
0x49f: {  	_ =	swait.ge [sflag:s10], $0x8000  }
0x4a0: {  	[sflag:s10] =	ssyncset.done $0x0  }
0x4a1: {  	[sflag:s10] =	ssyncadd.s32 $0xFFFF8000  }
.LBB2_93:
0x4a2: {  	s22 =	sadd.s32 $0x160, s20;
	p0 =	slt.s32 s18, $0xC  }
.Ltmp50:
0x4a3: {  	s25 =	sadd.s32 $0x170, s20;
	v5 =	vadd.s32 s22, v0;
	(pc) =	sbr.rel @p0 .LBB2_95-.Ltmp50, $4  }
0x4a4: {  	v6 =	vadd.s32 s25, v0;
	vm3 =	vlt.s32 v5, $0x1FFF  }
0x4a5: {  	v5 =	vnsel vm3, $0x1FFF, v5;
	vm3 =	vlt.s32 v6, $0x1FFF  }
0x4a6: {  	[tilespmem:$0x1C600] =	vst v5;
	v6 =	vnsel vm3, $0x1FFF, v6  }
0x4a7: {  	[tilespmem:$0x1C610] =	vst v6  }
0x4a8: {  	v6 =	vshll.u32 v5, $0x3  }
0x4a9: {  	v5 =	vand.u32 $0x7, v5;
	v6 =	vand.u32 $0xFFFFFFC0, v6  }
0x4aa: {  	v5 =	vor.u32 v5, v6  }
0x4ab: {  	v6 =	vperm.xlane v5, v2;
	_ =	sdelay $0x1  }
0x4ac: {  	v6 =	vadd.s32 v3, v6;
	_ =	sdelay $0x4  }
0x4ad: {  	[tilespmem:s9], [sflag:$0x3] =	stream.indirect_vreg.gather [hbm4b:s1+s6], $0x80, v6, vm2, $0xb8;
	[tilespmem:$0x1C900] =	vst v63  }
0x4ae: {  	s22 =	simm.s32 $0x14880;
	v5 =	vperm.xlane v5, v4  }
0x4af: {  	[tilespmem:s22], [sflag:$0x3] =	stream.indirect_vreg.gather [hbm4b:s19+s6], $0x80, v6, vm2, $0xb8;
	[tilespmem:$0x1C900] =	vst v63  }
0x4b0: {  	s25 =	simm.s32 $0x15080;
	v5 =	vadd.s32 v3, v5  }
0x4b1: {  	[tilespmem:s25], [sflag:$0x3] =	stream.indirect_vreg.gather [hbm4b:s21+s6], $0x80, v6, vm2, $0xb8;
	[tilespmem:$0x1C900] =	vst v63  }
0x4b2: {  	s25 =	simm.s32 $0x15880  }
0x4b3: {  	[tilespmem:s25], [sflag:$0x3] =	stream.indirect_vreg.gather [hbm4b:s24+s6], $0x80, v6, vm2, $0xb8;
	[tilespmem:$0x1C900] =	vst v63  }
0x4b4: {  	s25 =	simm.s32 $0x16080  }
0x4b5: {  	[tilespmem:s25], [sflag:$0x3] =	stream.indirect_vreg.gather [hbm4b:s1+s6], $0x80, v5, vm2, $0xb8;
	[tilespmem:$0x1C900] =	vst v63  }
0x4b6: {  	s25 =	simm.s32 $0x16880  }
0x4b7: {  	[tilespmem:s25], [sflag:$0x3] =	stream.indirect_vreg.gather [hbm4b:s19+s6], $0x80, v5, vm2, $0xb8;
	[tilespmem:$0x1C900] =	vst v63  }
0x4b8: {  	s25 =	simm.s32 $0x17080  }
0x4b9: {  	[tilespmem:s25], [sflag:$0x3] =	stream.indirect_vreg.gather [hbm4b:s21+s6], $0x80, v5, vm2, $0xb8;
	[tilespmem:$0x1C900] =	vst v63  }
0x4ba: {  	s25 =	simm.s32 $0x17880  }
0x4bb: {  	[tilespmem:s25], [sflag:$0x3] =	stream.indirect_vreg.gather [hbm4b:s24+s6], $0x80, v5, vm2, $0xb8;
	[tilespmem:$0x1C900] =	vst v63  }
0x4bc: {  	v5 =	vld [tilespmem:$0x1C610];
	_ =	sdelay $0x4  }
0x4bd: {  	v6 =	vshll.u32 v5, $0x3  }
0x4be: {  	v5 =	vand.u32 $0x7, v5;
	v6 =	vand.u32 $0xFFFFFFC0, v6  }
0x4bf: {  	v5 =	vor.u32 v5, v6  }
0x4c0: {  	v6 =	vperm.xlane v5, v2;
	_ =	sdelay $0x1  }
0x4c1: {  	v6 =	vadd.s32 v3, v6;
	_ =	sdelay $0x3  }
0x4c2: {  	s25 =	simm.s32 $0x18080  }
0x4c3: {  	[tilespmem:s25], [sflag:$0x3] =	stream.indirect_vreg.gather [hbm4b:s1+s6], $0x80, v6, vm2, $0xb8;
	[tilespmem:$0x1C900] =	vst v63  }
0x4c4: {  	v5 =	vperm.xlane v5, v4;
	s25 =	simm.s32 $0x18880  }
0x4c5: {  	[tilespmem:s25], [sflag:$0x3] =	stream.indirect_vreg.gather [hbm4b:s19+s6], $0x80, v6, vm2, $0xb8;
	[tilespmem:$0x1C900] =	vst v63  }
0x4c6: {  	v5 =	vadd.s32 v3, v5;
	s25 =	simm.s32 $0x19080  }
0x4c7: {  	[tilespmem:s25], [sflag:$0x3] =	stream.indirect_vreg.gather [hbm4b:s21+s6], $0x80, v6, vm2, $0xb8;
	[tilespmem:$0x1C900] =	vst v63  }
0x4c8: {  	s25 =	simm.s32 $0x19880  }
0x4c9: {  	[tilespmem:s25], [sflag:$0x3] =	stream.indirect_vreg.gather [hbm4b:s24+s6], $0x80, v6, vm2, $0xb8;
	[tilespmem:$0x1C900] =	vst v63  }
0x4ca: {  	s25 =	simm.s32 $0x1A080  }
0x4cb: {  	[tilespmem:s25], [sflag:$0x3] =	stream.indirect_vreg.gather [hbm4b:s1+s6], $0x80, v5, vm2, $0xb8;
	[tilespmem:$0x1C900] =	vst v63  }
0x4cc: {  	s25 =	simm.s32 $0x1A880  }
0x4cd: {  	[tilespmem:s25], [sflag:$0x3] =	stream.indirect_vreg.gather [hbm4b:s19+s6], $0x80, v5, vm2, $0xb8;
	[tilespmem:$0x1C900] =	vst v63  }
.Ltmp51:
0x4ce: {  	_ = 	snop;
	(pc) =	sbr.rel .LBB2_96-.Ltmp51, $4  }
0x4cf: {  	s25 =	simm.s32 $0x1B080  }
0x4d0: {  	[tilespmem:s25], [sflag:$0x3] =	stream.indirect_vreg.gather [hbm4b:s21+s6], $0x80, v5, vm2, $0xb8;
	[tilespmem:$0x1C900] =	vst v63  }
0x4d1: {  	s25 =	simm.s32 $0x1B880  }
0x4d2: {  	[tilespmem:s25], [sflag:$0x3] =	stream.indirect_vreg.gather [hbm4b:s24+s6], $0x80, v5, vm2, $0xb8;
	[tilespmem:$0x1C900] =	vst v63  }
.LBB2_95:
.Ltmp52:
0x4d3: {  	(pc) =	sbr.rel @p4 .LBB2_97-.Ltmp52, $1  }
0x4d4: {  	_ =	sdelay $0x3  }
.LBB2_96:
0x4d5: {  	_ =	swait.ge [sflag:s7], $0x8000  }
0x4d6: {  	[sflag:s7] =	ssyncset.done $0x0  }
0x4d7: {  	[sflag:s7] =	ssyncadd.s32 $0xFFFF8000  }
0x4d8: {  	[hbm4b:s30+s6] =	stream.linear.scatter [tilespmem:s31], [sflag:$0x5], $0x8000, $0x38;
	[tilespmem:$0x1C900] =	vst v63  }
.LBB2_98:
0x4d9: {  	_ =	swait.ge [sflag:s13], $0x8000  }
0x4da: {  	[sflag:s13] =	ssyncset.done $0x0  }
0x4db: {  	[sflag:s13] =	ssyncadd.s32 $0xFFFF8000  }
.LBB2_99:
0x4dc: {  	s22 =	sadd.s32 $0x180, s20;
	p2 =	slt.s32 s18, $0xD  }
.Ltmp53:
0x4dd: {  	s25 =	sadd.s32 $0x190, s20;
	v5 =	vadd.s32 s22, v0;
	(pc) =	sbr.rel @p2 .LBB2_101-.Ltmp53, $4  }
0x4de: {  	v6 =	vadd.s32 s25, v0;
	vm3 =	vlt.s32 v5, $0x1FFF  }
0x4df: {  	v5 =	vnsel vm3, $0x1FFF, v5;
	vm3 =	vlt.s32 v6, $0x1FFF  }
0x4e0: {  	[tilespmem:$0x1C680] =	vst v5;
	v6 =	vnsel vm3, $0x1FFF, v6  }
0x4e1: {  	[tilespmem:$0x1C690] =	vst v6  }
0x4e2: {  	v6 =	vshll.u32 v5, $0x3  }
0x4e3: {  	v5 =	vand.u32 $0x7, v5;
	v6 =	vand.u32 $0xFFFFFFC0, v6  }
0x4e4: {  	v5 =	vor.u32 v5, v6  }
0x4e5: {  	v6 =	vperm.xlane v5, v2;
	_ =	sdelay $0x1  }
0x4e6: {  	v6 =	vadd.s32 v3, v6;
	_ =	sdelay $0x4  }
0x4e7: {  	[tilespmem:s0], [sflag:$0x1] =	stream.indirect_vreg.gather [hbm4b:s1+s6], $0x80, v6, vm2, $0xb8;
	[tilespmem:$0x1C900] =	vst v63  }
0x4e8: {  	v5 =	vperm.xlane v5, v4  }
0x4e9: {  	[tilespmem:s28], [sflag:$0x1] =	stream.indirect_vreg.gather [hbm4b:s19+s6], $0x80, v6, vm2, $0xb8;
	[tilespmem:$0x1C900] =	vst v63  }
0x4ea: {  	s22 =	simm.s32 $0x5080;
	v5 =	vadd.s32 v3, v5  }
0x4eb: {  	[tilespmem:s22], [sflag:$0x1] =	stream.indirect_vreg.gather [hbm4b:s21+s6], $0x80, v6, vm2, $0xb8;
	[tilespmem:$0x1C900] =	vst v63  }
0x4ec: {  	s25 =	simm.s32 $0x5880  }
0x4ed: {  	[tilespmem:s25], [sflag:$0x1] =	stream.indirect_vreg.gather [hbm4b:s24+s6], $0x80, v6, vm2, $0xb8;
	[tilespmem:$0x1C900] =	vst v63  }
0x4ee: {  	s25 =	simm.s32 $0x6080  }
0x4ef: {  	[tilespmem:s25], [sflag:$0x1] =	stream.indirect_vreg.gather [hbm4b:s1+s6], $0x80, v5, vm2, $0xb8;
	[tilespmem:$0x1C900] =	vst v63  }
0x4f0: {  	s25 =	simm.s32 $0x6880  }
0x4f1: {  	[tilespmem:s25], [sflag:$0x1] =	stream.indirect_vreg.gather [hbm4b:s19+s6], $0x80, v5, vm2, $0xb8;
	[tilespmem:$0x1C900] =	vst v63  }
0x4f2: {  	s25 =	simm.s32 $0x7080  }
0x4f3: {  	[tilespmem:s25], [sflag:$0x1] =	stream.indirect_vreg.gather [hbm4b:s21+s6], $0x80, v5, vm2, $0xb8;
	[tilespmem:$0x1C900] =	vst v63  }
0x4f4: {  	s25 =	simm.s32 $0x7880  }
0x4f5: {  	[tilespmem:s25], [sflag:$0x1] =	stream.indirect_vreg.gather [hbm4b:s24+s6], $0x80, v5, vm2, $0xb8;
	[tilespmem:$0x1C900] =	vst v63  }
0x4f6: {  	v5 =	vld [tilespmem:$0x1C690];
	_ =	sdelay $0x4  }
0x4f7: {  	v6 =	vshll.u32 v5, $0x3  }
0x4f8: {  	v5 =	vand.u32 $0x7, v5;
	v6 =	vand.u32 $0xFFFFFFC0, v6  }
0x4f9: {  	v5 =	vor.u32 v5, v6  }
0x4fa: {  	v6 =	vperm.xlane v5, v2;
	_ =	sdelay $0x1  }
0x4fb: {  	v6 =	vadd.s32 v3, v6;
	_ =	sdelay $0x3  }
0x4fc: {  	s25 =	simm.s32 $0x8080  }
0x4fd: {  	[tilespmem:s25], [sflag:$0x1] =	stream.indirect_vreg.gather [hbm4b:s1+s6], $0x80, v6, vm2, $0xb8;
	[tilespmem:$0x1C900] =	vst v63  }
0x4fe: {  	v5 =	vperm.xlane v5, v4;
	s25 =	simm.s32 $0x8880  }
0x4ff: {  	[tilespmem:s25], [sflag:$0x1] =	stream.indirect_vreg.gather [hbm4b:s19+s6], $0x80, v6, vm2, $0xb8;
	[tilespmem:$0x1C900] =	vst v63  }
0x500: {  	v5 =	vadd.s32 v3, v5;
	s25 =	simm.s32 $0x9080  }
0x501: {  	[tilespmem:s25], [sflag:$0x1] =	stream.indirect_vreg.gather [hbm4b:s21+s6], $0x80, v6, vm2, $0xb8;
	[tilespmem:$0x1C900] =	vst v63  }
0x502: {  	s25 =	simm.s32 $0x9880  }
0x503: {  	[tilespmem:s25], [sflag:$0x1] =	stream.indirect_vreg.gather [hbm4b:s24+s6], $0x80, v6, vm2, $0xb8;
	[tilespmem:$0x1C900] =	vst v63  }
0x504: {  	s25 =	simm.s32 $0xA080  }
0x505: {  	[tilespmem:s25], [sflag:$0x1] =	stream.indirect_vreg.gather [hbm4b:s1+s6], $0x80, v5, vm2, $0xb8;
	[tilespmem:$0x1C900] =	vst v63  }
0x506: {  	s25 =	simm.s32 $0xA880  }
0x507: {  	[tilespmem:s25], [sflag:$0x1] =	stream.indirect_vreg.gather [hbm4b:s19+s6], $0x80, v5, vm2, $0xb8;
	[tilespmem:$0x1C900] =	vst v63  }
.Ltmp54:
0x508: {  	_ = 	snop;
	(pc) =	sbr.rel .LBB2_102-.Ltmp54, $4  }
0x509: {  	s25 =	simm.s32 $0xB080  }
0x50a: {  	[tilespmem:s25], [sflag:$0x1] =	stream.indirect_vreg.gather [hbm4b:s21+s6], $0x80, v5, vm2, $0xb8;
	[tilespmem:$0x1C900] =	vst v63  }
0x50b: {  	s25 =	simm.s32 $0xB880  }
0x50c: {  	[tilespmem:s25], [sflag:$0x1] =	stream.indirect_vreg.gather [hbm4b:s24+s6], $0x80, v5, vm2, $0xb8;
	[tilespmem:$0x1C900] =	vst v63  }
.LBB2_101:
.Ltmp55:
0x50d: {  	(pc) =	sbr.rel @p0 .LBB2_103-.Ltmp55, $1  }
0x50e: {  	_ =	sdelay $0x3  }
.LBB2_102:
0x50f: {  	s22 =	sld [smem:$0x7F2]  }
0x510: {  	_ =	swait.ge [sflag:s12], $0x8000  }
0x511: {  	[sflag:s12] =	ssyncset.done $0x0  }
0x512: {  	[sflag:s12] =	ssyncadd.s32 $0xFFFF8000;
	p3 =	seq.s32 s22, $0x1  }
0x513: {  	[hbm4b:s2+s6] =	stream.linear.scatter [tilespmem:s9], [sflag:$0x6], $0x8000, $0x38;
	[tilespmem:$0x1C900] =	vst v63  }
.LBB2_104:
0x514: {  	_ =	swait.ge [sflag:s17], $0x8000  }
0x515: {  	[sflag:s17] =	ssyncset.done $0x0  }
0x516: {  	[sflag:s17] =	ssyncadd.s32 $0xFFFF8000  }
.LBB2_105:
0x517: {  	s22 =	sadd.s32 $0x1A0, s20;
	p1 =	slt.s32 s18, $0xE  }
.Ltmp56:
0x518: {  	s25 =	sadd.s32 $0x1B0, s20;
	v5 =	vadd.s32 s22, v0;
	(pc) =	sbr.rel @p1 .LBB2_107-.Ltmp56, $4  }
0x519: {  	v6 =	vadd.s32 s25, v0;
	vm3 =	vlt.s32 v5, $0x1FFF  }
0x51a: {  	v5 =	vnsel vm3, $0x1FFF, v5;
	vm3 =	vlt.s32 v6, $0x1FFF  }
0x51b: {  	[tilespmem:$0x1C700] =	vst v5;
	v6 =	vnsel vm3, $0x1FFF, v6  }
0x51c: {  	[tilespmem:$0x1C710] =	vst v6  }
0x51d: {  	v6 =	vshll.u32 v5, $0x3  }
0x51e: {  	v5 =	vand.u32 $0x7, v5;
	v6 =	vand.u32 $0xFFFFFFC0, v6  }
0x51f: {  	v5 =	vor.u32 v5, v6  }
0x520: {  	v6 =	vperm.xlane v5, v2;
	_ =	sdelay $0x1  }
0x521: {  	v6 =	vadd.s32 v3, v6;
	_ =	sdelay $0x4  }
0x522: {  	[tilespmem:s31], [sflag:$0x2] =	stream.indirect_vreg.gather [hbm4b:s1+s6], $0x80, v6, vm2, $0xb8;
	[tilespmem:$0x1C900] =	vst v63  }
0x523: {  	s22 =	simm.s32 $0xC880;
	v5 =	vperm.xlane v5, v4  }
0x524: {  	[tilespmem:s22], [sflag:$0x2] =	stream.indirect_vreg.gather [hbm4b:s19+s6], $0x80, v6, vm2, $0xb8;
	[tilespmem:$0x1C900] =	vst v63  }
0x525: {  	s25 =	simm.s32 $0xD080;
	v5 =	vadd.s32 v3, v5  }
0x526: {  	[tilespmem:s25], [sflag:$0x2] =	stream.indirect_vreg.gather [hbm4b:s21+s6], $0x80, v6, vm2, $0xb8;
	[tilespmem:$0x1C900] =	vst v63  }
0x527: {  	s25 =	simm.s32 $0xD880  }
0x528: {  	[tilespmem:s25], [sflag:$0x2] =	stream.indirect_vreg.gather [hbm4b:s24+s6], $0x80, v6, vm2, $0xb8;
	[tilespmem:$0x1C900] =	vst v63  }
0x529: {  	s25 =	simm.s32 $0xE080  }
0x52a: {  	[tilespmem:s25], [sflag:$0x2] =	stream.indirect_vreg.gather [hbm4b:s1+s6], $0x80, v5, vm2, $0xb8;
	[tilespmem:$0x1C900] =	vst v63  }
0x52b: {  	s25 =	simm.s32 $0xE880  }
0x52c: {  	[tilespmem:s25], [sflag:$0x2] =	stream.indirect_vreg.gather [hbm4b:s19+s6], $0x80, v5, vm2, $0xb8;
	[tilespmem:$0x1C900] =	vst v63  }
0x52d: {  	s25 =	simm.s32 $0xF080  }
0x52e: {  	[tilespmem:s25], [sflag:$0x2] =	stream.indirect_vreg.gather [hbm4b:s21+s6], $0x80, v5, vm2, $0xb8;
	[tilespmem:$0x1C900] =	vst v63  }
0x52f: {  	s25 =	simm.s32 $0xF880  }
0x530: {  	[tilespmem:s25], [sflag:$0x2] =	stream.indirect_vreg.gather [hbm4b:s24+s6], $0x80, v5, vm2, $0xb8;
	[tilespmem:$0x1C900] =	vst v63  }
0x531: {  	v5 =	vld [tilespmem:$0x1C710];
	_ =	sdelay $0x4  }
0x532: {  	v6 =	vshll.u32 v5, $0x3  }
0x533: {  	v5 =	vand.u32 $0x7, v5;
	v6 =	vand.u32 $0xFFFFFFC0, v6  }
0x534: {  	v5 =	vor.u32 v5, v6  }
0x535: {  	v6 =	vperm.xlane v5, v2;
	_ =	sdelay $0x1  }
0x536: {  	v6 =	vadd.s32 v3, v6;
	_ =	sdelay $0x3  }
0x537: {  	s25 =	simm.s32 $0x10080  }
0x538: {  	[tilespmem:s25], [sflag:$0x2] =	stream.indirect_vreg.gather [hbm4b:s1+s6], $0x80, v6, vm2, $0xb8;
	[tilespmem:$0x1C900] =	vst v63  }
0x539: {  	v5 =	vperm.xlane v5, v4;
	s25 =	simm.s32 $0x10880  }
0x53a: {  	[tilespmem:s25], [sflag:$0x2] =	stream.indirect_vreg.gather [hbm4b:s19+s6], $0x80, v6, vm2, $0xb8;
	[tilespmem:$0x1C900] =	vst v63  }
0x53b: {  	v5 =	vadd.s32 v3, v5;
	s25 =	simm.s32 $0x11080  }
0x53c: {  	[tilespmem:s25], [sflag:$0x2] =	stream.indirect_vreg.gather [hbm4b:s21+s6], $0x80, v6, vm2, $0xb8;
	[tilespmem:$0x1C900] =	vst v63  }
0x53d: {  	s25 =	simm.s32 $0x11880  }
0x53e: {  	[tilespmem:s25], [sflag:$0x2] =	stream.indirect_vreg.gather [hbm4b:s24+s6], $0x80, v6, vm2, $0xb8;
	[tilespmem:$0x1C900] =	vst v63  }
0x53f: {  	s25 =	simm.s32 $0x12080  }
0x540: {  	[tilespmem:s25], [sflag:$0x2] =	stream.indirect_vreg.gather [hbm4b:s1+s6], $0x80, v5, vm2, $0xb8;
	[tilespmem:$0x1C900] =	vst v63  }
0x541: {  	s25 =	simm.s32 $0x12880  }
0x542: {  	[tilespmem:s25], [sflag:$0x2] =	stream.indirect_vreg.gather [hbm4b:s19+s6], $0x80, v5, vm2, $0xb8;
	[tilespmem:$0x1C900] =	vst v63  }
.Ltmp57:
0x543: {  	_ = 	snop;
	(pc) =	sbr.rel .LBB2_108-.Ltmp57, $4  }
0x544: {  	s25 =	simm.s32 $0x13080  }
0x545: {  	[tilespmem:s25], [sflag:$0x2] =	stream.indirect_vreg.gather [hbm4b:s21+s6], $0x80, v5, vm2, $0xb8;
	[tilespmem:$0x1C900] =	vst v63  }
0x546: {  	s25 =	simm.s32 $0x13880  }
0x547: {  	[tilespmem:s25], [sflag:$0x2] =	stream.indirect_vreg.gather [hbm4b:s24+s6], $0x80, v5, vm2, $0xb8;
	[tilespmem:$0x1C900] =	vst v63  }
.LBB2_107:
.Ltmp58:
0x548: {  	(pc) =	sbr.rel @p2 .LBB2_109-.Ltmp58, $1  }
0x549: {  	_ =	sdelay $0x3  }
.LBB2_108:
0x54a: {  	_ =	swait.ge [sflag:s23], $0x8000  }
0x54b: {  	[sflag:s23] =	ssyncset.done $0x0  }
0x54c: {  	[sflag:s23] =	ssyncadd.s32 $0xFFFF8000  }
0x54d: {  	[hbm4b:s4+s6] =	stream.linear.scatter [tilespmem:s0], [sflag:$0x4], $0x8000, $0x38;
	[tilespmem:$0x1C900] =	vst v63  }
.LBB2_110:
0x54e: {  	_ =	swait.ge [sflag:s10], $0x8000  }
0x54f: {  	[sflag:s10] =	ssyncset.done $0x0  }
0x550: {  	[sflag:s10] =	ssyncadd.s32 $0xFFFF8000  }
.LBB2_111:
0x551: {  	s22 =	sadd.s32 $0x1C0, s20;
	p0 =	slt.s32 s18, $0xF  }
.Ltmp59:
0x552: {  	s25 =	sadd.s32 $0x1D0, s20;
	v5 =	vadd.s32 s22, v0;
	(pc) =	sbr.rel @p0 .LBB2_113-.Ltmp59, $4  }
0x553: {  	v6 =	vadd.s32 s25, v0;
	vm3 =	vlt.s32 v5, $0x1FFF  }
0x554: {  	v5 =	vnsel vm3, $0x1FFF, v5;
	vm3 =	vlt.s32 v6, $0x1FFF  }
0x555: {  	[tilespmem:$0x1C780] =	vst v5;
	v6 =	vnsel vm3, $0x1FFF, v6  }
0x556: {  	[tilespmem:$0x1C790] =	vst v6  }
0x557: {  	v6 =	vshll.u32 v5, $0x3  }
0x558: {  	v5 =	vand.u32 $0x7, v5;
	v6 =	vand.u32 $0xFFFFFFC0, v6  }
0x559: {  	v5 =	vor.u32 v5, v6  }
0x55a: {  	v6 =	vperm.xlane v5, v2;
	_ =	sdelay $0x1  }
0x55b: {  	v6 =	vadd.s32 v3, v6;
	_ =	sdelay $0x4  }
0x55c: {  	[tilespmem:s9], [sflag:$0x3] =	stream.indirect_vreg.gather [hbm4b:s1+s6], $0x80, v6, vm2, $0xb8;
	[tilespmem:$0x1C900] =	vst v63  }
0x55d: {  	s22 =	simm.s32 $0x14880;
	v5 =	vperm.xlane v5, v4  }
0x55e: {  	[tilespmem:s22], [sflag:$0x3] =	stream.indirect_vreg.gather [hbm4b:s19+s6], $0x80, v6, vm2, $0xb8;
	[tilespmem:$0x1C900] =	vst v63  }
0x55f: {  	s25 =	simm.s32 $0x15080;
	v5 =	vadd.s32 v3, v5  }
0x560: {  	[tilespmem:s25], [sflag:$0x3] =	stream.indirect_vreg.gather [hbm4b:s21+s6], $0x80, v6, vm2, $0xb8;
	[tilespmem:$0x1C900] =	vst v63  }
0x561: {  	s25 =	simm.s32 $0x15880  }
0x562: {  	[tilespmem:s25], [sflag:$0x3] =	stream.indirect_vreg.gather [hbm4b:s24+s6], $0x80, v6, vm2, $0xb8;
	[tilespmem:$0x1C900] =	vst v63  }
0x563: {  	s25 =	simm.s32 $0x16080  }
0x564: {  	[tilespmem:s25], [sflag:$0x3] =	stream.indirect_vreg.gather [hbm4b:s1+s6], $0x80, v5, vm2, $0xb8;
	[tilespmem:$0x1C900] =	vst v63  }
0x565: {  	s25 =	simm.s32 $0x16880  }
0x566: {  	[tilespmem:s25], [sflag:$0x3] =	stream.indirect_vreg.gather [hbm4b:s19+s6], $0x80, v5, vm2, $0xb8;
	[tilespmem:$0x1C900] =	vst v63  }
0x567: {  	s25 =	simm.s32 $0x17080  }
0x568: {  	[tilespmem:s25], [sflag:$0x3] =	stream.indirect_vreg.gather [hbm4b:s21+s6], $0x80, v5, vm2, $0xb8;
	[tilespmem:$0x1C900] =	vst v63  }
0x569: {  	s25 =	simm.s32 $0x17880  }
0x56a: {  	[tilespmem:s25], [sflag:$0x3] =	stream.indirect_vreg.gather [hbm4b:s24+s6], $0x80, v5, vm2, $0xb8;
	[tilespmem:$0x1C900] =	vst v63  }
0x56b: {  	v5 =	vld [tilespmem:$0x1C790];
	_ =	sdelay $0x4  }
0x56c: {  	v6 =	vshll.u32 v5, $0x3  }
0x56d: {  	v5 =	vand.u32 $0x7, v5;
	v6 =	vand.u32 $0xFFFFFFC0, v6  }
0x56e: {  	v5 =	vor.u32 v5, v6  }
0x56f: {  	v6 =	vperm.xlane v5, v2;
	_ =	sdelay $0x1  }
0x570: {  	v6 =	vadd.s32 v3, v6;
	_ =	sdelay $0x3  }
0x571: {  	s25 =	simm.s32 $0x18080  }
0x572: {  	[tilespmem:s25], [sflag:$0x3] =	stream.indirect_vreg.gather [hbm4b:s1+s6], $0x80, v6, vm2, $0xb8;
	[tilespmem:$0x1C900] =	vst v63  }
0x573: {  	v5 =	vperm.xlane v5, v4;
	s25 =	simm.s32 $0x18880  }
0x574: {  	[tilespmem:s25], [sflag:$0x3] =	stream.indirect_vreg.gather [hbm4b:s19+s6], $0x80, v6, vm2, $0xb8;
	[tilespmem:$0x1C900] =	vst v63  }
0x575: {  	v5 =	vadd.s32 v3, v5;
	s25 =	simm.s32 $0x19080  }
0x576: {  	[tilespmem:s25], [sflag:$0x3] =	stream.indirect_vreg.gather [hbm4b:s21+s6], $0x80, v6, vm2, $0xb8;
	[tilespmem:$0x1C900] =	vst v63  }
0x577: {  	s25 =	simm.s32 $0x19880  }
0x578: {  	[tilespmem:s25], [sflag:$0x3] =	stream.indirect_vreg.gather [hbm4b:s24+s6], $0x80, v6, vm2, $0xb8;
	[tilespmem:$0x1C900] =	vst v63  }
0x579: {  	s25 =	simm.s32 $0x1A080  }
0x57a: {  	[tilespmem:s25], [sflag:$0x3] =	stream.indirect_vreg.gather [hbm4b:s1+s6], $0x80, v5, vm2, $0xb8;
	[tilespmem:$0x1C900] =	vst v63  }
0x57b: {  	s25 =	simm.s32 $0x1A880  }
0x57c: {  	[tilespmem:s25], [sflag:$0x3] =	stream.indirect_vreg.gather [hbm4b:s19+s6], $0x80, v5, vm2, $0xb8;
	[tilespmem:$0x1C900] =	vst v63  }
.Ltmp60:
0x57d: {  	_ = 	snop;
	(pc) =	sbr.rel .LBB2_114-.Ltmp60, $4  }
0x57e: {  	s25 =	simm.s32 $0x1B080  }
0x57f: {  	[tilespmem:s25], [sflag:$0x3] =	stream.indirect_vreg.gather [hbm4b:s21+s6], $0x80, v5, vm2, $0xb8;
	[tilespmem:$0x1C900] =	vst v63  }
0x580: {  	s25 =	simm.s32 $0x1B880  }
0x581: {  	[tilespmem:s25], [sflag:$0x3] =	stream.indirect_vreg.gather [hbm4b:s24+s6], $0x80, v5, vm2, $0xb8;
	[tilespmem:$0x1C900] =	vst v63  }
.LBB2_113:
.Ltmp61:
0x582: {  	(pc) =	sbr.rel @p1 .LBB2_115-.Ltmp61, $1  }
0x583: {  	_ =	sdelay $0x3  }
.LBB2_114:
0x584: {  	_ =	swait.ge [sflag:s7], $0x8000  }
0x585: {  	[sflag:s7] =	ssyncset.done $0x0  }
0x586: {  	[sflag:s7] =	ssyncadd.s32 $0xFFFF8000  }
0x587: {  	[hbm4b:s3+s6] =	stream.linear.scatter [tilespmem:s31], [sflag:$0x5], $0x8000, $0x38;
	[tilespmem:$0x1C900] =	vst v63  }
.LBB2_116:
0x588: {  	_ =	swait.ge [sflag:s13], $0x8000  }
0x589: {  	[sflag:s13] =	ssyncset.done $0x0  }
0x58a: {  	[sflag:s13] =	ssyncadd.s32 $0xFFFF8000  }
.LBB2_117:
0x58b: {  	s22 =	sadd.s32 $0x1E0, s20;
	p1 =	slt.s32 s18, $0x10  }
.Ltmp62:
0x58c: {  	s25 =	sadd.s32 $0x1F0, s20;
	v5 =	vadd.s32 s22, v0;
	(pc) =	sbr.rel @p1 .LBB2_119-.Ltmp62, $4  }
0x58d: {  	v6 =	vadd.s32 s25, v0;
	vm3 =	vlt.s32 v5, $0x1FFF  }
0x58e: {  	v5 =	vnsel vm3, $0x1FFF, v5;
	vm3 =	vlt.s32 v6, $0x1FFF  }
0x58f: {  	[tilespmem:$0x1C800] =	vst v5;
	v6 =	vnsel vm3, $0x1FFF, v6  }
0x590: {  	[tilespmem:$0x1C810] =	vst v6  }
0x591: {  	v6 =	vshll.u32 v5, $0x3  }
0x592: {  	v5 =	vand.u32 $0x7, v5;
	v6 =	vand.u32 $0xFFFFFFC0, v6  }
0x593: {  	v5 =	vor.u32 v5, v6  }
0x594: {  	v6 =	vperm.xlane v5, v2;
	_ =	sdelay $0x1  }
0x595: {  	v6 =	vadd.s32 v3, v6;
	_ =	sdelay $0x4  }
0x596: {  	[tilespmem:s0], [sflag:$0x1] =	stream.indirect_vreg.gather [hbm4b:s1+s6], $0x80, v6, vm2, $0xb8;
	[tilespmem:$0x1C900] =	vst v63  }
0x597: {  	v5 =	vperm.xlane v5, v4  }
0x598: {  	[tilespmem:s28], [sflag:$0x1] =	stream.indirect_vreg.gather [hbm4b:s19+s6], $0x80, v6, vm2, $0xb8;
	[tilespmem:$0x1C900] =	vst v63  }
0x599: {  	s22 =	simm.s32 $0x5080;
	v5 =	vadd.s32 v3, v5  }
0x59a: {  	[tilespmem:s22], [sflag:$0x1] =	stream.indirect_vreg.gather [hbm4b:s21+s6], $0x80, v6, vm2, $0xb8;
	[tilespmem:$0x1C900] =	vst v63  }
0x59b: {  	s28 =	simm.s32 $0x5880  }
0x59c: {  	[tilespmem:s28], [sflag:$0x1] =	stream.indirect_vreg.gather [hbm4b:s24+s6], $0x80, v6, vm2, $0xb8;
	[tilespmem:$0x1C900] =	vst v63  }
0x59d: {  	s25 =	simm.s32 $0x6080  }
0x59e: {  	[tilespmem:s25], [sflag:$0x1] =	stream.indirect_vreg.gather [hbm4b:s1+s6], $0x80, v5, vm2, $0xb8;
	[tilespmem:$0x1C900] =	vst v63  }
0x59f: {  	s28 =	simm.s32 $0x6880  }
0x5a0: {  	[tilespmem:s28], [sflag:$0x1] =	stream.indirect_vreg.gather [hbm4b:s19+s6], $0x80, v5, vm2, $0xb8;
	[tilespmem:$0x1C900] =	vst v63  }
0x5a1: {  	s25 =	simm.s32 $0x7080  }
0x5a2: {  	[tilespmem:s25], [sflag:$0x1] =	stream.indirect_vreg.gather [hbm4b:s21+s6], $0x80, v5, vm2, $0xb8;
	[tilespmem:$0x1C900] =	vst v63  }
0x5a3: {  	s28 =	simm.s32 $0x7880  }
0x5a4: {  	[tilespmem:s28], [sflag:$0x1] =	stream.indirect_vreg.gather [hbm4b:s24+s6], $0x80, v5, vm2, $0xb8;
	[tilespmem:$0x1C900] =	vst v63  }
0x5a5: {  	v5 =	vld [tilespmem:$0x1C810];
	_ =	sdelay $0x4  }
0x5a6: {  	v6 =	vshll.u32 v5, $0x3  }
0x5a7: {  	v5 =	vand.u32 $0x7, v5;
	v6 =	vand.u32 $0xFFFFFFC0, v6  }
0x5a8: {  	v5 =	vor.u32 v5, v6  }
0x5a9: {  	v6 =	vperm.xlane v5, v2;
	_ =	sdelay $0x1  }
0x5aa: {  	v6 =	vadd.s32 v3, v6;
	_ =	sdelay $0x3  }
0x5ab: {  	s25 =	simm.s32 $0x8080  }
0x5ac: {  	[tilespmem:s25], [sflag:$0x1] =	stream.indirect_vreg.gather [hbm4b:s1+s6], $0x80, v6, vm2, $0xb8;
	[tilespmem:$0x1C900] =	vst v63  }
0x5ad: {  	s28 =	simm.s32 $0x8880;
	v5 =	vperm.xlane v5, v4  }
0x5ae: {  	[tilespmem:s28], [sflag:$0x1] =	stream.indirect_vreg.gather [hbm4b:s19+s6], $0x80, v6, vm2, $0xb8;
	[tilespmem:$0x1C900] =	vst v63  }
0x5af: {  	v5 =	vadd.s32 v3, v5;
	s25 =	simm.s32 $0x9080  }
0x5b0: {  	[tilespmem:s25], [sflag:$0x1] =	stream.indirect_vreg.gather [hbm4b:s21+s6], $0x80, v6, vm2, $0xb8;
	[tilespmem:$0x1C900] =	vst v63  }
0x5b1: {  	s28 =	simm.s32 $0x9880  }
0x5b2: {  	[tilespmem:s28], [sflag:$0x1] =	stream.indirect_vreg.gather [hbm4b:s24+s6], $0x80, v6, vm2, $0xb8;
	[tilespmem:$0x1C900] =	vst v63  }
0x5b3: {  	s25 =	simm.s32 $0xA080  }
0x5b4: {  	[tilespmem:s25], [sflag:$0x1] =	stream.indirect_vreg.gather [hbm4b:s1+s6], $0x80, v5, vm2, $0xb8;
	[tilespmem:$0x1C900] =	vst v63  }
0x5b5: {  	s28 =	simm.s32 $0xA880  }
0x5b6: {  	[tilespmem:s28], [sflag:$0x1] =	stream.indirect_vreg.gather [hbm4b:s19+s6], $0x80, v5, vm2, $0xb8;
	[tilespmem:$0x1C900] =	vst v63  }
.Ltmp63:
0x5b7: {  	_ = 	snop;
	(pc) =	sbr.rel .LBB2_120-.Ltmp63, $4  }
0x5b8: {  	s25 =	simm.s32 $0xB080  }
0x5b9: {  	[tilespmem:s25], [sflag:$0x1] =	stream.indirect_vreg.gather [hbm4b:s21+s6], $0x80, v5, vm2, $0xb8;
	[tilespmem:$0x1C900] =	vst v63  }
0x5ba: {  	s28 =	simm.s32 $0xB880  }
0x5bb: {  	[tilespmem:s28], [sflag:$0x1] =	stream.indirect_vreg.gather [hbm4b:s24+s6], $0x80, v5, vm2, $0xb8;
	[tilespmem:$0x1C900] =	vst v63  }
.LBB2_119:
.Ltmp64:
0x5bc: {  	(pc) =	sbr.rel @p0 .LBB2_128-.Ltmp64, $1  }
0x5bd: {  	_ =	sdelay $0x3  }
.LBB2_120:
0x5be: {  	_ =	swait.ge [sflag:s12], $0x8000  }
0x5bf: {  	[sflag:s12] =	ssyncset.done $0x0  }
0x5c0: {  	s22 =	simm.s32 @!p1 $0x1;
	[sflag:s12] =	ssyncadd.s32 $0xFFFF8000  }
0x5c1: {  	[hbm4b:s11+s6] =	stream.linear.scatter [tilespmem:s9], [sflag:$0x6], $0x8000, $0x38;
	[tilespmem:$0x1C900] =	vst v63  }
0x5c2: {  	_ =	swait.ge @!p1 [sflag:s22], $0x8000  }
0x5c3: {  	s25 =	simm.s32 @!p1 $0x4080;
	[sflag:s22] =	ssyncset.done @!p1 $0x0  }
0x5c4: {  	s28 =	simm.s32 @!p1 $0x5;
	[sflag:s22] =	ssyncadd.s32 @!p1 $0xFFFF8000;
	s22 =	simm.s32 @!p1 $0x0  }
0x5c5: {  	[hbm4b:s15+s22] =	stream.linear.scatter @!p1 [tilespmem:s25], [sflag:$0x4], $0x8000, $0x38;
	[tilespmem:$0x1C900] =	vst v63  }
0x5c6: {  	_ =	swait.ge @!p1 [sflag:s28], $0x8000  }
0x5c7: {  	s25 =	simm.s32 @!p1 $0x6;
	[sflag:s28] =	ssyncset.done @!p1 $0x0  }
0x5c8: {  	s25 =	simm.s32 @p1 $0x5;
	[sflag:s28] =	ssyncadd.s32 @!p1 $0xFFFF8000  }
0x5c9: {  	s22 =	simm.s32 @!p1 $0x4;
	_ =	swait.ge [sflag:s25], $0x8000  }
0x5ca: {  	s22 =	simm.s32 @p1 $0x6;
	[sflag:s25] =	ssyncset.done $0x0  }
0x5cb: {  	s28 =	simm.s32 $0x4880;
	p1 =	por p3, p3;
	[sflag:s25] =	ssyncadd.s32 $0xFFFF8000  }
.LBB2_121:
0x5cc: {  	_ =	swait.ge [sflag:s22], $0x8000  }
0x5cd: {  	[sflag:s22] =	ssyncset.done $0x0  }
0x5ce: {  	[sflag:s22] =	ssyncadd.s32 $0xFFFF8000  }
.LBB2_122:
0x5cf: {  	s18 =	sshll.u32 s18, $0x5  }
0x5d0: {  	p4 =	seq.s32 s16, $0x0;
	s20 =	sadd.s32 s20, s18  }
.Ltmp65:
0x5d1: {  	v5 =	vadd.s32 s20, v0;
	s20 =	sadd.s32 $0x10, s20;
	(pc) =	sbr.rel @p4 .LBB2_126-.Ltmp65, $4  }
0x5d2: {  	vm3 =	vlt.s32 v5, $0x1FFF;
	v6 =	vadd.s32 s20, v0  }
0x5d3: {  	v5 =	vnsel vm3, $0x1FFF, v5;
	vm3 =	vlt.s32 v6, $0x1FFF  }
0x5d4: {  	[tilespmem:$0x1C880] =	vst v5;
	v6 =	vnsel vm3, $0x1FFF, v6  }
0x5d5: {  	[tilespmem:$0x1C890] =	vst v6  }
0x5d6: {  	v6 =	vshll.u32 v5, $0x3  }
0x5d7: {  	v5 =	vand.u32 $0x7, v5;
	v6 =	vand.u32 $0xFFFFFFC0, v6  }
0x5d8: {  	v5 =	vor.u32 v5, v6  }
0x5d9: {  	v6 =	vperm.xlane v5, v2;
	_ =	sdelay $0x1  }
0x5da: {  	v6 =	vadd.s32 v3, v6;
	_ =	sdelay $0x4  }
0x5db: {  	[tilespmem:s0], [sflag:$0x1] =	stream.indirect_vreg.gather [hbm4b:s1+s6], $0x80, v6, vm2, $0xb8;
	[tilespmem:$0x1C900] =	vst v63  }
0x5dc: {  	v5 =	vperm.xlane v5, v4  }
0x5dd: {  	[tilespmem:s28], [sflag:$0x1] =	stream.indirect_vreg.gather [hbm4b:s19+s6], $0x80, v6, vm2, $0xb8;
	[tilespmem:$0x1C900] =	vst v63  }
0x5de: {  	s20 =	simm.s32 $0x5080;
	v5 =	vadd.s32 v3, v5  }
0x5df: {  	[tilespmem:s20], [sflag:$0x1] =	stream.indirect_vreg.gather [hbm4b:s21+s6], $0x80, v6, vm2, $0xb8;
	[tilespmem:$0x1C900] =	vst v63  }
0x5e0: {  	s28 =	simm.s32 $0x5880  }
0x5e1: {  	[tilespmem:s28], [sflag:$0x1] =	stream.indirect_vreg.gather [hbm4b:s24+s6], $0x80, v6, vm2, $0xb8;
	[tilespmem:$0x1C900] =	vst v63  }
0x5e2: {  	s22 =	simm.s32 $0x6080  }
0x5e3: {  	[tilespmem:s22], [sflag:$0x1] =	stream.indirect_vreg.gather [hbm4b:s1+s6], $0x80, v5, vm2, $0xb8;
	[tilespmem:$0x1C900] =	vst v63  }
0x5e4: {  	s25 =	simm.s32 $0x6880  }
0x5e5: {  	[tilespmem:s25], [sflag:$0x1] =	stream.indirect_vreg.gather [hbm4b:s19+s6], $0x80, v5, vm2, $0xb8;
	[tilespmem:$0x1C900] =	vst v63  }
0x5e6: {  	s28 =	simm.s32 $0x7080  }
0x5e7: {  	[tilespmem:s28], [sflag:$0x1] =	stream.indirect_vreg.gather [hbm4b:s21+s6], $0x80, v5, vm2, $0xb8;
	[tilespmem:$0x1C900] =	vst v63  }
0x5e8: {  	s22 =	simm.s32 $0x7880  }
0x5e9: {  	[tilespmem:s22], [sflag:$0x1] =	stream.indirect_vreg.gather [hbm4b:s24+s6], $0x80, v5, vm2, $0xb8;
	[tilespmem:$0x1C900] =	vst v63  }
0x5ea: {  	v5 =	vld [tilespmem:$0x1C890];
	_ =	sdelay $0x4  }
0x5eb: {  	v6 =	vshll.u32 v5, $0x3  }
0x5ec: {  	v5 =	vand.u32 $0x7, v5;
	v6 =	vand.u32 $0xFFFFFFC0, v6  }
0x5ed: {  	v5 =	vor.u32 v5, v6  }
0x5ee: {  	v6 =	vperm.xlane v5, v2;
	_ =	sdelay $0x1  }
0x5ef: {  	v6 =	vadd.s32 v3, v6;
	_ =	sdelay $0x3  }
0x5f0: {  	s25 =	simm.s32 $0x8080  }
0x5f1: {  	[tilespmem:s25], [sflag:$0x1] =	stream.indirect_vreg.gather [hbm4b:s1+s6], $0x80, v6, vm2, $0xb8;
	[tilespmem:$0x1C900] =	vst v63  }
0x5f2: {  	s28 =	simm.s32 $0x8880;
	v5 =	vperm.xlane v5, v4  }
0x5f3: {  	[tilespmem:s28], [sflag:$0x1] =	stream.indirect_vreg.gather [hbm4b:s19+s6], $0x80, v6, vm2, $0xb8;
	[tilespmem:$0x1C900] =	vst v63  }
0x5f4: {  	s22 =	simm.s32 $0x9080;
	v5 =	vadd.s32 v3, v5  }
0x5f5: {  	[tilespmem:s22], [sflag:$0x1] =	stream.indirect_vreg.gather [hbm4b:s21+s6], $0x80, v6, vm2, $0xb8;
	[tilespmem:$0x1C900] =	vst v63  }
0x5f6: {  	s25 =	simm.s32 $0x9880  }
0x5f7: {  	[tilespmem:s25], [sflag:$0x1] =	stream.indirect_vreg.gather [hbm4b:s24+s6], $0x80, v6, vm2, $0xb8;
	[tilespmem:$0x1C900] =	vst v63  }
0x5f8: {  	s28 =	simm.s32 $0xA080  }
0x5f9: {  	[tilespmem:s28], [sflag:$0x1] =	stream.indirect_vreg.gather [hbm4b:s1+s6], $0x80, v5, vm2, $0xb8;
	[tilespmem:$0x1C900] =	vst v63  }
0x5fa: {  	s22 =	simm.s32 $0xA880  }
0x5fb: {  	[tilespmem:s22], [sflag:$0x1] =	stream.indirect_vreg.gather [hbm4b:s19+s6], $0x80, v5, vm2, $0xb8;
	[tilespmem:$0x1C900] =	vst v63  }
0x5fc: {  	s25 =	simm.s32 $0xB080  }
0x5fd: {  	[tilespmem:s25], [sflag:$0x1] =	stream.indirect_vreg.gather [hbm4b:s21+s6], $0x80, v5, vm2, $0xb8;
	[tilespmem:$0x1C900] =	vst v63  }
0x5fe: {  	s28 =	simm.s32 $0xB880  }
0x5ff: {  	[tilespmem:s28], [sflag:$0x1] =	stream.indirect_vreg.gather [hbm4b:s24+s6], $0x80, v5, vm2, $0xb8;
	[tilespmem:$0x1C900] =	vst v63  }
0x600: {  	_ =	swait.ge [sflag:s23], $0x8000  }
0x601: {  	s20 =	sshll.u32 s16, $0xA;
	[sflag:s23] =	ssyncset.done $0x0  }
0x602: {  	s16 =	sshll.u32 s16, $0x7;
	s22 =	sor.u32 $0xFFFF8000, s20;
	[sflag:s23] =	ssyncadd.s32 $0xFFFF8000  }
.LBB2_124:
0x603: {  	s25 =	sadd.s32 $0x8000, s22  }
0x604: {  	s28 =	sand.u32 $0x380, s16;
	s25 =	sand.u32 $0x6000, s25  }
0x605: {  	s25 =	sor.u32 s28, s25  }
0x606: {  	[tilespmem:s25+$0x4080] =	vst v1  }
0x607: {  	[tilespmem:s25+$0x4090] =	vst v1  }
0x608: {  	[tilespmem:s25+$0x40A0] =	vst v1  }
0x609: {  	[tilespmem:s25+$0x40B0] =	vst v1  }
0x60a: {  	[tilespmem:s25+$0x40C0] =	vst v1  }
0x60b: {  	[tilespmem:s25+$0x40D0] =	vst v1  }
0x60c: {  	[tilespmem:s25+$0x40E0] =	vst v1  }
0x60d: {  	[tilespmem:s25+$0x40F0] =	vst v1  }
0x60e: {  	[tilespmem:s25+$0x4480] =	vst v1  }
0x60f: {  	[tilespmem:s25+$0x4490] =	vst v1  }
0x610: {  	[tilespmem:s25+$0x44A0] =	vst v1  }
0x611: {  	[tilespmem:s25+$0x44B0] =	vst v1  }
0x612: {  	[tilespmem:s25+$0x44C0] =	vst v1  }
0x613: {  	[tilespmem:s25+$0x44D0] =	vst v1  }
0x614: {  	[tilespmem:s25+$0x44E0] =	vst v1  }
0x615: {  	[tilespmem:s25+$0x44F0] =	vst v1  }
0x616: {  	[tilespmem:s25+$0x4880] =	vst v1  }
0x617: {  	[tilespmem:s25+$0x4890] =	vst v1  }
0x618: {  	[tilespmem:s25+$0x48A0] =	vst v1  }
0x619: {  	[tilespmem:s25+$0x48B0] =	vst v1  }
0x61a: {  	[tilespmem:s25+$0x48C0] =	vst v1  }
0x61b: {  	[tilespmem:s25+$0x48D0] =	vst v1  }
0x61c: {  	[tilespmem:s25+$0x48E0] =	vst v1  }
0x61d: {  	[tilespmem:s25+$0x48F0] =	vst v1  }
0x61e: {  	[tilespmem:s25+$0x4C80] =	vst v1  }
0x61f: {  	[tilespmem:s25+$0x4C90] =	vst v1  }
0x620: {  	[tilespmem:s25+$0x4CA0] =	vst v1  }
0x621: {  	[tilespmem:s25+$0x4CB0] =	vst v1  }
0x622: {  	[tilespmem:s25+$0x4CC0] =	vst v1  }
0x623: {  	[tilespmem:s25+$0x4CD0] =	vst v1  }
0x624: {  	[tilespmem:s25+$0x4CE0] =	vst v1  }
0x625: {  	[tilespmem:s25+$0x4CF0] =	vst v1  }
0x626: {  	[tilespmem:s25+$0x5080] =	vst v1  }
0x627: {  	[tilespmem:s25+$0x5090] =	vst v1  }
0x628: {  	[tilespmem:s25+$0x50A0] =	vst v1  }
0x629: {  	[tilespmem:s25+$0x50B0] =	vst v1  }
0x62a: {  	[tilespmem:s25+$0x50C0] =	vst v1  }
0x62b: {  	[tilespmem:s25+$0x50D0] =	vst v1  }
0x62c: {  	[tilespmem:s25+$0x50E0] =	vst v1  }
0x62d: {  	[tilespmem:s25+$0x50F0] =	vst v1  }
0x62e: {  	[tilespmem:s25+$0x5480] =	vst v1  }
0x62f: {  	[tilespmem:s25+$0x5490] =	vst v1  }
0x630: {  	[tilespmem:s25+$0x54A0] =	vst v1  }
0x631: {  	[tilespmem:s25+$0x54B0] =	vst v1  }
0x632: {  	[tilespmem:s25+$0x54C0] =	vst v1  }
0x633: {  	[tilespmem:s25+$0x54D0] =	vst v1  }
0x634: {  	[tilespmem:s25+$0x54E0] =	vst v1  }
0x635: {  	[tilespmem:s25+$0x54F0] =	vst v1  }
0x636: {  	[tilespmem:s25+$0x5880] =	vst v1  }
0x637: {  	[tilespmem:s25+$0x5890] =	vst v1  }
0x638: {  	[tilespmem:s25+$0x58A0] =	vst v1  }
0x639: {  	[tilespmem:s25+$0x58B0] =	vst v1  }
0x63a: {  	s28 =	sand.u32 $0x7, s14;
	[tilespmem:s25+$0x58C0] =	vst v1  }
0x63b: {  	s28 =	sshll.u32 s28, $0x7;
	[tilespmem:s25+$0x58D0] =	vst v1  }
0x63c: {  	[tilespmem:s25+$0x58E0] =	vst v1;
	s28 =	sadd.s32 s28, s20  }
0x63d: {  	[tilespmem:s25+$0x58F0] =	vst v1;
	s25 =	sor.u32 $0x1C00, s28  }
0x63e: {  	[tilespmem:s25+$0x4080] =	vst v1;
	s25 =	sor.u32 $0x1C10, s28  }
0x63f: {  	[tilespmem:s25+$0x4080] =	vst v1;
	s25 =	sor.u32 $0x1C20, s28  }
0x640: {  	p0 =	sne.s32 s16, $0xF80;
	[tilespmem:s25+$0x4080] =	vst v1;
	s25 =	sor.u32 $0x1C30, s28  }
.Ltmp66:
0x641: {  	[tilespmem:s25+$0x4080] =	vst v1;
	s25 =	sor.u32 $0x1C40, s28;
	(pc) =	sbr.rel @p0 .LBB2_124-.Ltmp66, $4  }
0x642: {  	[tilespmem:s25+$0x4080] =	vst v1;
	s25 =	sor.u32 $0x1C50, s28  }
0x643: {  	[tilespmem:s25+$0x4080] =	vst v1;
	s25 =	sor.u32 $0x1C60, s28  }
0x644: {  	s22 =	sadd.s32 $0x400, s22;
	s28 =	sor.u32 $0x1C70, s28;
	[tilespmem:s25+$0x4080] =	vst v1  }
0x645: {  	s16 =	sadd.s32 $0x80, s16;
	s14 =	sadd.s32 $0x1, s14;
	s20 =	sadd.s32 $0x400, s20;
	[tilespmem:s28+$0x4080] =	vst v1  }
.Ltmp67:
0x646: {  	s14 =	rddreg [dreg:$0x4];
	(pc) =	sbr.rel .LBB2_126-.Ltmp67, $4  }
0x647: {  	s14 =	sadd.s32 s14, s18  }
0x648: {  	s16 =	rddreg [dreg:$0x2];
	s14 =	sshll.u32 s14, $0x7  }
0x649: {  	s28 =	simm.s32 $0x4880;
	s14 =	sadd.s32 s16, s14  }
0x64a: {  	[hbm4b:s14+s6] =	stream.linear.scatter [tilespmem:s0], [sflag:$0x7], $0x8000, $0x38;
	[tilespmem:$0x1C900] =	vst v63  }
.LBB2_43:
.Ltmp68:
0x64b: {  	(pc) =	sbr.rel @!p2 .LBB2_44-.Ltmp68, $4  }
.Ltmp69:
0x64c: {  	(pc) =	sbr.rel @p2 .LBB2_45-.Ltmp69, $4  }
0x64d: {  	_ = 	snop  }
0x64e: {  	_ = 	snop  }
0x64f: {  	_ = 	snop  }
0x650: {  	_ = 	snop  }
.LBB2_49:
.Ltmp70:
0x651: {  	(pc) =	sbr.rel @p3 .LBB2_51-.Ltmp70, $4  }
.Ltmp71:
0x652: {  	(pc) =	sbr.rel @!p3 .LBB2_50-.Ltmp71, $4  }
0x653: {  	_ = 	snop  }
0x654: {  	_ = 	snop  }
0x655: {  	_ = 	snop  }
0x656: {  	_ = 	snop  }
.LBB2_55:
.Ltmp72:
0x657: {  	(pc) =	sbr.rel @p0 .LBB2_57-.Ltmp72, $4  }
.Ltmp73:
0x658: {  	(pc) =	sbr.rel @!p0 .LBB2_56-.Ltmp73, $4  }
0x659: {  	_ = 	snop  }
0x65a: {  	_ = 	snop  }
0x65b: {  	_ = 	snop  }
0x65c: {  	_ = 	snop  }
.LBB2_61:
.Ltmp74:
0x65d: {  	(pc) =	sbr.rel @p2 .LBB2_63-.Ltmp74, $4  }
.Ltmp75:
0x65e: {  	(pc) =	sbr.rel @!p2 .LBB2_62-.Ltmp75, $4  }
0x65f: {  	_ = 	snop  }
0x660: {  	_ = 	snop  }
0x661: {  	_ = 	snop  }
0x662: {  	_ = 	snop  }
.LBB2_67:
.Ltmp76:
0x663: {  	(pc) =	sbr.rel @p4 .LBB2_69-.Ltmp76, $4  }
.Ltmp77:
0x664: {  	(pc) =	sbr.rel @!p4 .LBB2_68-.Ltmp77, $4  }
0x665: {  	_ = 	snop  }
0x666: {  	_ = 	snop  }
0x667: {  	_ = 	snop  }
0x668: {  	_ = 	snop  }
.LBB2_73:
.Ltmp78:
0x669: {  	(pc) =	sbr.rel @p0 .LBB2_75-.Ltmp78, $4  }
.Ltmp79:
0x66a: {  	(pc) =	sbr.rel @!p0 .LBB2_74-.Ltmp79, $4  }
0x66b: {  	_ = 	snop  }
0x66c: {  	_ = 	snop  }
0x66d: {  	_ = 	snop  }
0x66e: {  	_ = 	snop  }
.LBB2_79:
.Ltmp80:
0x66f: {  	(pc) =	sbr.rel @p2 .LBB2_81-.Ltmp80, $4  }
.Ltmp81:
0x670: {  	(pc) =	sbr.rel @!p2 .LBB2_80-.Ltmp81, $4  }
0x671: {  	_ = 	snop  }
0x672: {  	_ = 	snop  }
0x673: {  	_ = 	snop  }
0x674: {  	_ = 	snop  }
.LBB2_85:
.Ltmp82:
0x675: {  	(pc) =	sbr.rel @p4 .LBB2_87-.Ltmp82, $4  }
.Ltmp83:
0x676: {  	(pc) =	sbr.rel @!p4 .LBB2_86-.Ltmp83, $4  }
0x677: {  	_ = 	snop  }
0x678: {  	_ = 	snop  }
0x679: {  	_ = 	snop  }
0x67a: {  	_ = 	snop  }
.LBB2_91:
.Ltmp84:
0x67b: {  	(pc) =	sbr.rel @p0 .LBB2_93-.Ltmp84, $4  }
.Ltmp85:
0x67c: {  	(pc) =	sbr.rel @!p0 .LBB2_92-.Ltmp85, $4  }
0x67d: {  	_ = 	snop  }
0x67e: {  	_ = 	snop  }
0x67f: {  	_ = 	snop  }
0x680: {  	_ = 	snop  }
.LBB2_97:
.Ltmp86:
0x681: {  	(pc) =	sbr.rel @p2 .LBB2_99-.Ltmp86, $4  }
.Ltmp87:
0x682: {  	(pc) =	sbr.rel @!p2 .LBB2_98-.Ltmp87, $4  }
0x683: {  	_ = 	snop  }
0x684: {  	_ = 	snop  }
0x685: {  	_ = 	snop  }
0x686: {  	_ = 	snop  }
.LBB2_103:
.Ltmp88:
0x687: {  	(pc) =	sbr.rel @p4 .LBB2_105-.Ltmp88, $4  }
.Ltmp89:
0x688: {  	s22 =	sld [smem:$0x7F2];
	(pc) =	sbr.rel @!p4 .LBB2_104-.Ltmp89, $4  }
0x689: {  	_ = 	snop  }
0x68a: {  	_ = 	snop  }
0x68b: {  	p3 =	seq.s32 s22, $0x1  }
0x68c: {  	_ = 	snop  }
.LBB2_109:
.Ltmp90:
0x68d: {  	(pc) =	sbr.rel @p0 .LBB2_111-.Ltmp90, $4  }
.Ltmp91:
0x68e: {  	(pc) =	sbr.rel @!p0 .LBB2_110-.Ltmp91, $4  }
0x68f: {  	_ = 	snop  }
0x690: {  	_ = 	snop  }
0x691: {  	_ = 	snop  }
0x692: {  	_ = 	snop  }
.LBB2_115:
.Ltmp92:
0x693: {  	(pc) =	sbr.rel @p2 .LBB2_117-.Ltmp92, $4  }
.Ltmp93:
0x694: {  	(pc) =	sbr.rel @!p2 .LBB2_116-.Ltmp93, $4  }
0x695: {  	_ = 	snop  }
0x696: {  	_ = 	snop  }
0x697: {  	_ = 	snop  }
0x698: {  	_ = 	snop  }
.LBB2_128:
0x699: {  	p0 =	sgt.s32 s18, $0xD  }
.Ltmp94:
0x69a: {  	_ = 	snop;
	(pc) =	sbr.rel @p0 .LBB2_121-.Ltmp94, $4  }
.Ltmp95:
0x69b: {  	_ = 	snop;
	(pc) =	sbr.rel @!p0 .LBB2_122-.Ltmp95, $4  }
0x69c: {  	_ = 	snop  }
0x69d: {  	_ = 	snop  }
0x69e: {  	s22 =	simm.s32 $0x5;
	p1 =	por p3, p3  }
0x69f: {  	_ = 	snop  }
.LBB2_127:
0x6a0: {  	_ =	sfence.sel $0x180000  }
0x6a1: {  	[bflag:$0x0] =	sbarrier.arrive $0xFFFF  }
0x6a2: {  	_ =	strace $0x90000047  }
0x6a3: {  	s0 =	stileid.u32;
	[bflag:$0x2] =	sbarrier.arrive $0xFFFF  }
0x6a4: {  	p0 =	sne.s32 s0, $0x0;
	s0 =	rddreg [dreg:$0x3]  }
0x6a5: {  	s0 =	sadd.s32 @!p0 $0x100000, s0  }
0x6a6: {  	[sflag:s0] =	ssyncadd.tile.s32 @!p0 $0x1;
	_ =	shalt  }
.Lfunc_end2:
_tile_overlayer_lowered:
.L_overlay_start_2:
0x6a7: {  	(tag) =	ssettag $0x2  }
0x6a8: {  	s0 =	rddreg [dreg:$0x0];
	s2 =	stileid.u32  }
0x6a9: {  	s1 =	rddreg [dreg:$0x1];
	p0 =	sne.s32 s2, $0x0  }
0x6aa: {  	s3 =	rddreg [dreg:$0x2];
	[bflag:$0x3] =	sbarrier.arrive $0xFFFF;
	s2 =	simm.s32 @!p0 $0x1C08  }
0x6ab: {  	[timem:s3], [sflag:s2] =	dma.local @!p0 [hbm:s0], s1  }
0x6ac: {  	s0 =	simm.s32 @!p0 $0x8  }
0x6ad: {  	_ =	swait.ge @!p0 [sflag:s0], s1  }
0x6ae: {  	s1 =	ssub.s32 @!p0 $0x0, s1;
	[sflag:s0] =	ssyncset.done @!p0 $0x0  }
0x6af: {  	[sflag:s0] =	ssyncadd.s32 @!p0 s1  }
0x6b0: {  	[bflag:$0x3] =	sbarrier.arrive $0xFFFF  }
0x6b1: {  	_ =	shalt  }

</sc_bundles>
